<compile_context>
chip_gen: v7x
topology: tpu7x:2x2x1
jax: 0.10.2.dev20260603
libtpu: 0.0.44.dev20260713+nightly
codegen_flags: <defaults>
</compile_context>

<pallas_src>
import jax
import jax.numpy as jnp
from jax import lax
from jax.experimental import pallas as pl
from jax.experimental.pallas import tpu as pltpu
from jax.experimental.pallas import tpu_sc as plsc

B, C, H, W, D = 2, 2, 128, 128, 128
Hp, Wp, Dp = H + 2, W + 2, D + 2
HWD = H * W * D
N_PTS = B * HWD
N_TAB = B * Hp * Wp * Dp
TROW = 17
MAX_OFF = Wp * Dp + Dp + 1

NC, NS, L = 2, 16, 16
NW = NC * NS

PLANES = B * Hp
PLANE_ROWS = Wp * Dp
YC = 5
YCH = Wp // YC
PLANE_ITERS = (PLANES + NW - 1) // NW

PTS_W = N_PTS // NW
P = 1024
CHUNKS = PTS_W // P
VSTEPS = P // L

_SC_PARAMS = pltpu.CompilerParams(use_tc_tiling_on_sc=False,
                                  needs_layout_passes=False)
_MESH = dict(core_axis_name="c", subcore_axis_name="s",
             num_cores=NC, num_subcores=NS)

def _floor_i32(x):
    t = x.astype(jnp.int32)
    return jnp.where(t.astype(jnp.float32) > x, t - 1, t)


def _build_body(im_hbm, tab_hbm, tlocs, p00, p01, p10, p11, sem, osems):
    wid = lax.axis_index("s") * NC + lax.axis_index("c")

    iota = lax.iota(jnp.int32, L)
    iota16 = iota * 16
    planes = (p00, p01, p10, p11)

    ZB = [16 * k for k in range(8)] + [Dp - L]
    zvm = []
    for k in range(9):
        z = ZB[k] + iota
        zvm.append([((z - 1) >= 0) & ((z - 1) <= D - 1),
                    (z >= 0) & (z <= D - 1)])

    def plane_step(t, _):
        q = wid + NW * t

        @pl.when(q < PLANES)
        def _():
            b = q // Hp
            x = q % Hp
            xc0 = jnp.clip(x - 1, 0, H - 1)
            xc1 = jnp.clip(x, 0, H - 1)
            copies = []
            for dx_, xs in ((0, xc0), (1, xc1)):
                for c in range(C):
                    off = ((b * C + c) * H + xs) * (W * D)
                    copies.append(pltpu.async_copy(
                        im_hbm.at[pl.ds(off, W * D)],
                        planes[dx_ * C + c].at[pl.ds(8, W * D)], sem))
            for cp in copies:
                cp.wait()
            ones = jnp.ones((L,), jnp.int32)
            xv = (((x * ones) >= 1) & ((x * ones) <= H),
                  (x * ones) <= H - 1)
            zf = jnp.zeros((L,), jnp.float32)

            def ychunk(yc, par):
                tloc = tlocs[par]

                def yrow(yr, _):
                    y = yc * YC + yr
                    yvx = []
                    ybase = []
                    for dy_ in (0, 1):
                        ys = y + dy_ - 1
                        yv = ((ys * ones) >= 0) & ((ys * ones) <= W - 1)
                        yvx.append((yv & xv[0], yv & xv[1]))
                        ybase.append(jnp.clip(ys, 0, W - 1) * D + 8)
                    for k in range(9):
                        strow = yr * Dp + ZB[k] + iota
                        vals = {}
                        for dy_ in (0, 1):
                            for dz_ in (0, 1):
                                start = ybase[dy_] + ZB[k] + dz_ - 1
                                for dx_ in (0, 1):
                                    for c in range(C):
                                        vals[(dx_, dy_, dz_, c)] = \
                                            planes[dx_ * C + c][
                                                pl.ds(start, L)]
                        for col in range(16):
                            dx_ = col >> 3
                            dy_ = (col >> 2) & 1
                            dz_ = (col >> 1) & 1
                            c = col & 1
                            m = yvx[dy_][dx_] & zvm[k][dz_]
                            plsc.store_scatter(
                                tloc, [strow, jnp.full((L,), col, jnp.int32)],
                                jnp.where(m, vals[(dx_, dy_, dz_, c)], zf))
                    return ()

                lax.fori_loop(0, YC, yrow, (), unroll=False)
                return pltpu.async_copy(
                    tloc,
                    tab_hbm.at[pl.ds(q * PLANE_ROWS + yc * YC * Dp,
                                     YC * Dp)],
                    osems[par])

            def ycpair(g, _):
                for par in (0, 1):
                    yc = 2 * g + par

                    @pl.when(g > 0)
                    def _():
                        pltpu.make_async_copy(
                            tlocs[par],
                            tab_hbm.at[pl.ds(
                                q * PLANE_ROWS + (yc - 2) * YC * Dp,
                                YC * Dp)],
                            osems[par]).wait()
                    ychunk(yc, par)
                return ()

            lax.fori_loop(0, YCH // 2, ycpair, (), unroll=False)
            for par in (0, 1):
                pltpu.make_async_copy(
                    tlocs[par],
                    tab_hbm.at[pl.ds(
                        q * PLANE_ROWS + (YCH - 2 + par) * YC * Dp,
                        YC * Dp)],
                    osems[par]).wait()

        return ()

    lax.fori_loop(0, PLANE_ITERS, plane_step, (), unroll=False)


@jax.jit
def _build_table(im_flat):
    f = pl.kernel(
        _build_body,
        out_type=jax.ShapeDtypeStruct((N_TAB, TROW), jnp.float32),
        mesh=plsc.VectorSubcoreMesh(**_MESH),
        compiler_params=_SC_PARAMS,
        name="sc_build",
        scratch_types=[
            [pltpu.VMEM((YC * Dp, TROW), jnp.float32) for _ in range(2)],
            pltpu.VMEM((W * D + 16,), jnp.float32),
            pltpu.VMEM((W * D + 16,), jnp.float32),
            pltpu.VMEM((W * D + 16,), jnp.float32),
            pltpu.VMEM((W * D + 16,), jnp.float32),
            pltpu.SemaphoreType.DMA,
            [pltpu.SemaphoreType.DMA, pltpu.SemaphoreType.DMA],
        ],
    )
    return f(im_flat)


def _warp_body(tab_hbm, dm_hbm, out_hbm,
               dms, idxs, g2s, gsems, dmsems, o0r, o1r, ws):
    wid = lax.axis_index("s") * NC + lax.axis_index("c")
    base_pt = wid * PTS_W
    b = base_pt // HWD
    dm_b = b * 3 * HWD
    out_b = b * C * HWD
    tab_b = b * (Hp * Wp * Dp)
    local_w = base_pt % HWD
    iota = lax.iota(jnp.int32, L)

    def dm_copies(t, par):
        local0 = local_w + t * P
        return [pltpu.make_async_copy(
            dm_hbm.at[pl.ds(dm_b + k * HWD + local0, P)], dms[par][k],
            dmsems[par]) for k in range(3)]

    def compute(t, par):
        dxr, dyr, dzr = dms[par]
        local0 = local_w + t * P
        wrs = ws[par]

        def step(v, _):
            sl = pl.ds(v * L, L)
            g = local0 + v * L + iota
            hh = (g >> 14) & 127
            ww = (g >> 7) & 127
            dd = g & 127
            x = dxr[sl] + hh.astype(jnp.float32) + 1.0
            y = dyr[sl] + ww.astype(jnp.float32) + 1.0
            z = dzr[sl] + dd.astype(jnp.float32) + 1.0
            x0f = _floor_i32(x)
            y0f = _floor_i32(y)
            z0f = _floor_i32(z)
            x0 = jnp.clip(x0f, 0, Hp - 1)
            x1 = jnp.clip(x0f + 1, 0, Hp - 1)
            y0 = jnp.clip(y0f, 0, Wp - 1)
            y1 = jnp.clip(y0f + 1, 0, Wp - 1)
            z0 = jnp.clip(z0f, 0, Dp - 1)
            z1 = jnp.clip(z0f + 1, 0, Dp - 1)
            ddx = x1.astype(jnp.float32) - x
            ddy = y1.astype(jnp.float32) - y
            ddz = z1.astype(jnp.float32) - z
            ex, ey, ez = 1.0 - ddx, 1.0 - ddy, 1.0 - ddz
            idxs[par][sl] = tab_b + x0 * (Wp * Dp) + y0 * Dp + z0
            xy00 = ddx * ddy
            xy01 = ddx * ey
            xy10 = ex * ddy
            xy11 = ex * ey
            w = [xy00 * ddz, xy00 * ez, xy01 * ddz, xy01 * ez,
                 xy10 * ddz, xy10 * ez, xy11 * ddz, xy11 * ez]
            dup_x = x1 == x0
            dup_y = y1 == y0
            dup_z = z1 == z0
            zf = jnp.zeros((L,), jnp.float32)
            for k in range(4):
                w[k] = jnp.where(dup_x, w[k] + w[k + 4], w[k])
                w[k + 4] = jnp.where(dup_x, zf, w[k + 4])
            for k in (0, 1, 4, 5):
                w[k] = jnp.where(dup_y, w[k] + w[k + 2], w[k])
                w[k + 2] = jnp.where(dup_y, zf, w[k + 2])
            for k in (0, 2, 4, 6):
                w[k] = jnp.where(dup_z, w[k] + w[k + 1], w[k])
                w[k + 1] = jnp.where(dup_z, zf, w[k + 1])
            for j in range(8):
                wrs[j][sl] = w[j]
            return ()

        lax.fori_loop(0, VSTEPS, step, (), unroll=2)

    def gather_copy(par):
        return pltpu.make_async_copy(tab_hbm.at[idxs[par]], g2s[par],
                                     gsems[par])

    def combine(t, par):
        wrs = ws[par]
        g2 = g2s[par]
        local0 = local_w + t * P

        def step(v, _):
            sl = pl.ds(v * L, L)
            rows = v * L + iota
            wv = [wrs[j][sl] for j in range(8)]
            p0 = [wv[j] * plsc.load_gather(
                g2, [rows, jnp.full((L,), 2 * j, jnp.int32)])
                for j in range(8)]
            p1 = [wv[j] * plsc.load_gather(
                g2, [rows, jnp.full((L,), 2 * j + 1, jnp.int32)])
                for j in range(8)]
            o0r[sl] = (((p0[0] + p0[1]) + (p0[2] + p0[3]))
                       + ((p0[4] + p0[5]) + (p0[6] + p0[7])))
            o1r[sl] = (((p1[0] + p1[1]) + (p1[2] + p1[3]))
                       + ((p1[4] + p1[5]) + (p1[6] + p1[7])))
            return ()

        lax.fori_loop(0, VSTEPS, step, (), unroll=2)
        pltpu.sync_copy(o0r, out_hbm.at[pl.ds(out_b + 0 * HWD + local0, P)])
        pltpu.sync_copy(o1r, out_hbm.at[pl.ds(out_b + 1 * HWD + local0, P)])

    for cp in dm_copies(0, 0):
        cp.start()

    def pair(gi, _):
        for par in (0, 1):
            t = 2 * gi + par
            for cp in dm_copies(t, par):
                cp.wait()

            @pl.when(t + 1 < CHUNKS)
            def _():
                for cp in dm_copies(t + 1, 1 - par):
                    cp.start()

            with jax.named_scope("wcompute"):
                compute(t, par)
            gather_copy(par).start()

            @pl.when(t > 0)
            def _():
                with jax.named_scope("wgwait"):
                    gather_copy(1 - par).wait()
                with jax.named_scope("wcombine"):
                    combine(t - 1, 1 - par)
        return ()

    lax.fori_loop(0, CHUNKS // 2, pair, (), unroll=False)
    gather_copy(1).wait()
    combine(CHUNKS - 1, 1)


@jax.jit
def _warp(tab, dm_flat):
    dbl = lambda shape, dt: [pltpu.VMEM(shape, dt) for _ in range(2)]
    f = pl.kernel(
        _warp_body,
        out_type=jax.ShapeDtypeStruct((B * C * HWD,), jnp.float32),
        mesh=plsc.VectorSubcoreMesh(**_MESH),
        compiler_params=_SC_PARAMS,
        name="sc_warp",
        scratch_types=[
            [[pltpu.VMEM((P,), jnp.float32) for _ in range(3)]
             for _ in range(2)],
            dbl((P,), jnp.int32),
            dbl((P, TROW), jnp.float32),
            [pltpu.SemaphoreType.DMA, pltpu.SemaphoreType.DMA],
            [pltpu.SemaphoreType.DMA, pltpu.SemaphoreType.DMA],
            pltpu.VMEM((P,), jnp.float32),
            pltpu.VMEM((P,), jnp.float32),
            [[pltpu.VMEM((P,), jnp.float32) for _ in range(8)]
             for _ in range(2)],
        ],
    )
    return f(tab, dm_flat)


def kernel(moving_image, deformation_matrix):
    assert moving_image.shape == (B, C, H, W, D)
    assert deformation_matrix.shape == (B, 3, H, W, D)
    tab = _build_table(moving_image.reshape(-1))
    dm_flat = deformation_matrix.reshape(-1)
    out = _warp(tab, dm_flat)
    return out.reshape(B, C, H, W, D)

# --- scband reference (transcript-rebuilt; emitter-appended) ---
"""Pipeline reference for scband-spatial-transformation-15814069584023 (READ-ONLY COPY).

The authoritative reference and input builder live on the scoring server;
editing this copy changes nothing except your own understanding.
"""

import jax, jax.numpy as jnp
import numpy as np


def setup_inputs(seed: int = 0) -> dict:
    key = jax.random.key(seed)
    k1, k2 = jax.random.split(key)
    moving_image = jax.random.normal(k1, (2, 2, 128, 128, 128), dtype=jnp.float32)
    deformation_matrix = jax.random.normal(k2, (2, 3, 128, 128, 128), dtype=jnp.float32)
    return {"moving_image": moving_image, "deformation_matrix": deformation_matrix}


def reference(moving_image, deformation_matrix):
    # moving_image: [B, C, H, W, D] -> [B, H, W, D, C]
    mi = jnp.transpose(moving_image, (0, 2, 3, 4, 1))
    dm = jnp.transpose(deformation_matrix, (0, 2, 3, 4, 1))
    dx = dm[..., 0]
    dy = dm[..., 1]
    dz = dm[..., 2]
    B, H, W, D = dx.shape
    x_mesh = jnp.broadcast_to(jnp.arange(H, dtype=jnp.float32).reshape(1, H, 1, 1), (B, H, W, D))
    y_mesh = jnp.broadcast_to(jnp.arange(W, dtype=jnp.float32).reshape(1, 1, W, 1), (B, H, W, D))
    z_mesh = jnp.broadcast_to(jnp.arange(D, dtype=jnp.float32).reshape(1, 1, 1, D), (B, H, W, D))
    x = (dx + x_mesh).reshape(-1) + 1.0
    y = (dy + y_mesh).reshape(-1) + 1.0
    z = (dz + z_mesh).reshape(-1) + 1.0
    # pad spatial dims by 1 on each side (matches F.pad in torch code)
    im = jnp.pad(mi, ((0, 0), (1, 1), (1, 1), (1, 1), (0, 0)))
    _, Hp, Wp, Dp, C = im.shape
    max_x = Hp - 1
    max_y = Wp - 1
    max_z = Dp - 1
    x0f = jnp.floor(x).astype(jnp.int32)
    y0f = jnp.floor(y).astype(jnp.int32)
    z0f = jnp.floor(z).astype(jnp.int32)
    x0 = jnp.clip(x0f, 0, max_x)
    x1 = jnp.clip(x0f + 1, 0, max_x)
    y0 = jnp.clip(y0f, 0, max_y)
    y1 = jnp.clip(y0f + 1, 0, max_y)
    z0 = jnp.clip(z0f, 0, max_z)
    z1 = jnp.clip(z0f + 1, 0, max_z)
    base = jnp.repeat(jnp.arange(B, dtype=jnp.int32) * (Hp * Wp * Dp), H * W * D)
    base_x0 = base + x0 * (Wp * Dp)
    base_x1 = base + x1 * (Wp * Dp)
    base00 = base_x0 + y0 * Dp
    base01 = base_x0 + y1 * Dp
    base10 = base_x1 + y0 * Dp
    base11 = base_x1 + y1 * Dp
    idx000 = base00 + z0
    idx001 = base00 + z1
    idx010 = base01 + z0
    idx011 = base01 + z1
    idx100 = base10 + z0
    idx101 = base10 + z1
    idx110 = base11 + z0
    idx111 = base11 + z1
    im_flat = im.reshape(-1, C)
    I000 = jnp.take(im_flat, idx000, axis=0)
    I001 = jnp.take(im_flat, idx001, axis=0)
    I010 = jnp.take(im_flat, idx010, axis=0)
    I011 = jnp.take(im_flat, idx011, axis=0)
    I100 = jnp.take(im_flat, idx100, axis=0)
    I101 = jnp.take(im_flat, idx101, axis=0)
    I110 = jnp.take(im_flat, idx110, axis=0)
    I111 = jnp.take(im_flat, idx111, axis=0)
    x1_f = x1.astype(jnp.float32)
    y1_f = y1.astype(jnp.float32)
    z1_f = z1.astype(jnp.float32)
    ddx = x1_f - x
    ddy = y1_f - y
    ddz = z1_f - z
    w111 = (1.0 - ddx) * (1.0 - ddy) * (1.0 - ddz)
    w110 = (1.0 - ddx) * (1.0 - ddy) * ddz
    w101 = (1.0 - ddx) * ddy * (1.0 - ddz)
    w100 = (1.0 - ddx) * ddy * ddz
    w011 = ddx * (1.0 - ddy) * (1.0 - ddz)
    w010 = ddx * (1.0 - ddy) * ddz
    w001 = ddx * ddy * (1.0 - ddz)
    w000 = ddx * ddy * ddz
    out = (w000[:, None] * I000 + w001[:, None] * I001 + w010[:, None] * I010 + w011[:, None] * I011
           + w100[:, None] * I100 + w101[:, None] * I101 + w110[:, None] * I110 + w111[:, None] * I111)
    out = out.reshape(B, H, W, D, C)
    out = jnp.transpose(out, (0, 4, 1, 2, 3))
    return out

if __name__ == "__main__":
    import jax
    _d = setup_inputs()
    print(jax.jit(kernel)(*tuple(_d.values())))

</pallas_src>

<mosaic_0001>
#map = affine_map<(d0, d1) -> (0)>
#map1 = affine_map<(d0, d1) -> (0, 0)>
module attributes {stable_mosaic.version = 14 : i64} {
  func.func @sc_build(%arg0: i32, %arg1: i32, %arg2: memref<8388608xf32, #tpu.memory_space<hbm>>, %arg3: memref<4394000x17xf32, #tpu.memory_space<hbm>>, %arg4: memref<650x17xf32, #tpu.memory_space<vmem>>, %arg5: memref<650x17xf32, #tpu.memory_space<vmem>>, %arg6: memref<16400xf32, #tpu.memory_space<vmem>>, %arg7: memref<16400xf32, #tpu.memory_space<vmem>>, %arg8: memref<16400xf32, #tpu.memory_space<vmem>>, %arg9: memref<16400xf32, #tpu.memory_space<vmem>>, %arg10: memref<!tpu.dma_semaphore, #tpu.memory_space<semaphore_mem>>, %arg11: memref<!tpu.dma_semaphore, #tpu.memory_space<semaphore_mem>>, %arg12: memref<!tpu.dma_semaphore, #tpu.memory_space<semaphore_mem>>) attributes {dimension_semantics = [#tpu.dimension_semantics<core_parallel>, #tpu.dimension_semantics<subcore_parallel>], iteration_bounds = array<i64: 2, 16>, scalar_prefetch = 0 : i64, scratch_operands = 9 : i64, tpu.core_type = #tpu.core_type<sc_vector_subcore>, window_params = [{transform_indices = #map}, {transform_indices = #map1}]} {
    %mul3A = arith.constant 2 : i32
    %mul3A_0 = arith.muli %arg1, %mul3A : i32
    %add3A = arith.addi %mul3A_0, %arg0 : i32
    %iota3A = tpu.iota {dimensions = array<i32: 0>} : vector<16xi32>
    %mul3A_1 = arith.constant 16 : i32
    %mul3A_2 = vector.broadcast %mul3A_1 : i32 to vector<16xi32>
    %mul3A_3 = arith.muli %iota3A, %mul3A_2 : vector<16xi32>
    %add3A_4 = arith.constant 0 : i32
    %add3A_5 = vector.broadcast %add3A_4 : i32 to vector<16xi32>
    %add3A_6 = arith.addi %add3A_5, %iota3A : vector<16xi32>
    %sub3A = arith.constant 1 : i32
    %sub3A_7 = vector.broadcast %sub3A : i32 to vector<16xi32>
    %sub3A_8 = arith.subi %add3A_6, %sub3A_7 : vector<16xi32>
    %ge3A = arith.constant 0 : i32
    %ge3A_9 = vector.broadcast %ge3A : i32 to vector<16xi32>
    %ge3A_10 = arith.cmpi sge, %sub3A_8, %ge3A_9 : vector<16xi32>
    %sub3A_11 = arith.constant 1 : i32
    %sub3A_12 = vector.broadcast %sub3A_11 : i32 to vector<16xi32>
    %sub3A_13 = arith.subi %add3A_6, %sub3A_12 : vector<16xi32>
    %le3A = arith.constant 127 : i32
    %le3A_14 = vector.broadcast %le3A : i32 to vector<16xi32>
    %le3A_15 = arith.cmpi sle, %sub3A_13, %le3A_14 : vector<16xi32>
    %and3A = arith.andi %ge3A_10, %le3A_15 : vector<16xi1>
    %ge3A_16 = arith.constant 0 : i32
    %ge3A_17 = vector.broadcast %ge3A_16 : i32 to vector<16xi32>
    %ge3A_18 = arith.cmpi sge, %add3A_6, %ge3A_17 : vector<16xi32>
    %le3A_19 = arith.constant 127 : i32
    %le3A_20 = vector.broadcast %le3A_19 : i32 to vector<16xi32>
    %le3A_21 = arith.cmpi sle, %add3A_6, %le3A_20 : vector<16xi32>
    %and3A_22 = arith.andi %ge3A_18, %le3A_21 : vector<16xi1>
    %add3A_23 = arith.constant 16 : i32
    %add3A_24 = vector.broadcast %add3A_23 : i32 to vector<16xi32>
    %add3A_25 = arith.addi %add3A_24, %iota3A : vector<16xi32>
    %sub3A_26 = arith.constant 1 : i32
    %sub3A_27 = vector.broadcast %sub3A_26 : i32 to vector<16xi32>
    %sub3A_28 = arith.subi %add3A_25, %sub3A_27 : vector<16xi32>
    %ge3A_29 = arith.constant 0 : i32
    %ge3A_30 = vector.broadcast %ge3A_29 : i32 to vector<16xi32>
    %ge3A_31 = arith.cmpi sge, %sub3A_28, %ge3A_30 : vector<16xi32>
    %sub3A_32 = arith.constant 1 : i32
    %sub3A_33 = vector.broadcast %sub3A_32 : i32 to vector<16xi32>
    %sub3A_34 = arith.subi %add3A_25, %sub3A_33 : vector<16xi32>
    %le3A_35 = arith.constant 127 : i32
    %le3A_36 = vector.broadcast %le3A_35 : i32 to vector<16xi32>
    %le3A_37 = arith.cmpi sle, %sub3A_34, %le3A_36 : vector<16xi32>
    %and3A_38 = arith.andi %ge3A_31, %le3A_37 : vector<16xi1>
    %ge3A_39 = arith.constant 0 : i32
    %ge3A_40 = vector.broadcast %ge3A_39 : i32 to vector<16xi32>
    %ge3A_41 = arith.cmpi sge, %add3A_25, %ge3A_40 : vector<16xi32>
    %le3A_42 = arith.constant 127 : i32
    %le3A_43 = vector.broadcast %le3A_42 : i32 to vector<16xi32>
    %le3A_44 = arith.cmpi sle, %add3A_25, %le3A_43 : vector<16xi32>
    %and3A_45 = arith.andi %ge3A_41, %le3A_44 : vector<16xi1>
    %add3A_46 = arith.constant 32 : i32
    %add3A_47 = vector.broadcast %add3A_46 : i32 to vector<16xi32>
    %add3A_48 = arith.addi %add3A_47, %iota3A : vector<16xi32>
    %sub3A_49 = arith.constant 1 : i32
    %sub3A_50 = vector.broadcast %sub3A_49 : i32 to vector<16xi32>
    %sub3A_51 = arith.subi %add3A_48, %sub3A_50 : vector<16xi32>
    %ge3A_52 = arith.constant 0 : i32
    %ge3A_53 = vector.broadcast %ge3A_52 : i32 to vector<16xi32>
    %ge3A_54 = arith.cmpi sge, %sub3A_51, %ge3A_53 : vector<16xi32>
    %sub3A_55 = arith.constant 1 : i32
    %sub3A_56 = vector.broadcast %sub3A_55 : i32 to vector<16xi32>
    %sub3A_57 = arith.subi %add3A_48, %sub3A_56 : vector<16xi32>
    %le3A_58 = arith.constant 127 : i32
    %le3A_59 = vector.broadcast %le3A_58 : i32 to vector<16xi32>
    %le3A_60 = arith.cmpi sle, %sub3A_57, %le3A_59 : vector<16xi32>
    %and3A_61 = arith.andi %ge3A_54, %le3A_60 : vector<16xi1>
    %ge3A_62 = arith.constant 0 : i32
    %ge3A_63 = vector.broadcast %ge3A_62 : i32 to vector<16xi32>
    %ge3A_64 = arith.cmpi sge, %add3A_48, %ge3A_63 : vector<16xi32>
    %le3A_65 = arith.constant 127 : i32
    %le3A_66 = vector.broadcast %le3A_65 : i32 to vector<16xi32>
    %le3A_67 = arith.cmpi sle, %add3A_48, %le3A_66 : vector<16xi32>
    %and3A_68 = arith.andi %ge3A_64, %le3A_67 : vector<16xi1>
    %add3A_69 = arith.constant 48 : i32
    %add3A_70 = vector.broadcast %add3A_69 : i32 to vector<16xi32>
    %add3A_71 = arith.addi %add3A_70, %iota3A : vector<16xi32>
    %sub3A_72 = arith.constant 1 : i32
    %sub3A_73 = vector.broadcast %sub3A_72 : i32 to vector<16xi32>
    %sub3A_74 = arith.subi %add3A_71, %sub3A_73 : vector<16xi32>
    %ge3A_75 = arith.constant 0 : i32
    %ge3A_76 = vector.broadcast %ge3A_75 : i32 to vector<16xi32>
    %ge3A_77 = arith.cmpi sge, %sub3A_74, %ge3A_76 : vector<16xi32>
    %sub3A_78 = arith.constant 1 : i32
    %sub3A_79 = vector.broadcast %sub3A_78 : i32 to vector<16xi32>
    %sub3A_80 = arith.subi %add3A_71, %sub3A_79 : vector<16xi32>
    %le3A_81 = arith.constant 127 : i32
    %le3A_82 = vector.broadcast %le3A_81 : i32 to vector<16xi32>
    %le3A_83 = arith.cmpi sle, %sub3A_80, %le3A_82 : vector<16xi32>
    %and3A_84 = arith.andi %ge3A_77, %le3A_83 : vector<16xi1>
    %ge3A_85 = arith.constant 0 : i32
    %ge3A_86 = vector.broadcast %ge3A_85 : i32 to vector<16xi32>
    %ge3A_87 = arith.cmpi sge, %add3A_71, %ge3A_86 : vector<16xi32>
    %le3A_88 = arith.constant 127 : i32
    %le3A_89 = vector.broadcast %le3A_88 : i32 to vector<16xi32>
    %le3A_90 = arith.cmpi sle, %add3A_71, %le3A_89 : vector<16xi32>
    %and3A_91 = arith.andi %ge3A_87, %le3A_90 : vector<16xi1>
    %add3A_92 = arith.constant 64 : i32
    %add3A_93 = vector.broadcast %add3A_92 : i32 to vector<16xi32>
    %add3A_94 = arith.addi %add3A_93, %iota3A : vector<16xi32>
    %sub3A_95 = arith.constant 1 : i32
    %sub3A_96 = vector.broadcast %sub3A_95 : i32 to vector<16xi32>
    %sub3A_97 = arith.subi %add3A_94, %sub3A_96 : vector<16xi32>
    %ge3A_98 = arith.constant 0 : i32
    %ge3A_99 = vector.broadcast %ge3A_98 : i32 to vector<16xi32>
    %ge3A_100 = arith.cmpi sge, %sub3A_97, %ge3A_99 : vector<16xi32>
    %sub3A_101 = arith.constant 1 : i32
    %sub3A_102 = vector.broadcast %sub3A_101 : i32 to vector<16xi32>
    %sub3A_103 = arith.subi %add3A_94, %sub3A_102 : vector<16xi32>
    %le3A_104 = arith.constant 127 : i32
    %le3A_105 = vector.broadcast %le3A_104 : i32 to vector<16xi32>
    %le3A_106 = arith.cmpi sle, %sub3A_103, %le3A_105 : vector<16xi32>
    %and3A_107 = arith.andi %ge3A_100, %le3A_106 : vector<16xi1>
    %ge3A_108 = arith.constant 0 : i32
    %ge3A_109 = vector.broadcast %ge3A_108 : i32 to vector<16xi32>
    %ge3A_110 = arith.cmpi sge, %add3A_94, %ge3A_109 : vector<16xi32>
    %le3A_111 = arith.constant 127 : i32
    %le3A_112 = vector.broadcast %le3A_111 : i32 to vector<16xi32>
    %le3A_113 = arith.cmpi sle, %add3A_94, %le3A_112 : vector<16xi32>
    %and3A_114 = arith.andi %ge3A_110, %le3A_113 : vector<16xi1>
    %add3A_115 = arith.constant 80 : i32
    %add3A_116 = vector.broadcast %add3A_115 : i32 to vector<16xi32>
    %add3A_117 = arith.addi %add3A_116, %iota3A : vector<16xi32>
    %sub3A_118 = arith.constant 1 : i32
    %sub3A_119 = vector.broadcast %sub3A_118 : i32 to vector<16xi32>
    %sub3A_120 = arith.subi %add3A_117, %sub3A_119 : vector<16xi32>
    %ge3A_121 = arith.constant 0 : i32
    %ge3A_122 = vector.broadcast %ge3A_121 : i32 to vector<16xi32>
    %ge3A_123 = arith.cmpi sge, %sub3A_120, %ge3A_122 : vector<16xi32>
    %sub3A_124 = arith.constant 1 : i32
    %sub3A_125 = vector.broadcast %sub3A_124 : i32 to vector<16xi32>
    %sub3A_126 = arith.subi %add3A_117, %sub3A_125 : vector<16xi32>
    %le3A_127 = arith.constant 127 : i32
    %le3A_128 = vector.broadcast %le3A_127 : i32 to vector<16xi32>
    %le3A_129 = arith.cmpi sle, %sub3A_126, %le3A_128 : vector<16xi32>
    %and3A_130 = arith.andi %ge3A_123, %le3A_129 : vector<16xi1>
    %ge3A_131 = arith.constant 0 : i32
    %ge3A_132 = vector.broadcast %ge3A_131 : i32 to vector<16xi32>
    %ge3A_133 = arith.cmpi sge, %add3A_117, %ge3A_132 : vector<16xi32>
    %le3A_134 = arith.constant 127 : i32
    %le3A_135 = vector.broadcast %le3A_134 : i32 to vector<16xi32>
    %le3A_136 = arith.cmpi sle, %add3A_117, %le3A_135 : vector<16xi32>
    %and3A_137 = arith.andi %ge3A_133, %le3A_136 : vector<16xi1>
    %add3A_138 = arith.constant 96 : i32
    %add3A_139 = vector.broadcast %add3A_138 : i32 to vector<16xi32>
    %add3A_140 = arith.addi %add3A_139, %iota3A : vector<16xi32>
    %sub3A_141 = arith.constant 1 : i32
    %sub3A_142 = vector.broadcast %sub3A_141 : i32 to vector<16xi32>
    %sub3A_143 = arith.subi %add3A_140, %sub3A_142 : vector<16xi32>
    %ge3A_144 = arith.constant 0 : i32
    %ge3A_145 = vector.broadcast %ge3A_144 : i32 to vector<16xi32>
    %ge3A_146 = arith.cmpi sge, %sub3A_143, %ge3A_145 : vector<16xi32>
    %sub3A_147 = arith.constant 1 : i32
    %sub3A_148 = vector.broadcast %sub3A_147 : i32 to vector<16xi32>
    %sub3A_149 = arith.subi %add3A_140, %sub3A_148 : vector<16xi32>
    %le3A_150 = arith.constant 127 : i32
    %le3A_151 = vector.broadcast %le3A_150 : i32 to vector<16xi32>
    %le3A_152 = arith.cmpi sle, %sub3A_149, %le3A_151 : vector<16xi32>
    %and3A_153 = arith.andi %ge3A_146, %le3A_152 : vector<16xi1>
    %ge3A_154 = arith.constant 0 : i32
    %ge3A_155 = vector.broadcast %ge3A_154 : i32 to vector<16xi32>
    %ge3A_156 = arith.cmpi sge, %add3A_140, %ge3A_155 : vector<16xi32>
    %le3A_157 = arith.constant 127 : i32
    %le3A_158 = vector.broadcast %le3A_157 : i32 to vector<16xi32>
    %le3A_159 = arith.cmpi sle, %add3A_140, %le3A_158 : vector<16xi32>
    %and3A_160 = arith.andi %ge3A_156, %le3A_159 : vector<16xi1>
    %add3A_161 = arith.constant 112 : i32
    %add3A_162 = vector.broadcast %add3A_161 : i32 to vector<16xi32>
    %add3A_163 = arith.addi %add3A_162, %iota3A : vector<16xi32>
    %sub3A_164 = arith.constant 1 : i32
    %sub3A_165 = vector.broadcast %sub3A_164 : i32 to vector<16xi32>
    %sub3A_166 = arith.subi %add3A_163, %sub3A_165 : vector<16xi32>
    %ge3A_167 = arith.constant 0 : i32
    %ge3A_168 = vector.broadcast %ge3A_167 : i32 to vector<16xi32>
    %ge3A_169 = arith.cmpi sge, %sub3A_166, %ge3A_168 : vector<16xi32>
    %sub3A_170 = arith.constant 1 : i32
    %sub3A_171 = vector.broadcast %sub3A_170 : i32 to vector<16xi32>
    %sub3A_172 = arith.subi %add3A_163, %sub3A_171 : vector<16xi32>
    %le3A_173 = arith.constant 127 : i32
    %le3A_174 = vector.broadcast %le3A_173 : i32 to vector<16xi32>
    %le3A_175 = arith.cmpi sle, %sub3A_172, %le3A_174 : vector<16xi32>
    %and3A_176 = arith.andi %ge3A_169, %le3A_175 : vector<16xi1>
    %ge3A_177 = arith.constant 0 : i32
    %ge3A_178 = vector.broadcast %ge3A_177 : i32 to vector<16xi32>
    %ge3A_179 = arith.cmpi sge, %add3A_163, %ge3A_178 : vector<16xi32>
    %le3A_180 = arith.constant 127 : i32
    %le3A_181 = vector.broadcast %le3A_180 : i32 to vector<16xi32>
    %le3A_182 = arith.cmpi sle, %add3A_163, %le3A_181 : vector<16xi32>
    %and3A_183 = arith.andi %ge3A_179, %le3A_182 : vector<16xi1>
    %add3A_184 = arith.constant 114 : i32
    %add3A_185 = vector.broadcast %add3A_184 : i32 to vector<16xi32>
    %add3A_186 = arith.addi %add3A_185, %iota3A : vector<16xi32>
    %sub3A_187 = arith.constant 1 : i32
    %sub3A_188 = vector.broadcast %sub3A_187 : i32 to vector<16xi32>
    %sub3A_189 = arith.subi %add3A_186, %sub3A_188 : vector<16xi32>
    %ge3A_190 = arith.constant 0 : i32
    %ge3A_191 = vector.broadcast %ge3A_190 : i32 to vector<16xi32>
    %ge3A_192 = arith.cmpi sge, %sub3A_189, %ge3A_191 : vector<16xi32>
    %sub3A_193 = arith.constant 1 : i32
    %sub3A_194 = vector.broadcast %sub3A_193 : i32 to vector<16xi32>
    %sub3A_195 = arith.subi %add3A_186, %sub3A_194 : vector<16xi32>
    %le3A_196 = arith.constant 127 : i32
    %le3A_197 = vector.broadcast %le3A_196 : i32 to vector<16xi32>
    %le3A_198 = arith.cmpi sle, %sub3A_195, %le3A_197 : vector<16xi32>
    %and3A_199 = arith.andi %ge3A_192, %le3A_198 : vector<16xi1>
    %ge3A_200 = arith.constant 0 : i32
    %ge3A_201 = vector.broadcast %ge3A_200 : i32 to vector<16xi32>
    %ge3A_202 = arith.cmpi sge, %add3A_186, %ge3A_201 : vector<16xi32>
    %le3A_203 = arith.constant 127 : i32
    %le3A_204 = vector.broadcast %le3A_203 : i32 to vector<16xi32>
    %le3A_205 = arith.cmpi sle, %add3A_186, %le3A_204 : vector<16xi32>
    %and3A_206 = arith.andi %ge3A_202, %le3A_205 : vector<16xi1>
    %scan3A = arith.constant 0 : i32
    %scan3A_207 = arith.constant 9 : i32
    %scan3A_208 = arith.addi %scan3A, %scan3A_207 : i32
    %scan3A_209 = arith.constant 1 : i32
    scf.for %scan3A_211 = %scan3A to %scan3A_208 step %scan3A_209  : i32 {
      %mul3A_212 = arith.constant 32 : i32
      %mul3A_213 = arith.muli %mul3A_212, %scan3A_211 : i32
      %add3A_214 = arith.addi %add3A, %mul3A_213 : i32
      %lt3A = arith.constant 260 : i32
      %lt3A_215 = arith.cmpi slt, %add3A_214, %lt3A : i32
      %convert_element_type3A = arith.extui %lt3A_215 : i1 to i32
      %cond3A = arith.constant 0 : i32
      %cond3A_216 = arith.cmpi ne, %convert_element_type3A, %cond3A : i32
      scf.if %cond3A_216 {
        %jit3A = arith.constant 130 : i32
        %div3A = arith.divsi %add3A_214, %jit3A : i32
        %sign3A = arith.constant 0 : i32
        %sign3A_217 = arith.cmpi sgt, %add3A_214, %sign3A : i32
        %sign3A_218 = arith.extui %sign3A_217 : i1 to i32
        %sign3A_219 = arith.constant 0 : i32
        %sign3A_220 = arith.cmpi slt, %add3A_214, %sign3A_219 : i32
        %sign3A_221 = arith.extui %sign3A_220 : i1 to i32
        %sign3A_222 = arith.subi %sign3A_218, %sign3A_221 : i32
        %sign3A_223 = arith.constant 0 : i32
        %sign3A_224 = arith.cmpi sgt, %jit3A, %sign3A_223 : i32
        %sign3A_225 = arith.extui %sign3A_224 : i1 to i32
        %sign3A_226 = arith.constant 0 : i32
        %sign3A_227 = arith.cmpi slt, %jit3A, %sign3A_226 : i32
        %sign3A_228 = arith.extui %sign3A_227 : i1 to i32
        %sign3A_229 = arith.subi %sign3A_225, %sign3A_228 : i32
        %ne3A = arith.cmpi ne, %sign3A_222, %sign3A_229 : i32
        %rem3A = arith.remsi %add3A_214, %jit3A : i32
        %ne3A_230 = arith.constant 0 : i32
        %ne3A_231 = arith.cmpi ne, %rem3A, %ne3A_230 : i32
        %and3A_232 = arith.andi %ne3A, %ne3A_231 : i1
        %sub3A_233 = arith.constant 1 : i32
        %sub3A_234 = arith.subi %div3A, %sub3A_233 : i32
        %select_n3A = arith.select %and3A_232, %sub3A_234, %div3A : i32
        %jit3A_235 = arith.constant 130 : i32
        %eq3A = arith.constant 0 : i32
        %eq3A_236 = arith.cmpi eq, %jit3A_235, %eq3A : i32
        %jit3A_237 = arith.constant 1 : i32
        %select_n3A_238 = arith.select %eq3A_236, %jit3A_237, %jit3A_235 : i32
        %rem3A_239 = arith.remsi %add3A_214, %select_n3A_238 : i32
        %ne3A_240 = arith.constant 0 : i32
        %ne3A_241 = arith.cmpi ne, %rem3A_239, %ne3A_240 : i32
        %lt3A_242 = arith.constant 0 : i32
        %lt3A_243 = arith.cmpi slt, %rem3A_239, %lt3A_242 : i32
        %lt3A_244 = arith.constant 0 : i32
        %lt3A_245 = arith.cmpi slt, %select_n3A_238, %lt3A_244 : i32
        %ne3A_246 = arith.xori %lt3A_243, %lt3A_245 : i1
        %and3A_247 = arith.andi %ne3A_246, %ne3A_241 : i1
        %add3A_248 = arith.addi %rem3A_239, %select_n3A_238 : i32
        %select_n3A_249 = arith.select %and3A_247, %add3A_248, %rem3A_239 : i32
        %sub3A_250 = arith.constant 1 : i32
        %sub3A_251 = arith.subi %select_n3A_249, %sub3A_250 : i32
        %jit3A_252 = arith.constant 0 : i32
        %jit3A_253 = arith.constant 127 : i32
        %max3A = arith.maxsi %jit3A_252, %sub3A_251 : i32
        %min3A = arith.minsi %jit3A_253, %max3A : i32
        %jit3A_254 = arith.constant 0 : i32
        %jit3A_255 = arith.constant 127 : i32
        %max3A_256 = arith.maxsi %jit3A_254, %select_n3A_249 : i32
        %min3A_257 = arith.minsi %jit3A_255, %max3A_256 : i32
        %mul3A_258 = arith.constant 2 : i32
        %mul3A_259 = arith.muli %select_n3A, %mul3A_258 : i32
        %add3A_260 = arith.constant 0 : i32
        %add3A_261 = arith.addi %mul3A_259, %add3A_260 : i32
        %mul3A_262 = arith.constant 128 : i32
        %mul3A_263 = arith.muli %add3A_261, %mul3A_262 : i32
        %add3A_264 = arith.addi %mul3A_263, %min3A : i32
        %mul3A_265 = arith.constant 16384 : i32
        %mul3A_266 = arith.muli %add3A_264, %mul3A_265 : i32
        %dma_start3A = arith.constant 8 : i32
        %dma_start3A_267 = tpu.memref_slice %arg6[%dma_start3A] : memref<16400xf32, #tpu.memory_space<vmem>> -> memref<16384xf32, #tpu.memory_space<vmem>>
        %dma_start3A_268 = tpu.memref_slice %arg2[%mul3A_266] : memref<8388608xf32, #tpu.memory_space<hbm>> -> memref<16384xf32, #tpu.memory_space<hbm>>
        %dma_start3A_269 = arith.constant 8 : i32
        %dma_start3A_270 = tpu.memref_slice %arg6[%dma_start3A_269] : memref<16400xf32, #tpu.memory_space<vmem>> -> memref<16384xf32, #tpu.memory_space<vmem>>
        %dma_start3A_271 = tpu.memref_slice %arg2[%mul3A_266] : memref<8388608xf32, #tpu.memory_space<hbm>> -> memref<16384xf32, #tpu.memory_space<hbm>>
        tpu.enqueue_dma source(%dma_start3A_271 : memref<16384xf32, #tpu.memory_space<hbm>>) target(%dma_start3A_270 : memref<16384xf32, #tpu.memory_space<vmem>>) target_semaphore(%arg10 : memref<!tpu.dma_semaphore, #tpu.memory_space<semaphore_mem>>)
        %mul3A_272 = arith.constant 2 : i32
        %mul3A_273 = arith.muli %select_n3A, %mul3A_272 : i32
        %add3A_274 = arith.constant 1 : i32
        %add3A_275 = arith.addi %mul3A_273, %add3A_274 : i32
        %mul3A_276 = arith.constant 128 : i32
        %mul3A_277 = arith.muli %add3A_275, %mul3A_276 : i32
        %add3A_278 = arith.addi %mul3A_277, %min3A : i32
        %mul3A_279 = arith.constant 16384 : i32
        %mul3A_280 = arith.muli %add3A_278, %mul3A_279 : i32
        %dma_start3A_281 = arith.constant 8 : i32
        %dma_start3A_282 = tpu.memref_slice %arg7[%dma_start3A_281] : memref<16400xf32, #tpu.memory_space<vmem>> -> memref<16384xf32, #tpu.memory_space<vmem>>
        %dma_start3A_283 = tpu.memref_slice %arg2[%mul3A_280] : memref<8388608xf32, #tpu.memory_space<hbm>> -> memref<16384xf32, #tpu.memory_space<hbm>>
        %dma_start3A_284 = arith.constant 8 : i32
        %dma_start3A_285 = tpu.memref_slice %arg7[%dma_start3A_284] : memref<16400xf32, #tpu.memory_space<vmem>> -> memref<16384xf32, #tpu.memory_space<vmem>>
        %dma_start3A_286 = tpu.memref_slice %arg2[%mul3A_280] : memref<8388608xf32, #tpu.memory_space<hbm>> -> memref<16384xf32, #tpu.memory_space<hbm>>
        tpu.enqueue_dma source(%dma_start3A_286 : memref<16384xf32, #tpu.memory_space<hbm>>) target(%dma_start3A_285 : memref<16384xf32, #tpu.memory_space<vmem>>) target_semaphore(%arg10 : memref<!tpu.dma_semaphore, #tpu.memory_space<semaphore_mem>>)
        %mul3A_287 = arith.constant 2 : i32
        %mul3A_288 = arith.muli %select_n3A, %mul3A_287 : i32
        %add3A_289 = arith.constant 0 : i32
        %add3A_290 = arith.addi %mul3A_288, %add3A_289 : i32
        %mul3A_291 = arith.constant 128 : i32
        %mul3A_292 = arith.muli %add3A_290, %mul3A_291 : i32
        %add3A_293 = arith.addi %mul3A_292, %min3A_257 : i32
        %mul3A_294 = arith.constant 16384 : i32
        %mul3A_295 = arith.muli %add3A_293, %mul3A_294 : i32
        %dma_start3A_296 = arith.constant 8 : i32
        %dma_start3A_297 = tpu.memref_slice %arg8[%dma_start3A_296] : memref<16400xf32, #tpu.memory_space<vmem>> -> memref<16384xf32, #tpu.memory_space<vmem>>
        %dma_start3A_298 = tpu.memref_slice %arg2[%mul3A_295] : memref<8388608xf32, #tpu.memory_space<hbm>> -> memref<16384xf32, #tpu.memory_space<hbm>>
        %dma_start3A_299 = arith.constant 8 : i32
        %dma_start3A_300 = tpu.memref_slice %arg8[%dma_start3A_299] : memref<16400xf32, #tpu.memory_space<vmem>> -> memref<16384xf32, #tpu.memory_space<vmem>>
        %dma_start3A_301 = tpu.memref_slice %arg2[%mul3A_295] : memref<8388608xf32, #tpu.memory_space<hbm>> -> memref<16384xf32, #tpu.memory_space<hbm>>
        tpu.enqueue_dma source(%dma_start3A_301 : memref<16384xf32, #tpu.memory_space<hbm>>) target(%dma_start3A_300 : memref<16384xf32, #tpu.memory_space<vmem>>) target_semaphore(%arg10 : memref<!tpu.dma_semaphore, #tpu.memory_space<semaphore_mem>>)
        %mul3A_302 = arith.constant 2 : i32
        %mul3A_303 = arith.muli %select_n3A, %mul3A_302 : i32
        %add3A_304 = arith.constant 1 : i32
        %add3A_305 = arith.addi %mul3A_303, %add3A_304 : i32
        %mul3A_306 = arith.constant 128 : i32
        %mul3A_307 = arith.muli %add3A_305, %mul3A_306 : i32
        %add3A_308 = arith.addi %mul3A_307, %min3A_257 : i32
        %mul3A_309 = arith.constant 16384 : i32
        %mul3A_310 = arith.muli %add3A_308, %mul3A_309 : i32
        %dma_start3A_311 = arith.constant 8 : i32
        %dma_start3A_312 = tpu.memref_slice %arg9[%dma_start3A_311] : memref<16400xf32, #tpu.memory_space<vmem>> -> memref<16384xf32, #tpu.memory_space<vmem>>
        %dma_start3A_313 = tpu.memref_slice %arg2[%mul3A_310] : memref<8388608xf32, #tpu.memory_space<hbm>> -> memref<16384xf32, #tpu.memory_space<hbm>>
        %dma_start3A_314 = arith.constant 8 : i32
        %dma_start3A_315 = tpu.memref_slice %arg9[%dma_start3A_314] : memref<16400xf32, #tpu.memory_space<vmem>> -> memref<16384xf32, #tpu.memory_space<vmem>>
        %dma_start3A_316 = tpu.memref_slice %arg2[%mul3A_310] : memref<8388608xf32, #tpu.memory_space<hbm>> -> memref<16384xf32, #tpu.memory_space<hbm>>
        tpu.enqueue_dma source(%dma_start3A_316 : memref<16384xf32, #tpu.memory_space<hbm>>) target(%dma_start3A_315 : memref<16384xf32, #tpu.memory_space<vmem>>) target_semaphore(%arg10 : memref<!tpu.dma_semaphore, #tpu.memory_space<semaphore_mem>>)
        %dma_wait3A = arith.constant 8 : i32
        %dma_wait3A_317 = tpu.memref_slice %arg6[%dma_wait3A] : memref<16400xf32, #tpu.memory_space<vmem>> -> memref<16384xf32, #tpu.memory_space<vmem>>
        %dma_wait3A_318 = tpu.memref_slice %arg2[%mul3A_266] : memref<8388608xf32, #tpu.memory_space<hbm>> -> memref<16384xf32, #tpu.memory_space<hbm>>
        %dma_wait3A_319 = arith.constant 8 : i32
        %dma_wait3A_320 = tpu.memref_slice %arg6[%dma_wait3A_319] : memref<16400xf32, #tpu.memory_space<vmem>> -> memref<16384xf32, #tpu.memory_space<vmem>>
        %dma_wait3A_321 = tpu.memref_slice %arg2[%mul3A_266] : memref<8388608xf32, #tpu.memory_space<hbm>> -> memref<16384xf32, #tpu.memory_space<hbm>>
        tpu.wait_dma2 semaphore(%arg10 : memref<!tpu.dma_semaphore, #tpu.memory_space<semaphore_mem>>) src(%dma_wait3A_321 : memref<16384xf32, #tpu.memory_space<hbm>>) dst(%dma_wait3A_320 : memref<16384xf32, #tpu.memory_space<vmem>>)
        %dma_wait3A_322 = arith.constant 8 : i32
        %dma_wait3A_323 = tpu.memref_slice %arg7[%dma_wait3A_322] : memref<16400xf32, #tpu.memory_space<vmem>> -> memref<16384xf32, #tpu.memory_space<vmem>>
        %dma_wait3A_324 = tpu.memref_slice %arg2[%mul3A_280] : memref<8388608xf32, #tpu.memory_space<hbm>> -> memref<16384xf32, #tpu.memory_space<hbm>>
        %dma_wait3A_325 = arith.constant 8 : i32
        %dma_wait3A_326 = tpu.memref_slice %arg7[%dma_wait3A_325] : memref<16400xf32, #tpu.memory_space<vmem>> -> memref<16384xf32, #tpu.memory_space<vmem>>
        %dma_wait3A_327 = tpu.memref_slice %arg2[%mul3A_280] : memref<8388608xf32, #tpu.memory_space<hbm>> -> memref<16384xf32, #tpu.memory_space<hbm>>
        tpu.wait_dma2 semaphore(%arg10 : memref<!tpu.dma_semaphore, #tpu.memory_space<semaphore_mem>>) src(%dma_wait3A_327 : memref<16384xf32, #tpu.memory_space<hbm>>) dst(%dma_wait3A_326 : memref<16384xf32, #tpu.memory_space<vmem>>)
        %dma_wait3A_328 = arith.constant 8 : i32
        %dma_wait3A_329 = tpu.memref_slice %arg8[%dma_wait3A_328] : memref<16400xf32, #tpu.memory_space<vmem>> -> memref<16384xf32, #tpu.memory_space<vmem>>
        %dma_wait3A_330 = tpu.memref_slice %arg2[%mul3A_295] : memref<8388608xf32, #tpu.memory_space<hbm>> -> memref<16384xf32, #tpu.memory_space<hbm>>
        %dma_wait3A_331 = arith.constant 8 : i32
        %dma_wait3A_332 = tpu.memref_slice %arg8[%dma_wait3A_331] : memref<16400xf32, #tpu.memory_space<vmem>> -> memref<16384xf32, #tpu.memory_space<vmem>>
        %dma_wait3A_333 = tpu.memref_slice %arg2[%mul3A_295] : memref<8388608xf32, #tpu.memory_space<hbm>> -> memref<16384xf32, #tpu.memory_space<hbm>>
        tpu.wait_dma2 semaphore(%arg10 : memref<!tpu.dma_semaphore, #tpu.memory_space<semaphore_mem>>) src(%dma_wait3A_333 : memref<16384xf32, #tpu.memory_space<hbm>>) dst(%dma_wait3A_332 : memref<16384xf32, #tpu.memory_space<vmem>>)
        %dma_wait3A_334 = arith.constant 8 : i32
        %dma_wait3A_335 = tpu.memref_slice %arg9[%dma_wait3A_334] : memref<16400xf32, #tpu.memory_space<vmem>> -> memref<16384xf32, #tpu.memory_space<vmem>>
        %dma_wait3A_336 = tpu.memref_slice %arg2[%mul3A_310] : memref<8388608xf32, #tpu.memory_space<hbm>> -> memref<16384xf32, #tpu.memory_space<hbm>>
        %dma_wait3A_337 = arith.constant 8 : i32
        %dma_wait3A_338 = tpu.memref_slice %arg9[%dma_wait3A_337] : memref<16400xf32, #tpu.memory_space<vmem>> -> memref<16384xf32, #tpu.memory_space<vmem>>
        %dma_wait3A_339 = tpu.memref_slice %arg2[%mul3A_310] : memref<8388608xf32, #tpu.memory_space<hbm>> -> memref<16384xf32, #tpu.memory_space<hbm>>
        tpu.wait_dma2 semaphore(%arg10 : memref<!tpu.dma_semaphore, #tpu.memory_space<semaphore_mem>>) src(%dma_wait3A_339 : memref<16384xf32, #tpu.memory_space<hbm>>) dst(%dma_wait3A_338 : memref<16384xf32, #tpu.memory_space<vmem>>)
        %broadcast_in_dim3A = arith.constant 1 : i32
        %broadcast_in_dim3A_340 = vector.broadcast %broadcast_in_dim3A : i32 to vector<16xi32>
        %mul3A_341 = vector.broadcast %select_n3A_249 : i32 to vector<16xi32>
        %mul3A_342 = arith.muli %mul3A_341, %broadcast_in_dim3A_340 : vector<16xi32>
        %ge3A_343 = arith.constant 1 : i32
        %ge3A_344 = vector.broadcast %ge3A_343 : i32 to vector<16xi32>
        %ge3A_345 = arith.cmpi sge, %mul3A_342, %ge3A_344 : vector<16xi32>
        %mul3A_346 = vector.broadcast %select_n3A_249 : i32 to vector<16xi32>
        %mul3A_347 = arith.muli %mul3A_346, %broadcast_in_dim3A_340 : vector<16xi32>
        %le3A_348 = arith.constant 128 : i32
        %le3A_349 = vector.broadcast %le3A_348 : i32 to vector<16xi32>
        %le3A_350 = arith.cmpi sle, %mul3A_347, %le3A_349 : vector<16xi32>
        %and3A_351 = arith.andi %ge3A_345, %le3A_350 : vector<16xi1>
        %mul3A_352 = vector.broadcast %select_n3A_249 : i32 to vector<16xi32>
        %mul3A_353 = arith.muli %mul3A_352, %broadcast_in_dim3A_340 : vector<16xi32>
        %le3A_354 = arith.constant 127 : i32
        %le3A_355 = vector.broadcast %le3A_354 : i32 to vector<16xi32>
        %le3A_356 = arith.cmpi sle, %mul3A_353, %le3A_355 : vector<16xi32>
        %broadcast_in_dim3A_357 = arith.constant 0.000000e+00 : f32
        %broadcast_in_dim3A_358 = vector.broadcast %broadcast_in_dim3A_357 : f32 to vector<16xf32>
        %scan3A_359 = arith.constant 0 : i32
        %scan3A_360 = arith.constant 13 : i32
        %scan3A_361 = arith.addi %scan3A_359, %scan3A_360 : i32
        %scan3A_362 = arith.constant 1 : i32
        scf.for %scan3A_380 = %scan3A_359 to %scan3A_361 step %scan3A_362  : i32 {
          %mul3A_381 = arith.constant 2 : i32
          %mul3A_382 = arith.muli %mul3A_381, %scan3A_380 : i32
          %add3A_383 = arith.constant 0 : i32
          %add3A_384 = arith.addi %mul3A_382, %add3A_383 : i32
          %gt3A = arith.constant 0 : i32
          %gt3A_385 = arith.cmpi sgt, %scan3A_380, %gt3A : i32
          %convert_element_type3A_386 = arith.extui %gt3A_385 : i1 to i32
          %cond3A_387 = arith.constant 0 : i32
          %cond3A_388 = arith.cmpi ne, %convert_element_type3A_386, %cond3A_387 : i32
          scf.if %cond3A_388 {
            %mul3A_430 = arith.constant 16900 : i32
            %mul3A_431 = arith.muli %add3A_214, %mul3A_430 : i32
            %sub3A_432 = arith.constant 2 : i32
            %sub3A_433 = arith.subi %add3A_384, %sub3A_432 : i32
            %mul3A_434 = arith.constant 5 : i32
            %mul3A_435 = arith.muli %sub3A_433, %mul3A_434 : i32
            %mul3A_436 = arith.constant 130 : i32
            %mul3A_437 = arith.muli %mul3A_435, %mul3A_436 : i32
            %add3A_438 = arith.addi %mul3A_431, %mul3A_437 : i32
            %dma_wait3A_439 = arith.constant 0 : i32
            %dma_wait3A_440 = tpu.memref_slice %arg3[%add3A_438, %dma_wait3A_439] : memref<4394000x17xf32, #tpu.memory_space<hbm>> -> memref<650x17xf32, #tpu.memory_space<hbm>>
            %dma_wait3A_441 = arith.constant 0 : i32
            %dma_wait3A_442 = tpu.memref_slice %arg3[%add3A_438, %dma_wait3A_441] : memref<4394000x17xf32, #tpu.memory_space<hbm>> -> memref<650x17xf32, #tpu.memory_space<hbm>>
            tpu.wait_dma2 semaphore(%arg11 : memref<!tpu.dma_semaphore, #tpu.memory_space<semaphore_mem>>) src(%arg4 : memref<650x17xf32, #tpu.memory_space<vmem>>) dst(%dma_wait3A_442 : memref<650x17xf32, #tpu.memory_space<hbm>>)
          } else {
          }
          %scan3A_389 = arith.constant 0 : i32
          %scan3A_390 = arith.constant 5 : i32
          %scan3A_391 = arith.addi %scan3A_389, %scan3A_390 : i32
          %scan3A_392 = arith.constant 1 : i32
          scf.for %scan3A_430 = %scan3A_389 to %scan3A_391 step %scan3A_392  : i32 {
            %mul3A_431 = arith.constant 5 : i32
            %mul3A_432 = arith.muli %add3A_384, %mul3A_431 : i32
            %add3A_433 = arith.addi %mul3A_432, %scan3A_430 : i32
            %add3A_434 = arith.constant 0 : i32
            %add3A_435 = arith.addi %add3A_433, %add3A_434 : i32
            %sub3A_436 = arith.constant 1 : i32
            %sub3A_437 = arith.subi %add3A_435, %sub3A_436 : i32
            %mul3A_438 = vector.broadcast %sub3A_437 : i32 to vector<16xi32>
            %mul3A_439 = arith.muli %mul3A_438, %broadcast_in_dim3A_340 : vector<16xi32>
            %ge3A_440 = arith.constant 0 : i32
            %ge3A_441 = vector.broadcast %ge3A_440 : i32 to vector<16xi32>
            %ge3A_442 = arith.cmpi sge, %mul3A_439, %ge3A_441 : vector<16xi32>
            %mul3A_443 = vector.broadcast %sub3A_437 : i32 to vector<16xi32>
            %mul3A_444 = arith.muli %mul3A_443, %broadcast_in_dim3A_340 : vector<16xi32>
            %le3A_445 = arith.constant 127 : i32
            %le3A_446 = vector.broadcast %le3A_445 : i32 to vector<16xi32>
            %le3A_447 = arith.cmpi sle, %mul3A_444, %le3A_446 : vector<16xi32>
            %and3A_448 = arith.andi %ge3A_442, %le3A_447 : vector<16xi1>
            %and3A_449 = arith.andi %and3A_448, %and3A_351 : vector<16xi1>
            %and3A_450 = arith.andi %and3A_448, %le3A_356 : vector<16xi1>
            %jit3A_451 = arith.constant 0 : i32
            %jit3A_452 = arith.constant 127 : i32
            %max3A_453 = arith.maxsi %jit3A_451, %sub3A_437 : i32
            %min3A_454 = arith.minsi %jit3A_452, %max3A_453 : i32
            %mul3A_455 = arith.constant 128 : i32
            %mul3A_456 = arith.muli %min3A_454, %mul3A_455 : i32
            %add3A_457 = arith.constant 8 : i32
            %add3A_458 = arith.addi %mul3A_456, %add3A_457 : i32
            %add3A_459 = arith.constant 1 : i32
            %add3A_460 = arith.addi %add3A_433, %add3A_459 : i32
            %sub3A_461 = arith.constant 1 : i32
            %sub3A_462 = arith.subi %add3A_460, %sub3A_461 : i32
            %mul3A_463 = vector.broadcast %sub3A_462 : i32 to vector<16xi32>
            %mul3A_464 = arith.muli %mul3A_463, %broadcast_in_dim3A_340 : vector<16xi32>
            %ge3A_465 = arith.constant 0 : i32
            %ge3A_466 = vector.broadcast %ge3A_465 : i32 to vector<16xi32>
            %ge3A_467 = arith.cmpi sge, %mul3A_464, %ge3A_466 : vector<16xi32>
            %mul3A_468 = vector.broadcast %sub3A_462 : i32 to vector<16xi32>
            %mul3A_469 = arith.muli %mul3A_468, %broadcast_in_dim3A_340 : vector<16xi32>
            %le3A_470 = arith.constant 127 : i32
            %le3A_471 = vector.broadcast %le3A_470 : i32 to vector<16xi32>
            %le3A_472 = arith.cmpi sle, %mul3A_469, %le3A_471 : vector<16xi32>
            %and3A_473 = arith.andi %ge3A_467, %le3A_472 : vector<16xi1>
            %and3A_474 = arith.andi %and3A_473, %and3A_351 : vector<16xi1>
            %and3A_475 = arith.andi %and3A_473, %le3A_356 : vector<16xi1>
            %jit3A_476 = arith.constant 0 : i32
            %jit3A_477 = arith.constant 127 : i32
            %max3A_478 = arith.maxsi %jit3A_476, %sub3A_462 : i32
            %min3A_479 = arith.minsi %jit3A_477, %max3A_478 : i32
            %mul3A_480 = arith.constant 128 : i32
            %mul3A_481 = arith.muli %min3A_479, %mul3A_480 : i32
            %add3A_482 = arith.constant 8 : i32
            %add3A_483 = arith.addi %mul3A_481, %add3A_482 : i32
            %mul3A_484 = arith.constant 130 : i32
            %mul3A_485 = arith.muli %scan3A_430, %mul3A_484 : i32
            %add3A_486 = arith.constant 0 : i32
            %add3A_487 = arith.addi %mul3A_485, %add3A_486 : i32
            %add3A_488 = vector.broadcast %add3A_487 : i32 to vector<16xi32>
            %add3A_489 = arith.addi %add3A_488, %iota3A : vector<16xi32>
            %add3A_490 = arith.constant 0 : i32
            %add3A_491 = arith.addi %add3A_458, %add3A_490 : i32
            %add3A_492 = arith.constant 0 : i32
            %add3A_493 = arith.addi %add3A_491, %add3A_492 : i32
            %sub3A_494 = arith.constant 1 : i32
            %sub3A_495 = arith.subi %add3A_493, %sub3A_494 : i32
            %get3A = arith.index_cast %sub3A_495 : i32 to index
            %get3A_496 = tpu.vector_load %arg6[%get3A] {strides = array<i32>} : memref<16400xf32, #tpu.memory_space<vmem>>, vector<16xf32>,
            %get3A_497 = arith.index_cast %sub3A_495 : i32 to index
            %get3A_498 = tpu.vector_load %arg7[%get3A_497] {strides = array<i32>} : memref<16400xf32, #tpu.memory_space<vmem>>, vector<16xf32>,
            %get3A_499 = arith.index_cast %sub3A_495 : i32 to index
            %get3A_500 = tpu.vector_load %arg8[%get3A_499] {strides = array<i32>} : memref<16400xf32, #tpu.memory_space<vmem>>, vector<16xf32>,
            %get3A_501 = arith.index_cast %sub3A_495 : i32 to index
            %get3A_502 = tpu.vector_load %arg9[%get3A_501] {strides = array<i32>} : memref<16400xf32, #tpu.memory_space<vmem>>, vector<16xf32>,
            %add3A_503 = arith.constant 0 : i32
            %add3A_504 = arith.addi %add3A_458, %add3A_503 : i32
            %add3A_505 = arith.constant 1 : i32
            %add3A_506 = arith.addi %add3A_504, %add3A_505 : i32
            %sub3A_507 = arith.constant 1 : i32
            %sub3A_508 = arith.subi %add3A_506, %sub3A_507 : i32
            %get3A_509 = arith.index_cast %sub3A_508 : i32 to index
            %get3A_510 = tpu.vector_load %arg6[%get3A_509] {strides = array<i32>} : memref<16400xf32, #tpu.memory_space<vmem>>, vector<16xf32>,
            %get3A_511 = arith.index_cast %sub3A_508 : i32 to index
            %get3A_512 = tpu.vector_load %arg7[%get3A_511] {strides = array<i32>} : memref<16400xf32, #tpu.memory_space<vmem>>, vector<16xf32>,
            %get3A_513 = arith.index_cast %sub3A_508 : i32 to index
            %get3A_514 = tpu.vector_load %arg8[%get3A_513] {strides = array<i32>} : memref<16400xf32, #tpu.memory_space<vmem>>, vector<16xf32>,
            %get3A_515 = arith.index_cast %sub3A_508 : i32 to index
            %get3A_516 = tpu.vector_load %arg9[%get3A_515] {strides = array<i32>} : memref<16400xf32, #tpu.memory_space<vmem>>, vector<16xf32>,
            %add3A_517 = arith.constant 0 : i32
            %add3A_518 = arith.addi %add3A_483, %add3A_517 : i32
            %add3A_519 = arith.constant 0 : i32
            %add3A_520 = arith.addi %add3A_518, %add3A_519 : i32
            %sub3A_521 = arith.constant 1 : i32
            %sub3A_522 = arith.subi %add3A_520, %sub3A_521 : i32
            %get3A_523 = arith.index_cast %sub3A_522 : i32 to index
            %get3A_524 = tpu.vector_load %arg6[%get3A_523] {strides = array<i32>} : memref<16400xf32, #tpu.memory_space<vmem>>, vector<16xf32>,
            %get3A_525 = arith.index_cast %sub3A_522 : i32 to index
            %get3A_526 = tpu.vector_load %arg7[%get3A_525] {strides = array<i32>} : memref<16400xf32, #tpu.memory_space<vmem>>, vector<16xf32>,
            %get3A_527 = arith.index_cast %sub3A_522 : i32 to index
            %get3A_528 = tpu.vector_load %arg8[%get3A_527] {strides = array<i32>} : memref<16400xf32, #tpu.memory_space<vmem>>, vector<16xf32>,
            %get3A_529 = arith.index_cast %sub3A_522 : i32 to index
            %get3A_530 = tpu.vector_load %arg9[%get3A_529] {strides = array<i32>} : memref<16400xf32, #tpu.memory_space<vmem>>, vector<16xf32>,
            %add3A_531 = arith.constant 0 : i32
            %add3A_532 = arith.addi %add3A_483, %add3A_531 : i32
            %add3A_533 = arith.constant 1 : i32
            %add3A_534 = arith.addi %add3A_532, %add3A_533 : i32
            %sub3A_535 = arith.constant 1 : i32
            %sub3A_536 = arith.subi %add3A_534, %sub3A_535 : i32
            %get3A_537 = arith.index_cast %sub3A_536 : i32 to index
            %get3A_538 = tpu.vector_load %arg6[%get3A_537] {strides = array<i32>} : memref<16400xf32, #tpu.memory_space<vmem>>, vector<16xf32>,
            %get3A_539 = arith.index_cast %sub3A_536 : i32 to index
            %get3A_540 = tpu.vector_load %arg7[%get3A_539] {strides = array<i32>} : memref<16400xf32, #tpu.memory_space<vmem>>, vector<16xf32>,
            %get3A_541 = arith.index_cast %sub3A_536 : i32 to index
            %get3A_542 = tpu.vector_load %arg8[%get3A_541] {strides = array<i32>} : memref<16400xf32, #tpu.memory_space<vmem>>, vector<16xf32>,
            %get3A_543 = arith.index_cast %sub3A_536 : i32 to index
            %get3A_544 = tpu.vector_load %arg9[%get3A_543] {strides = array<i32>} : memref<16400xf32, #tpu.memory_space<vmem>>, vector<16xf32>,
            %and3A_545 = arith.andi %and3A_449, %and3A : vector<16xi1>
            %broadcast_in_dim3A_546 = arith.constant 0 : i32
            %broadcast_in_dim3A_547 = vector.broadcast %broadcast_in_dim3A_546 : i32 to vector<16xi32>
            %select_n3A_548 = arith.select %and3A_545, %get3A_496, %broadcast_in_dim3A_358 : vector<16xi1>, vector<16xf32>
            tpu.vector_store_idx %arg4[%add3A_489, %broadcast_in_dim3A_547], %select_n3A_548 : memref<650x17xf32, #tpu.memory_space<vmem>>[vector<16xi32>, vector<16xi32>], vector<16xf32>,
            %and3A_549 = arith.andi %and3A_449, %and3A : vector<16xi1>
            %broadcast_in_dim3A_550 = arith.constant 1 : i32
            %broadcast_in_dim3A_551 = vector.broadcast %broadcast_in_dim3A_550 : i32 to vector<16xi32>
            %select_n3A_552 = arith.select %and3A_549, %get3A_498, %broadcast_in_dim3A_358 : vector<16xi1>, vector<16xf32>
            tpu.vector_store_idx %arg4[%add3A_489, %broadcast_in_dim3A_551], %select_n3A_552 : memref<650x17xf32, #tpu.memory_space<vmem>>[vector<16xi32>, vector<16xi32>], vector<16xf32>,
            %and3A_553 = arith.andi %and3A_449, %and3A_22 : vector<16xi1>
            %broadcast_in_dim3A_554 = arith.constant 2 : i32
            %broadcast_in_dim3A_555 = vector.broadcast %broadcast_in_dim3A_554 : i32 to vector<16xi32>
            %select_n3A_556 = arith.select %and3A_553, %get3A_510, %broadcast_in_dim3A_358 : vector<16xi1>, vector<16xf32>
            tpu.vector_store_idx %arg4[%add3A_489, %broadcast_in_dim3A_555], %select_n3A_556 : memref<650x17xf32, #tpu.memory_space<vmem>>[vector<16xi32>, vector<16xi32>], vector<16xf32>,
            %and3A_557 = arith.andi %and3A_449, %and3A_22 : vector<16xi1>
            %broadcast_in_dim3A_558 = arith.constant 3 : i32
            %broadcast_in_dim3A_559 = vector.broadcast %broadcast_in_dim3A_558 : i32 to vector<16xi32>
            %select_n3A_560 = arith.select %and3A_557, %get3A_512, %broadcast_in_dim3A_358 : vector<16xi1>, vector<16xf32>
            tpu.vector_store_idx %arg4[%add3A_489, %broadcast_in_dim3A_559], %select_n3A_560 : memref<650x17xf32, #tpu.memory_space<vmem>>[vector<16xi32>, vector<16xi32>], vector<16xf32>,
            %and3A_561 = arith.andi %and3A_474, %and3A : vector<16xi1>
            %broadcast_in_dim3A_562 = arith.constant 4 : i32
            %broadcast_in_dim3A_563 = vector.broadcast %broadcast_in_dim3A_562 : i32 to vector<16xi32>
            %select_n3A_564 = arith.select %and3A_561, %get3A_524, %broadcast_in_dim3A_358 : vector<16xi1>, vector<16xf32>
            tpu.vector_store_idx %arg4[%add3A_489, %broadcast_in_dim3A_563], %select_n3A_564 : memref<650x17xf32, #tpu.memory_space<vmem>>[vector<16xi32>, vector<16xi32>], vector<16xf32>,
            %and3A_565 = arith.andi %and3A_474, %and3A : vector<16xi1>
            %broadcast_in_dim3A_566 = arith.constant 5 : i32
            %broadcast_in_dim3A_567 = vector.broadcast %broadcast_in_dim3A_566 : i32 to vector<16xi32>
            %select_n3A_568 = arith.select %and3A_565, %get3A_526, %broadcast_in_dim3A_358 : vector<16xi1>, vector<16xf32>
            tpu.vector_store_idx %arg4[%add3A_489, %broadcast_in_dim3A_567], %select_n3A_568 : memref<650x17xf32, #tpu.memory_space<vmem>>[vector<16xi32>, vector<16xi32>], vector<16xf32>,
            %and3A_569 = arith.andi %and3A_474, %and3A_22 : vector<16xi1>
            %broadcast_in_dim3A_570 = arith.constant 6 : i32
            %broadcast_in_dim3A_571 = vector.broadcast %broadcast_in_dim3A_570 : i32 to vector<16xi32>
            %select_n3A_572 = arith.select %and3A_569, %get3A_538, %broadcast_in_dim3A_358 : vector<16xi1>, vector<16xf32>
            tpu.vector_store_idx %arg4[%add3A_489, %broadcast_in_dim3A_571], %select_n3A_572 : memref<650x17xf32, #tpu.memory_space<vmem>>[vector<16xi32>, vector<16xi32>], vector<16xf32>,
            %and3A_573 = arith.andi %and3A_474, %and3A_22 : vector<16xi1>
            %broadcast_in_dim3A_574 = arith.constant 7 : i32
            %broadcast_in_dim3A_575 = vector.broadcast %broadcast_in_dim3A_574 : i32 to vector<16xi32>
            %select_n3A_576 = arith.select %and3A_573, %get3A_540, %broadcast_in_dim3A_358 : vector<16xi1>, vector<16xf32>
            tpu.vector_store_idx %arg4[%add3A_489, %broadcast_in_dim3A_575], %select_n3A_576 : memref<650x17xf32, #tpu.memory_space<vmem>>[vector<16xi32>, vector<16xi32>], vector<16xf32>,
            %and3A_577 = arith.andi %and3A_450, %and3A : vector<16xi1>
            %broadcast_in_dim3A_578 = arith.constant 8 : i32
            %broadcast_in_dim3A_579 = vector.broadcast %broadcast_in_dim3A_578 : i32 to vector<16xi32>
            %select_n3A_580 = arith.select %and3A_577, %get3A_500, %broadcast_in_dim3A_358 : vector<16xi1>, vector<16xf32>
            tpu.vector_store_idx %arg4[%add3A_489, %broadcast_in_dim3A_579], %select_n3A_580 : memref<650x17xf32, #tpu.memory_space<vmem>>[vector<16xi32>, vector<16xi32>], vector<16xf32>,
            %and3A_581 = arith.andi %and3A_450, %and3A : vector<16xi1>
            %broadcast_in_dim3A_582 = arith.constant 9 : i32
            %broadcast_in_dim3A_583 = vector.broadcast %broadcast_in_dim3A_582 : i32 to vector<16xi32>
            %select_n3A_584 = arith.select %and3A_581, %get3A_502, %broadcast_in_dim3A_358 : vector<16xi1>, vector<16xf32>
            tpu.vector_store_idx %arg4[%add3A_489, %broadcast_in_dim3A_583], %select_n3A_584 : memref<650x17xf32, #tpu.memory_space<vmem>>[vector<16xi32>, vector<16xi32>], vector<16xf32>,
            %and3A_585 = arith.andi %and3A_450, %and3A_22 : vector<16xi1>
            %broadcast_in_dim3A_586 = arith.constant 10 : i32
            %broadcast_in_dim3A_587 = vector.broadcast %broadcast_in_dim3A_586 : i32 to vector<16xi32>
            %select_n3A_588 = arith.select %and3A_585, %get3A_514, %broadcast_in_dim3A_358 : vector<16xi1>, vector<16xf32>
            tpu.vector_store_idx %arg4[%add3A_489, %broadcast_in_dim3A_587], %select_n3A_588 : memref<650x17xf32, #tpu.memory_space<vmem>>[vector<16xi32>, vector<16xi32>], vector<16xf32>,
            %and3A_589 = arith.andi %and3A_450, %and3A_22 : vector<16xi1>
            %broadcast_in_dim3A_590 = arith.constant 11 : i32
            %broadcast_in_dim3A_591 = vector.broadcast %broadcast_in_dim3A_590 : i32 to vector<16xi32>
            %select_n3A_592 = arith.select %and3A_589, %get3A_516, %broadcast_in_dim3A_358 : vector<16xi1>, vector<16xf32>
            tpu.vector_store_idx %arg4[%add3A_489, %broadcast_in_dim3A_591], %select_n3A_592 : memref<650x17xf32, #tpu.memory_space<vmem>>[vector<16xi32>, vector<16xi32>], vector<16xf32>,
            %and3A_593 = arith.andi %and3A_475, %and3A : vector<16xi1>
            %broadcast_in_dim3A_594 = arith.constant 12 : i32
            %broadcast_in_dim3A_595 = vector.broadcast %broadcast_in_dim3A_594 : i32 to vector<16xi32>
            %select_n3A_596 = arith.select %and3A_593, %get3A_528, %broadcast_in_dim3A_358 : vector<16xi1>, vector<16xf32>
            tpu.vector_store_idx %arg4[%add3A_489, %broadcast_in_dim3A_595], %select_n3A_596 : memref<650x17xf32, #tpu.memory_space<vmem>>[vector<16xi32>, vector<16xi32>], vector<16xf32>,
            %and3A_597 = arith.andi %and3A_475, %and3A : vector<16xi1>
            %broadcast_in_dim3A_598 = arith.constant 13 : i32
            %broadcast_in_dim3A_599 = vector.broadcast %broadcast_in_dim3A_598 : i32 to vector<16xi32>
            %select_n3A_600 = arith.select %and3A_597, %get3A_530, %broadcast_in_dim3A_358 : vector<16xi1>, vector<16xf32>
            tpu.vector_store_idx %arg4[%add3A_489, %broadcast_in_dim3A_599], %select_n3A_600 : memref<650x17xf32, #tpu.memory_space<vmem>>[vector<16xi32>, vector<16xi32>], vector<16xf32>,
            %and3A_601 = arith.andi %and3A_475, %and3A_22 : vector<16xi1>
            %broadcast_in_dim3A_602 = arith.constant 14 : i32
            %broadcast_in_dim3A_603 = vector.broadcast %broadcast_in_dim3A_602 : i32 to vector<16xi32>
            %select_n3A_604 = arith.select %and3A_601, %get3A_542, %broadcast_in_dim3A_358 : vector<16xi1>, vector<16xf32>
            tpu.vector_store_idx %arg4[%add3A_489, %broadcast_in_dim3A_603], %select_n3A_604 : memref<650x17xf32, #tpu.memory_space<vmem>>[vector<16xi32>, vector<16xi32>], vector<16xf32>,
            %and3A_605 = arith.andi %and3A_475, %and3A_22 : vector<16xi1>
            %broadcast_in_dim3A_606 = arith.constant 15 : i32
            %broadcast_in_dim3A_607 = vector.broadcast %broadcast_in_dim3A_606 : i32 to vector<16xi32>
            %select_n3A_608 = arith.select %and3A_605, %get3A_544, %broadcast_in_dim3A_358 : vector<16xi1>, vector<16xf32>
            tpu.vector_store_idx %arg4[%add3A_489, %broadcast_in_dim3A_607], %select_n3A_608 : memref<650x17xf32, #tpu.memory_space<vmem>>[vector<16xi32>, vector<16xi32>], vector<16xf32>,
            %mul3A_609 = arith.constant 130 : i32
            %mul3A_610 = arith.muli %scan3A_430, %mul3A_609 : i32
            %add3A_611 = arith.constant 16 : i32
            %add3A_612 = arith.addi %mul3A_610, %add3A_611 : i32
            %add3A_613 = vector.broadcast %add3A_612 : i32 to vector<16xi32>
            %add3A_614 = arith.addi %add3A_613, %iota3A : vector<16xi32>
            %add3A_615 = arith.constant 16 : i32
            %add3A_616 = arith.addi %add3A_458, %add3A_615 : i32
            %add3A_617 = arith.constant 0 : i32
            %add3A_618 = arith.addi %add3A_616, %add3A_617 : i32
            %sub3A_619 = arith.constant 1 : i32
            %sub3A_620 = arith.subi %add3A_618, %sub3A_619 : i32
            %get3A_621 = arith.index_cast %sub3A_620 : i32 to index
            %get3A_622 = tpu.vector_load %arg6[%get3A_621] {strides = array<i32>} : memref<16400xf32, #tpu.memory_space<vmem>>, vector<16xf32>,
            %get3A_623 = arith.index_cast %sub3A_620 : i32 to index
            %get3A_624 = tpu.vector_load %arg7[%get3A_623] {strides = array<i32>} : memref<16400xf32, #tpu.memory_space<vmem>>, vector<16xf32>,
            %get3A_625 = arith.index_cast %sub3A_620 : i32 to index
            %get3A_626 = tpu.vector_load %arg8[%get3A_625] {strides = array<i32>} : memref<16400xf32, #tpu.memory_space<vmem>>, vector<16xf32>,
            %get3A_627 = arith.index_cast %sub3A_620 : i32 to index
            %get3A_628 = tpu.vector_load %arg9[%get3A_627] {strides = array<i32>} : memref<16400xf32, #tpu.memory_space<vmem>>, vector<16xf32>,
            %add3A_629 = arith.constant 16 : i32
            %add3A_630 = arith.addi %add3A_458, %add3A_629 : i32
            %add3A_631 = arith.constant 1 : i32
            %add3A_632 = arith.addi %add3A_630, %add3A_631 : i32
            %sub3A_633 = arith.constant 1 : i32
            %sub3A_634 = arith.subi %add3A_632, %sub3A_633 : i32
            %get3A_635 = arith.index_cast %sub3A_634 : i32 to index
            %get3A_636 = tpu.vector_load %arg6[%get3A_635] {strides = array<i32>} : memref<16400xf32, #tpu.memory_space<vmem>>, vector<16xf32>,
            %get3A_637 = arith.index_cast %sub3A_634 : i32 to index
            %get3A_638 = tpu.vector_load %arg7[%get3A_637] {strides = array<i32>} : memref<16400xf32, #tpu.memory_space<vmem>>, vector<16xf32>,
            %get3A_639 = arith.index_cast %sub3A_634 : i32 to index
            %get3A_640 = tpu.vector_load %arg8[%get3A_639] {strides = array<i32>} : memref<16400xf32, #tpu.memory_space<vmem>>, vector<16xf32>,
            %get3A_641 = arith.index_cast %sub3A_634 : i32 to index
            %get3A_642 = tpu.vector_load %arg9[%get3A_641] {strides = array<i32>} : memref<16400xf32, #tpu.memory_space<vmem>>, vector<16xf32>,
            %add3A_643 = arith.constant 16 : i32
            %add3A_644 = arith.addi %add3A_483, %add3A_643 : i32
            %add3A_645 = arith.constant 0 : i32
            %add3A_646 = arith.addi %add3A_644, %add3A_645 : i32
            %sub3A_647 = arith.constant 1 : i32
            %sub3A_648 = arith.subi %add3A_646, %sub3A_647 : i32
            %get3A_649 = arith.index_cast %sub3A_648 : i32 to index
            %get3A_650 = tpu.vector_load %arg6[%get3A_649] {strides = array<i32>} : memref<16400xf32, #tpu.memory_space<vmem>>, vector<16xf32>,
            %get3A_651 = arith.index_cast %sub3A_648 : i32 to index
            %get3A_652 = tpu.vector_load %arg7[%get3A_651] {strides = array<i32>} : memref<16400xf32, #tpu.memory_space<vmem>>, vector<16xf32>,
            %get3A_653 = arith.index_cast %sub3A_648 : i32 to index
            %get3A_654 = tpu.vector_load %arg8[%get3A_653] {strides = array<i32>} : memref<16400xf32, #tpu.memory_space<vmem>>, vector<16xf32>,
            %get3A_655 = arith.index_cast %sub3A_648 : i32 to index
            %get3A_656 = tpu.vector_load %arg9[%get3A_655] {strides = array<i32>} : memref<16400xf32, #tpu.memory_space<vmem>>, vector<16xf32>,
            %add3A_657 = arith.constant 16 : i32
            %add3A_658 = arith.addi %add3A_483, %add3A_657 : i32
            %add3A_659 = arith.constant 1 : i32
            %add3A_660 = arith.addi %add3A_658, %add3A_659 : i32
            %sub3A_661 = arith.constant 1 : i32
            %sub3A_662 = arith.subi %add3A_660, %sub3A_661 : i32
            %get3A_663 = arith.index_cast %sub3A_662 : i32 to index
            %get3A_664 = tpu.vector_load %arg6[%get3A_663] {strides = array<i32>} : memref<16400xf32, #tpu.memory_space<vmem>>, vector<16xf32>,
            %get3A_665 = arith.index_cast %sub3A_662 : i32 to index
            %get3A_666 = tpu.vector_load %arg7[%get3A_665] {strides = array<i32>} : memref<16400xf32, #tpu.memory_space<vmem>>, vector<16xf32>,
            %get3A_667 = arith.index_cast %sub3A_662 : i32 to index
            %get3A_668 = tpu.vector_load %arg8[%get3A_667] {strides = array<i32>} : memref<16400xf32, #tpu.memory_space<vmem>>, vector<16xf32>,
            %get3A_669 = arith.index_cast %sub3A_662 : i32 to index
            %get3A_670 = tpu.vector_load %arg9[%get3A_669] {strides = array<i32>} : memref<16400xf32, #tpu.memory_space<vmem>>, vector<16xf32>,
            %and3A_671 = arith.andi %and3A_449, %and3A_38 : vector<16xi1>
            %broadcast_in_dim3A_672 = arith.constant 0 : i32
            %broadcast_in_dim3A_673 = vector.broadcast %broadcast_in_dim3A_672 : i32 to vector<16xi32>
            %select_n3A_674 = arith.select %and3A_671, %get3A_622, %broadcast_in_dim3A_358 : vector<16xi1>, vector<16xf32>
            tpu.vector_store_idx %arg4[%add3A_614, %broadcast_in_dim3A_673], %select_n3A_674 : memref<650x17xf32, #tpu.memory_space<vmem>>[vector<16xi32>, vector<16xi32>], vector<16xf32>,
            %and3A_675 = arith.andi %and3A_449, %and3A_38 : vector<16xi1>
            %broadcast_in_dim3A_676 = arith.constant 1 : i32
            %broadcast_in_dim3A_677 = vector.broadcast %broadcast_in_dim3A_676 : i32 to vector<16xi32>
            %select_n3A_678 = arith.select %and3A_675, %get3A_624, %broadcast_in_dim3A_358 : vector<16xi1>, vector<16xf32>
            tpu.vector_store_idx %arg4[%add3A_614, %broadcast_in_dim3A_677], %select_n3A_678 : memref<650x17xf32, #tpu.memory_space<vmem>>[vector<16xi32>, vector<16xi32>], vector<16xf32>,
            %and3A_679 = arith.andi %and3A_449, %and3A_45 : vector<16xi1>
            %broadcast_in_dim3A_680 = arith.constant 2 : i32
            %broadcast_in_dim3A_681 = vector.broadcast %broadcast_in_dim3A_680 : i32 to vector<16xi32>
            %select_n3A_682 = arith.select %and3A_679, %get3A_636, %broadcast_in_dim3A_358 : vector<16xi1>, vector<16xf32>
            tpu.vector_store_idx %arg4[%add3A_614, %broadcast_in_dim3A_681], %select_n3A_682 : memref<650x17xf32, #tpu.memory_space<vmem>>[vector<16xi32>, vector<16xi32>], vector<16xf32>,
            %and3A_683 = arith.andi %and3A_449, %and3A_45 : vector<16xi1>
            %broadcast_in_dim3A_684 = arith.constant 3 : i32
            %broadcast_in_dim3A_685 = vector.broadcast %broadcast_in_dim3A_684 : i32 to vector<16xi32>
            %select_n3A_686 = arith.select %and3A_683, %get3A_638, %broadcast_in_dim3A_358 : vector<16xi1>, vector<16xf32>
            tpu.vector_store_idx %arg4[%add3A_614, %broadcast_in_dim3A_685], %select_n3A_686 : memref<650x17xf32, #tpu.memory_space<vmem>>[vector<16xi32>, vector<16xi32>], vector<16xf32>,
            %and3A_687 = arith.andi %and3A_474, %and3A_38 : vector<16xi1>
            %broadcast_in_dim3A_688 = arith.constant 4 : i32
            %broadcast_in_dim3A_689 = vector.broadcast %broadcast_in_dim3A_688 : i32 to vector<16xi32>
            %select_n3A_690 = arith.select %and3A_687, %get3A_650, %broadcast_in_dim3A_358 : vector<16xi1>, vector<16xf32>
            tpu.vector_store_idx %arg4[%add3A_614, %broadcast_in_dim3A_689], %select_n3A_690 : memref<650x17xf32, #tpu.memory_space<vmem>>[vector<16xi32>, vector<16xi32>], vector<16xf32>,
            %and3A_691 = arith.andi %and3A_474, %and3A_38 : vector<16xi1>
            %broadcast_in_dim3A_692 = arith.constant 5 : i32
            %broadcast_in_dim3A_693 = vector.broadcast %broadcast_in_dim3A_692 : i32 to vector<16xi32>
            %select_n3A_694 = arith.select %and3A_691, %get3A_652, %broadcast_in_dim3A_358 : vector<16xi1>, vector<16xf32>
            tpu.vector_store_idx %arg4[%add3A_614, %broadcast_in_dim3A_693], %select_n3A_694 : memref<650x17xf32, #tpu.memory_space<vmem>>[vector<16xi32>, vector<16xi32>], vector<16xf32>,
            %and3A_695 = arith.andi %and3A_474, %and3A_45 : vector<16xi1>
            %broadcast_in_dim3A_696 = arith.constant 6 : i32
            %broadcast_in_dim3A_697 = vector.broadcast %broadcast_in_dim3A_696 : i32 to vector<16xi32>
            %select_n3A_698 = arith.select %and3A_695, %get3A_664, %broadcast_in_dim3A_358 : vector<16xi1>, vector<16xf32>
            tpu.vector_store_idx %arg4[%add3A_614, %broadcast_in_dim3A_697], %select_n3A_698 : memref<650x17xf32, #tpu.memory_space<vmem>>[vector<16xi32>, vector<16xi32>], vector<16xf32>,
            %and3A_699 = arith.andi %and3A_474, %and3A_45 : vector<16xi1>
            %broadcast_in_dim3A_700 = arith.constant 7 : i32
            %broadcast_in_dim3A_701 = vector.broadcast %broadcast_in_dim3A_700 : i32 to vector<16xi32>
            %select_n3A_702 = arith.select %and3A_699, %get3A_666, %broadcast_in_dim3A_358 : vector<16xi1>, vector<16xf32>
            tpu.vector_store_idx %arg4[%add3A_614, %broadcast_in_dim3A_701], %select_n3A_702 : memref<650x17xf32, #tpu.memory_space<vmem>>[vector<16xi32>, vector<16xi32>], vector<16xf32>,
            %and3A_703 = arith.andi %and3A_450, %and3A_38 : vector<16xi1>
            %broadcast_in_dim3A_704 = arith.constant 8 : i32
            %broadcast_in_dim3A_705 = vector.broadcast %broadcast_in_dim3A_704 : i32 to vector<16xi32>
            %select_n3A_706 = arith.select %and3A_703, %get3A_626, %broadcast_in_dim3A_358 : vector<16xi1>, vector<16xf32>
            tpu.vector_store_idx %arg4[%add3A_614, %broadcast_in_dim3A_705], %select_n3A_706 : memref<650x17xf32, #tpu.memory_space<vmem>>[vector<16xi32>, vector<16xi32>], vector<16xf32>,
            %and3A_707 = arith.andi %and3A_450, %and3A_38 : vector<16xi1>
            %broadcast_in_dim3A_708 = arith.constant 9 : i32
            %broadcast_in_dim3A_709 = vector.broadcast %broadcast_in_dim3A_708 : i32 to vector<16xi32>
            %select_n3A_710 = arith.select %and3A_707, %get3A_628, %broadcast_in_dim3A_358 : vector<16xi1>, vector<16xf32>
            tpu.vector_store_idx %arg4[%add3A_614, %broadcast_in_dim3A_709], %select_n3A_710 : memref<650x17xf32, #tpu.memory_space<vmem>>[vector<16xi32>, vector<16xi32>], vector<16xf32>,
            %and3A_711 = arith.andi %and3A_450, %and3A_45 : vector<16xi1>
            %broadcast_in_dim3A_712 = arith.constant 10 : i32
            %broadcast_in_dim3A_713 = vector.broadcast %broadcast_in_dim3A_712 : i32 to vector<16xi32>
            %select_n3A_714 = arith.select %and3A_711, %get3A_640, %broadcast_in_dim3A_358 : vector<16xi1>, vector<16xf32>
            tpu.vector_store_idx %arg4[%add3A_614, %broadcast_in_dim3A_713], %select_n3A_714 : memref<650x17xf32, #tpu.memory_space<vmem>>[vector<16xi32>, vector<16xi32>], vector<16xf32>,
            %and3A_715 = arith.andi %and3A_450, %and3A_45 : vector<16xi1>
            %broadcast_in_dim3A_716 = arith.constant 11 : i32
            %broadcast_in_dim3A_717 = vector.broadcast %broadcast_in_dim3A_716 : i32 to vector<16xi32>
            %select_n3A_718 = arith.select %and3A_715, %get3A_642, %broadcast_in_dim3A_358 : vector<16xi1>, vector<16xf32>
            tpu.vector_store_idx %arg4[%add3A_614, %broadcast_in_dim3A_717], %select_n3A_718 : memref<650x17xf32, #tpu.memory_space<vmem>>[vector<16xi32>, vector<16xi32>], vector<16xf32>,
            %and3A_719 = arith.andi %and3A_475, %and3A_38 : vector<16xi1>
            %broadcast_in_dim3A_720 = arith.constant 12 : i32
            %broadcast_in_dim3A_721 = vector.broadcast %broadcast_in_dim3A_720 : i32 to vector<16xi32>
            %select_n3A_722 = arith.select %and3A_719, %get3A_654, %broadcast_in_dim3A_358 : vector<16xi1>, vector<16xf32>
            tpu.vector_store_idx %arg4[%add3A_614, %broadcast_in_dim3A_721], %select_n3A_722 : memref<650x17xf32, #tpu.memory_space<vmem>>[vector<16xi32>, vector<16xi32>], vector<16xf32>,
            %and3A_723 = arith.andi %and3A_475, %and3A_38 : vector<16xi1>
            %broadcast_in_dim3A_724 = arith.constant 13 : i32
            %broadcast_in_dim3A_725 = vector.broadcast %broadcast_in_dim3A_724 : i32 to vector<16xi32>
            %select_n3A_726 = arith.select %and3A_723, %get3A_656, %broadcast_in_dim3A_358 : vector<16xi1>, vector<16xf32>
            tpu.vector_store_idx %arg4[%add3A_614, %broadcast_in_dim3A_725], %select_n3A_726 : memref<650x17xf32, #tpu.memory_space<vmem>>[vector<16xi32>, vector<16xi32>], vector<16xf32>,
            %and3A_727 = arith.andi %and3A_475, %and3A_45 : vector<16xi1>
            %broadcast_in_dim3A_728 = arith.constant 14 : i32
            %broadcast_in_dim3A_729 = vector.broadcast %broadcast_in_dim3A_728 : i32 to vector<16xi32>
            %select_n3A_730 = arith.select %and3A_727, %get3A_668, %broadcast_in_dim3A_358 : vector<16xi1>, vector<16xf32>
            tpu.vector_store_idx %arg4[%add3A_614, %broadcast_in_dim3A_729], %select_n3A_730 : memref<650x17xf32, #tpu.memory_space<vmem>>[vector<16xi32>, vector<16xi32>], vector<16xf32>,
            %and3A_731 = arith.andi %and3A_475, %and3A_45 : vector<16xi1>
            %broadcast_in_dim3A_732 = arith.constant 15 : i32
            %broadcast_in_dim3A_733 = vector.broadcast %broadcast_in_dim3A_732 : i32 to vector<16xi32>
            %select_n3A_734 = arith.select %and3A_731, %get3A_670, %broadcast_in_dim3A_358 : vector<16xi1>, vector<16xf32>
            tpu.vector_store_idx %arg4[%add3A_614, %broadcast_in_dim3A_733], %select_n3A_734 : memref<650x17xf32, #tpu.memory_space<vmem>>[vector<16xi32>, vector<16xi32>], vector<16xf32>,
            %mul3A_735 = arith.constant 130 : i32
            %mul3A_736 = arith.muli %scan3A_430, %mul3A_735 : i32
            %add3A_737 = arith.constant 32 : i32
            %add3A_738 = arith.addi %mul3A_736, %add3A_737 : i32
            %add3A_739 = vector.broadcast %add3A_738 : i32 to vector<16xi32>
            %add3A_740 = arith.addi %add3A_739, %iota3A : vector<16xi32>
            %add3A_741 = arith.constant 32 : i32
            %add3A_742 = arith.addi %add3A_458, %add3A_741 : i32
            %add3A_743 = arith.constant 0 : i32
            %add3A_744 = arith.addi %add3A_742, %add3A_743 : i32
            %sub3A_745 = arith.constant 1 : i32
            %sub3A_746 = arith.subi %add3A_744, %sub3A_745 : i32
            %get3A_747 = arith.index_cast %sub3A_746 : i32 to index
            %get3A_748 = tpu.vector_load %arg6[%get3A_747] {strides = array<i32>} : memref<16400xf32, #tpu.memory_space<vmem>>, vector<16xf32>,
            %get3A_749 = arith.index_cast %sub3A_746 : i32 to index
            %get3A_750 = tpu.vector_load %arg7[%get3A_749] {strides = array<i32>} : memref<16400xf32, #tpu.memory_space<vmem>>, vector<16xf32>,
            %get3A_751 = arith.index_cast %sub3A_746 : i32 to index
            %get3A_752 = tpu.vector_load %arg8[%get3A_751] {strides = array<i32>} : memref<16400xf32, #tpu.memory_space<vmem>>, vector<16xf32>,
            %get3A_753 = arith.index_cast %sub3A_746 : i32 to index
            %get3A_754 = tpu.vector_load %arg9[%get3A_753] {strides = array<i32>} : memref<16400xf32, #tpu.memory_space<vmem>>, vector<16xf32>,
            %add3A_755 = arith.constant 32 : i32
            %add3A_756 = arith.addi %add3A_458, %add3A_755 : i32
            %add3A_757 = arith.constant 1 : i32
            %add3A_758 = arith.addi %add3A_756, %add3A_757 : i32
            %sub3A_759 = arith.constant 1 : i32
            %sub3A_760 = arith.subi %add3A_758, %sub3A_759 : i32
            %get3A_761 = arith.index_cast %sub3A_760 : i32 to index
            %get3A_762 = tpu.vector_load %arg6[%get3A_761] {strides = array<i32>} : memref<16400xf32, #tpu.memory_space<vmem>>, vector<16xf32>,
            %get3A_763 = arith.index_cast %sub3A_760 : i32 to index
            %get3A_764 = tpu.vector_load %arg7[%get3A_763] {strides = array<i32>} : memref<16400xf32, #tpu.memory_space<vmem>>, vector<16xf32>,
            %get3A_765 = arith.index_cast %sub3A_760 : i32 to index
            %get3A_766 = tpu.vector_load %arg8[%get3A_765] {strides = array<i32>} : memref<16400xf32, #tpu.memory_space<vmem>>, vector<16xf32>,
            %get3A_767 = arith.index_cast %sub3A_760 : i32 to index
            %get3A_768 = tpu.vector_load %arg9[%get3A_767] {strides = array<i32>} : memref<16400xf32, #tpu.memory_space<vmem>>, vector<16xf32>,
            %add3A_769 = arith.constant 32 : i32
            %add3A_770 = arith.addi %add3A_483, %add3A_769 : i32
            %add3A_771 = arith.constant 0 : i32
            %add3A_772 = arith.addi %add3A_770, %add3A_771 : i32
            %sub3A_773 = arith.constant 1 : i32
            %sub3A_774 = arith.subi %add3A_772, %sub3A_773 : i32
            %get3A_775 = arith.index_cast %sub3A_774 : i32 to index
            %get3A_776 = tpu.vector_load %arg6[%get3A_775] {strides = array<i32>} : memref<16400xf32, #tpu.memory_space<vmem>>, vector<16xf32>,
            %get3A_777 = arith.index_cast %sub3A_774 : i32 to index
            %get3A_778 = tpu.vector_load %arg7[%get3A_777] {strides = array<i32>} : memref<16400xf32, #tpu.memory_space<vmem>>, vector<16xf32>,
            %get3A_779 = arith.index_cast %sub3A_774 : i32 to index
            %get3A_780 = tpu.vector_load %arg8[%get3A_779] {strides = array<i32>} : memref<16400xf32, #tpu.memory_space<vmem>>, vector<16xf32>,
            %get3A_781 = arith.index_cast %sub3A_774 : i32 to index
            %get3A_782 = tpu.vector_load %arg9[%get3A_781] {strides = array<i32>} : memref<16400xf32, #tpu.memory_space<vmem>>, vector<16xf32>,
            %add3A_783 = arith.constant 32 : i32
            %add3A_784 = arith.addi %add3A_483, %add3A_783 : i32
            %add3A_785 = arith.constant 1 : i32
            %add3A_786 = arith.addi %add3A_784, %add3A_785 : i32
            %sub3A_787 = arith.constant 1 : i32
            %sub3A_788 = arith.subi %add3A_786, %sub3A_787 : i32
            %get3A_789 = arith.index_cast %sub3A_788 : i32 to index
            %get3A_790 = tpu.vector_load %arg6[%get3A_789] {strides = array<i32>} : memref<16400xf32, #tpu.memory_space<vmem>>, vector<16xf32>,
            %get3A_791 = arith.index_cast %sub3A_788 : i32 to index
            %get3A_792 = tpu.vector_load %arg7[%get3A_791] {strides = array<i32>} : memref<16400xf32, #tpu.memory_space<vmem>>, vector<16xf32>,
            %get3A_793 = arith.index_cast %sub3A_788 : i32 to index
            %get3A_794 = tpu.vector_load %arg8[%get3A_793] {strides = array<i32>} : memref<16400xf32, #tpu.memory_space<vmem>>, vector<16xf32>,
            %get3A_795 = arith.index_cast %sub3A_788 : i32 to index
            %get3A_796 = tpu.vector_load %arg9[%get3A_795] {strides = array<i32>} : memref<16400xf32, #tpu.memory_space<vmem>>, vector<16xf32>,
            %and3A_797 = arith.andi %and3A_449, %and3A_61 : vector<16xi1>
            %broadcast_in_dim3A_798 = arith.constant 0 : i32
            %broadcast_in_dim3A_799 = vector.broadcast %broadcast_in_dim3A_798 : i32 to vector<16xi32>
            %select_n3A_800 = arith.select %and3A_797, %get3A_748, %broadcast_in_dim3A_358 : vector<16xi1>, vector<16xf32>
            tpu.vector_store_idx %arg4[%add3A_740, %broadcast_in_dim3A_799], %select_n3A_800 : memref<650x17xf32, #tpu.memory_space<vmem>>[vector<16xi32>, vector<16xi32>], vector<16xf32>,
            %and3A_801 = arith.andi %and3A_449, %and3A_61 : vector<16xi1>
            %broadcast_in_dim3A_802 = arith.constant 1 : i32
            %broadcast_in_dim3A_803 = vector.broadcast %broadcast_in_dim3A_802 : i32 to vector<16xi32>
            %select_n3A_804 = arith.select %and3A_801, %get3A_750, %broadcast_in_dim3A_358 : vector<16xi1>, vector<16xf32>
            tpu.vector_store_idx %arg4[%add3A_740, %broadcast_in_dim3A_803], %select_n3A_804 : memref<650x17xf32, #tpu.memory_space<vmem>>[vector<16xi32>, vector<16xi32>], vector<16xf32>,
            %and3A_805 = arith.andi %and3A_449, %and3A_68 : vector<16xi1>
            %broadcast_in_dim3A_806 = arith.constant 2 : i32
            %broadcast_in_dim3A_807 = vector.broadcast %broadcast_in_dim3A_806 : i32 to vector<16xi32>
            %select_n3A_808 = arith.select %and3A_805, %get3A_762, %broadcast_in_dim3A_358 : vector<16xi1>, vector<16xf32>
            tpu.vector_store_idx %arg4[%add3A_740, %broadcast_in_dim3A_807], %select_n3A_808 : memref<650x17xf32, #tpu.memory_space<vmem>>[vector<16xi32>, vector<16xi32>], vector<16xf32>,
            %and3A_809 = arith.andi %and3A_449, %and3A_68 : vector<16xi1>
            %broadcast_in_dim3A_810 = arith.constant 3 : i32
            %broadcast_in_dim3A_811 = vector.broadcast %broadcast_in_dim3A_810 : i32 to vector<16xi32>
            %select_n3A_812 = arith.select %and3A_809, %get3A_764, %broadcast_in_dim3A_358 : vector<16xi1>, vector<16xf32>
            tpu.vector_store_idx %arg4[%add3A_740, %broadcast_in_dim3A_811], %select_n3A_812 : memref<650x17xf32, #tpu.memory_space<vmem>>[vector<16xi32>, vector<16xi32>], vector<16xf32>,
            %and3A_813 = arith.andi %and3A_474, %and3A_61 : vector<16xi1>
            %broadcast_in_dim3A_814 = arith.constant 4 : i32
            %broadcast_in_dim3A_815 = vector.broadcast %broadcast_in_dim3A_814 : i32 to vector<16xi32>
            %select_n3A_816 = arith.select %and3A_813, %get3A_776, %broadcast_in_dim3A_358 : vector<16xi1>, vector<16xf32>
            tpu.vector_store_idx %arg4[%add3A_740, %broadcast_in_dim3A_815], %select_n3A_816 : memref<650x17xf32, #tpu.memory_space<vmem>>[vector<16xi32>, vector<16xi32>], vector<16xf32>,
            %and3A_817 = arith.andi %and3A_474, %and3A_61 : vector<16xi1>
            %broadcast_in_dim3A_818 = arith.constant 5 : i32
            %broadcast_in_dim3A_819 = vector.broadcast %broadcast_in_dim3A_818 : i32 to vector<16xi32>
            %select_n3A_820 = arith.select %and3A_817, %get3A_778, %broadcast_in_dim3A_358 : vector<16xi1>, vector<16xf32>
            tpu.vector_store_idx %arg4[%add3A_740, %broadcast_in_dim3A_819], %select_n3A_820 : memref<650x17xf32, #tpu.memory_space<vmem>>[vector<16xi32>, vector<16xi32>], vector<16xf32>,
            %and3A_821 = arith.andi %and3A_474, %and3A_68 : vector<16xi1>
            %broadcast_in_dim3A_822 = arith.constant 6 : i32
            %broadcast_in_dim3A_823 = vector.broadcast %broadcast_in_dim3A_822 : i32 to vector<16xi32>
            %select_n3A_824 = arith.select %and3A_821, %get3A_790, %broadcast_in_dim3A_358 : vector<16xi1>, vector<16xf32>
            tpu.vector_store_idx %arg4[%add3A_740, %broadcast_in_dim3A_823], %select_n3A_824 : memref<650x17xf32, #tpu.memory_space<vmem>>[vector<16xi32>, vector<16xi32>], vector<16xf32>,
            %and3A_825 = arith.andi %and3A_474, %and3A_68 : vector<16xi1>
            %broadcast_in_dim3A_826 = arith.constant 7 : i32
            %broadcast_in_dim3A_827 = vector.broadcast %broadcast_in_dim3A_826 : i32 to vector<16xi32>
            %select_n3A_828 = arith.select %and3A_825, %get3A_792, %broadcast_in_dim3A_358 : vector<16xi1>, vector<16xf32>
            tpu.vector_store_idx %arg4[%add3A_740, %broadcast_in_dim3A_827], %select_n3A_828 : memref<650x17xf32, #tpu.memory_space<vmem>>[vector<16xi32>, vector<16xi32>], vector<16xf32>,
            %and3A_829 = arith.andi %and3A_450, %and3A_61 : vector<16xi1>
            %broadcast_in_dim3A_830 = arith.constant 8 : i32
            %broadcast_in_dim3A_831 = vector.broadcast %broadcast_in_dim3A_830 : i32 to vector<16xi32>
            %select_n3A_832 = arith.select %and3A_829, %get3A_752, %broadcast_in_dim3A_358 : vector<16xi1>, vector<16xf32>
            tpu.vector_store_idx %arg4[%add3A_740, %broadcast_in_dim3A_831], %select_n3A_832 : memref<650x17xf32, #tpu.memory_space<vmem>>[vector<16xi32>, vector<16xi32>], vector<16xf32>,
            %and3A_833 = arith.andi %and3A_450, %and3A_61 : vector<16xi1>
            %broadcast_in_dim3A_834 = arith.constant 9 : i32
            %broadcast_in_dim3A_835 = vector.broadcast %broadcast_in_dim3A_834 : i32 to vector<16xi32>
            %select_n3A_836 = arith.select %and3A_833, %get3A_754, %broadcast_in_dim3A_358 : vector<16xi1>, vector<16xf32>
            tpu.vector_store_idx %arg4[%add3A_740, %broadcast_in_dim3A_835], %select_n3A_836 : memref<650x17xf32, #tpu.memory_space<vmem>>[vector<16xi32>, vector<16xi32>], vector<16xf32>,
            %and3A_837 = arith.andi %and3A_450, %and3A_68 : vector<16xi1>
            %broadcast_in_dim3A_838 = arith.constant 10 : i32
            %broadcast_in_dim3A_839 = vector.broadcast %broadcast_in_dim3A_838 : i32 to vector<16xi32>
            %select_n3A_840 = arith.select %and3A_837, %get3A_766, %broadcast_in_dim3A_358 : vector<16xi1>, vector<16xf32>
            tpu.vector_store_idx %arg4[%add3A_740, %broadcast_in_dim3A_839], %select_n3A_840 : memref<650x17xf32, #tpu.memory_space<vmem>>[vector<16xi32>, vector<16xi32>], vector<16xf32>,
            %and3A_841 = arith.andi %and3A_450, %and3A_68 : vector<16xi1>
            %broadcast_in_dim3A_842 = arith.constant 11 : i32
            %broadcast_in_dim3A_843 = vector.broadcast %broadcast_in_dim3A_842 : i32 to vector<16xi32>
            %select_n3A_844 = arith.select %and3A_841, %get3A_768, %broadcast_in_dim3A_358 : vector<16xi1>, vector<16xf32>
            tpu.vector_store_idx %arg4[%add3A_740, %broadcast_in_dim3A_843], %select_n3A_844 : memref<650x17xf32, #tpu.memory_space<vmem>>[vector<16xi32>, vector<16xi32>], vector<16xf32>,
            %and3A_845 = arith.andi %and3A_475, %and3A_61 : vector<16xi1>
            %broadcast_in_dim3A_846 = arith.constant 12 : i32
            %broadcast_in_dim3A_847 = vector.broadcast %broadcast_in_dim3A_846 : i32 to vector<16xi32>
            %select_n3A_848 = arith.select %and3A_845, %get3A_780, %broadcast_in_dim3A_358 : vector<16xi1>, vector<16xf32>
            tpu.vector_store_idx %arg4[%add3A_740, %broadcast_in_dim3A_847], %select_n3A_848 : memref<650x17xf32, #tpu.memory_space<vmem>>[vector<16xi32>, vector<16xi32>], vector<16xf32>,
            %and3A_849 = arith.andi %and3A_475, %and3A_61 : vector<16xi1>
            %broadcast_in_dim3A_850 = arith.constant 13 : i32
            %broadcast_in_dim3A_851 = vector.broadcast %broadcast_in_dim3A_850 : i32 to vector<16xi32>
            %select_n3A_852 = arith.select %and3A_849, %get3A_782, %broadcast_in_dim3A_358 : vector<16xi1>, vector<16xf32>
            tpu.vector_store_idx %arg4[%add3A_740, %broadcast_in_dim3A_851], %select_n3A_852 : memref<650x17xf32, #tpu.memory_space<vmem>>[vector<16xi32>, vector<16xi32>], vector<16xf32>,
            %and3A_853 = arith.andi %and3A_475, %and3A_68 : vector<16xi1>
            %broadcast_in_dim3A_854 = arith.constant 14 : i32
            %broadcast_in_dim3A_855 = vector.broadcast %broadcast_in_dim3A_854 : i32 to vector<16xi32>
            %select_n3A_856 = arith.select %and3A_853, %get3A_794, %broadcast_in_dim3A_358 : vector<16xi1>, vector<16xf32>
            tpu.vector_store_idx %arg4[%add3A_740, %broadcast_in_dim3A_855], %select_n3A_856 : memref<650x17xf32, #tpu.memory_space<vmem>>[vector<16xi32>, vector<16xi32>], vector<16xf32>,
            %and3A_857 = arith.andi %and3A_475, %and3A_68 : vector<16xi1>
            %broadcast_in_dim3A_858 = arith.constant 15 : i32
            %broadcast_in_dim3A_859 = vector.broadcast %broadcast_in_dim3A_858 : i32 to vector<16xi32>
            %select_n3A_860 = arith.select %and3A_857, %get3A_796, %broadcast_in_dim3A_358 : vector<16xi1>, vector<16xf32>
            tpu.vector_store_idx %arg4[%add3A_740, %broadcast_in_dim3A_859], %select_n3A_860 : memref<650x17xf32, #tpu.memory_space<vmem>>[vector<16xi32>, vector<16xi32>], vector<16xf32>,
            %mul3A_861 = arith.constant 130 : i32
            %mul3A_862 = arith.muli %scan3A_430, %mul3A_861 : i32
            %add3A_863 = arith.constant 48 : i32
            %add3A_864 = arith.addi %mul3A_862, %add3A_863 : i32
            %add3A_865 = vector.broadcast %add3A_864 : i32 to vector<16xi32>
            %add3A_866 = arith.addi %add3A_865, %iota3A : vector<16xi32>
            %add3A_867 = arith.constant 48 : i32
            %add3A_868 = arith.addi %add3A_458, %add3A_867 : i32
            %add3A_869 = arith.constant 0 : i32
            %add3A_870 = arith.addi %add3A_868, %add3A_869 : i32
            %sub3A_871 = arith.constant 1 : i32
            %sub3A_872 = arith.subi %add3A_870, %sub3A_871 : i32
            %get3A_873 = arith.index_cast %sub3A_872 : i32 to index
            %get3A_874 = tpu.vector_load %arg6[%get3A_873] {strides = array<i32>} : memref<16400xf32, #tpu.memory_space<vmem>>, vector<16xf32>,
            %get3A_875 = arith.index_cast %sub3A_872 : i32 to index
            %get3A_876 = tpu.vector_load %arg7[%get3A_875] {strides = array<i32>} : memref<16400xf32, #tpu.memory_space<vmem>>, vector<16xf32>,
            %get3A_877 = arith.index_cast %sub3A_872 : i32 to index
            %get3A_878 = tpu.vector_load %arg8[%get3A_877] {strides = array<i32>} : memref<16400xf32, #tpu.memory_space<vmem>>, vector<16xf32>,
            %get3A_879 = arith.index_cast %sub3A_872 : i32 to index
            %get3A_880 = tpu.vector_load %arg9[%get3A_879] {strides = array<i32>} : memref<16400xf32, #tpu.memory_space<vmem>>, vector<16xf32>,
            %add3A_881 = arith.constant 48 : i32
            %add3A_882 = arith.addi %add3A_458, %add3A_881 : i32
            %add3A_883 = arith.constant 1 : i32
            %add3A_884 = arith.addi %add3A_882, %add3A_883 : i32
            %sub3A_885 = arith.constant 1 : i32
            %sub3A_886 = arith.subi %add3A_884, %sub3A_885 : i32
            %get3A_887 = arith.index_cast %sub3A_886 : i32 to index
            %get3A_888 = tpu.vector_load %arg6[%get3A_887] {strides = array<i32>} : memref<16400xf32, #tpu.memory_space<vmem>>, vector<16xf32>,
            %get3A_889 = arith.index_cast %sub3A_886 : i32 to index
            %get3A_890 = tpu.vector_load %arg7[%get3A_889] {strides = array<i32>} : memref<16400xf32, #tpu.memory_space<vmem>>, vector<16xf32>,
            %get3A_891 = arith.index_cast %sub3A_886 : i32 to index
            %get3A_892 = tpu.vector_load %arg8[%get3A_891] {strides = array<i32>} : memref<16400xf32, #tpu.memory_space<vmem>>, vector<16xf32>,
            %get3A_893 = arith.index_cast %sub3A_886 : i32 to index
            %get3A_894 = tpu.vector_load %arg9[%get3A_893] {strides = array<i32>} : memref<16400xf32, #tpu.memory_space<vmem>>, vector<16xf32>,
            %add3A_895 = arith.constant 48 : i32
            %add3A_896 = arith.addi %add3A_483, %add3A_895 : i32
            %add3A_897 = arith.constant 0 : i32
            %add3A_898 = arith.addi %add3A_896, %add3A_897 : i32
            %sub3A_899 = arith.constant 1 : i32
            %sub3A_900 = arith.subi %add3A_898, %sub3A_899 : i32
            %get3A_901 = arith.index_cast %sub3A_900 : i32 to index
            %get3A_902 = tpu.vector_load %arg6[%get3A_901] {strides = array<i32>} : memref<16400xf32, #tpu.memory_space<vmem>>, vector<16xf32>,
            %get3A_903 = arith.index_cast %sub3A_900 : i32 to index
            %get3A_904 = tpu.vector_load %arg7[%get3A_903] {strides = array<i32>} : memref<16400xf32, #tpu.memory_space<vmem>>, vector<16xf32>,
            %get3A_905 = arith.index_cast %sub3A_900 : i32 to index
            %get3A_906 = tpu.vector_load %arg8[%get3A_905] {strides = array<i32>} : memref<16400xf32, #tpu.memory_space<vmem>>, vector<16xf32>,
            %get3A_907 = arith.index_cast %sub3A_900 : i32 to index
            %get3A_908 = tpu.vector_load %arg9[%get3A_907] {strides = array<i32>} : memref<16400xf32, #tpu.memory_space<vmem>>, vector<16xf32>,
            %add3A_909 = arith.constant 48 : i32
            %add3A_910 = arith.addi %add3A_483, %add3A_909 : i32
            %add3A_911 = arith.constant 1 : i32
            %add3A_912 = arith.addi %add3A_910, %add3A_911 : i32
            %sub3A_913 = arith.constant 1 : i32
            %sub3A_914 = arith.subi %add3A_912, %sub3A_913 : i32
            %get3A_915 = arith.index_cast %sub3A_914 : i32 to index
            %get3A_916 = tpu.vector_load %arg6[%get3A_915] {strides = array<i32>} : memref<16400xf32, #tpu.memory_space<vmem>>, vector<16xf32>,
            %get3A_917 = arith.index_cast %sub3A_914 : i32 to index
            %get3A_918 = tpu.vector_load %arg7[%get3A_917] {strides = array<i32>} : memref<16400xf32, #tpu.memory_space<vmem>>, vector<16xf32>,
            %get3A_919 = arith.index_cast %sub3A_914 : i32 to index
            %get3A_920 = tpu.vector_load %arg8[%get3A_919] {strides = array<i32>} : memref<16400xf32, #tpu.memory_space<vmem>>, vector<16xf32>,
            %get3A_921 = arith.index_cast %sub3A_914 : i32 to index
            %get3A_922 = tpu.vector_load %arg9[%get3A_921] {strides = array<i32>} : memref<16400xf32, #tpu.memory_space<vmem>>, vector<16xf32>,
            %and3A_923 = arith.andi %and3A_449, %and3A_84 : vector<16xi1>
            %broadcast_in_dim3A_924 = arith.constant 0 : i32
            %broadcast_in_dim3A_925 = vector.broadcast %broadcast_in_dim3A_924 : i32 to vector<16xi32>
            %select_n3A_926 = arith.select %and3A_923, %get3A_874, %broadcast_in_dim3A_358 : vector<16xi1>, vector<16xf32>
            tpu.vector_store_idx %arg4[%add3A_866, %broadcast_in_dim3A_925], %select_n3A_926 : memref<650x17xf32, #tpu.memory_space<vmem>>[vector<16xi32>, vector<16xi32>], vector<16xf32>,
            %and3A_927 = arith.andi %and3A_449, %and3A_84 : vector<16xi1>
            %broadcast_in_dim3A_928 = arith.constant 1 : i32
            %broadcast_in_dim3A_929 = vector.broadcast %broadcast_in_dim3A_928 : i32 to vector<16xi32>
            %select_n3A_930 = arith.select %and3A_927, %get3A_876, %broadcast_in_dim3A_358 : vector<16xi1>, vector<16xf32>
            tpu.vector_store_idx %arg4[%add3A_866, %broadcast_in_dim3A_929], %select_n3A_930 : memref<650x17xf32, #tpu.memory_space<vmem>>[vector<16xi32>, vector<16xi32>], vector<16xf32>,
            %and3A_931 = arith.andi %and3A_449, %and3A_91 : vector<16xi1>
            %broadcast_in_dim3A_932 = arith.constant 2 : i32
            %broadcast_in_dim3A_933 = vector.broadcast %broadcast_in_dim3A_932 : i32 to vector<16xi32>
            %select_n3A_934 = arith.select %and3A_931, %get3A_888, %broadcast_in_dim3A_358 : vector<16xi1>, vector<16xf32>
            tpu.vector_store_idx %arg4[%add3A_866, %broadcast_in_dim3A_933], %select_n3A_934 : memref<650x17xf32, #tpu.memory_space<vmem>>[vector<16xi32>, vector<16xi32>], vector<16xf32>,
            %and3A_935 = arith.andi %and3A_449, %and3A_91 : vector<16xi1>
            %broadcast_in_dim3A_936 = arith.constant 3 : i32
            %broadcast_in_dim3A_937 = vector.broadcast %broadcast_in_dim3A_936 : i32 to vector<16xi32>
            %select_n3A_938 = arith.select %and3A_935, %get3A_890, %broadcast_in_dim3A_358 : vector<16xi1>, vector<16xf32>
            tpu.vector_store_idx %arg4[%add3A_866, %broadcast_in_dim3A_937], %select_n3A_938 : memref<650x17xf32, #tpu.memory_space<vmem>>[vector<16xi32>, vector<16xi32>], vector<16xf32>,
            %and3A_939 = arith.andi %and3A_474, %and3A_84 : vector<16xi1>
            %broadcast_in_dim3A_940 = arith.constant 4 : i32
            %broadcast_in_dim3A_941 = vector.broadcast %broadcast_in_dim3A_940 : i32 to vector<16xi32>
            %select_n3A_942 = arith.select %and3A_939, %get3A_902, %broadcast_in_dim3A_358 : vector<16xi1>, vector<16xf32>
            tpu.vector_store_idx %arg4[%add3A_866, %broadcast_in_dim3A_941], %select_n3A_942 : memref<650x17xf32, #tpu.memory_space<vmem>>[vector<16xi32>, vector<16xi32>], vector<16xf32>,
            %and3A_943 = arith.andi %and3A_474, %and3A_84 : vector<16xi1>
            %broadcast_in_dim3A_944 = arith.constant 5 : i32
            %broadcast_in_dim3A_945 = vector.broadcast %broadcast_in_dim3A_944 : i32 to vector<16xi32>
            %select_n3A_946 = arith.select %and3A_943, %get3A_904, %broadcast_in_dim3A_358 : vector<16xi1>, vector<16xf32>
            tpu.vector_store_idx %arg4[%add3A_866, %broadcast_in_dim3A_945], %select_n3A_946 : memref<650x17xf32, #tpu.memory_space<vmem>>[vector<16xi32>, vector<16xi32>], vector<16xf32>,
            %and3A_947 = arith.andi %and3A_474, %and3A_91 : vector<16xi1>
            %broadcast_in_dim3A_948 = arith.constant 6 : i32
            %broadcast_in_dim3A_949 = vector.broadcast %broadcast_in_dim3A_948 : i32 to vector<16xi32>
            %select_n3A_950 = arith.select %and3A_947, %get3A_916, %broadcast_in_dim3A_358 : vector<16xi1>, vector<16xf32>
            tpu.vector_store_idx %arg4[%add3A_866, %broadcast_in_dim3A_949], %select_n3A_950 : memref<650x17xf32, #tpu.memory_space<vmem>>[vector<16xi32>, vector<16xi32>], vector<16xf32>,
            %and3A_951 = arith.andi %and3A_474, %and3A_91 : vector<16xi1>
            %broadcast_in_dim3A_952 = arith.constant 7 : i32
            %broadcast_in_dim3A_953 = vector.broadcast %broadcast_in_dim3A_952 : i32 to vector<16xi32>
            %select_n3A_954 = arith.select %and3A_951, %get3A_918, %broadcast_in_dim3A_358 : vector<16xi1>, vector<16xf32>
            tpu.vector_store_idx %arg4[%add3A_866, %broadcast_in_dim3A_953], %select_n3A_954 : memref<650x17xf32, #tpu.memory_space<vmem>>[vector<16xi32>, vector<16xi32>], vector<16xf32>,
            %and3A_955 = arith.andi %and3A_450, %and3A_84 : vector<16xi1>
            %broadcast_in_dim3A_956 = arith.constant 8 : i32
            %broadcast_in_dim3A_957 = vector.broadcast %broadcast_in_dim3A_956 : i32 to vector<16xi32>
            %select_n3A_958 = arith.select %and3A_955, %get3A_878, %broadcast_in_dim3A_358 : vector<16xi1>, vector<16xf32>
            tpu.vector_store_idx %arg4[%add3A_866, %broadcast_in_dim3A_957], %select_n3A_958 : memref<650x17xf32, #tpu.memory_space<vmem>>[vector<16xi32>, vector<16xi32>], vector<16xf32>,
            %and3A_959 = arith.andi %and3A_450, %and3A_84 : vector<16xi1>
            %broadcast_in_dim3A_960 = arith.constant 9 : i32
            %broadcast_in_dim3A_961 = vector.broadcast %broadcast_in_dim3A_960 : i32 to vector<16xi32>
            %select_n3A_962 = arith.select %and3A_959, %get3A_880, %broadcast_in_dim3A_358 : vector<16xi1>, vector<16xf32>
            tpu.vector_store_idx %arg4[%add3A_866, %broadcast_in_dim3A_961], %select_n3A_962 : memref<650x17xf32, #tpu.memory_space<vmem>>[vector<16xi32>, vector<16xi32>], vector<16xf32>,
            %and3A_963 = arith.andi %and3A_450, %and3A_91 : vector<16xi1>
            %broadcast_in_dim3A_964 = arith.constant 10 : i32
            %broadcast_in_dim3A_965 = vector.broadcast %broadcast_in_dim3A_964 : i32 to vector<16xi32>
            %select_n3A_966 = arith.select %and3A_963, %get3A_892, %broadcast_in_dim3A_358 : vector<16xi1>, vector<16xf32>
            tpu.vector_store_idx %arg4[%add3A_866, %broadcast_in_dim3A_965], %select_n3A_966 : memref<650x17xf32, #tpu.memory_space<vmem>>[vector<16xi32>, vector<16xi32>], vector<16xf32>,
            %and3A_967 = arith.andi %and3A_450, %and3A_91 : vector<16xi1>
            %broadcast_in_dim3A_968 = arith.constant 11 : i32
            %broadcast_in_dim3A_969 = vector.broadcast %broadcast_in_dim3A_968 : i32 to vector<16xi32>
            %select_n3A_970 = arith.select %and3A_967, %get3A_894, %broadcast_in_dim3A_358 : vector<16xi1>, vector<16xf32>
            tpu.vector_store_idx %arg4[%add3A_866, %broadcast_in_dim3A_969], %select_n3A_970 : memref<650x17xf32, #tpu.memory_space<vmem>>[vector<16xi32>, vector<16xi32>], vector<16xf32>,
            %and3A_971 = arith.andi %and3A_475, %and3A_84 : vector<16xi1>
            %broadcast_in_dim3A_972 = arith.constant 12 : i32
            %broadcast_in_dim3A_973 = vector.broadcast %broadcast_in_dim3A_972 : i32 to vector<16xi32>
            %select_n3A_974 = arith.select %and3A_971, %get3A_906, %broadcast_in_dim3A_358 : vector<16xi1>, vector<16xf32>
            tpu.vector_store_idx %arg4[%add3A_866, %broadcast_in_dim3A_973], %select_n3A_974 : memref<650x17xf32, #tpu.memory_space<vmem>>[vector<16xi32>, vector<16xi32>], vector<16xf32>,
            %and3A_975 = arith.andi %and3A_475, %and3A_84 : vector<16xi1>
            %broadcast_in_dim3A_976 = arith.constant 13 : i32
            %broadcast_in_dim3A_977 = vector.broadcast %broadcast_in_dim3A_976 : i32 to vector<16xi32>
            %select_n3A_978 = arith.select %and3A_975, %get3A_908, %broadcast_in_dim3A_358 : vector<16xi1>, vector<16xf32>
            tpu.vector_store_idx %arg4[%add3A_866, %broadcast_in_dim3A_977], %select_n3A_978 : memref<650x17xf32, #tpu.memory_space<vmem>>[vector<16xi32>, vector<16xi32>], vector<16xf32>,
            %and3A_979 = arith.andi %and3A_475, %and3A_91 : vector<16xi1>
            %broadcast_in_dim3A_980 = arith.constant 14 : i32
            %broadcast_in_dim3A_981 = vector.broadcast %broadcast_in_dim3A_980 : i32 to vector<16xi32>
            %select_n3A_982 = arith.select %and3A_979, %get3A_920, %broadcast_in_dim3A_358 : vector<16xi1>, vector<16xf32>
            tpu.vector_store_idx %arg4[%add3A_866, %broadcast_in_dim3A_981], %select_n3A_982 : memref<650x17xf32, #tpu.memory_space<vmem>>[vector<16xi32>, vector<16xi32>], vector<16xf32>,
            %and3A_983 = arith.andi %and3A_475, %and3A_91 : vector<16xi1>
            %broadcast_in_dim3A_984 = arith.constant 15 : i32
            %broadcast_in_dim3A_985 = vector.broadcast %broadcast_in_dim3A_984 : i32 to vector<16xi32>
            %select_n3A_986 = arith.select %and3A_983, %get3A_922, %broadcast_in_dim3A_358 : vector<16xi1>, vector<16xf32>
            tpu.vector_store_idx %arg4[%add3A_866, %broadcast_in_dim3A_985], %select_n3A_986 : memref<650x17xf32, #tpu.memory_space<vmem>>[vector<16xi32>, vector<16xi32>], vector<16xf32>,
            %mul3A_987 = arith.constant 130 : i32
            %mul3A_988 = arith.muli %scan3A_430, %mul3A_987 : i32
            %add3A_989 = arith.constant 64 : i32
            %add3A_990 = arith.addi %mul3A_988, %add3A_989 : i32
            %add3A_991 = vector.broadcast %add3A_990 : i32 to vector<16xi32>
            %add3A_992 = arith.addi %add3A_991, %iota3A : vector<16xi32>
            %add3A_993 = arith.constant 64 : i32
            %add3A_994 = arith.addi %add3A_458, %add3A_993 : i32
            %add3A_995 = arith.constant 0 : i32
            %add3A_996 = arith.addi %add3A_994, %add3A_995 : i32
            %sub3A_997 = arith.constant 1 : i32
            %sub3A_998 = arith.subi %add3A_996, %sub3A_997 : i32
            %get3A_999 = arith.index_cast %sub3A_998 : i32 to index
            %get3A_1000 = tpu.vector_load %arg6[%get3A_999] {strides = array<i32>} : memref<16400xf32, #tpu.memory_space<vmem>>, vector<16xf32>,
            %get3A_1001 = arith.index_cast %sub3A_998 : i32 to index
            %get3A_1002 = tpu.vector_load %arg7[%get3A_1001] {strides = array<i32>} : memref<16400xf32, #tpu.memory_space<vmem>>, vector<16xf32>,
            %get3A_1003 = arith.index_cast %sub3A_998 : i32 to index
            %get3A_1004 = tpu.vector_load %arg8[%get3A_1003] {strides = array<i32>} : memref<16400xf32, #tpu.memory_space<vmem>>, vector<16xf32>,
            %get3A_1005 = arith.index_cast %sub3A_998 : i32 to index
            %get3A_1006 = tpu.vector_load %arg9[%get3A_1005] {strides = array<i32>} : memref<16400xf32, #tpu.memory_space<vmem>>, vector<16xf32>,
            %add3A_1007 = arith.constant 64 : i32
            %add3A_1008 = arith.addi %add3A_458, %add3A_1007 : i32
            %add3A_1009 = arith.constant 1 : i32
            %add3A_1010 = arith.addi %add3A_1008, %add3A_1009 : i32
            %sub3A_1011 = arith.constant 1 : i32
            %sub3A_1012 = arith.subi %add3A_1010, %sub3A_1011 : i32
            %get3A_1013 = arith.index_cast %sub3A_1012 : i32 to index
            %get3A_1014 = tpu.vector_load %arg6[%get3A_1013] {strides = array<i32>} : memref<16400xf32, #tpu.memory_space<vmem>>, vector<16xf32>,
            %get3A_1015 = arith.index_cast %sub3A_1012 : i32 to index
            %get3A_1016 = tpu.vector_load %arg7[%get3A_1015] {strides = array<i32>} : memref<16400xf32, #tpu.memory_space<vmem>>, vector<16xf32>,
            %get3A_1017 = arith.index_cast %sub3A_1012 : i32 to index
            %get3A_1018 = tpu.vector_load %arg8[%get3A_1017] {strides = array<i32>} : memref<16400xf32, #tpu.memory_space<vmem>>, vector<16xf32>,
            %get3A_1019 = arith.index_cast %sub3A_1012 : i32 to index
            %get3A_1020 = tpu.vector_load %arg9[%get3A_1019] {strides = array<i32>} : memref<16400xf32, #tpu.memory_space<vmem>>, vector<16xf32>,
            %add3A_1021 = arith.constant 64 : i32
            %add3A_1022 = arith.addi %add3A_483, %add3A_1021 : i32
            %add3A_1023 = arith.constant 0 : i32
            %add3A_1024 = arith.addi %add3A_1022, %add3A_1023 : i32
            %sub3A_1025 = arith.constant 1 : i32
            %sub3A_1026 = arith.subi %add3A_1024, %sub3A_1025 : i32
            %get3A_1027 = arith.index_cast %sub3A_1026 : i32 to index
            %get3A_1028 = tpu.vector_load %arg6[%get3A_1027] {strides = array<i32>} : memref<16400xf32, #tpu.memory_space<vmem>>, vector<16xf32>,
            %get3A_1029 = arith.index_cast %sub3A_1026 : i32 to index
            %get3A_1030 = tpu.vector_load %arg7[%get3A_1029] {strides = array<i32>} : memref<16400xf32, #tpu.memory_space<vmem>>, vector<16xf32>,
            %get3A_1031 = arith.index_cast %sub3A_1026 : i32 to index
            %get3A_1032 = tpu.vector_load %arg8[%get3A_1031] {strides = array<i32>} : memref<16400xf32, #tpu.memory_space<vmem>>, vector<16xf32>,
            %get3A_1033 = arith.index_cast %sub3A_1026 : i32 to index
            %get3A_1034 = tpu.vector_load %arg9[%get3A_1033] {strides = array<i32>} : memref<16400xf32, #tpu.memory_space<vmem>>, vector<16xf32>,
            %add3A_1035 = arith.constant 64 : i32
            %add3A_1036 = arith.addi %add3A_483, %add3A_1035 : i32
            %add3A_1037 = arith.constant 1 : i32
            %add3A_1038 = arith.addi %add3A_1036, %add3A_1037 : i32
            %sub3A_1039 = arith.constant 1 : i32
            %sub3A_1040 = arith.subi %add3A_1038, %sub3A_1039 : i32
            %get3A_1041 = arith.index_cast %sub3A_1040 : i32 to index
            %get3A_1042 = tpu.vector_load %arg6[%get3A_1041] {strides = array<i32>} : memref<16400xf32, #tpu.memory_space<vmem>>, vector<16xf32>,
            %get3A_1043 = arith.index_cast %sub3A_1040 : i32 to index
            %get3A_1044 = tpu.vector_load %arg7[%get3A_1043] {strides = array<i32>} : memref<16400xf32, #tpu.memory_space<vmem>>, vector<16xf32>,
            %get3A_1045 = arith.index_cast %sub3A_1040 : i32 to index
            %get3A_1046 = tpu.vector_load %arg8[%get3A_1045] {strides = array<i32>} : memref<16400xf32, #tpu.memory_space<vmem>>, vector<16xf32>,
            %get3A_1047 = arith.index_cast %sub3A_1040 : i32 to index
            %get3A_1048 = tpu.vector_load %arg9[%get3A_1047] {strides = array<i32>} : memref<16400xf32, #tpu.memory_space<vmem>>, vector<16xf32>,
            %and3A_1049 = arith.andi %and3A_449, %and3A_107 : vector<16xi1>
            %broadcast_in_dim3A_1050 = arith.constant 0 : i32
            %broadcast_in_dim3A_1051 = vector.broadcast %broadcast_in_dim3A_1050 : i32 to vector<16xi32>
            %select_n3A_1052 = arith.select %and3A_1049, %get3A_1000, %broadcast_in_dim3A_358 : vector<16xi1>, vector<16xf32>
            tpu.vector_store_idx %arg4[%add3A_992, %broadcast_in_dim3A_1051], %select_n3A_1052 : memref<650x17xf32, #tpu.memory_space<vmem>>[vector<16xi32>, vector<16xi32>], vector<16xf32>,
            %and3A_1053 = arith.andi %and3A_449, %and3A_107 : vector<16xi1>
            %broadcast_in_dim3A_1054 = arith.constant 1 : i32
            %broadcast_in_dim3A_1055 = vector.broadcast %broadcast_in_dim3A_1054 : i32 to vector<16xi32>
            %select_n3A_1056 = arith.select %and3A_1053, %get3A_1002, %broadcast_in_dim3A_358 : vector<16xi1>, vector<16xf32>
            tpu.vector_store_idx %arg4[%add3A_992, %broadcast_in_dim3A_1055], %select_n3A_1056 : memref<650x17xf32, #tpu.memory_space<vmem>>[vector<16xi32>, vector<16xi32>], vector<16xf32>,
            %and3A_1057 = arith.andi %and3A_449, %and3A_114 : vector<16xi1>
            %broadcast_in_dim3A_1058 = arith.constant 2 : i32
            %broadcast_in_dim3A_1059 = vector.broadcast %broadcast_in_dim3A_1058 : i32 to vector<16xi32>
            %select_n3A_1060 = arith.select %and3A_1057, %get3A_1014, %broadcast_in_dim3A_358 : vector<16xi1>, vector<16xf32>
            tpu.vector_store_idx %arg4[%add3A_992, %broadcast_in_dim3A_1059], %select_n3A_1060 : memref<650x17xf32, #tpu.memory_space<vmem>>[vector<16xi32>, vector<16xi32>], vector<16xf32>,
            %and3A_1061 = arith.andi %and3A_449, %and3A_114 : vector<16xi1>
            %broadcast_in_dim3A_1062 = arith.constant 3 : i32
            %broadcast_in_dim3A_1063 = vector.broadcast %broadcast_in_dim3A_1062 : i32 to vector<16xi32>
            %select_n3A_1064 = arith.select %and3A_1061, %get3A_1016, %broadcast_in_dim3A_358 : vector<16xi1>, vector<16xf32>
            tpu.vector_store_idx %arg4[%add3A_992, %broadcast_in_dim3A_1063], %select_n3A_1064 : memref<650x17xf32, #tpu.memory_space<vmem>>[vector<16xi32>, vector<16xi32>], vector<16xf32>,
            %and3A_1065 = arith.andi %and3A_474, %and3A_107 : vector<16xi1>
            %broadcast_in_dim3A_1066 = arith.constant 4 : i32
            %broadcast_in_dim3A_1067 = vector.broadcast %broadcast_in_dim3A_1066 : i32 to vector<16xi32>
            %select_n3A_1068 = arith.select %and3A_1065, %get3A_1028, %broadcast_in_dim3A_358 : vector<16xi1>, vector<16xf32>
            tpu.vector_store_idx %arg4[%add3A_992, %broadcast_in_dim3A_1067], %select_n3A_1068 : memref<650x17xf32, #tpu.memory_space<vmem>>[vector<16xi32>, vector<16xi32>], vector<16xf32>,
            %and3A_1069 = arith.andi %and3A_474, %and3A_107 : vector<16xi1>
            %broadcast_in_dim3A_1070 = arith.constant 5 : i32
            %broadcast_in_dim3A_1071 = vector.broadcast %broadcast_in_dim3A_1070 : i32 to vector<16xi32>
            %select_n3A_1072 = arith.select %and3A_1069, %get3A_1030, %broadcast_in_dim3A_358 : vector<16xi1>, vector<16xf32>
            tpu.vector_store_idx %arg4[%add3A_992, %broadcast_in_dim3A_1071], %select_n3A_1072 : memref<650x17xf32, #tpu.memory_space<vmem>>[vector<16xi32>, vector<16xi32>], vector<16xf32>,
            %and3A_1073 = arith.andi %and3A_474, %and3A_114 : vector<16xi1>
            %broadcast_in_dim3A_1074 = arith.constant 6 : i32
            %broadcast_in_dim3A_1075 = vector.broadcast %broadcast_in_dim3A_1074 : i32 to vector<16xi32>
            %select_n3A_1076 = arith.select %and3A_1073, %get3A_1042, %broadcast_in_dim3A_358 : vector<16xi1>, vector<16xf32>
            tpu.vector_store_idx %arg4[%add3A_992, %broadcast_in_dim3A_1075], %select_n3A_1076 : memref<650x17xf32, #tpu.memory_space<vmem>>[vector<16xi32>, vector<16xi32>], vector<16xf32>,
            %and3A_1077 = arith.andi %and3A_474, %and3A_114 : vector<16xi1>
            %broadcast_in_dim3A_1078 = arith.constant 7 : i32
            %broadcast_in_dim3A_1079 = vector.broadcast %broadcast_in_dim3A_1078 : i32 to vector<16xi32>
            %select_n3A_1080 = arith.select %and3A_1077, %get3A_1044, %broadcast_in_dim3A_358 : vector<16xi1>, vector<16xf32>
            tpu.vector_store_idx %arg4[%add3A_992, %broadcast_in_dim3A_1079], %select_n3A_1080 : memref<650x17xf32, #tpu.memory_space<vmem>>[vector<16xi32>, vector<16xi32>], vector<16xf32>,
            %and3A_1081 = arith.andi %and3A_450, %and3A_107 : vector<16xi1>
            %broadcast_in_dim3A_1082 = arith.constant 8 : i32
            %broadcast_in_dim3A_1083 = vector.broadcast %broadcast_in_dim3A_1082 : i32 to vector<16xi32>
            %select_n3A_1084 = arith.select %and3A_1081, %get3A_1004, %broadcast_in_dim3A_358 : vector<16xi1>, vector<16xf32>
            tpu.vector_store_idx %arg4[%add3A_992, %broadcast_in_dim3A_1083], %select_n3A_1084 : memref<650x17xf32, #tpu.memory_space<vmem>>[vector<16xi32>, vector<16xi32>], vector<16xf32>,
            %and3A_1085 = arith.andi %and3A_450, %and3A_107 : vector<16xi1>
            %broadcast_in_dim3A_1086 = arith.constant 9 : i32
            %broadcast_in_dim3A_1087 = vector.broadcast %broadcast_in_dim3A_1086 : i32 to vector<16xi32>
            %select_n3A_1088 = arith.select %and3A_1085, %get3A_1006, %broadcast_in_dim3A_358 : vector<16xi1>, vector<16xf32>
            tpu.vector_store_idx %arg4[%add3A_992, %broadcast_in_dim3A_1087], %select_n3A_1088 : memref<650x17xf32, #tpu.memory_space<vmem>>[vector<16xi32>, vector<16xi32>], vector<16xf32>,
            %and3A_1089 = arith.andi %and3A_450, %and3A_114 : vector<16xi1>
            %broadcast_in_dim3A_1090 = arith.constant 10 : i32
            %broadcast_in_dim3A_1091 = vector.broadcast %broadcast_in_dim3A_1090 : i32 to vector<16xi32>
            %select_n3A_1092 = arith.select %and3A_1089, %get3A_1018, %broadcast_in_dim3A_358 : vector<16xi1>, vector<16xf32>
            tpu.vector_store_idx %arg4[%add3A_992, %broadcast_in_dim3A_1091], %select_n3A_1092 : memref<650x17xf32, #tpu.memory_space<vmem>>[vector<16xi32>, vector<16xi32>], vector<16xf32>,
            %and3A_1093 = arith.andi %and3A_450, %and3A_114 : vector<16xi1>
            %broadcast_in_dim3A_1094 = arith.constant 11 : i32
            %broadcast_in_dim3A_1095 = vector.broadcast %broadcast_in_dim3A_1094 : i32 to vector<16xi32>
            %select_n3A_1096 = arith.select %and3A_1093, %get3A_1020, %broadcast_in_dim3A_358 : vector<16xi1>, vector<16xf32>
            tpu.vector_store_idx %arg4[%add3A_992, %broadcast_in_dim3A_1095], %select_n3A_1096 : memref<650x17xf32, #tpu.memory_space<vmem>>[vector<16xi32>, vector<16xi32>], vector<16xf32>,
            %and3A_1097 = arith.andi %and3A_475, %and3A_107 : vector<16xi1>
            %broadcast_in_dim3A_1098 = arith.constant 12 : i32
            %broadcast_in_dim3A_1099 = vector.broadcast %broadcast_in_dim3A_1098 : i32 to vector<16xi32>
            %select_n3A_1100 = arith.select %and3A_1097, %get3A_1032, %broadcast_in_dim3A_358 : vector<16xi1>, vector<16xf32>
            tpu.vector_store_idx %arg4[%add3A_992, %broadcast_in_dim3A_1099], %select_n3A_1100 : memref<650x17xf32, #tpu.memory_space<vmem>>[vector<16xi32>, vector<16xi32>], vector<16xf32>,
            %and3A_1101 = arith.andi %and3A_475, %and3A_107 : vector<16xi1>
            %broadcast_in_dim3A_1102 = arith.constant 13 : i32
            %broadcast_in_dim3A_1103 = vector.broadcast %broadcast_in_dim3A_1102 : i32 to vector<16xi32>
            %select_n3A_1104 = arith.select %and3A_1101, %get3A_1034, %broadcast_in_dim3A_358 : vector<16xi1>, vector<16xf32>
            tpu.vector_store_idx %arg4[%add3A_992, %broadcast_in_dim3A_1103], %select_n3A_1104 : memref<650x17xf32, #tpu.memory_space<vmem>>[vector<16xi32>, vector<16xi32>], vector<16xf32>,
            %and3A_1105 = arith.andi %and3A_475, %and3A_114 : vector<16xi1>
            %broadcast_in_dim3A_1106 = arith.constant 14 : i32
            %broadcast_in_dim3A_1107 = vector.broadcast %broadcast_in_dim3A_1106 : i32 to vector<16xi32>
            %select_n3A_1108 = arith.select %and3A_1105, %get3A_1046, %broadcast_in_dim3A_358 : vector<16xi1>, vector<16xf32>
            tpu.vector_store_idx %arg4[%add3A_992, %broadcast_in_dim3A_1107], %select_n3A_1108 : memref<650x17xf32, #tpu.memory_space<vmem>>[vector<16xi32>, vector<16xi32>], vector<16xf32>,
            %and3A_1109 = arith.andi %and3A_475, %and3A_114 : vector<16xi1>
            %broadcast_in_dim3A_1110 = arith.constant 15 : i32
            %broadcast_in_dim3A_1111 = vector.broadcast %broadcast_in_dim3A_1110 : i32 to vector<16xi32>
            %select_n3A_1112 = arith.select %and3A_1109, %get3A_1048, %broadcast_in_dim3A_358 : vector<16xi1>, vector<16xf32>
            tpu.vector_store_idx %arg4[%add3A_992, %broadcast_in_dim3A_1111], %select_n3A_1112 : memref<650x17xf32, #tpu.memory_space<vmem>>[vector<16xi32>, vector<16xi32>], vector<16xf32>,
            %mul3A_1113 = arith.constant 130 : i32
            %mul3A_1114 = arith.muli %scan3A_430, %mul3A_1113 : i32
            %add3A_1115 = arith.constant 80 : i32
            %add3A_1116 = arith.addi %mul3A_1114, %add3A_1115 : i32
            %add3A_1117 = vector.broadcast %add3A_1116 : i32 to vector<16xi32>
            %add3A_1118 = arith.addi %add3A_1117, %iota3A : vector<16xi32>
            %add3A_1119 = arith.constant 80 : i32
            %add3A_1120 = arith.addi %add3A_458, %add3A_1119 : i32
            %add3A_1121 = arith.constant 0 : i32
            %add3A_1122 = arith.addi %add3A_1120, %add3A_1121 : i32
            %sub3A_1123 = arith.constant 1 : i32
            %sub3A_1124 = arith.subi %add3A_1122, %sub3A_1123 : i32
            %get3A_1125 = arith.index_cast %sub3A_1124 : i32 to index
            %get3A_1126 = tpu.vector_load %arg6[%get3A_1125] {strides = array<i32>} : memref<16400xf32, #tpu.memory_space<vmem>>, vector<16xf32>,
            %get3A_1127 = arith.index_cast %sub3A_1124 : i32 to index
            %get3A_1128 = tpu.vector_load %arg7[%get3A_1127] {strides = array<i32>} : memref<16400xf32, #tpu.memory_space<vmem>>, vector<16xf32>,
            %get3A_1129 = arith.index_cast %sub3A_1124 : i32 to index
            %get3A_1130 = tpu.vector_load %arg8[%get3A_1129] {strides = array<i32>} : memref<16400xf32, #tpu.memory_space<vmem>>, vector<16xf32>,
            %get3A_1131 = arith.index_cast %sub3A_1124 : i32 to index
            %get3A_1132 = tpu.vector_load %arg9[%get3A_1131] {strides = array<i32>} : memref<16400xf32, #tpu.memory_space<vmem>>, vector<16xf32>,
            %add3A_1133 = arith.constant 80 : i32
            %add3A_1134 = arith.addi %add3A_458, %add3A_1133 : i32
            %add3A_1135 = arith.constant 1 : i32
            %add3A_1136 = arith.addi %add3A_1134, %add3A_1135 : i32
            %sub3A_1137 = arith.constant 1 : i32
            %sub3A_1138 = arith.subi %add3A_1136, %sub3A_1137 : i32
            %get3A_1139 = arith.index_cast %sub3A_1138 : i32 to index
            %get3A_1140 = tpu.vector_load %arg6[%get3A_1139] {strides = array<i32>} : memref<16400xf32, #tpu.memory_space<vmem>>, vector<16xf32>,
            %get3A_1141 = arith.index_cast %sub3A_1138 : i32 to index
            %get3A_1142 = tpu.vector_load %arg7[%get3A_1141] {strides = array<i32>} : memref<16400xf32, #tpu.memory_space<vmem>>, vector<16xf32>,
            %get3A_1143 = arith.index_cast %sub3A_1138 : i32 to index
            %get3A_1144 = tpu.vector_load %arg8[%get3A_1143] {strides = array<i32>} : memref<16400xf32, #tpu.memory_space<vmem>>, vector<16xf32>,
            %get3A_1145 = arith.index_cast %sub3A_1138 : i32 to index
            %get3A_1146 = tpu.vector_load %arg9[%get3A_1145] {strides = array<i32>} : memref<16400xf32, #tpu.memory_space<vmem>>, vector<16xf32>,
            %add3A_1147 = arith.constant 80 : i32
            %add3A_1148 = arith.addi %add3A_483, %add3A_1147 : i32
            %add3A_1149 = arith.constant 0 : i32
            %add3A_1150 = arith.addi %add3A_1148, %add3A_1149 : i32
            %sub3A_1151 = arith.constant 1 : i32
            %sub3A_1152 = arith.subi %add3A_1150, %sub3A_1151 : i32
            %get3A_1153 = arith.index_cast %sub3A_1152 : i32 to index
            %get3A_1154 = tpu.vector_load %arg6[%get3A_1153] {strides = array<i32>} : memref<16400xf32, #tpu.memory_space<vmem>>, vector<16xf32>,
            %get3A_1155 = arith.index_cast %sub3A_1152 : i32 to index
            %get3A_1156 = tpu.vector_load %arg7[%get3A_1155] {strides = array<i32>} : memref<16400xf32, #tpu.memory_space<vmem>>, vector<16xf32>,
            %get3A_1157 = arith.index_cast %sub3A_1152 : i32 to index
            %get3A_1158 = tpu.vector_load %arg8[%get3A_1157] {strides = array<i32>} : memref<16400xf32, #tpu.memory_space<vmem>>, vector<16xf32>,
            %get3A_1159 = arith.index_cast %sub3A_1152 : i32 to index
            %get3A_1160 = tpu.vector_load %arg9[%get3A_1159] {strides = array<i32>} : memref<16400xf32, #tpu.memory_space<vmem>>, vector<16xf32>,
            %add3A_1161 = arith.constant 80 : i32
            %add3A_1162 = arith.addi %add3A_483, %add3A_1161 : i32
            %add3A_1163 = arith.constant 1 : i32
            %add3A_1164 = arith.addi %add3A_1162, %add3A_1163 : i32
            %sub3A_1165 = arith.constant 1 : i32
            %sub3A_1166 = arith.subi %add3A_1164, %sub3A_1165 : i32
            %get3A_1167 = arith.index_cast %sub3A_1166 : i32 to index
            %get3A_1168 = tpu.vector_load %arg6[%get3A_1167] {strides = array<i32>} : memref<16400xf32, #tpu.memory_space<vmem>>, vector<16xf32>,
            %get3A_1169 = arith.index_cast %sub3A_1166 : i32 to index
            %get3A_1170 = tpu.vector_load %arg7[%get3A_1169] {strides = array<i32>} : memref<16400xf32, #tpu.memory_space<vmem>>, vector<16xf32>,
            %get3A_1171 = arith.index_cast %sub3A_1166 : i32 to index
            %get3A_1172 = tpu.vector_load %arg8[%get3A_1171] {strides = array<i32>} : memref<16400xf32, #tpu.memory_space<vmem>>, vector<16xf32>,
            %get3A_1173 = arith.index_cast %sub3A_1166 : i32 to index
            %get3A_1174 = tpu.vector_load %arg9[%get3A_1173] {strides = array<i32>} : memref<16400xf32, #tpu.memory_space<vmem>>, vector<16xf32>,
            %and3A_1175 = arith.andi %and3A_449, %and3A_130 : vector<16xi1>
            %broadcast_in_dim3A_1176 = arith.constant 0 : i32
            %broadcast_in_dim3A_1177 = vector.broadcast %broadcast_in_dim3A_1176 : i32 to vector<16xi32>
            %select_n3A_1178 = arith.select %and3A_1175, %get3A_1126, %broadcast_in_dim3A_358 : vector<16xi1>, vector<16xf32>
            tpu.vector_store_idx %arg4[%add3A_1118, %broadcast_in_dim3A_1177], %select_n3A_1178 : memref<650x17xf32, #tpu.memory_space<vmem>>[vector<16xi32>, vector<16xi32>], vector<16xf32>,
            %and3A_1179 = arith.andi %and3A_449, %and3A_130 : vector<16xi1>
            %broadcast_in_dim3A_1180 = arith.constant 1 : i32
            %broadcast_in_dim3A_1181 = vector.broadcast %broadcast_in_dim3A_1180 : i32 to vector<16xi32>
            %select_n3A_1182 = arith.select %and3A_1179, %get3A_1128, %broadcast_in_dim3A_358 : vector<16xi1>, vector<16xf32>
            tpu.vector_store_idx %arg4[%add3A_1118, %broadcast_in_dim3A_1181], %select_n3A_1182 : memref<650x17xf32, #tpu.memory_space<vmem>>[vector<16xi32>, vector<16xi32>], vector<16xf32>,
            %and3A_1183 = arith.andi %and3A_449, %and3A_137 : vector<16xi1>
            %broadcast_in_dim3A_1184 = arith.constant 2 : i32
            %broadcast_in_dim3A_1185 = vector.broadcast %broadcast_in_dim3A_1184 : i32 to vector<16xi32>
            %select_n3A_1186 = arith.select %and3A_1183, %get3A_1140, %broadcast_in_dim3A_358 : vector<16xi1>, vector<16xf32>
            tpu.vector_store_idx %arg4[%add3A_1118, %broadcast_in_dim3A_1185], %select_n3A_1186 : memref<650x17xf32, #tpu.memory_space<vmem>>[vector<16xi32>, vector<16xi32>], vector<16xf32>,
            %and3A_1187 = arith.andi %and3A_449, %and3A_137 : vector<16xi1>
            %broadcast_in_dim3A_1188 = arith.constant 3 : i32
            %broadcast_in_dim3A_1189 = vector.broadcast %broadcast_in_dim3A_1188 : i32 to vector<16xi32>
            %select_n3A_1190 = arith.select %and3A_1187, %get3A_1142, %broadcast_in_dim3A_358 : vector<16xi1>, vector<16xf32>
            tpu.vector_store_idx %arg4[%add3A_1118, %broadcast_in_dim3A_1189], %select_n3A_1190 : memref<650x17xf32, #tpu.memory_space<vmem>>[vector<16xi32>, vector<16xi32>], vector<16xf32>,
            %and3A_1191 = arith.andi %and3A_474, %and3A_130 : vector<16xi1>
            %broadcast_in_dim3A_1192 = arith.constant 4 : i32
            %broadcast_in_dim3A_1193 = vector.broadcast %broadcast_in_dim3A_1192 : i32 to vector<16xi32>
            %select_n3A_1194 = arith.select %and3A_1191, %get3A_1154, %broadcast_in_dim3A_358 : vector<16xi1>, vector<16xf32>
            tpu.vector_store_idx %arg4[%add3A_1118, %broadcast_in_dim3A_1193], %select_n3A_1194 : memref<650x17xf32, #tpu.memory_space<vmem>>[vector<16xi32>, vector<16xi32>], vector<16xf32>,
            %and3A_1195 = arith.andi %and3A_474, %and3A_130 : vector<16xi1>
            %broadcast_in_dim3A_1196 = arith.constant 5 : i32
            %broadcast_in_dim3A_1197 = vector.broadcast %broadcast_in_dim3A_1196 : i32 to vector<16xi32>
            %select_n3A_1198 = arith.select %and3A_1195, %get3A_1156, %broadcast_in_dim3A_358 : vector<16xi1>, vector<16xf32>
            tpu.vector_store_idx %arg4[%add3A_1118, %broadcast_in_dim3A_1197], %select_n3A_1198 : memref<650x17xf32, #tpu.memory_space<vmem>>[vector<16xi32>, vector<16xi32>], vector<16xf32>,
            %and3A_1199 = arith.andi %and3A_474, %and3A_137 : vector<16xi1>
            %broadcast_in_dim3A_1200 = arith.constant 6 : i32
            %broadcast_in_dim3A_1201 = vector.broadcast %broadcast_in_dim3A_1200 : i32 to vector<16xi32>
            %select_n3A_1202 = arith.select %and3A_1199, %get3A_1168, %broadcast_in_dim3A_358 : vector<16xi1>, vector<16xf32>
            tpu.vector_store_idx %arg4[%add3A_1118, %broadcast_in_dim3A_1201], %select_n3A_1202 : memref<650x17xf32, #tpu.memory_space<vmem>>[vector<16xi32>, vector<16xi32>], vector<16xf32>,
            %and3A_1203 = arith.andi %and3A_474, %and3A_137 : vector<16xi1>
            %broadcast_in_dim3A_1204 = arith.constant 7 : i32
            %broadcast_in_dim3A_1205 = vector.broadcast %broadcast_in_dim3A_1204 : i32 to vector<16xi32>
            %select_n3A_1206 = arith.select %and3A_1203, %get3A_1170, %broadcast_in_dim3A_358 : vector<16xi1>, vector<16xf32>
            tpu.vector_store_idx %arg4[%add3A_1118, %broadcast_in_dim3A_1205], %select_n3A_1206 : memref<650x17xf32, #tpu.memory_space<vmem>>[vector<16xi32>, vector<16xi32>], vector<16xf32>,
            %and3A_1207 = arith.andi %and3A_450, %and3A_130 : vector<16xi1>
            %broadcast_in_dim3A_1208 = arith.constant 8 : i32
            %broadcast_in_dim3A_1209 = vector.broadcast %broadcast_in_dim3A_1208 : i32 to vector<16xi32>
            %select_n3A_1210 = arith.select %and3A_1207, %get3A_1130, %broadcast_in_dim3A_358 : vector<16xi1>, vector<16xf32>
            tpu.vector_store_idx %arg4[%add3A_1118, %broadcast_in_dim3A_1209], %select_n3A_1210 : memref<650x17xf32, #tpu.memory_space<vmem>>[vector<16xi32>, vector<16xi32>], vector<16xf32>,
            %and3A_1211 = arith.andi %and3A_450, %and3A_130 : vector<16xi1>
            %broadcast_in_dim3A_1212 = arith.constant 9 : i32
            %broadcast_in_dim3A_1213 = vector.broadcast %broadcast_in_dim3A_1212 : i32 to vector<16xi32>
            %select_n3A_1214 = arith.select %and3A_1211, %get3A_1132, %broadcast_in_dim3A_358 : vector<16xi1>, vector<16xf32>
            tpu.vector_store_idx %arg4[%add3A_1118, %broadcast_in_dim3A_1213], %select_n3A_1214 : memref<650x17xf32, #tpu.memory_space<vmem>>[vector<16xi32>, vector<16xi32>], vector<16xf32>,
            %and3A_1215 = arith.andi %and3A_450, %and3A_137 : vector<16xi1>
            %broadcast_in_dim3A_1216 = arith.constant 10 : i32
            %broadcast_in_dim3A_1217 = vector.broadcast %broadcast_in_dim3A_1216 : i32 to vector<16xi32>
            %select_n3A_1218 = arith.select %and3A_1215, %get3A_1144, %broadcast_in_dim3A_358 : vector<16xi1>, vector<16xf32>
            tpu.vector_store_idx %arg4[%add3A_1118, %broadcast_in_dim3A_1217], %select_n3A_1218 : memref<650x17xf32, #tpu.memory_space<vmem>>[vector<16xi32>, vector<16xi32>], vector<16xf32>,
            %and3A_1219 = arith.andi %and3A_450, %and3A_137 : vector<16xi1>
            %broadcast_in_dim3A_1220 = arith.constant 11 : i32
            %broadcast_in_dim3A_1221 = vector.broadcast %broadcast_in_dim3A_1220 : i32 to vector<16xi32>
            %select_n3A_1222 = arith.select %and3A_1219, %get3A_1146, %broadcast_in_dim3A_358 : vector<16xi1>, vector<16xf32>
            tpu.vector_store_idx %arg4[%add3A_1118, %broadcast_in_dim3A_1221], %select_n3A_1222 : memref<650x17xf32, #tpu.memory_space<vmem>>[vector<16xi32>, vector<16xi32>], vector<16xf32>,
            %and3A_1223 = arith.andi %and3A_475, %and3A_130 : vector<16xi1>
            %broadcast_in_dim3A_1224 = arith.constant 12 : i32
            %broadcast_in_dim3A_1225 = vector.broadcast %broadcast_in_dim3A_1224 : i32 to vector<16xi32>
            %select_n3A_1226 = arith.select %and3A_1223, %get3A_1158, %broadcast_in_dim3A_358 : vector<16xi1>, vector<16xf32>
            tpu.vector_store_idx %arg4[%add3A_1118, %broadcast_in_dim3A_1225], %select_n3A_1226 : memref<650x17xf32, #tpu.memory_space<vmem>>[vector<16xi32>, vector<16xi32>], vector<16xf32>,
            %and3A_1227 = arith.andi %and3A_475, %and3A_130 : vector<16xi1>
            %broadcast_in_dim3A_1228 = arith.constant 13 : i32
            %broadcast_in_dim3A_1229 = vector.broadcast %broadcast_in_dim3A_1228 : i32 to vector<16xi32>
            %select_n3A_1230 = arith.select %and3A_1227, %get3A_1160, %broadcast_in_dim3A_358 : vector<16xi1>, vector<16xf32>
            tpu.vector_store_idx %arg4[%add3A_1118, %broadcast_in_dim3A_1229], %select_n3A_1230 : memref<650x17xf32, #tpu.memory_space<vmem>>[vector<16xi32>, vector<16xi32>], vector<16xf32>,
            %and3A_1231 = arith.andi %and3A_475, %and3A_137 : vector<16xi1>
            %broadcast_in_dim3A_1232 = arith.constant 14 : i32
            %broadcast_in_dim3A_1233 = vector.broadcast %broadcast_in_dim3A_1232 : i32 to vector<16xi32>
            %select_n3A_1234 = arith.select %and3A_1231, %get3A_1172, %broadcast_in_dim3A_358 : vector<16xi1>, vector<16xf32>
            tpu.vector_store_idx %arg4[%add3A_1118, %broadcast_in_dim3A_1233], %select_n3A_1234 : memref<650x17xf32, #tpu.memory_space<vmem>>[vector<16xi32>, vector<16xi32>], vector<16xf32>,
            %and3A_1235 = arith.andi %and3A_475, %and3A_137 : vector<16xi1>
            %broadcast_in_dim3A_1236 = arith.constant 15 : i32
            %broadcast_in_dim3A_1237 = vector.broadcast %broadcast_in_dim3A_1236 : i32 to vector<16xi32>
            %select_n3A_1238 = arith.select %and3A_1235, %get3A_1174, %broadcast_in_dim3A_358 : vector<16xi1>, vector<16xf32>
            tpu.vector_store_idx %arg4[%add3A_1118, %broadcast_in_dim3A_1237], %select_n3A_1238 : memref<650x17xf32, #tpu.memory_space<vmem>>[vector<16xi32>, vector<16xi32>], vector<16xf32>,
            %mul3A_1239 = arith.constant 130 : i32
            %mul3A_1240 = arith.muli %scan3A_430, %mul3A_1239 : i32
            %add3A_1241 = arith.constant 96 : i32
            %add3A_1242 = arith.addi %mul3A_1240, %add3A_1241 : i32
            %add3A_1243 = vector.broadcast %add3A_1242 : i32 to vector<16xi32>
            %add3A_1244 = arith.addi %add3A_1243, %iota3A : vector<16xi32>
            %add3A_1245 = arith.constant 96 : i32
            %add3A_1246 = arith.addi %add3A_458, %add3A_1245 : i32
            %add3A_1247 = arith.constant 0 : i32
            %add3A_1248 = arith.addi %add3A_1246, %add3A_1247 : i32
            %sub3A_1249 = arith.constant 1 : i32
            %sub3A_1250 = arith.subi %add3A_1248, %sub3A_1249 : i32
            %get3A_1251 = arith.index_cast %sub3A_1250 : i32 to index
            %get3A_1252 = tpu.vector_load %arg6[%get3A_1251] {strides = array<i32>} : memref<16400xf32, #tpu.memory_space<vmem>>, vector<16xf32>,
            %get3A_1253 = arith.index_cast %sub3A_1250 : i32 to index
            %get3A_1254 = tpu.vector_load %arg7[%get3A_1253] {strides = array<i32>} : memref<16400xf32, #tpu.memory_space<vmem>>, vector<16xf32>,
            %get3A_1255 = arith.index_cast %sub3A_1250 : i32 to index
            %get3A_1256 = tpu.vector_load %arg8[%get3A_1255] {strides = array<i32>} : memref<16400xf32, #tpu.memory_space<vmem>>, vector<16xf32>,
            %get3A_1257 = arith.index_cast %sub3A_1250 : i32 to index
            %get3A_1258 = tpu.vector_load %arg9[%get3A_1257] {strides = array<i32>} : memref<16400xf32, #tpu.memory_space<vmem>>, vector<16xf32>,
            %add3A_1259 = arith.constant 96 : i32
            %add3A_1260 = arith.addi %add3A_458, %add3A_1259 : i32
            %add3A_1261 = arith.constant 1 : i32
            %add3A_1262 = arith.addi %add3A_1260, %add3A_1261 : i32
            %sub3A_1263 = arith.constant 1 : i32
            %sub3A_1264 = arith.subi %add3A_1262, %sub3A_1263 : i32
            %get3A_1265 = arith.index_cast %sub3A_1264 : i32 to index
            %get3A_1266 = tpu.vector_load %arg6[%get3A_1265] {strides = array<i32>} : memref<16400xf32, #tpu.memory_space<vmem>>, vector<16xf32>,
            %get3A_1267 = arith.index_cast %sub3A_1264 : i32 to index
            %get3A_1268 = tpu.vector_load %arg7[%get3A_1267] {strides = array<i32>} : memref<16400xf32, #tpu.memory_space<vmem>>, vector<16xf32>,
            %get3A_1269 = arith.index_cast %sub3A_1264 : i32 to index
            %get3A_1270 = tpu.vector_load %arg8[%get3A_1269] {strides = array<i32>} : memref<16400xf32, #tpu.memory_space<vmem>>, vector<16xf32>,
            %get3A_1271 = arith.index_cast %sub3A_1264 : i32 to index
            %get3A_1272 = tpu.vector_load %arg9[%get3A_1271] {strides = array<i32>} : memref<16400xf32, #tpu.memory_space<vmem>>, vector<16xf32>,
            %add3A_1273 = arith.constant 96 : i32
            %add3A_1274 = arith.addi %add3A_483, %add3A_1273 : i32
            %add3A_1275 = arith.constant 0 : i32
            %add3A_1276 = arith.addi %add3A_1274, %add3A_1275 : i32
            %sub3A_1277 = arith.constant 1 : i32
            %sub3A_1278 = arith.subi %add3A_1276, %sub3A_1277 : i32
            %get3A_1279 = arith.index_cast %sub3A_1278 : i32 to index
            %get3A_1280 = tpu.vector_load %arg6[%get3A_1279] {strides = array<i32>} : memref<16400xf32, #tpu.memory_space<vmem>>, vector<16xf32>,
            %get3A_1281 = arith.index_cast %sub3A_1278 : i32 to index
            %get3A_1282 = tpu.vector_load %arg7[%get3A_1281] {strides = array<i32>} : memref<16400xf32, #tpu.memory_space<vmem>>, vector<16xf32>,
            %get3A_1283 = arith.index_cast %sub3A_1278 : i32 to index
            %get3A_1284 = tpu.vector_load %arg8[%get3A_1283] {strides = array<i32>} : memref<16400xf32, #tpu.memory_space<vmem>>, vector<16xf32>,
            %get3A_1285 = arith.index_cast %sub3A_1278 : i32 to index
            %get3A_1286 = tpu.vector_load %arg9[%get3A_1285] {strides = array<i32>} : memref<16400xf32, #tpu.memory_space<vmem>>, vector<16xf32>,
            %add3A_1287 = arith.constant 96 : i32
            %add3A_1288 = arith.addi %add3A_483, %add3A_1287 : i32
            %add3A_1289 = arith.constant 1 : i32
            %add3A_1290 = arith.addi %add3A_1288, %add3A_1289 : i32
            %sub3A_1291 = arith.constant 1 : i32
            %sub3A_1292 = arith.subi %add3A_1290, %sub3A_1291 : i32
            %get3A_1293 = arith.index_cast %sub3A_1292 : i32 to index
            %get3A_1294 = tpu.vector_load %arg6[%get3A_1293] {strides = array<i32>} : memref<16400xf32, #tpu.memory_space<vmem>>, vector<16xf32>,
            %get3A_1295 = arith.index_cast %sub3A_1292 : i32 to index
            %get3A_1296 = tpu.vector_load %arg7[%get3A_1295] {strides = array<i32>} : memref<16400xf32, #tpu.memory_space<vmem>>, vector<16xf32>,
            %get3A_1297 = arith.index_cast %sub3A_1292 : i32 to index
            %get3A_1298 = tpu.vector_load %arg8[%get3A_1297] {strides = array<i32>} : memref<16400xf32, #tpu.memory_space<vmem>>, vector<16xf32>,
            %get3A_1299 = arith.index_cast %sub3A_1292 : i32 to index
            %get3A_1300 = tpu.vector_load %arg9[%get3A_1299] {strides = array<i32>} : memref<16400xf32, #tpu.memory_space<vmem>>, vector<16xf32>,
            %and3A_1301 = arith.andi %and3A_449, %and3A_153 : vector<16xi1>
            %broadcast_in_dim3A_1302 = arith.constant 0 : i32
            %broadcast_in_dim3A_1303 = vector.broadcast %broadcast_in_dim3A_1302 : i32 to vector<16xi32>
            %select_n3A_1304 = arith.select %and3A_1301, %get3A_1252, %broadcast_in_dim3A_358 : vector<16xi1>, vector<16xf32>
            tpu.vector_store_idx %arg4[%add3A_1244, %broadcast_in_dim3A_1303], %select_n3A_1304 : memref<650x17xf32, #tpu.memory_space<vmem>>[vector<16xi32>, vector<16xi32>], vector<16xf32>,
            %and3A_1305 = arith.andi %and3A_449, %and3A_153 : vector<16xi1>
            %broadcast_in_dim3A_1306 = arith.constant 1 : i32
            %broadcast_in_dim3A_1307 = vector.broadcast %broadcast_in_dim3A_1306 : i32 to vector<16xi32>
            %select_n3A_1308 = arith.select %and3A_1305, %get3A_1254, %broadcast_in_dim3A_358 : vector<16xi1>, vector<16xf32>
            tpu.vector_store_idx %arg4[%add3A_1244, %broadcast_in_dim3A_1307], %select_n3A_1308 : memref<650x17xf32, #tpu.memory_space<vmem>>[vector<16xi32>, vector<16xi32>], vector<16xf32>,
            %and3A_1309 = arith.andi %and3A_449, %and3A_160 : vector<16xi1>
            %broadcast_in_dim3A_1310 = arith.constant 2 : i32
            %broadcast_in_dim3A_1311 = vector.broadcast %broadcast_in_dim3A_1310 : i32 to vector<16xi32>
            %select_n3A_1312 = arith.select %and3A_1309, %get3A_1266, %broadcast_in_dim3A_358 : vector<16xi1>, vector<16xf32>
            tpu.vector_store_idx %arg4[%add3A_1244, %broadcast_in_dim3A_1311], %select_n3A_1312 : memref<650x17xf32, #tpu.memory_space<vmem>>[vector<16xi32>, vector<16xi32>], vector<16xf32>,
            %and3A_1313 = arith.andi %and3A_449, %and3A_160 : vector<16xi1>
            %broadcast_in_dim3A_1314 = arith.constant 3 : i32
            %broadcast_in_dim3A_1315 = vector.broadcast %broadcast_in_dim3A_1314 : i32 to vector<16xi32>
            %select_n3A_1316 = arith.select %and3A_1313, %get3A_1268, %broadcast_in_dim3A_358 : vector<16xi1>, vector<16xf32>
            tpu.vector_store_idx %arg4[%add3A_1244, %broadcast_in_dim3A_1315], %select_n3A_1316 : memref<650x17xf32, #tpu.memory_space<vmem>>[vector<16xi32>, vector<16xi32>], vector<16xf32>,
            %and3A_1317 = arith.andi %and3A_474, %and3A_153 : vector<16xi1>
            %broadcast_in_dim3A_1318 = arith.constant 4 : i32
            %broadcast_in_dim3A_1319 = vector.broadcast %broadcast_in_dim3A_1318 : i32 to vector<16xi32>
            %select_n3A_1320 = arith.select %and3A_1317, %get3A_1280, %broadcast_in_dim3A_358 : vector<16xi1>, vector<16xf32>
            tpu.vector_store_idx %arg4[%add3A_1244, %broadcast_in_dim3A_1319], %select_n3A_1320 : memref<650x17xf32, #tpu.memory_space<vmem>>[vector<16xi32>, vector<16xi32>], vector<16xf32>,
            %and3A_1321 = arith.andi %and3A_474, %and3A_153 : vector<16xi1>
            %broadcast_in_dim3A_1322 = arith.constant 5 : i32
            %broadcast_in_dim3A_1323 = vector.broadcast %broadcast_in_dim3A_1322 : i32 to vector<16xi32>
            %select_n3A_1324 = arith.select %and3A_1321, %get3A_1282, %broadcast_in_dim3A_358 : vector<16xi1>, vector<16xf32>
            tpu.vector_store_idx %arg4[%add3A_1244, %broadcast_in_dim3A_1323], %select_n3A_1324 : memref<650x17xf32, #tpu.memory_space<vmem>>[vector<16xi32>, vector<16xi32>], vector<16xf32>,
            %and3A_1325 = arith.andi %and3A_474, %and3A_160 : vector<16xi1>
            %broadcast_in_dim3A_1326 = arith.constant 6 : i32
            %broadcast_in_dim3A_1327 = vector.broadcast %broadcast_in_dim3A_1326 : i32 to vector<16xi32>
            %select_n3A_1328 = arith.select %and3A_1325, %get3A_1294, %broadcast_in_dim3A_358 : vector<16xi1>, vector<16xf32>
            tpu.vector_store_idx %arg4[%add3A_1244, %broadcast_in_dim3A_1327], %select_n3A_1328 : memref<650x17xf32, #tpu.memory_space<vmem>>[vector<16xi32>, vector<16xi32>], vector<16xf32>,
            %and3A_1329 = arith.andi %and3A_474, %and3A_160 : vector<16xi1>
            %broadcast_in_dim3A_1330 = arith.constant 7 : i32
            %broadcast_in_dim3A_1331 = vector.broadcast %broadcast_in_dim3A_1330 : i32 to vector<16xi32>
            %select_n3A_1332 = arith.select %and3A_1329, %get3A_1296, %broadcast_in_dim3A_358 : vector<16xi1>, vector<16xf32>
            tpu.vector_store_idx %arg4[%add3A_1244, %broadcast_in_dim3A_1331], %select_n3A_1332 : memref<650x17xf32, #tpu.memory_space<vmem>>[vector<16xi32>, vector<16xi32>], vector<16xf32>,
            %and3A_1333 = arith.andi %and3A_450, %and3A_153 : vector<16xi1>
            %broadcast_in_dim3A_1334 = arith.constant 8 : i32
            %broadcast_in_dim3A_1335 = vector.broadcast %broadcast_in_dim3A_1334 : i32 to vector<16xi32>
            %select_n3A_1336 = arith.select %and3A_1333, %get3A_1256, %broadcast_in_dim3A_358 : vector<16xi1>, vector<16xf32>
            tpu.vector_store_idx %arg4[%add3A_1244, %broadcast_in_dim3A_1335], %select_n3A_1336 : memref<650x17xf32, #tpu.memory_space<vmem>>[vector<16xi32>, vector<16xi32>], vector<16xf32>,
            %and3A_1337 = arith.andi %and3A_450, %and3A_153 : vector<16xi1>
            %broadcast_in_dim3A_1338 = arith.constant 9 : i32
            %broadcast_in_dim3A_1339 = vector.broadcast %broadcast_in_dim3A_1338 : i32 to vector<16xi32>
            %select_n3A_1340 = arith.select %and3A_1337, %get3A_1258, %broadcast_in_dim3A_358 : vector<16xi1>, vector<16xf32>
            tpu.vector_store_idx %arg4[%add3A_1244, %broadcast_in_dim3A_1339], %select_n3A_1340 : memref<650x17xf32, #tpu.memory_space<vmem>>[vector<16xi32>, vector<16xi32>], vector<16xf32>,
            %and3A_1341 = arith.andi %and3A_450, %and3A_160 : vector<16xi1>
            %broadcast_in_dim3A_1342 = arith.constant 10 : i32
            %broadcast_in_dim3A_1343 = vector.broadcast %broadcast_in_dim3A_1342 : i32 to vector<16xi32>
            %select_n3A_1344 = arith.select %and3A_1341, %get3A_1270, %broadcast_in_dim3A_358 : vector<16xi1>, vector<16xf32>
            tpu.vector_store_idx %arg4[%add3A_1244, %broadcast_in_dim3A_1343], %select_n3A_1344 : memref<650x17xf32, #tpu.memory_space<vmem>>[vector<16xi32>, vector<16xi32>], vector<16xf32>,
            %and3A_1345 = arith.andi %and3A_450, %and3A_160 : vector<16xi1>
            %broadcast_in_dim3A_1346 = arith.constant 11 : i32
            %broadcast_in_dim3A_1347 = vector.broadcast %broadcast_in_dim3A_1346 : i32 to vector<16xi32>
            %select_n3A_1348 = arith.select %and3A_1345, %get3A_1272, %broadcast_in_dim3A_358 : vector<16xi1>, vector<16xf32>
            tpu.vector_store_idx %arg4[%add3A_1244, %broadcast_in_dim3A_1347], %select_n3A_1348 : memref<650x17xf32, #tpu.memory_space<vmem>>[vector<16xi32>, vector<16xi32>], vector<16xf32>,
            %and3A_1349 = arith.andi %and3A_475, %and3A_153 : vector<16xi1>
            %broadcast_in_dim3A_1350 = arith.constant 12 : i32
            %broadcast_in_dim3A_1351 = vector.broadcast %broadcast_in_dim3A_1350 : i32 to vector<16xi32>
            %select_n3A_1352 = arith.select %and3A_1349, %get3A_1284, %broadcast_in_dim3A_358 : vector<16xi1>, vector<16xf32>
            tpu.vector_store_idx %arg4[%add3A_1244, %broadcast_in_dim3A_1351], %select_n3A_1352 : memref<650x17xf32, #tpu.memory_space<vmem>>[vector<16xi32>, vector<16xi32>], vector<16xf32>,
            %and3A_1353 = arith.andi %and3A_475, %and3A_153 : vector<16xi1>
            %broadcast_in_dim3A_1354 = arith.constant 13 : i32
            %broadcast_in_dim3A_1355 = vector.broadcast %broadcast_in_dim3A_1354 : i32 to vector<16xi32>
            %select_n3A_1356 = arith.select %and3A_1353, %get3A_1286, %broadcast_in_dim3A_358 : vector<16xi1>, vector<16xf32>
            tpu.vector_store_idx %arg4[%add3A_1244, %broadcast_in_dim3A_1355], %select_n3A_1356 : memref<650x17xf32, #tpu.memory_space<vmem>>[vector<16xi32>, vector<16xi32>], vector<16xf32>,
            %and3A_1357 = arith.andi %and3A_475, %and3A_160 : vector<16xi1>
            %broadcast_in_dim3A_1358 = arith.constant 14 : i32
            %broadcast_in_dim3A_1359 = vector.broadcast %broadcast_in_dim3A_1358 : i32 to vector<16xi32>
            %select_n3A_1360 = arith.select %and3A_1357, %get3A_1298, %broadcast_in_dim3A_358 : vector<16xi1>, vector<16xf32>
            tpu.vector_store_idx %arg4[%add3A_1244, %broadcast_in_dim3A_1359], %select_n3A_1360 : memref<650x17xf32, #tpu.memory_space<vmem>>[vector<16xi32>, vector<16xi32>], vector<16xf32>,
            %and3A_1361 = arith.andi %and3A_475, %and3A_160 : vector<16xi1>
            %broadcast_in_dim3A_1362 = arith.constant 15 : i32
            %broadcast_in_dim3A_1363 = vector.broadcast %broadcast_in_dim3A_1362 : i32 to vector<16xi32>
            %select_n3A_1364 = arith.select %and3A_1361, %get3A_1300, %broadcast_in_dim3A_358 : vector<16xi1>, vector<16xf32>
            tpu.vector_store_idx %arg4[%add3A_1244, %broadcast_in_dim3A_1363], %select_n3A_1364 : memref<650x17xf32, #tpu.memory_space<vmem>>[vector<16xi32>, vector<16xi32>], vector<16xf32>,
            %mul3A_1365 = arith.constant 130 : i32
            %mul3A_1366 = arith.muli %scan3A_430, %mul3A_1365 : i32
            %add3A_1367 = arith.constant 112 : i32
            %add3A_1368 = arith.addi %mul3A_1366, %add3A_1367 : i32
            %add3A_1369 = vector.broadcast %add3A_1368 : i32 to vector<16xi32>
            %add3A_1370 = arith.addi %add3A_1369, %iota3A : vector<16xi32>
            %add3A_1371 = arith.constant 112 : i32
            %add3A_1372 = arith.addi %add3A_458, %add3A_1371 : i32
            %add3A_1373 = arith.constant 0 : i32
            %add3A_1374 = arith.addi %add3A_1372, %add3A_1373 : i32
            %sub3A_1375 = arith.constant 1 : i32
            %sub3A_1376 = arith.subi %add3A_1374, %sub3A_1375 : i32
            %get3A_1377 = arith.index_cast %sub3A_1376 : i32 to index
            %get3A_1378 = tpu.vector_load %arg6[%get3A_1377] {strides = array<i32>} : memref<16400xf32, #tpu.memory_space<vmem>>, vector<16xf32>,
            %get3A_1379 = arith.index_cast %sub3A_1376 : i32 to index
            %get3A_1380 = tpu.vector_load %arg7[%get3A_1379] {strides = array<i32>} : memref<16400xf32, #tpu.memory_space<vmem>>, vector<16xf32>,
            %get3A_1381 = arith.index_cast %sub3A_1376 : i32 to index
            %get3A_1382 = tpu.vector_load %arg8[%get3A_1381] {strides = array<i32>} : memref<16400xf32, #tpu.memory_space<vmem>>, vector<16xf32>,
            %get3A_1383 = arith.index_cast %sub3A_1376 : i32 to index
            %get3A_1384 = tpu.vector_load %arg9[%get3A_1383] {strides = array<i32>} : memref<16400xf32, #tpu.memory_space<vmem>>, vector<16xf32>,
            %add3A_1385 = arith.constant 112 : i32
            %add3A_1386 = arith.addi %add3A_458, %add3A_1385 : i32
            %add3A_1387 = arith.constant 1 : i32
            %add3A_1388 = arith.addi %add3A_1386, %add3A_1387 : i32
            %sub3A_1389 = arith.constant 1 : i32
            %sub3A_1390 = arith.subi %add3A_1388, %sub3A_1389 : i32
            %get3A_1391 = arith.index_cast %sub3A_1390 : i32 to index
            %get3A_1392 = tpu.vector_load %arg6[%get3A_1391] {strides = array<i32>} : memref<16400xf32, #tpu.memory_space<vmem>>, vector<16xf32>,
            %get3A_1393 = arith.index_cast %sub3A_1390 : i32 to index
            %get3A_1394 = tpu.vector_load %arg7[%get3A_1393] {strides = array<i32>} : memref<16400xf32, #tpu.memory_space<vmem>>, vector<16xf32>,
            %get3A_1395 = arith.index_cast %sub3A_1390 : i32 to index
            %get3A_1396 = tpu.vector_load %arg8[%get3A_1395] {strides = array<i32>} : memref<16400xf32, #tpu.memory_space<vmem>>, vector<16xf32>,
            %get3A_1397 = arith.index_cast %sub3A_1390 : i32 to index
            %get3A_1398 = tpu.vector_load %arg9[%get3A_1397] {strides = array<i32>} : memref<16400xf32, #tpu.memory_space<vmem>>, vector<16xf32>,
            %add3A_1399 = arith.constant 112 : i32
            %add3A_1400 = arith.addi %add3A_483, %add3A_1399 : i32
            %add3A_1401 = arith.constant 0 : i32
            %add3A_1402 = arith.addi %add3A_1400, %add3A_1401 : i32
            %sub3A_1403 = arith.constant 1 : i32
            %sub3A_1404 = arith.subi %add3A_1402, %sub3A_1403 : i32
            %get3A_1405 = arith.index_cast %sub3A_1404 : i32 to index
            %get3A_1406 = tpu.vector_load %arg6[%get3A_1405] {strides = array<i32>} : memref<16400xf32, #tpu.memory_space<vmem>>, vector<16xf32>,
            %get3A_1407 = arith.index_cast %sub3A_1404 : i32 to index
            %get3A_1408 = tpu.vector_load %arg7[%get3A_1407] {strides = array<i32>} : memref<16400xf32, #tpu.memory_space<vmem>>, vector<16xf32>,
            %get3A_1409 = arith.index_cast %sub3A_1404 : i32 to index
            %get3A_1410 = tpu.vector_load %arg8[%get3A_1409] {strides = array<i32>} : memref<16400xf32, #tpu.memory_space<vmem>>, vector<16xf32>,
            %get3A_1411 = arith.index_cast %sub3A_1404 : i32 to index
            %get3A_1412 = tpu.vector_load %arg9[%get3A_1411] {strides = array<i32>} : memref<16400xf32, #tpu.memory_space<vmem>>, vector<16xf32>,
            %add3A_1413 = arith.constant 112 : i32
            %add3A_1414 = arith.addi %add3A_483, %add3A_1413 : i32
            %add3A_1415 = arith.constant 1 : i32
            %add3A_1416 = arith.addi %add3A_1414, %add3A_1415 : i32
            %sub3A_1417 = arith.constant 1 : i32
            %sub3A_1418 = arith.subi %add3A_1416, %sub3A_1417 : i32
            %get3A_1419 = arith.index_cast %sub3A_1418 : i32 to index
            %get3A_1420 = tpu.vector_load %arg6[%get3A_1419] {strides = array<i32>} : memref<16400xf32, #tpu.memory_space<vmem>>, vector<16xf32>,
            %get3A_1421 = arith.index_cast %sub3A_1418 : i32 to index
            %get3A_1422 = tpu.vector_load %arg7[%get3A_1421] {strides = array<i32>} : memref<16400xf32, #tpu.memory_space<vmem>>, vector<16xf32>,
            %get3A_1423 = arith.index_cast %sub3A_1418 : i32 to index
            %get3A_1424 = tpu.vector_load %arg8[%get3A_1423] {strides = array<i32>} : memref<16400xf32, #tpu.memory_space<vmem>>, vector<16xf32>,
            %get3A_1425 = arith.index_cast %sub3A_1418 : i32 to index
            %get3A_1426 = tpu.vector_load %arg9[%get3A_1425] {strides = array<i32>} : memref<16400xf32, #tpu.memory_space<vmem>>, vector<16xf32>,
            %and3A_1427 = arith.andi %and3A_449, %and3A_176 : vector<16xi1>
            %broadcast_in_dim3A_1428 = arith.constant 0 : i32
            %broadcast_in_dim3A_1429 = vector.broadcast %broadcast_in_dim3A_1428 : i32 to vector<16xi32>
            %select_n3A_1430 = arith.select %and3A_1427, %get3A_1378, %broadcast_in_dim3A_358 : vector<16xi1>, vector<16xf32>
            tpu.vector_store_idx %arg4[%add3A_1370, %broadcast_in_dim3A_1429], %select_n3A_1430 : memref<650x17xf32, #tpu.memory_space<vmem>>[vector<16xi32>, vector<16xi32>], vector<16xf32>,
            %and3A_1431 = arith.andi %and3A_449, %and3A_176 : vector<16xi1>
            %broadcast_in_dim3A_1432 = arith.constant 1 : i32
            %broadcast_in_dim3A_1433 = vector.broadcast %broadcast_in_dim3A_1432 : i32 to vector<16xi32>
            %select_n3A_1434 = arith.select %and3A_1431, %get3A_1380, %broadcast_in_dim3A_358 : vector<16xi1>, vector<16xf32>
            tpu.vector_store_idx %arg4[%add3A_1370, %broadcast_in_dim3A_1433], %select_n3A_1434 : memref<650x17xf32, #tpu.memory_space<vmem>>[vector<16xi32>, vector<16xi32>], vector<16xf32>,
            %and3A_1435 = arith.andi %and3A_449, %and3A_183 : vector<16xi1>
            %broadcast_in_dim3A_1436 = arith.constant 2 : i32
            %broadcast_in_dim3A_1437 = vector.broadcast %broadcast_in_dim3A_1436 : i32 to vector<16xi32>
            %select_n3A_1438 = arith.select %and3A_1435, %get3A_1392, %broadcast_in_dim3A_358 : vector<16xi1>, vector<16xf32>
            tpu.vector_store_idx %arg4[%add3A_1370, %broadcast_in_dim3A_1437], %select_n3A_1438 : memref<650x17xf32, #tpu.memory_space<vmem>>[vector<16xi32>, vector<16xi32>], vector<16xf32>,
            %and3A_1439 = arith.andi %and3A_449, %and3A_183 : vector<16xi1>
            %broadcast_in_dim3A_1440 = arith.constant 3 : i32
            %broadcast_in_dim3A_1441 = vector.broadcast %broadcast_in_dim3A_1440 : i32 to vector<16xi32>
            %select_n3A_1442 = arith.select %and3A_1439, %get3A_1394, %broadcast_in_dim3A_358 : vector<16xi1>, vector<16xf32>
            tpu.vector_store_idx %arg4[%add3A_1370, %broadcast_in_dim3A_1441], %select_n3A_1442 : memref<650x17xf32, #tpu.memory_space<vmem>>[vector<16xi32>, vector<16xi32>], vector<16xf32>,
            %and3A_1443 = arith.andi %and3A_474, %and3A_176 : vector<16xi1>
            %broadcast_in_dim3A_1444 = arith.constant 4 : i32
            %broadcast_in_dim3A_1445 = vector.broadcast %broadcast_in_dim3A_1444 : i32 to vector<16xi32>
            %select_n3A_1446 = arith.select %and3A_1443, %get3A_1406, %broadcast_in_dim3A_358 : vector<16xi1>, vector<16xf32>
            tpu.vector_store_idx %arg4[%add3A_1370, %broadcast_in_dim3A_1445], %select_n3A_1446 : memref<650x17xf32, #tpu.memory_space<vmem>>[vector<16xi32>, vector<16xi32>], vector<16xf32>,
            %and3A_1447 = arith.andi %and3A_474, %and3A_176 : vector<16xi1>
            %broadcast_in_dim3A_1448 = arith.constant 5 : i32
            %broadcast_in_dim3A_1449 = vector.broadcast %broadcast_in_dim3A_1448 : i32 to vector<16xi32>
            %select_n3A_1450 = arith.select %and3A_1447, %get3A_1408, %broadcast_in_dim3A_358 : vector<16xi1>, vector<16xf32>
            tpu.vector_store_idx %arg4[%add3A_1370, %broadcast_in_dim3A_1449], %select_n3A_1450 : memref<650x17xf32, #tpu.memory_space<vmem>>[vector<16xi32>, vector<16xi32>], vector<16xf32>,
            %and3A_1451 = arith.andi %and3A_474, %and3A_183 : vector<16xi1>
            %broadcast_in_dim3A_1452 = arith.constant 6 : i32
            %broadcast_in_dim3A_1453 = vector.broadcast %broadcast_in_dim3A_1452 : i32 to vector<16xi32>
            %select_n3A_1454 = arith.select %and3A_1451, %get3A_1420, %broadcast_in_dim3A_358 : vector<16xi1>, vector<16xf32>
            tpu.vector_store_idx %arg4[%add3A_1370, %broadcast_in_dim3A_1453], %select_n3A_1454 : memref<650x17xf32, #tpu.memory_space<vmem>>[vector<16xi32>, vector<16xi32>], vector<16xf32>,
            %and3A_1455 = arith.andi %and3A_474, %and3A_183 : vector<16xi1>
            %broadcast_in_dim3A_1456 = arith.constant 7 : i32
            %broadcast_in_dim3A_1457 = vector.broadcast %broadcast_in_dim3A_1456 : i32 to vector<16xi32>
            %select_n3A_1458 = arith.select %and3A_1455, %get3A_1422, %broadcast_in_dim3A_358 : vector<16xi1>, vector<16xf32>
            tpu.vector_store_idx %arg4[%add3A_1370, %broadcast_in_dim3A_1457], %select_n3A_1458 : memref<650x17xf32, #tpu.memory_space<vmem>>[vector<16xi32>, vector<16xi32>], vector<16xf32>,
            %and3A_1459 = arith.andi %and3A_450, %and3A_176 : vector<16xi1>
            %broadcast_in_dim3A_1460 = arith.constant 8 : i32
            %broadcast_in_dim3A_1461 = vector.broadcast %broadcast_in_dim3A_1460 : i32 to vector<16xi32>
            %select_n3A_1462 = arith.select %and3A_1459, %get3A_1382, %broadcast_in_dim3A_358 : vector<16xi1>, vector<16xf32>
            tpu.vector_store_idx %arg4[%add3A_1370, %broadcast_in_dim3A_1461], %select_n3A_1462 : memref<650x17xf32, #tpu.memory_space<vmem>>[vector<16xi32>, vector<16xi32>], vector<16xf32>,
            %and3A_1463 = arith.andi %and3A_450, %and3A_176 : vector<16xi1>
            %broadcast_in_dim3A_1464 = arith.constant 9 : i32
            %broadcast_in_dim3A_1465 = vector.broadcast %broadcast_in_dim3A_1464 : i32 to vector<16xi32>
            %select_n3A_1466 = arith.select %and3A_1463, %get3A_1384, %broadcast_in_dim3A_358 : vector<16xi1>, vector<16xf32>
            tpu.vector_store_idx %arg4[%add3A_1370, %broadcast_in_dim3A_1465], %select_n3A_1466 : memref<650x17xf32, #tpu.memory_space<vmem>>[vector<16xi32>, vector<16xi32>], vector<16xf32>,
            %and3A_1467 = arith.andi %and3A_450, %and3A_183 : vector<16xi1>
            %broadcast_in_dim3A_1468 = arith.constant 10 : i32
            %broadcast_in_dim3A_1469 = vector.broadcast %broadcast_in_dim3A_1468 : i32 to vector<16xi32>
            %select_n3A_1470 = arith.select %and3A_1467, %get3A_1396, %broadcast_in_dim3A_358 : vector<16xi1>, vector<16xf32>
            tpu.vector_store_idx %arg4[%add3A_1370, %broadcast_in_dim3A_1469], %select_n3A_1470 : memref<650x17xf32, #tpu.memory_space<vmem>>[vector<16xi32>, vector<16xi32>], vector<16xf32>,
            %and3A_1471 = arith.andi %and3A_450, %and3A_183 : vector<16xi1>
            %broadcast_in_dim3A_1472 = arith.constant 11 : i32
            %broadcast_in_dim3A_1473 = vector.broadcast %broadcast_in_dim3A_1472 : i32 to vector<16xi32>
            %select_n3A_1474 = arith.select %and3A_1471, %get3A_1398, %broadcast_in_dim3A_358 : vector<16xi1>, vector<16xf32>
            tpu.vector_store_idx %arg4[%add3A_1370, %broadcast_in_dim3A_1473], %select_n3A_1474 : memref<650x17xf32, #tpu.memory_space<vmem>>[vector<16xi32>, vector<16xi32>], vector<16xf32>,
            %and3A_1475 = arith.andi %and3A_475, %and3A_176 : vector<16xi1>
            %broadcast_in_dim3A_1476 = arith.constant 12 : i32
            %broadcast_in_dim3A_1477 = vector.broadcast %broadcast_in_dim3A_1476 : i32 to vector<16xi32>
            %select_n3A_1478 = arith.select %and3A_1475, %get3A_1410, %broadcast_in_dim3A_358 : vector<16xi1>, vector<16xf32>
            tpu.vector_store_idx %arg4[%add3A_1370, %broadcast_in_dim3A_1477], %select_n3A_1478 : memref<650x17xf32, #tpu.memory_space<vmem>>[vector<16xi32>, vector<16xi32>], vector<16xf32>,
            %and3A_1479 = arith.andi %and3A_475, %and3A_176 : vector<16xi1>
            %broadcast_in_dim3A_1480 = arith.constant 13 : i32
            %broadcast_in_dim3A_1481 = vector.broadcast %broadcast_in_dim3A_1480 : i32 to vector<16xi32>
            %select_n3A_1482 = arith.select %and3A_1479, %get3A_1412, %broadcast_in_dim3A_358 : vector<16xi1>, vector<16xf32>
            tpu.vector_store_idx %arg4[%add3A_1370, %broadcast_in_dim3A_1481], %select_n3A_1482 : memref<650x17xf32, #tpu.memory_space<vmem>>[vector<16xi32>, vector<16xi32>], vector<16xf32>,
            %and3A_1483 = arith.andi %and3A_475, %and3A_183 : vector<16xi1>
            %broadcast_in_dim3A_1484 = arith.constant 14 : i32
            %broadcast_in_dim3A_1485 = vector.broadcast %broadcast_in_dim3A_1484 : i32 to vector<16xi32>
            %select_n3A_1486 = arith.select %and3A_1483, %get3A_1424, %broadcast_in_dim3A_358 : vector<16xi1>, vector<16xf32>
            tpu.vector_store_idx %arg4[%add3A_1370, %broadcast_in_dim3A_1485], %select_n3A_1486 : memref<650x17xf32, #tpu.memory_space<vmem>>[vector<16xi32>, vector<16xi32>], vector<16xf32>,
            %and3A_1487 = arith.andi %and3A_475, %and3A_183 : vector<16xi1>
            %broadcast_in_dim3A_1488 = arith.constant 15 : i32
            %broadcast_in_dim3A_1489 = vector.broadcast %broadcast_in_dim3A_1488 : i32 to vector<16xi32>
            %select_n3A_1490 = arith.select %and3A_1487, %get3A_1426, %broadcast_in_dim3A_358 : vector<16xi1>, vector<16xf32>
            tpu.vector_store_idx %arg4[%add3A_1370, %broadcast_in_dim3A_1489], %select_n3A_1490 : memref<650x17xf32, #tpu.memory_space<vmem>>[vector<16xi32>, vector<16xi32>], vector<16xf32>,
            %mul3A_1491 = arith.constant 130 : i32
            %mul3A_1492 = arith.muli %scan3A_430, %mul3A_1491 : i32
            %add3A_1493 = arith.constant 114 : i32
            %add3A_1494 = arith.addi %mul3A_1492, %add3A_1493 : i32
            %add3A_1495 = vector.broadcast %add3A_1494 : i32 to vector<16xi32>
            %add3A_1496 = arith.addi %add3A_1495, %iota3A : vector<16xi32>
            %add3A_1497 = arith.constant 114 : i32
            %add3A_1498 = arith.addi %add3A_458, %add3A_1497 : i32
            %add3A_1499 = arith.constant 0 : i32
            %add3A_1500 = arith.addi %add3A_1498, %add3A_1499 : i32
            %sub3A_1501 = arith.constant 1 : i32
            %sub3A_1502 = arith.subi %add3A_1500, %sub3A_1501 : i32
            %get3A_1503 = arith.index_cast %sub3A_1502 : i32 to index
            %get3A_1504 = tpu.vector_load %arg6[%get3A_1503] {strides = array<i32>} : memref<16400xf32, #tpu.memory_space<vmem>>, vector<16xf32>,
            %get3A_1505 = arith.index_cast %sub3A_1502 : i32 to index
            %get3A_1506 = tpu.vector_load %arg7[%get3A_1505] {strides = array<i32>} : memref<16400xf32, #tpu.memory_space<vmem>>, vector<16xf32>,
            %get3A_1507 = arith.index_cast %sub3A_1502 : i32 to index
            %get3A_1508 = tpu.vector_load %arg8[%get3A_1507] {strides = array<i32>} : memref<16400xf32, #tpu.memory_space<vmem>>, vector<16xf32>,
            %get3A_1509 = arith.index_cast %sub3A_1502 : i32 to index
            %get3A_1510 = tpu.vector_load %arg9[%get3A_1509] {strides = array<i32>} : memref<16400xf32, #tpu.memory_space<vmem>>, vector<16xf32>,
            %add3A_1511 = arith.constant 114 : i32
            %add3A_1512 = arith.addi %add3A_458, %add3A_1511 : i32
            %add3A_1513 = arith.constant 1 : i32
            %add3A_1514 = arith.addi %add3A_1512, %add3A_1513 : i32
            %sub3A_1515 = arith.constant 1 : i32
            %sub3A_1516 = arith.subi %add3A_1514, %sub3A_1515 : i32
            %get3A_1517 = arith.index_cast %sub3A_1516 : i32 to index
            %get3A_1518 = tpu.vector_load %arg6[%get3A_1517] {strides = array<i32>} : memref<16400xf32, #tpu.memory_space<vmem>>, vector<16xf32>,
            %get3A_1519 = arith.index_cast %sub3A_1516 : i32 to index
            %get3A_1520 = tpu.vector_load %arg7[%get3A_1519] {strides = array<i32>} : memref<16400xf32, #tpu.memory_space<vmem>>, vector<16xf32>,
            %get3A_1521 = arith.index_cast %sub3A_1516 : i32 to index
            %get3A_1522 = tpu.vector_load %arg8[%get3A_1521] {strides = array<i32>} : memref<16400xf32, #tpu.memory_space<vmem>>, vector<16xf32>,
            %get3A_1523 = arith.index_cast %sub3A_1516 : i32 to index
            %get3A_1524 = tpu.vector_load %arg9[%get3A_1523] {strides = array<i32>} : memref<16400xf32, #tpu.memory_space<vmem>>, vector<16xf32>,
            %add3A_1525 = arith.constant 114 : i32
            %add3A_1526 = arith.addi %add3A_483, %add3A_1525 : i32
            %add3A_1527 = arith.constant 0 : i32
            %add3A_1528 = arith.addi %add3A_1526, %add3A_1527 : i32
            %sub3A_1529 = arith.constant 1 : i32
            %sub3A_1530 = arith.subi %add3A_1528, %sub3A_1529 : i32
            %get3A_1531 = arith.index_cast %sub3A_1530 : i32 to index
            %get3A_1532 = tpu.vector_load %arg6[%get3A_1531] {strides = array<i32>} : memref<16400xf32, #tpu.memory_space<vmem>>, vector<16xf32>,
            %get3A_1533 = arith.index_cast %sub3A_1530 : i32 to index
            %get3A_1534 = tpu.vector_load %arg7[%get3A_1533] {strides = array<i32>} : memref<16400xf32, #tpu.memory_space<vmem>>, vector<16xf32>,
            %get3A_1535 = arith.index_cast %sub3A_1530 : i32 to index
            %get3A_1536 = tpu.vector_load %arg8[%get3A_1535] {strides = array<i32>} : memref<16400xf32, #tpu.memory_space<vmem>>, vector<16xf32>,
            %get3A_1537 = arith.index_cast %sub3A_1530 : i32 to index
            %get3A_1538 = tpu.vector_load %arg9[%get3A_1537] {strides = array<i32>} : memref<16400xf32, #tpu.memory_space<vmem>>, vector<16xf32>,
            %add3A_1539 = arith.constant 114 : i32
            %add3A_1540 = arith.addi %add3A_483, %add3A_1539 : i32
            %add3A_1541 = arith.constant 1 : i32
            %add3A_1542 = arith.addi %add3A_1540, %add3A_1541 : i32
            %sub3A_1543 = arith.constant 1 : i32
            %sub3A_1544 = arith.subi %add3A_1542, %sub3A_1543 : i32
            %get3A_1545 = arith.index_cast %sub3A_1544 : i32 to index
            %get3A_1546 = tpu.vector_load %arg6[%get3A_1545] {strides = array<i32>} : memref<16400xf32, #tpu.memory_space<vmem>>, vector<16xf32>,
            %get3A_1547 = arith.index_cast %sub3A_1544 : i32 to index
            %get3A_1548 = tpu.vector_load %arg7[%get3A_1547] {strides = array<i32>} : memref<16400xf32, #tpu.memory_space<vmem>>, vector<16xf32>,
            %get3A_1549 = arith.index_cast %sub3A_1544 : i32 to index
            %get3A_1550 = tpu.vector_load %arg8[%get3A_1549] {strides = array<i32>} : memref<16400xf32, #tpu.memory_space<vmem>>, vector<16xf32>,
            %get3A_1551 = arith.index_cast %sub3A_1544 : i32 to index
            %get3A_1552 = tpu.vector_load %arg9[%get3A_1551] {strides = array<i32>} : memref<16400xf32, #tpu.memory_space<vmem>>, vector<16xf32>,
            %and3A_1553 = arith.andi %and3A_449, %and3A_199 : vector<16xi1>
            %broadcast_in_dim3A_1554 = arith.constant 0 : i32
            %broadcast_in_dim3A_1555 = vector.broadcast %broadcast_in_dim3A_1554 : i32 to vector<16xi32>
            %select_n3A_1556 = arith.select %and3A_1553, %get3A_1504, %broadcast_in_dim3A_358 : vector<16xi1>, vector<16xf32>
            tpu.vector_store_idx %arg4[%add3A_1496, %broadcast_in_dim3A_1555], %select_n3A_1556 : memref<650x17xf32, #tpu.memory_space<vmem>>[vector<16xi32>, vector<16xi32>], vector<16xf32>,
            %and3A_1557 = arith.andi %and3A_449, %and3A_199 : vector<16xi1>
            %broadcast_in_dim3A_1558 = arith.constant 1 : i32
            %broadcast_in_dim3A_1559 = vector.broadcast %broadcast_in_dim3A_1558 : i32 to vector<16xi32>
            %select_n3A_1560 = arith.select %and3A_1557, %get3A_1506, %broadcast_in_dim3A_358 : vector<16xi1>, vector<16xf32>
            tpu.vector_store_idx %arg4[%add3A_1496, %broadcast_in_dim3A_1559], %select_n3A_1560 : memref<650x17xf32, #tpu.memory_space<vmem>>[vector<16xi32>, vector<16xi32>], vector<16xf32>,
            %and3A_1561 = arith.andi %and3A_449, %and3A_206 : vector<16xi1>
            %broadcast_in_dim3A_1562 = arith.constant 2 : i32
            %broadcast_in_dim3A_1563 = vector.broadcast %broadcast_in_dim3A_1562 : i32 to vector<16xi32>
            %select_n3A_1564 = arith.select %and3A_1561, %get3A_1518, %broadcast_in_dim3A_358 : vector<16xi1>, vector<16xf32>
            tpu.vector_store_idx %arg4[%add3A_1496, %broadcast_in_dim3A_1563], %select_n3A_1564 : memref<650x17xf32, #tpu.memory_space<vmem>>[vector<16xi32>, vector<16xi32>], vector<16xf32>,
            %and3A_1565 = arith.andi %and3A_449, %and3A_206 : vector<16xi1>
            %broadcast_in_dim3A_1566 = arith.constant 3 : i32
            %broadcast_in_dim3A_1567 = vector.broadcast %broadcast_in_dim3A_1566 : i32 to vector<16xi32>
            %select_n3A_1568 = arith.select %and3A_1565, %get3A_1520, %broadcast_in_dim3A_358 : vector<16xi1>, vector<16xf32>
            tpu.vector_store_idx %arg4[%add3A_1496, %broadcast_in_dim3A_1567], %select_n3A_1568 : memref<650x17xf32, #tpu.memory_space<vmem>>[vector<16xi32>, vector<16xi32>], vector<16xf32>,
            %and3A_1569 = arith.andi %and3A_474, %and3A_199 : vector<16xi1>
            %broadcast_in_dim3A_1570 = arith.constant 4 : i32
            %broadcast_in_dim3A_1571 = vector.broadcast %broadcast_in_dim3A_1570 : i32 to vector<16xi32>
            %select_n3A_1572 = arith.select %and3A_1569, %get3A_1532, %broadcast_in_dim3A_358 : vector<16xi1>, vector<16xf32>
            tpu.vector_store_idx %arg4[%add3A_1496, %broadcast_in_dim3A_1571], %select_n3A_1572 : memref<650x17xf32, #tpu.memory_space<vmem>>[vector<16xi32>, vector<16xi32>], vector<16xf32>,
            %and3A_1573 = arith.andi %and3A_474, %and3A_199 : vector<16xi1>
            %broadcast_in_dim3A_1574 = arith.constant 5 : i32
            %broadcast_in_dim3A_1575 = vector.broadcast %broadcast_in_dim3A_1574 : i32 to vector<16xi32>
            %select_n3A_1576 = arith.select %and3A_1573, %get3A_1534, %broadcast_in_dim3A_358 : vector<16xi1>, vector<16xf32>
            tpu.vector_store_idx %arg4[%add3A_1496, %broadcast_in_dim3A_1575], %select_n3A_1576 : memref<650x17xf32, #tpu.memory_space<vmem>>[vector<16xi32>, vector<16xi32>], vector<16xf32>,
            %and3A_1577 = arith.andi %and3A_474, %and3A_206 : vector<16xi1>
            %broadcast_in_dim3A_1578 = arith.constant 6 : i32
            %broadcast_in_dim3A_1579 = vector.broadcast %broadcast_in_dim3A_1578 : i32 to vector<16xi32>
            %select_n3A_1580 = arith.select %and3A_1577, %get3A_1546, %broadcast_in_dim3A_358 : vector<16xi1>, vector<16xf32>
            tpu.vector_store_idx %arg4[%add3A_1496, %broadcast_in_dim3A_1579], %select_n3A_1580 : memref<650x17xf32, #tpu.memory_space<vmem>>[vector<16xi32>, vector<16xi32>], vector<16xf32>,
            %and3A_1581 = arith.andi %and3A_474, %and3A_206 : vector<16xi1>
            %broadcast_in_dim3A_1582 = arith.constant 7 : i32
            %broadcast_in_dim3A_1583 = vector.broadcast %broadcast_in_dim3A_1582 : i32 to vector<16xi32>
            %select_n3A_1584 = arith.select %and3A_1581, %get3A_1548, %broadcast_in_dim3A_358 : vector<16xi1>, vector<16xf32>
            tpu.vector_store_idx %arg4[%add3A_1496, %broadcast_in_dim3A_1583], %select_n3A_1584 : memref<650x17xf32, #tpu.memory_space<vmem>>[vector<16xi32>, vector<16xi32>], vector<16xf32>,
            %and3A_1585 = arith.andi %and3A_450, %and3A_199 : vector<16xi1>
            %broadcast_in_dim3A_1586 = arith.constant 8 : i32
            %broadcast_in_dim3A_1587 = vector.broadcast %broadcast_in_dim3A_1586 : i32 to vector<16xi32>
            %select_n3A_1588 = arith.select %and3A_1585, %get3A_1508, %broadcast_in_dim3A_358 : vector<16xi1>, vector<16xf32>
            tpu.vector_store_idx %arg4[%add3A_1496, %broadcast_in_dim3A_1587], %select_n3A_1588 : memref<650x17xf32, #tpu.memory_space<vmem>>[vector<16xi32>, vector<16xi32>], vector<16xf32>,
            %and3A_1589 = arith.andi %and3A_450, %and3A_199 : vector<16xi1>
            %broadcast_in_dim3A_1590 = arith.constant 9 : i32
            %broadcast_in_dim3A_1591 = vector.broadcast %broadcast_in_dim3A_1590 : i32 to vector<16xi32>
            %select_n3A_1592 = arith.select %and3A_1589, %get3A_1510, %broadcast_in_dim3A_358 : vector<16xi1>, vector<16xf32>
            tpu.vector_store_idx %arg4[%add3A_1496, %broadcast_in_dim3A_1591], %select_n3A_1592 : memref<650x17xf32, #tpu.memory_space<vmem>>[vector<16xi32>, vector<16xi32>], vector<16xf32>,
            %and3A_1593 = arith.andi %and3A_450, %and3A_206 : vector<16xi1>
            %broadcast_in_dim3A_1594 = arith.constant 10 : i32
            %broadcast_in_dim3A_1595 = vector.broadcast %broadcast_in_dim3A_1594 : i32 to vector<16xi32>
            %select_n3A_1596 = arith.select %and3A_1593, %get3A_1522, %broadcast_in_dim3A_358 : vector<16xi1>, vector<16xf32>
            tpu.vector_store_idx %arg4[%add3A_1496, %broadcast_in_dim3A_1595], %select_n3A_1596 : memref<650x17xf32, #tpu.memory_space<vmem>>[vector<16xi32>, vector<16xi32>], vector<16xf32>,
            %and3A_1597 = arith.andi %and3A_450, %and3A_206 : vector<16xi1>
            %broadcast_in_dim3A_1598 = arith.constant 11 : i32
            %broadcast_in_dim3A_1599 = vector.broadcast %broadcast_in_dim3A_1598 : i32 to vector<16xi32>
            %select_n3A_1600 = arith.select %and3A_1597, %get3A_1524, %broadcast_in_dim3A_358 : vector<16xi1>, vector<16xf32>
            tpu.vector_store_idx %arg4[%add3A_1496, %broadcast_in_dim3A_1599], %select_n3A_1600 : memref<650x17xf32, #tpu.memory_space<vmem>>[vector<16xi32>, vector<16xi32>], vector<16xf32>,
            %and3A_1601 = arith.andi %and3A_475, %and3A_199 : vector<16xi1>
            %broadcast_in_dim3A_1602 = arith.constant 12 : i32
            %broadcast_in_dim3A_1603 = vector.broadcast %broadcast_in_dim3A_1602 : i32 to vector<16xi32>
            %select_n3A_1604 = arith.select %and3A_1601, %get3A_1536, %broadcast_in_dim3A_358 : vector<16xi1>, vector<16xf32>
            tpu.vector_store_idx %arg4[%add3A_1496, %broadcast_in_dim3A_1603], %select_n3A_1604 : memref<650x17xf32, #tpu.memory_space<vmem>>[vector<16xi32>, vector<16xi32>], vector<16xf32>,
            %and3A_1605 = arith.andi %and3A_475, %and3A_199 : vector<16xi1>
            %broadcast_in_dim3A_1606 = arith.constant 13 : i32
            %broadcast_in_dim3A_1607 = vector.broadcast %broadcast_in_dim3A_1606 : i32 to vector<16xi32>
            %select_n3A_1608 = arith.select %and3A_1605, %get3A_1538, %broadcast_in_dim3A_358 : vector<16xi1>, vector<16xf32>
            tpu.vector_store_idx %arg4[%add3A_1496, %broadcast_in_dim3A_1607], %select_n3A_1608 : memref<650x17xf32, #tpu.memory_space<vmem>>[vector<16xi32>, vector<16xi32>], vector<16xf32>,
            %and3A_1609 = arith.andi %and3A_475, %and3A_206 : vector<16xi1>
            %broadcast_in_dim3A_1610 = arith.constant 14 : i32
            %broadcast_in_dim3A_1611 = vector.broadcast %broadcast_in_dim3A_1610 : i32 to vector<16xi32>
            %select_n3A_1612 = arith.select %and3A_1609, %get3A_1550, %broadcast_in_dim3A_358 : vector<16xi1>, vector<16xf32>
            tpu.vector_store_idx %arg4[%add3A_1496, %broadcast_in_dim3A_1611], %select_n3A_1612 : memref<650x17xf32, #tpu.memory_space<vmem>>[vector<16xi32>, vector<16xi32>], vector<16xf32>,
            %and3A_1613 = arith.andi %and3A_475, %and3A_206 : vector<16xi1>
            %broadcast_in_dim3A_1614 = arith.constant 15 : i32
            %broadcast_in_dim3A_1615 = vector.broadcast %broadcast_in_dim3A_1614 : i32 to vector<16xi32>
            %select_n3A_1616 = arith.select %and3A_1613, %get3A_1552, %broadcast_in_dim3A_358 : vector<16xi1>, vector<16xf32>
            tpu.vector_store_idx %arg4[%add3A_1496, %broadcast_in_dim3A_1615], %select_n3A_1616 : memref<650x17xf32, #tpu.memory_space<vmem>>[vector<16xi32>, vector<16xi32>], vector<16xf32>,
          }
          %scan3A_393 = arith.constant 5 : i32
          %mul3A_394 = arith.constant 16900 : i32
          %mul3A_395 = arith.muli %add3A_214, %mul3A_394 : i32
          %mul3A_396 = arith.constant 5 : i32
          %mul3A_397 = arith.muli %add3A_384, %mul3A_396 : i32
          %mul3A_398 = arith.constant 130 : i32
          %mul3A_399 = arith.muli %mul3A_397, %mul3A_398 : i32
          %add3A_400 = arith.addi %mul3A_395, %mul3A_399 : i32
          %dma_start3A_401 = arith.constant 0 : i32
          %dma_start3A_402 = tpu.memref_slice %arg3[%add3A_400, %dma_start3A_401] : memref<4394000x17xf32, #tpu.memory_space<hbm>> -> memref<650x17xf32, #tpu.memory_space<hbm>>
          %dma_start3A_403 = arith.constant 0 : i32
          %dma_start3A_404 = tpu.memref_slice %arg3[%add3A_400, %dma_start3A_403] : memref<4394000x17xf32, #tpu.memory_space<hbm>> -> memref<650x17xf32, #tpu.memory_space<hbm>>
          tpu.enqueue_dma source(%arg4 : memref<650x17xf32, #tpu.memory_space<vmem>>) target(%dma_start3A_404 : memref<650x17xf32, #tpu.memory_space<hbm>>) target_semaphore(%arg11 : memref<!tpu.dma_semaphore, #tpu.memory_space<semaphore_mem>>)
          %mul3A_405 = arith.constant 2 : i32
          %mul3A_406 = arith.muli %mul3A_405, %scan3A_380 : i32
          %add3A_407 = arith.constant 1 : i32
          %add3A_408 = arith.addi %mul3A_406, %add3A_407 : i32
          %gt3A_409 = arith.constant 0 : i32
          %gt3A_410 = arith.cmpi sgt, %scan3A_380, %gt3A_409 : i32
          %convert_element_type3A_411 = arith.extui %gt3A_410 : i1 to i32
          %cond3A_412 = arith.constant 0 : i32
          %cond3A_413 = arith.cmpi ne, %convert_element_type3A_411, %cond3A_412 : i32
          scf.if %cond3A_413 {
            %mul3A_430 = arith.constant 16900 : i32
            %mul3A_431 = arith.muli %add3A_214, %mul3A_430 : i32
            %sub3A_432 = arith.constant 2 : i32
            %sub3A_433 = arith.subi %add3A_408, %sub3A_432 : i32
            %mul3A_434 = arith.constant 5 : i32
            %mul3A_435 = arith.muli %sub3A_433, %mul3A_434 : i32
            %mul3A_436 = arith.constant 130 : i32
            %mul3A_437 = arith.muli %mul3A_435, %mul3A_436 : i32
            %add3A_438 = arith.addi %mul3A_431, %mul3A_437 : i32
            %dma_wait3A_439 = arith.constant 0 : i32
            %dma_wait3A_440 = tpu.memref_slice %arg3[%add3A_438, %dma_wait3A_439] : memref<4394000x17xf32, #tpu.memory_space<hbm>> -> memref<650x17xf32, #tpu.memory_space<hbm>>
            %dma_wait3A_441 = arith.constant 0 : i32
            %dma_wait3A_442 = tpu.memref_slice %arg3[%add3A_438, %dma_wait3A_441] : memref<4394000x17xf32, #tpu.memory_space<hbm>> -> memref<650x17xf32, #tpu.memory_space<hbm>>
            tpu.wait_dma2 semaphore(%arg12 : memref<!tpu.dma_semaphore, #tpu.memory_space<semaphore_mem>>) src(%arg5 : memref<650x17xf32, #tpu.memory_space<vmem>>) dst(%dma_wait3A_442 : memref<650x17xf32, #tpu.memory_space<hbm>>)
          } else {
          }
          %scan3A_414 = arith.constant 0 : i32
          %scan3A_415 = arith.constant 5 : i32
          %scan3A_416 = arith.addi %scan3A_414, %scan3A_415 : i32
          %scan3A_417 = arith.constant 1 : i32
          scf.for %scan3A_430 = %scan3A_414 to %scan3A_416 step %scan3A_417  : i32 {
            %mul3A_431 = arith.constant 5 : i32
            %mul3A_432 = arith.muli %add3A_408, %mul3A_431 : i32
            %add3A_433 = arith.addi %mul3A_432, %scan3A_430 : i32
            %add3A_434 = arith.constant 0 : i32
            %add3A_435 = arith.addi %add3A_433, %add3A_434 : i32
            %sub3A_436 = arith.constant 1 : i32
            %sub3A_437 = arith.subi %add3A_435, %sub3A_436 : i32
            %mul3A_438 = vector.broadcast %sub3A_437 : i32 to vector<16xi32>
            %mul3A_439 = arith.muli %mul3A_438, %broadcast_in_dim3A_340 : vector<16xi32>
            %ge3A_440 = arith.constant 0 : i32
            %ge3A_441 = vector.broadcast %ge3A_440 : i32 to vector<16xi32>
            %ge3A_442 = arith.cmpi sge, %mul3A_439, %ge3A_441 : vector<16xi32>
            %mul3A_443 = vector.broadcast %sub3A_437 : i32 to vector<16xi32>
            %mul3A_444 = arith.muli %mul3A_443, %broadcast_in_dim3A_340 : vector<16xi32>
            %le3A_445 = arith.constant 127 : i32
            %le3A_446 = vector.broadcast %le3A_445 : i32 to vector<16xi32>
            %le3A_447 = arith.cmpi sle, %mul3A_444, %le3A_446 : vector<16xi32>
            %and3A_448 = arith.andi %ge3A_442, %le3A_447 : vector<16xi1>
            %and3A_449 = arith.andi %and3A_448, %and3A_351 : vector<16xi1>
            %and3A_450 = arith.andi %and3A_448, %le3A_356 : vector<16xi1>
            %jit3A_451 = arith.constant 0 : i32
            %jit3A_452 = arith.constant 127 : i32
            %max3A_453 = arith.maxsi %jit3A_451, %sub3A_437 : i32
            %min3A_454 = arith.minsi %jit3A_452, %max3A_453 : i32
            %mul3A_455 = arith.constant 128 : i32
            %mul3A_456 = arith.muli %min3A_454, %mul3A_455 : i32
            %add3A_457 = arith.constant 8 : i32
            %add3A_458 = arith.addi %mul3A_456, %add3A_457 : i32
            %add3A_459 = arith.constant 1 : i32
            %add3A_460 = arith.addi %add3A_433, %add3A_459 : i32
            %sub3A_461 = arith.constant 1 : i32
            %sub3A_462 = arith.subi %add3A_460, %sub3A_461 : i32
            %mul3A_463 = vector.broadcast %sub3A_462 : i32 to vector<16xi32>
            %mul3A_464 = arith.muli %mul3A_463, %broadcast_in_dim3A_340 : vector<16xi32>
            %ge3A_465 = arith.constant 0 : i32
            %ge3A_466 = vector.broadcast %ge3A_465 : i32 to vector<16xi32>
            %ge3A_467 = arith.cmpi sge, %mul3A_464, %ge3A_466 : vector<16xi32>
            %mul3A_468 = vector.broadcast %sub3A_462 : i32 to vector<16xi32>
            %mul3A_469 = arith.muli %mul3A_468, %broadcast_in_dim3A_340 : vector<16xi32>
            %le3A_470 = arith.constant 127 : i32
            %le3A_471 = vector.broadcast %le3A_470 : i32 to vector<16xi32>
            %le3A_472 = arith.cmpi sle, %mul3A_469, %le3A_471 : vector<16xi32>
            %and3A_473 = arith.andi %ge3A_467, %le3A_472 : vector<16xi1>
            %and3A_474 = arith.andi %and3A_473, %and3A_351 : vector<16xi1>
            %and3A_475 = arith.andi %and3A_473, %le3A_356 : vector<16xi1>
            %jit3A_476 = arith.constant 0 : i32
            %jit3A_477 = arith.constant 127 : i32
            %max3A_478 = arith.maxsi %jit3A_476, %sub3A_462 : i32
            %min3A_479 = arith.minsi %jit3A_477, %max3A_478 : i32
            %mul3A_480 = arith.constant 128 : i32
            %mul3A_481 = arith.muli %min3A_479, %mul3A_480 : i32
            %add3A_482 = arith.constant 8 : i32
            %add3A_483 = arith.addi %mul3A_481, %add3A_482 : i32
            %mul3A_484 = arith.constant 130 : i32
            %mul3A_485 = arith.muli %scan3A_430, %mul3A_484 : i32
            %add3A_486 = arith.constant 0 : i32
            %add3A_487 = arith.addi %mul3A_485, %add3A_486 : i32
            %add3A_488 = vector.broadcast %add3A_487 : i32 to vector<16xi32>
            %add3A_489 = arith.addi %add3A_488, %iota3A : vector<16xi32>
            %add3A_490 = arith.constant 0 : i32
            %add3A_491 = arith.addi %add3A_458, %add3A_490 : i32
            %add3A_492 = arith.constant 0 : i32
            %add3A_493 = arith.addi %add3A_491, %add3A_492 : i32
            %sub3A_494 = arith.constant 1 : i32
            %sub3A_495 = arith.subi %add3A_493, %sub3A_494 : i32
            %get3A = arith.index_cast %sub3A_495 : i32 to index
            %get3A_496 = tpu.vector_load %arg6[%get3A] {strides = array<i32>} : memref<16400xf32, #tpu.memory_space<vmem>>, vector<16xf32>,
            %get3A_497 = arith.index_cast %sub3A_495 : i32 to index
            %get3A_498 = tpu.vector_load %arg7[%get3A_497] {strides = array<i32>} : memref<16400xf32, #tpu.memory_space<vmem>>, vector<16xf32>,
            %get3A_499 = arith.index_cast %sub3A_495 : i32 to index
            %get3A_500 = tpu.vector_load %arg8[%get3A_499] {strides = array<i32>} : memref<16400xf32, #tpu.memory_space<vmem>>, vector<16xf32>,
            %get3A_501 = arith.index_cast %sub3A_495 : i32 to index
            %get3A_502 = tpu.vector_load %arg9[%get3A_501] {strides = array<i32>} : memref<16400xf32, #tpu.memory_space<vmem>>, vector<16xf32>,
            %add3A_503 = arith.constant 0 : i32
            %add3A_504 = arith.addi %add3A_458, %add3A_503 : i32
            %add3A_505 = arith.constant 1 : i32
            %add3A_506 = arith.addi %add3A_504, %add3A_505 : i32
            %sub3A_507 = arith.constant 1 : i32
            %sub3A_508 = arith.subi %add3A_506, %sub3A_507 : i32
            %get3A_509 = arith.index_cast %sub3A_508 : i32 to index
            %get3A_510 = tpu.vector_load %arg6[%get3A_509] {strides = array<i32>} : memref<16400xf32, #tpu.memory_space<vmem>>, vector<16xf32>,
            %get3A_511 = arith.index_cast %sub3A_508 : i32 to index
            %get3A_512 = tpu.vector_load %arg7[%get3A_511] {strides = array<i32>} : memref<16400xf32, #tpu.memory_space<vmem>>, vector<16xf32>,
            %get3A_513 = arith.index_cast %sub3A_508 : i32 to index
            %get3A_514 = tpu.vector_load %arg8[%get3A_513] {strides = array<i32>} : memref<16400xf32, #tpu.memory_space<vmem>>, vector<16xf32>,
            %get3A_515 = arith.index_cast %sub3A_508 : i32 to index
            %get3A_516 = tpu.vector_load %arg9[%get3A_515] {strides = array<i32>} : memref<16400xf32, #tpu.memory_space<vmem>>, vector<16xf32>,
            %add3A_517 = arith.constant 0 : i32
            %add3A_518 = arith.addi %add3A_483, %add3A_517 : i32
            %add3A_519 = arith.constant 0 : i32
            %add3A_520 = arith.addi %add3A_518, %add3A_519 : i32
            %sub3A_521 = arith.constant 1 : i32
            %sub3A_522 = arith.subi %add3A_520, %sub3A_521 : i32
            %get3A_523 = arith.index_cast %sub3A_522 : i32 to index
            %get3A_524 = tpu.vector_load %arg6[%get3A_523] {strides = array<i32>} : memref<16400xf32, #tpu.memory_space<vmem>>, vector<16xf32>,
            %get3A_525 = arith.index_cast %sub3A_522 : i32 to index
            %get3A_526 = tpu.vector_load %arg7[%get3A_525] {strides = array<i32>} : memref<16400xf32, #tpu.memory_space<vmem>>, vector<16xf32>,
            %get3A_527 = arith.index_cast %sub3A_522 : i32 to index
            %get3A_528 = tpu.vector_load %arg8[%get3A_527] {strides = array<i32>} : memref<16400xf32, #tpu.memory_space<vmem>>, vector<16xf32>,
            %get3A_529 = arith.index_cast %sub3A_522 : i32 to index
            %get3A_530 = tpu.vector_load %arg9[%get3A_529] {strides = array<i32>} : memref<16400xf32, #tpu.memory_space<vmem>>, vector<16xf32>,
            %add3A_531 = arith.constant 0 : i32
            %add3A_532 = arith.addi %add3A_483, %add3A_531 : i32
            %add3A_533 = arith.constant 1 : i32
            %add3A_534 = arith.addi %add3A_532, %add3A_533 : i32
            %sub3A_535 = arith.constant 1 : i32
            %sub3A_536 = arith.subi %add3A_534, %sub3A_535 : i32
            %get3A_537 = arith.index_cast %sub3A_536 : i32 to index
            %get3A_538 = tpu.vector_load %arg6[%get3A_537] {strides = array<i32>} : memref<16400xf32, #tpu.memory_space<vmem>>, vector<16xf32>,
            %get3A_539 = arith.index_cast %sub3A_536 : i32 to index
            %get3A_540 = tpu.vector_load %arg7[%get3A_539] {strides = array<i32>} : memref<16400xf32, #tpu.memory_space<vmem>>, vector<16xf32>,
            %get3A_541 = arith.index_cast %sub3A_536 : i32 to index
            %get3A_542 = tpu.vector_load %arg8[%get3A_541] {strides = array<i32>} : memref<16400xf32, #tpu.memory_space<vmem>>, vector<16xf32>,
            %get3A_543 = arith.index_cast %sub3A_536 : i32 to index
            %get3A_544 = tpu.vector_load %arg9[%get3A_543] {strides = array<i32>} : memref<16400xf32, #tpu.memory_space<vmem>>, vector<16xf32>,
            %and3A_545 = arith.andi %and3A_449, %and3A : vector<16xi1>
            %broadcast_in_dim3A_546 = arith.constant 0 : i32
            %broadcast_in_dim3A_547 = vector.broadcast %broadcast_in_dim3A_546 : i32 to vector<16xi32>
            %select_n3A_548 = arith.select %and3A_545, %get3A_496, %broadcast_in_dim3A_358 : vector<16xi1>, vector<16xf32>
            tpu.vector_store_idx %arg5[%add3A_489, %broadcast_in_dim3A_547], %select_n3A_548 : memref<650x17xf32, #tpu.memory_space<vmem>>[vector<16xi32>, vector<16xi32>], vector<16xf32>,
            %and3A_549 = arith.andi %and3A_449, %and3A : vector<16xi1>
            %broadcast_in_dim3A_550 = arith.constant 1 : i32
            %broadcast_in_dim3A_551 = vector.broadcast %broadcast_in_dim3A_550 : i32 to vector<16xi32>
            %select_n3A_552 = arith.select %and3A_549, %get3A_498, %broadcast_in_dim3A_358 : vector<16xi1>, vector<16xf32>
            tpu.vector_store_idx %arg5[%add3A_489, %broadcast_in_dim3A_551], %select_n3A_552 : memref<650x17xf32, #tpu.memory_space<vmem>>[vector<16xi32>, vector<16xi32>], vector<16xf32>,
            %and3A_553 = arith.andi %and3A_449, %and3A_22 : vector<16xi1>
            %broadcast_in_dim3A_554 = arith.constant 2 : i32
            %broadcast_in_dim3A_555 = vector.broadcast %broadcast_in_dim3A_554 : i32 to vector<16xi32>
            %select_n3A_556 = arith.select %and3A_553, %get3A_510, %broadcast_in_dim3A_358 : vector<16xi1>, vector<16xf32>
            tpu.vector_store_idx %arg5[%add3A_489, %broadcast_in_dim3A_555], %select_n3A_556 : memref<650x17xf32, #tpu.memory_space<vmem>>[vector<16xi32>, vector<16xi32>], vector<16xf32>,
            %and3A_557 = arith.andi %and3A_449, %and3A_22 : vector<16xi1>
            %broadcast_in_dim3A_558 = arith.constant 3 : i32
            %broadcast_in_dim3A_559 = vector.broadcast %broadcast_in_dim3A_558 : i32 to vector<16xi32>
            %select_n3A_560 = arith.select %and3A_557, %get3A_512, %broadcast_in_dim3A_358 : vector<16xi1>, vector<16xf32>
            tpu.vector_store_idx %arg5[%add3A_489, %broadcast_in_dim3A_559], %select_n3A_560 : memref<650x17xf32, #tpu.memory_space<vmem>>[vector<16xi32>, vector<16xi32>], vector<16xf32>,
            %and3A_561 = arith.andi %and3A_474, %and3A : vector<16xi1>
            %broadcast_in_dim3A_562 = arith.constant 4 : i32
            %broadcast_in_dim3A_563 = vector.broadcast %broadcast_in_dim3A_562 : i32 to vector<16xi32>
            %select_n3A_564 = arith.select %and3A_561, %get3A_524, %broadcast_in_dim3A_358 : vector<16xi1>, vector<16xf32>
            tpu.vector_store_idx %arg5[%add3A_489, %broadcast_in_dim3A_563], %select_n3A_564 : memref<650x17xf32, #tpu.memory_space<vmem>>[vector<16xi32>, vector<16xi32>], vector<16xf32>,
            %and3A_565 = arith.andi %and3A_474, %and3A : vector<16xi1>
            %broadcast_in_dim3A_566 = arith.constant 5 : i32
            %broadcast_in_dim3A_567 = vector.broadcast %broadcast_in_dim3A_566 : i32 to vector<16xi32>
            %select_n3A_568 = arith.select %and3A_565, %get3A_526, %broadcast_in_dim3A_358 : vector<16xi1>, vector<16xf32>
            tpu.vector_store_idx %arg5[%add3A_489, %broadcast_in_dim3A_567], %select_n3A_568 : memref<650x17xf32, #tpu.memory_space<vmem>>[vector<16xi32>, vector<16xi32>], vector<16xf32>,
            %and3A_569 = arith.andi %and3A_474, %and3A_22 : vector<16xi1>
            %broadcast_in_dim3A_570 = arith.constant 6 : i32
            %broadcast_in_dim3A_571 = vector.broadcast %broadcast_in_dim3A_570 : i32 to vector<16xi32>
            %select_n3A_572 = arith.select %and3A_569, %get3A_538, %broadcast_in_dim3A_358 : vector<16xi1>, vector<16xf32>
            tpu.vector_store_idx %arg5[%add3A_489, %broadcast_in_dim3A_571], %select_n3A_572 : memref<650x17xf32, #tpu.memory_space<vmem>>[vector<16xi32>, vector<16xi32>], vector<16xf32>,
            %and3A_573 = arith.andi %and3A_474, %and3A_22 : vector<16xi1>
            %broadcast_in_dim3A_574 = arith.constant 7 : i32
            %broadcast_in_dim3A_575 = vector.broadcast %broadcast_in_dim3A_574 : i32 to vector<16xi32>
            %select_n3A_576 = arith.select %and3A_573, %get3A_540, %broadcast_in_dim3A_358 : vector<16xi1>, vector<16xf32>
            tpu.vector_store_idx %arg5[%add3A_489, %broadcast_in_dim3A_575], %select_n3A_576 : memref<650x17xf32, #tpu.memory_space<vmem>>[vector<16xi32>, vector<16xi32>], vector<16xf32>,
            %and3A_577 = arith.andi %and3A_450, %and3A : vector<16xi1>
            %broadcast_in_dim3A_578 = arith.constant 8 : i32
            %broadcast_in_dim3A_579 = vector.broadcast %broadcast_in_dim3A_578 : i32 to vector<16xi32>
            %select_n3A_580 = arith.select %and3A_577, %get3A_500, %broadcast_in_dim3A_358 : vector<16xi1>, vector<16xf32>
            tpu.vector_store_idx %arg5[%add3A_489, %broadcast_in_dim3A_579], %select_n3A_580 : memref<650x17xf32, #tpu.memory_space<vmem>>[vector<16xi32>, vector<16xi32>], vector<16xf32>,
            %and3A_581 = arith.andi %and3A_450, %and3A : vector<16xi1>
            %broadcast_in_dim3A_582 = arith.constant 9 : i32
            %broadcast_in_dim3A_583 = vector.broadcast %broadcast_in_dim3A_582 : i32 to vector<16xi32>
            %select_n3A_584 = arith.select %and3A_581, %get3A_502, %broadcast_in_dim3A_358 : vector<16xi1>, vector<16xf32>
            tpu.vector_store_idx %arg5[%add3A_489, %broadcast_in_dim3A_583], %select_n3A_584 : memref<650x17xf32, #tpu.memory_space<vmem>>[vector<16xi32>, vector<16xi32>], vector<16xf32>,
            %and3A_585 = arith.andi %and3A_450, %and3A_22 : vector<16xi1>
            %broadcast_in_dim3A_586 = arith.constant 10 : i32
            %broadcast_in_dim3A_587 = vector.broadcast %broadcast_in_dim3A_586 : i32 to vector<16xi32>
            %select_n3A_588 = arith.select %and3A_585, %get3A_514, %broadcast_in_dim3A_358 : vector<16xi1>, vector<16xf32>
            tpu.vector_store_idx %arg5[%add3A_489, %broadcast_in_dim3A_587], %select_n3A_588 : memref<650x17xf32, #tpu.memory_space<vmem>>[vector<16xi32>, vector<16xi32>], vector<16xf32>,
            %and3A_589 = arith.andi %and3A_450, %and3A_22 : vector<16xi1>
            %broadcast_in_dim3A_590 = arith.constant 11 : i32
            %broadcast_in_dim3A_591 = vector.broadcast %broadcast_in_dim3A_590 : i32 to vector<16xi32>
            %select_n3A_592 = arith.select %and3A_589, %get3A_516, %broadcast_in_dim3A_358 : vector<16xi1>, vector<16xf32>
            tpu.vector_store_idx %arg5[%add3A_489, %broadcast_in_dim3A_591], %select_n3A_592 : memref<650x17xf32, #tpu.memory_space<vmem>>[vector<16xi32>, vector<16xi32>], vector<16xf32>,
            %and3A_593 = arith.andi %and3A_475, %and3A : vector<16xi1>
            %broadcast_in_dim3A_594 = arith.constant 12 : i32
            %broadcast_in_dim3A_595 = vector.broadcast %broadcast_in_dim3A_594 : i32 to vector<16xi32>
            %select_n3A_596 = arith.select %and3A_593, %get3A_528, %broadcast_in_dim3A_358 : vector<16xi1>, vector<16xf32>
            tpu.vector_store_idx %arg5[%add3A_489, %broadcast_in_dim3A_595], %select_n3A_596 : memref<650x17xf32, #tpu.memory_space<vmem>>[vector<16xi32>, vector<16xi32>], vector<16xf32>,
            %and3A_597 = arith.andi %and3A_475, %and3A : vector<16xi1>
            %broadcast_in_dim3A_598 = arith.constant 13 : i32
            %broadcast_in_dim3A_599 = vector.broadcast %broadcast_in_dim3A_598 : i32 to vector<16xi32>
            %select_n3A_600 = arith.select %and3A_597, %get3A_530, %broadcast_in_dim3A_358 : vector<16xi1>, vector<16xf32>
            tpu.vector_store_idx %arg5[%add3A_489, %broadcast_in_dim3A_599], %select_n3A_600 : memref<650x17xf32, #tpu.memory_space<vmem>>[vector<16xi32>, vector<16xi32>], vector<16xf32>,
            %and3A_601 = arith.andi %and3A_475, %and3A_22 : vector<16xi1>
            %broadcast_in_dim3A_602 = arith.constant 14 : i32
            %broadcast_in_dim3A_603 = vector.broadcast %broadcast_in_dim3A_602 : i32 to vector<16xi32>
            %select_n3A_604 = arith.select %and3A_601, %get3A_542, %broadcast_in_dim3A_358 : vector<16xi1>, vector<16xf32>
            tpu.vector_store_idx %arg5[%add3A_489, %broadcast_in_dim3A_603], %select_n3A_604 : memref<650x17xf32, #tpu.memory_space<vmem>>[vector<16xi32>, vector<16xi32>], vector<16xf32>,
            %and3A_605 = arith.andi %and3A_475, %and3A_22 : vector<16xi1>
            %broadcast_in_dim3A_606 = arith.constant 15 : i32
            %broadcast_in_dim3A_607 = vector.broadcast %broadcast_in_dim3A_606 : i32 to vector<16xi32>
            %select_n3A_608 = arith.select %and3A_605, %get3A_544, %broadcast_in_dim3A_358 : vector<16xi1>, vector<16xf32>
            tpu.vector_store_idx %arg5[%add3A_489, %broadcast_in_dim3A_607], %select_n3A_608 : memref<650x17xf32, #tpu.memory_space<vmem>>[vector<16xi32>, vector<16xi32>], vector<16xf32>,
            %mul3A_609 = arith.constant 130 : i32
            %mul3A_610 = arith.muli %scan3A_430, %mul3A_609 : i32
            %add3A_611 = arith.constant 16 : i32
            %add3A_612 = arith.addi %mul3A_610, %add3A_611 : i32
            %add3A_613 = vector.broadcast %add3A_612 : i32 to vector<16xi32>
            %add3A_614 = arith.addi %add3A_613, %iota3A : vector<16xi32>
            %add3A_615 = arith.constant 16 : i32
            %add3A_616 = arith.addi %add3A_458, %add3A_615 : i32
            %add3A_617 = arith.constant 0 : i32
            %add3A_618 = arith.addi %add3A_616, %add3A_617 : i32
            %sub3A_619 = arith.constant 1 : i32
            %sub3A_620 = arith.subi %add3A_618, %sub3A_619 : i32
            %get3A_621 = arith.index_cast %sub3A_620 : i32 to index
            %get3A_622 = tpu.vector_load %arg6[%get3A_621] {strides = array<i32>} : memref<16400xf32, #tpu.memory_space<vmem>>, vector<16xf32>,
            %get3A_623 = arith.index_cast %sub3A_620 : i32 to index
            %get3A_624 = tpu.vector_load %arg7[%get3A_623] {strides = array<i32>} : memref<16400xf32, #tpu.memory_space<vmem>>, vector<16xf32>,
            %get3A_625 = arith.index_cast %sub3A_620 : i32 to index
            %get3A_626 = tpu.vector_load %arg8[%get3A_625] {strides = array<i32>} : memref<16400xf32, #tpu.memory_space<vmem>>, vector<16xf32>,
            %get3A_627 = arith.index_cast %sub3A_620 : i32 to index
            %get3A_628 = tpu.vector_load %arg9[%get3A_627] {strides = array<i32>} : memref<16400xf32, #tpu.memory_space<vmem>>, vector<16xf32>,
            %add3A_629 = arith.constant 16 : i32
            %add3A_630 = arith.addi %add3A_458, %add3A_629 : i32
            %add3A_631 = arith.constant 1 : i32
            %add3A_632 = arith.addi %add3A_630, %add3A_631 : i32
            %sub3A_633 = arith.constant 1 : i32
            %sub3A_634 = arith.subi %add3A_632, %sub3A_633 : i32
            %get3A_635 = arith.index_cast %sub3A_634 : i32 to index
            %get3A_636 = tpu.vector_load %arg6[%get3A_635] {strides = array<i32>} : memref<16400xf32, #tpu.memory_space<vmem>>, vector<16xf32>,
            %get3A_637 = arith.index_cast %sub3A_634 : i32 to index
            %get3A_638 = tpu.vector_load %arg7[%get3A_637] {strides = array<i32>} : memref<16400xf32, #tpu.memory_space<vmem>>, vector<16xf32>,
            %get3A_639 = arith.index_cast %sub3A_634 : i32 to index
            %get3A_640 = tpu.vector_load %arg8[%get3A_639] {strides = array<i32>} : memref<16400xf32, #tpu.memory_space<vmem>>, vector<16xf32>,
            %get3A_641 = arith.index_cast %sub3A_634 : i32 to index
            %get3A_642 = tpu.vector_load %arg9[%get3A_641] {strides = array<i32>} : memref<16400xf32, #tpu.memory_space<vmem>>, vector<16xf32>,
            %add3A_643 = arith.constant 16 : i32
            %add3A_644 = arith.addi %add3A_483, %add3A_643 : i32
            %add3A_645 = arith.constant 0 : i32
            %add3A_646 = arith.addi %add3A_644, %add3A_645 : i32
            %sub3A_647 = arith.constant 1 : i32
            %sub3A_648 = arith.subi %add3A_646, %sub3A_647 : i32
            %get3A_649 = arith.index_cast %sub3A_648 : i32 to index
            %get3A_650 = tpu.vector_load %arg6[%get3A_649] {strides = array<i32>} : memref<16400xf32, #tpu.memory_space<vmem>>, vector<16xf32>,
            %get3A_651 = arith.index_cast %sub3A_648 : i32 to index
            %get3A_652 = tpu.vector_load %arg7[%get3A_651] {strides = array<i32>} : memref<16400xf32, #tpu.memory_space<vmem>>, vector<16xf32>,
            %get3A_653 = arith.index_cast %sub3A_648 : i32 to index
            %get3A_654 = tpu.vector_load %arg8[%get3A_653] {strides = array<i32>} : memref<16400xf32, #tpu.memory_space<vmem>>, vector<16xf32>,
            %get3A_655 = arith.index_cast %sub3A_648 : i32 to index
            %get3A_656 = tpu.vector_load %arg9[%get3A_655] {strides = array<i32>} : memref<16400xf32, #tpu.memory_space<vmem>>, vector<16xf32>,
            %add3A_657 = arith.constant 16 : i32
            %add3A_658 = arith.addi %add3A_483, %add3A_657 : i32
            %add3A_659 = arith.constant 1 : i32
            %add3A_660 = arith.addi %add3A_658, %add3A_659 : i32
            %sub3A_661 = arith.constant 1 : i32
            %sub3A_662 = arith.subi %add3A_660, %sub3A_661 : i32
            %get3A_663 = arith.index_cast %sub3A_662 : i32 to index
            %get3A_664 = tpu.vector_load %arg6[%get3A_663] {strides = array<i32>} : memref<16400xf32, #tpu.memory_space<vmem>>, vector<16xf32>,
            %get3A_665 = arith.index_cast %sub3A_662 : i32 to index
            %get3A_666 = tpu.vector_load %arg7[%get3A_665] {strides = array<i32>} : memref<16400xf32, #tpu.memory_space<vmem>>, vector<16xf32>,
            %get3A_667 = arith.index_cast %sub3A_662 : i32 to index
            %get3A_668 = tpu.vector_load %arg8[%get3A_667] {strides = array<i32>} : memref<16400xf32, #tpu.memory_space<vmem>>, vector<16xf32>,
            %get3A_669 = arith.index_cast %sub3A_662 : i32 to index
            %get3A_670 = tpu.vector_load %arg9[%get3A_669] {strides = array<i32>} : memref<16400xf32, #tpu.memory_space<vmem>>, vector<16xf32>,
            %and3A_671 = arith.andi %and3A_449, %and3A_38 : vector<16xi1>
            %broadcast_in_dim3A_672 = arith.constant 0 : i32
            %broadcast_in_dim3A_673 = vector.broadcast %broadcast_in_dim3A_672 : i32 to vector<16xi32>
            %select_n3A_674 = arith.select %and3A_671, %get3A_622, %broadcast_in_dim3A_358 : vector<16xi1>, vector<16xf32>
            tpu.vector_store_idx %arg5[%add3A_614, %broadcast_in_dim3A_673], %select_n3A_674 : memref<650x17xf32, #tpu.memory_space<vmem>>[vector<16xi32>, vector<16xi32>], vector<16xf32>,
            %and3A_675 = arith.andi %and3A_449, %and3A_38 : vector<16xi1>
            %broadcast_in_dim3A_676 = arith.constant 1 : i32
            %broadcast_in_dim3A_677 = vector.broadcast %broadcast_in_dim3A_676 : i32 to vector<16xi32>
            %select_n3A_678 = arith.select %and3A_675, %get3A_624, %broadcast_in_dim3A_358 : vector<16xi1>, vector<16xf32>
            tpu.vector_store_idx %arg5[%add3A_614, %broadcast_in_dim3A_677], %select_n3A_678 : memref<650x17xf32, #tpu.memory_space<vmem>>[vector<16xi32>, vector<16xi32>], vector<16xf32>,
            %and3A_679 = arith.andi %and3A_449, %and3A_45 : vector<16xi1>
            %broadcast_in_dim3A_680 = arith.constant 2 : i32
            %broadcast_in_dim3A_681 = vector.broadcast %broadcast_in_dim3A_680 : i32 to vector<16xi32>
            %select_n3A_682 = arith.select %and3A_679, %get3A_636, %broadcast_in_dim3A_358 : vector<16xi1>, vector<16xf32>
            tpu.vector_store_idx %arg5[%add3A_614, %broadcast_in_dim3A_681], %select_n3A_682 : memref<650x17xf32, #tpu.memory_space<vmem>>[vector<16xi32>, vector<16xi32>], vector<16xf32>,
            %and3A_683 = arith.andi %and3A_449, %and3A_45 : vector<16xi1>
            %broadcast_in_dim3A_684 = arith.constant 3 : i32
            %broadcast_in_dim3A_685 = vector.broadcast %broadcast_in_dim3A_684 : i32 to vector<16xi32>
            %select_n3A_686 = arith.select %and3A_683, %get3A_638, %broadcast_in_dim3A_358 : vector<16xi1>, vector<16xf32>
            tpu.vector_store_idx %arg5[%add3A_614, %broadcast_in_dim3A_685], %select_n3A_686 : memref<650x17xf32, #tpu.memory_space<vmem>>[vector<16xi32>, vector<16xi32>], vector<16xf32>,
            %and3A_687 = arith.andi %and3A_474, %and3A_38 : vector<16xi1>
            %broadcast_in_dim3A_688 = arith.constant 4 : i32
            %broadcast_in_dim3A_689 = vector.broadcast %broadcast_in_dim3A_688 : i32 to vector<16xi32>
            %select_n3A_690 = arith.select %and3A_687, %get3A_650, %broadcast_in_dim3A_358 : vector<16xi1>, vector<16xf32>
            tpu.vector_store_idx %arg5[%add3A_614, %broadcast_in_dim3A_689], %select_n3A_690 : memref<650x17xf32, #tpu.memory_space<vmem>>[vector<16xi32>, vector<16xi32>], vector<16xf32>,
            %and3A_691 = arith.andi %and3A_474, %and3A_38 : vector<16xi1>
            %broadcast_in_dim3A_692 = arith.constant 5 : i32
            %broadcast_in_dim3A_693 = vector.broadcast %broadcast_in_dim3A_692 : i32 to vector<16xi32>
            %select_n3A_694 = arith.select %and3A_691, %get3A_652, %broadcast_in_dim3A_358 : vector<16xi1>, vector<16xf32>
            tpu.vector_store_idx %arg5[%add3A_614, %broadcast_in_dim3A_693], %select_n3A_694 : memref<650x17xf32, #tpu.memory_space<vmem>>[vector<16xi32>, vector<16xi32>], vector<16xf32>,
            %and3A_695 = arith.andi %and3A_474, %and3A_45 : vector<16xi1>
            %broadcast_in_dim3A_696 = arith.constant 6 : i32
            %broadcast_in_dim3A_697 = vector.broadcast %broadcast_in_dim3A_696 : i32 to vector<16xi32>
            %select_n3A_698 = arith.select %and3A_695, %get3A_664, %broadcast_in_dim3A_358 : vector<16xi1>, vector<16xf32>
            tpu.vector_store_idx %arg5[%add3A_614, %broadcast_in_dim3A_697], %select_n3A_698 : memref<650x17xf32, #tpu.memory_space<vmem>>[vector<16xi32>, vector<16xi32>], vector<16xf32>,
            %and3A_699 = arith.andi %and3A_474, %and3A_45 : vector<16xi1>
            %broadcast_in_dim3A_700 = arith.constant 7 : i32
            %broadcast_in_dim3A_701 = vector.broadcast %broadcast_in_dim3A_700 : i32 to vector<16xi32>
            %select_n3A_702 = arith.select %and3A_699, %get3A_666, %broadcast_in_dim3A_358 : vector<16xi1>, vector<16xf32>
            tpu.vector_store_idx %arg5[%add3A_614, %broadcast_in_dim3A_701], %select_n3A_702 : memref<650x17xf32, #tpu.memory_space<vmem>>[vector<16xi32>, vector<16xi32>], vector<16xf32>,
            %and3A_703 = arith.andi %and3A_450, %and3A_38 : vector<16xi1>
            %broadcast_in_dim3A_704 = arith.constant 8 : i32
            %broadcast_in_dim3A_705 = vector.broadcast %broadcast_in_dim3A_704 : i32 to vector<16xi32>
            %select_n3A_706 = arith.select %and3A_703, %get3A_626, %broadcast_in_dim3A_358 : vector<16xi1>, vector<16xf32>
            tpu.vector_store_idx %arg5[%add3A_614, %broadcast_in_dim3A_705], %select_n3A_706 : memref<650x17xf32, #tpu.memory_space<vmem>>[vector<16xi32>, vector<16xi32>], vector<16xf32>,
            %and3A_707 = arith.andi %and3A_450, %and3A_38 : vector<16xi1>
            %broadcast_in_dim3A_708 = arith.constant 9 : i32
            %broadcast_in_dim3A_709 = vector.broadcast %broadcast_in_dim3A_708 : i32 to vector<16xi32>
            %select_n3A_710 = arith.select %and3A_707, %get3A_628, %broadcast_in_dim3A_358 : vector<16xi1>, vector<16xf32>
            tpu.vector_store_idx %arg5[%add3A_614, %broadcast_in_dim3A_709], %select_n3A_710 : memref<650x17xf32, #tpu.memory_space<vmem>>[vector<16xi32>, vector<16xi32>], vector<16xf32>,
            %and3A_711 = arith.andi %and3A_450, %and3A_45 : vector<16xi1>
            %broadcast_in_dim3A_712 = arith.constant 10 : i32
            %broadcast_in_dim3A_713 = vector.broadcast %broadcast_in_dim3A_712 : i32 to vector<16xi32>
            %select_n3A_714 = arith.select %and3A_711, %get3A_640, %broadcast_in_dim3A_358 : vector<16xi1>, vector<16xf32>
            tpu.vector_store_idx %arg5[%add3A_614, %broadcast_in_dim3A_713], %select_n3A_714 : memref<650x17xf32, #tpu.memory_space<vmem>>[vector<16xi32>, vector<16xi32>], vector<16xf32>,
            %and3A_715 = arith.andi %and3A_450, %and3A_45 : vector<16xi1>
            %broadcast_in_dim3A_716 = arith.constant 11 : i32
            %broadcast_in_dim3A_717 = vector.broadcast %broadcast_in_dim3A_716 : i32 to vector<16xi32>
            %select_n3A_718 = arith.select %and3A_715, %get3A_642, %broadcast_in_dim3A_358 : vector<16xi1>, vector<16xf32>
            tpu.vector_store_idx %arg5[%add3A_614, %broadcast_in_dim3A_717], %select_n3A_718 : memref<650x17xf32, #tpu.memory_space<vmem>>[vector<16xi32>, vector<16xi32>], vector<16xf32>,
            %and3A_719 = arith.andi %and3A_475, %and3A_38 : vector<16xi1>
            %broadcast_in_dim3A_720 = arith.constant 12 : i32
            %broadcast_in_dim3A_721 = vector.broadcast %broadcast_in_dim3A_720 : i32 to vector<16xi32>
            %select_n3A_722 = arith.select %and3A_719, %get3A_654, %broadcast_in_dim3A_358 : vector<16xi1>, vector<16xf32>
            tpu.vector_store_idx %arg5[%add3A_614, %broadcast_in_dim3A_721], %select_n3A_722 : memref<650x17xf32, #tpu.memory_space<vmem>>[vector<16xi32>, vector<16xi32>], vector<16xf32>,
            %and3A_723 = arith.andi %and3A_475, %and3A_38 : vector<16xi1>
            %broadcast_in_dim3A_724 = arith.constant 13 : i32
            %broadcast_in_dim3A_725 = vector.broadcast %broadcast_in_dim3A_724 : i32 to vector<16xi32>
            %select_n3A_726 = arith.select %and3A_723, %get3A_656, %broadcast_in_dim3A_358 : vector<16xi1>, vector<16xf32>
            tpu.vector_store_idx %arg5[%add3A_614, %broadcast_in_dim3A_725], %select_n3A_726 : memref<650x17xf32, #tpu.memory_space<vmem>>[vector<16xi32>, vector<16xi32>], vector<16xf32>,
            %and3A_727 = arith.andi %and3A_475, %and3A_45 : vector<16xi1>
            %broadcast_in_dim3A_728 = arith.constant 14 : i32
            %broadcast_in_dim3A_729 = vector.broadcast %broadcast_in_dim3A_728 : i32 to vector<16xi32>
            %select_n3A_730 = arith.select %and3A_727, %get3A_668, %broadcast_in_dim3A_358 : vector<16xi1>, vector<16xf32>
            tpu.vector_store_idx %arg5[%add3A_614, %broadcast_in_dim3A_729], %select_n3A_730 : memref<650x17xf32, #tpu.memory_space<vmem>>[vector<16xi32>, vector<16xi32>], vector<16xf32>,
            %and3A_731 = arith.andi %and3A_475, %and3A_45 : vector<16xi1>
            %broadcast_in_dim3A_732 = arith.constant 15 : i32
            %broadcast_in_dim3A_733 = vector.broadcast %broadcast_in_dim3A_732 : i32 to vector<16xi32>
            %select_n3A_734 = arith.select %and3A_731, %get3A_670, %broadcast_in_dim3A_358 : vector<16xi1>, vector<16xf32>
            tpu.vector_store_idx %arg5[%add3A_614, %broadcast_in_dim3A_733], %select_n3A_734 : memref<650x17xf32, #tpu.memory_space<vmem>>[vector<16xi32>, vector<16xi32>], vector<16xf32>,
            %mul3A_735 = arith.constant 130 : i32
            %mul3A_736 = arith.muli %scan3A_430, %mul3A_735 : i32
            %add3A_737 = arith.constant 32 : i32
            %add3A_738 = arith.addi %mul3A_736, %add3A_737 : i32
            %add3A_739 = vector.broadcast %add3A_738 : i32 to vector<16xi32>
            %add3A_740 = arith.addi %add3A_739, %iota3A : vector<16xi32>
            %add3A_741 = arith.constant 32 : i32
            %add3A_742 = arith.addi %add3A_458, %add3A_741 : i32
            %add3A_743 = arith.constant 0 : i32
            %add3A_744 = arith.addi %add3A_742, %add3A_743 : i32
            %sub3A_745 = arith.constant 1 : i32
            %sub3A_746 = arith.subi %add3A_744, %sub3A_745 : i32
            %get3A_747 = arith.index_cast %sub3A_746 : i32 to index
            %get3A_748 = tpu.vector_load %arg6[%get3A_747] {strides = array<i32>} : memref<16400xf32, #tpu.memory_space<vmem>>, vector<16xf32>,
            %get3A_749 = arith.index_cast %sub3A_746 : i32 to index
            %get3A_750 = tpu.vector_load %arg7[%get3A_749] {strides = array<i32>} : memref<16400xf32, #tpu.memory_space<vmem>>, vector<16xf32>,
            %get3A_751 = arith.index_cast %sub3A_746 : i32 to index
            %get3A_752 = tpu.vector_load %arg8[%get3A_751] {strides = array<i32>} : memref<16400xf32, #tpu.memory_space<vmem>>, vector<16xf32>,
            %get3A_753 = arith.index_cast %sub3A_746 : i32 to index
            %get3A_754 = tpu.vector_load %arg9[%get3A_753] {strides = array<i32>} : memref<16400xf32, #tpu.memory_space<vmem>>, vector<16xf32>,
            %add3A_755 = arith.constant 32 : i32
            %add3A_756 = arith.addi %add3A_458, %add3A_755 : i32
            %add3A_757 = arith.constant 1 : i32
            %add3A_758 = arith.addi %add3A_756, %add3A_757 : i32
            %sub3A_759 = arith.constant 1 : i32
            %sub3A_760 = arith.subi %add3A_758, %sub3A_759 : i32
            %get3A_761 = arith.index_cast %sub3A_760 : i32 to index
            %get3A_762 = tpu.vector_load %arg6[%get3A_761] {strides = array<i32>} : memref<16400xf32, #tpu.memory_space<vmem>>, vector<16xf32>,
            %get3A_763 = arith.index_cast %sub3A_760 : i32 to index
            %get3A_764 = tpu.vector_load %arg7[%get3A_763] {strides = array<i32>} : memref<16400xf32, #tpu.memory_space<vmem>>, vector<16xf32>,
            %get3A_765 = arith.index_cast %sub3A_760 : i32 to index
            %get3A_766 = tpu.vector_load %arg8[%get3A_765] {strides = array<i32>} : memref<16400xf32, #tpu.memory_space<vmem>>, vector<16xf32>,
            %get3A_767 = arith.index_cast %sub3A_760 : i32 to index
            %get3A_768 = tpu.vector_load %arg9[%get3A_767] {strides = array<i32>} : memref<16400xf32, #tpu.memory_space<vmem>>, vector<16xf32>,
            %add3A_769 = arith.constant 32 : i32
            %add3A_770 = arith.addi %add3A_483, %add3A_769 : i32
            %add3A_771 = arith.constant 0 : i32
            %add3A_772 = arith.addi %add3A_770, %add3A_771 : i32
            %sub3A_773 = arith.constant 1 : i32
            %sub3A_774 = arith.subi %add3A_772, %sub3A_773 : i32
            %get3A_775 = arith.index_cast %sub3A_774 : i32 to index
            %get3A_776 = tpu.vector_load %arg6[%get3A_775] {strides = array<i32>} : memref<16400xf32, #tpu.memory_space<vmem>>, vector<16xf32>,
            %get3A_777 = arith.index_cast %sub3A_774 : i32 to index
            %get3A_778 = tpu.vector_load %arg7[%get3A_777] {strides = array<i32>} : memref<16400xf32, #tpu.memory_space<vmem>>, vector<16xf32>,
            %get3A_779 = arith.index_cast %sub3A_774 : i32 to index
            %get3A_780 = tpu.vector_load %arg8[%get3A_779] {strides = array<i32>} : memref<16400xf32, #tpu.memory_space<vmem>>, vector<16xf32>,
            %get3A_781 = arith.index_cast %sub3A_774 : i32 to index
            %get3A_782 = tpu.vector_load %arg9[%get3A_781] {strides = array<i32>} : memref<16400xf32, #tpu.memory_space<vmem>>, vector<16xf32>,
            %add3A_783 = arith.constant 32 : i32
            %add3A_784 = arith.addi %add3A_483, %add3A_783 : i32
            %add3A_785 = arith.constant 1 : i32
            %add3A_786 = arith.addi %add3A_784, %add3A_785 : i32
            %sub3A_787 = arith.constant 1 : i32
            %sub3A_788 = arith.subi %add3A_786, %sub3A_787 : i32
            %get3A_789 = arith.index_cast %sub3A_788 : i32 to index
            %get3A_790 = tpu.vector_load %arg6[%get3A_789] {strides = array<i32>} : memref<16400xf32, #tpu.memory_space<vmem>>, vector<16xf32>,
            %get3A_791 = arith.index_cast %sub3A_788 : i32 to index
            %get3A_792 = tpu.vector_load %arg7[%get3A_791] {strides = array<i32>} : memref<16400xf32, #tpu.memory_space<vmem>>, vector<16xf32>,
            %get3A_793 = arith.index_cast %sub3A_788 : i32 to index
            %get3A_794 = tpu.vector_load %arg8[%get3A_793] {strides = array<i32>} : memref<16400xf32, #tpu.memory_space<vmem>>, vector<16xf32>,
            %get3A_795 = arith.index_cast %sub3A_788 : i32 to index
            %get3A_796 = tpu.vector_load %arg9[%get3A_795] {strides = array<i32>} : memref<16400xf32, #tpu.memory_space<vmem>>, vector<16xf32>,
            %and3A_797 = arith.andi %and3A_449, %and3A_61 : vector<16xi1>
            %broadcast_in_dim3A_798 = arith.constant 0 : i32
            %broadcast_in_dim3A_799 = vector.broadcast %broadcast_in_dim3A_798 : i32 to vector<16xi32>
            %select_n3A_800 = arith.select %and3A_797, %get3A_748, %broadcast_in_dim3A_358 : vector<16xi1>, vector<16xf32>
            tpu.vector_store_idx %arg5[%add3A_740, %broadcast_in_dim3A_799], %select_n3A_800 : memref<650x17xf32, #tpu.memory_space<vmem>>[vector<16xi32>, vector<16xi32>], vector<16xf32>,
            %and3A_801 = arith.andi %and3A_449, %and3A_61 : vector<16xi1>
            %broadcast_in_dim3A_802 = arith.constant 1 : i32
            %broadcast_in_dim3A_803 = vector.broadcast %broadcast_in_dim3A_802 : i32 to vector<16xi32>
            %select_n3A_804 = arith.select %and3A_801, %get3A_750, %broadcast_in_dim3A_358 : vector<16xi1>, vector<16xf32>
            tpu.vector_store_idx %arg5[%add3A_740, %broadcast_in_dim3A_803], %select_n3A_804 : memref<650x17xf32, #tpu.memory_space<vmem>>[vector<16xi32>, vector<16xi32>], vector<16xf32>,
            %and3A_805 = arith.andi %and3A_449, %and3A_68 : vector<16xi1>
            %broadcast_in_dim3A_806 = arith.constant 2 : i32
            %broadcast_in_dim3A_807 = vector.broadcast %broadcast_in_dim3A_806 : i32 to vector<16xi32>
            %select_n3A_808 = arith.select %and3A_805, %get3A_762, %broadcast_in_dim3A_358 : vector<16xi1>, vector<16xf32>
            tpu.vector_store_idx %arg5[%add3A_740, %broadcast_in_dim3A_807], %select_n3A_808 : memref<650x17xf32, #tpu.memory_space<vmem>>[vector<16xi32>, vector<16xi32>], vector<16xf32>,
            %and3A_809 = arith.andi %and3A_449, %and3A_68 : vector<16xi1>
            %broadcast_in_dim3A_810 = arith.constant 3 : i32
            %broadcast_in_dim3A_811 = vector.broadcast %broadcast_in_dim3A_810 : i32 to vector<16xi32>
            %select_n3A_812 = arith.select %and3A_809, %get3A_764, %broadcast_in_dim3A_358 : vector<16xi1>, vector<16xf32>
            tpu.vector_store_idx %arg5[%add3A_740, %broadcast_in_dim3A_811], %select_n3A_812 : memref<650x17xf32, #tpu.memory_space<vmem>>[vector<16xi32>, vector<16xi32>], vector<16xf32>,
            %and3A_813 = arith.andi %and3A_474, %and3A_61 : vector<16xi1>
            %broadcast_in_dim3A_814 = arith.constant 4 : i32
            %broadcast_in_dim3A_815 = vector.broadcast %broadcast_in_dim3A_814 : i32 to vector<16xi32>
            %select_n3A_816 = arith.select %and3A_813, %get3A_776, %broadcast_in_dim3A_358 : vector<16xi1>, vector<16xf32>
            tpu.vector_store_idx %arg5[%add3A_740, %broadcast_in_dim3A_815], %select_n3A_816 : memref<650x17xf32, #tpu.memory_space<vmem>>[vector<16xi32>, vector<16xi32>], vector<16xf32>,
            %and3A_817 = arith.andi %and3A_474, %and3A_61 : vector<16xi1>
            %broadcast_in_dim3A_818 = arith.constant 5 : i32
            %broadcast_in_dim3A_819 = vector.broadcast %broadcast_in_dim3A_818 : i32 to vector<16xi32>
            %select_n3A_820 = arith.select %and3A_817, %get3A_778, %broadcast_in_dim3A_358 : vector<16xi1>, vector<16xf32>
            tpu.vector_store_idx %arg5[%add3A_740, %broadcast_in_dim3A_819], %select_n3A_820 : memref<650x17xf32, #tpu.memory_space<vmem>>[vector<16xi32>, vector<16xi32>], vector<16xf32>,
            %and3A_821 = arith.andi %and3A_474, %and3A_68 : vector<16xi1>
            %broadcast_in_dim3A_822 = arith.constant 6 : i32
            %broadcast_in_dim3A_823 = vector.broadcast %broadcast_in_dim3A_822 : i32 to vector<16xi32>
            %select_n3A_824 = arith.select %and3A_821, %get3A_790, %broadcast_in_dim3A_358 : vector<16xi1>, vector<16xf32>
            tpu.vector_store_idx %arg5[%add3A_740, %broadcast_in_dim3A_823], %select_n3A_824 : memref<650x17xf32, #tpu.memory_space<vmem>>[vector<16xi32>, vector<16xi32>], vector<16xf32>,
            %and3A_825 = arith.andi %and3A_474, %and3A_68 : vector<16xi1>
            %broadcast_in_dim3A_826 = arith.constant 7 : i32
            %broadcast_in_dim3A_827 = vector.broadcast %broadcast_in_dim3A_826 : i32 to vector<16xi32>
            %select_n3A_828 = arith.select %and3A_825, %get3A_792, %broadcast_in_dim3A_358 : vector<16xi1>, vector<16xf32>
            tpu.vector_store_idx %arg5[%add3A_740, %broadcast_in_dim3A_827], %select_n3A_828 : memref<650x17xf32, #tpu.memory_space<vmem>>[vector<16xi32>, vector<16xi32>], vector<16xf32>,
            %and3A_829 = arith.andi %and3A_450, %and3A_61 : vector<16xi1>
            %broadcast_in_dim3A_830 = arith.constant 8 : i32
            %broadcast_in_dim3A_831 = vector.broadcast %broadcast_in_dim3A_830 : i32 to vector<16xi32>
            %select_n3A_832 = arith.select %and3A_829, %get3A_752, %broadcast_in_dim3A_358 : vector<16xi1>, vector<16xf32>
            tpu.vector_store_idx %arg5[%add3A_740, %broadcast_in_dim3A_831], %select_n3A_832 : memref<650x17xf32, #tpu.memory_space<vmem>>[vector<16xi32>, vector<16xi32>], vector<16xf32>,
            %and3A_833 = arith.andi %and3A_450, %and3A_61 : vector<16xi1>
            %broadcast_in_dim3A_834 = arith.constant 9 : i32
            %broadcast_in_dim3A_835 = vector.broadcast %broadcast_in_dim3A_834 : i32 to vector<16xi32>
            %select_n3A_836 = arith.select %and3A_833, %get3A_754, %broadcast_in_dim3A_358 : vector<16xi1>, vector<16xf32>
            tpu.vector_store_idx %arg5[%add3A_740, %broadcast_in_dim3A_835], %select_n3A_836 : memref<650x17xf32, #tpu.memory_space<vmem>>[vector<16xi32>, vector<16xi32>], vector<16xf32>,
            %and3A_837 = arith.andi %and3A_450, %and3A_68 : vector<16xi1>
            %broadcast_in_dim3A_838 = arith.constant 10 : i32
            %broadcast_in_dim3A_839 = vector.broadcast %broadcast_in_dim3A_838 : i32 to vector<16xi32>
            %select_n3A_840 = arith.select %and3A_837, %get3A_766, %broadcast_in_dim3A_358 : vector<16xi1>, vector<16xf32>
            tpu.vector_store_idx %arg5[%add3A_740, %broadcast_in_dim3A_839], %select_n3A_840 : memref<650x17xf32, #tpu.memory_space<vmem>>[vector<16xi32>, vector<16xi32>], vector<16xf32>,
            %and3A_841 = arith.andi %and3A_450, %and3A_68 : vector<16xi1>
            %broadcast_in_dim3A_842 = arith.constant 11 : i32
            %broadcast_in_dim3A_843 = vector.broadcast %broadcast_in_dim3A_842 : i32 to vector<16xi32>
            %select_n3A_844 = arith.select %and3A_841, %get3A_768, %broadcast_in_dim3A_358 : vector<16xi1>, vector<16xf32>
            tpu.vector_store_idx %arg5[%add3A_740, %broadcast_in_dim3A_843], %select_n3A_844 : memref<650x17xf32, #tpu.memory_space<vmem>>[vector<16xi32>, vector<16xi32>], vector<16xf32>,
            %and3A_845 = arith.andi %and3A_475, %and3A_61 : vector<16xi1>
            %broadcast_in_dim3A_846 = arith.constant 12 : i32
            %broadcast_in_dim3A_847 = vector.broadcast %broadcast_in_dim3A_846 : i32 to vector<16xi32>
            %select_n3A_848 = arith.select %and3A_845, %get3A_780, %broadcast_in_dim3A_358 : vector<16xi1>, vector<16xf32>
            tpu.vector_store_idx %arg5[%add3A_740, %broadcast_in_dim3A_847], %select_n3A_848 : memref<650x17xf32, #tpu.memory_space<vmem>>[vector<16xi32>, vector<16xi32>], vector<16xf32>,
            %and3A_849 = arith.andi %and3A_475, %and3A_61 : vector<16xi1>
            %broadcast_in_dim3A_850 = arith.constant 13 : i32
            %broadcast_in_dim3A_851 = vector.broadcast %broadcast_in_dim3A_850 : i32 to vector<16xi32>
            %select_n3A_852 = arith.select %and3A_849, %get3A_782, %broadcast_in_dim3A_358 : vector<16xi1>, vector<16xf32>
            tpu.vector_store_idx %arg5[%add3A_740, %broadcast_in_dim3A_851], %select_n3A_852 : memref<650x17xf32, #tpu.memory_space<vmem>>[vector<16xi32>, vector<16xi32>], vector<16xf32>,
            %and3A_853 = arith.andi %and3A_475, %and3A_68 : vector<16xi1>
            %broadcast_in_dim3A_854 = arith.constant 14 : i32
            %broadcast_in_dim3A_855 = vector.broadcast %broadcast_in_dim3A_854 : i32 to vector<16xi32>
            %select_n3A_856 = arith.select %and3A_853, %get3A_794, %broadcast_in_dim3A_358 : vector<16xi1>, vector<16xf32>
            tpu.vector_store_idx %arg5[%add3A_740, %broadcast_in_dim3A_855], %select_n3A_856 : memref<650x17xf32, #tpu.memory_space<vmem>>[vector<16xi32>, vector<16xi32>], vector<16xf32>,
            %and3A_857 = arith.andi %and3A_475, %and3A_68 : vector<16xi1>
            %broadcast_in_dim3A_858 = arith.constant 15 : i32
            %broadcast_in_dim3A_859 = vector.broadcast %broadcast_in_dim3A_858 : i32 to vector<16xi32>
            %select_n3A_860 = arith.select %and3A_857, %get3A_796, %broadcast_in_dim3A_358 : vector<16xi1>, vector<16xf32>
            tpu.vector_store_idx %arg5[%add3A_740, %broadcast_in_dim3A_859], %select_n3A_860 : memref<650x17xf32, #tpu.memory_space<vmem>>[vector<16xi32>, vector<16xi32>], vector<16xf32>,
            %mul3A_861 = arith.constant 130 : i32
            %mul3A_862 = arith.muli %scan3A_430, %mul3A_861 : i32
            %add3A_863 = arith.constant 48 : i32
            %add3A_864 = arith.addi %mul3A_862, %add3A_863 : i32
            %add3A_865 = vector.broadcast %add3A_864 : i32 to vector<16xi32>
            %add3A_866 = arith.addi %add3A_865, %iota3A : vector<16xi32>
            %add3A_867 = arith.constant 48 : i32
            %add3A_868 = arith.addi %add3A_458, %add3A_867 : i32
            %add3A_869 = arith.constant 0 : i32
            %add3A_870 = arith.addi %add3A_868, %add3A_869 : i32
            %sub3A_871 = arith.constant 1 : i32
            %sub3A_872 = arith.subi %add3A_870, %sub3A_871 : i32
            %get3A_873 = arith.index_cast %sub3A_872 : i32 to index
            %get3A_874 = tpu.vector_load %arg6[%get3A_873] {strides = array<i32>} : memref<16400xf32, #tpu.memory_space<vmem>>, vector<16xf32>,
            %get3A_875 = arith.index_cast %sub3A_872 : i32 to index
            %get3A_876 = tpu.vector_load %arg7[%get3A_875] {strides = array<i32>} : memref<16400xf32, #tpu.memory_space<vmem>>, vector<16xf32>,
            %get3A_877 = arith.index_cast %sub3A_872 : i32 to index
            %get3A_878 = tpu.vector_load %arg8[%get3A_877] {strides = array<i32>} : memref<16400xf32, #tpu.memory_space<vmem>>, vector<16xf32>,
            %get3A_879 = arith.index_cast %sub3A_872 : i32 to index
            %get3A_880 = tpu.vector_load %arg9[%get3A_879] {strides = array<i32>} : memref<16400xf32, #tpu.memory_space<vmem>>, vector<16xf32>,
            %add3A_881 = arith.constant 48 : i32
            %add3A_882 = arith.addi %add3A_458, %add3A_881 : i32
            %add3A_883 = arith.constant 1 : i32
            %add3A_884 = arith.addi %add3A_882, %add3A_883 : i32
            %sub3A_885 = arith.constant 1 : i32
            %sub3A_886 = arith.subi %add3A_884, %sub3A_885 : i32
            %get3A_887 = arith.index_cast %sub3A_886 : i32 to index
            %get3A_888 = tpu.vector_load %arg6[%get3A_887] {strides = array<i32>} : memref<16400xf32, #tpu.memory_space<vmem>>, vector<16xf32>,
            %get3A_889 = arith.index_cast %sub3A_886 : i32 to index
            %get3A_890 = tpu.vector_load %arg7[%get3A_889] {strides = array<i32>} : memref<16400xf32, #tpu.memory_space<vmem>>, vector<16xf32>,
            %get3A_891 = arith.index_cast %sub3A_886 : i32 to index
            %get3A_892 = tpu.vector_load %arg8[%get3A_891] {strides = array<i32>} : memref<16400xf32, #tpu.memory_space<vmem>>, vector<16xf32>,
            %get3A_893 = arith.index_cast %sub3A_886 : i32 to index
            %get3A_894 = tpu.vector_load %arg9[%get3A_893] {strides = array<i32>} : memref<16400xf32, #tpu.memory_space<vmem>>, vector<16xf32>,
            %add3A_895 = arith.constant 48 : i32
            %add3A_896 = arith.addi %add3A_483, %add3A_895 : i32
            %add3A_897 = arith.constant 0 : i32
            %add3A_898 = arith.addi %add3A_896, %add3A_897 : i32
            %sub3A_899 = arith.constant 1 : i32
            %sub3A_900 = arith.subi %add3A_898, %sub3A_899 : i32
            %get3A_901 = arith.index_cast %sub3A_900 : i32 to index
            %get3A_902 = tpu.vector_load %arg6[%get3A_901] {strides = array<i32>} : memref<16400xf32, #tpu.memory_space<vmem>>, vector<16xf32>,
            %get3A_903 = arith.index_cast %sub3A_900 : i32 to index
            %get3A_904 = tpu.vector_load %arg7[%get3A_903] {strides = array<i32>} : memref<16400xf32, #tpu.memory_space<vmem>>, vector<16xf32>,
            %get3A_905 = arith.index_cast %sub3A_900 : i32 to index
            %get3A_906 = tpu.vector_load %arg8[%get3A_905] {strides = array<i32>} : memref<16400xf32, #tpu.memory_space<vmem>>, vector<16xf32>,
            %get3A_907 = arith.index_cast %sub3A_900 : i32 to index
            %get3A_908 = tpu.vector_load %arg9[%get3A_907] {strides = array<i32>} : memref<16400xf32, #tpu.memory_space<vmem>>, vector<16xf32>,
            %add3A_909 = arith.constant 48 : i32
            %add3A_910 = arith.addi %add3A_483, %add3A_909 : i32
            %add3A_911 = arith.constant 1 : i32
            %add3A_912 = arith.addi %add3A_910, %add3A_911 : i32
            %sub3A_913 = arith.constant 1 : i32
            %sub3A_914 = arith.subi %add3A_912, %sub3A_913 : i32
            %get3A_915 = arith.index_cast %sub3A_914 : i32 to index
            %get3A_916 = tpu.vector_load %arg6[%get3A_915] {strides = array<i32>} : memref<16400xf32, #tpu.memory_space<vmem>>, vector<16xf32>,
            %get3A_917 = arith.index_cast %sub3A_914 : i32 to index
            %get3A_918 = tpu.vector_load %arg7[%get3A_917] {strides = array<i32>} : memref<16400xf32, #tpu.memory_space<vmem>>, vector<16xf32>,
            %get3A_919 = arith.index_cast %sub3A_914 : i32 to index
            %get3A_920 = tpu.vector_load %arg8[%get3A_919] {strides = array<i32>} : memref<16400xf32, #tpu.memory_space<vmem>>, vector<16xf32>,
            %get3A_921 = arith.index_cast %sub3A_914 : i32 to index
            %get3A_922 = tpu.vector_load %arg9[%get3A_921] {strides = array<i32>} : memref<16400xf32, #tpu.memory_space<vmem>>, vector<16xf32>,
            %and3A_923 = arith.andi %and3A_449, %and3A_84 : vector<16xi1>
            %broadcast_in_dim3A_924 = arith.constant 0 : i32
            %broadcast_in_dim3A_925 = vector.broadcast %broadcast_in_dim3A_924 : i32 to vector<16xi32>
            %select_n3A_926 = arith.select %and3A_923, %get3A_874, %broadcast_in_dim3A_358 : vector<16xi1>, vector<16xf32>
            tpu.vector_store_idx %arg5[%add3A_866, %broadcast_in_dim3A_925], %select_n3A_926 : memref<650x17xf32, #tpu.memory_space<vmem>>[vector<16xi32>, vector<16xi32>], vector<16xf32>,
            %and3A_927 = arith.andi %and3A_449, %and3A_84 : vector<16xi1>
            %broadcast_in_dim3A_928 = arith.constant 1 : i32
            %broadcast_in_dim3A_929 = vector.broadcast %broadcast_in_dim3A_928 : i32 to vector<16xi32>
            %select_n3A_930 = arith.select %and3A_927, %get3A_876, %broadcast_in_dim3A_358 : vector<16xi1>, vector<16xf32>
            tpu.vector_store_idx %arg5[%add3A_866, %broadcast_in_dim3A_929], %select_n3A_930 : memref<650x17xf32, #tpu.memory_space<vmem>>[vector<16xi32>, vector<16xi32>], vector<16xf32>,
            %and3A_931 = arith.andi %and3A_449, %and3A_91 : vector<16xi1>
            %broadcast_in_dim3A_932 = arith.constant 2 : i32
            %broadcast_in_dim3A_933 = vector.broadcast %broadcast_in_dim3A_932 : i32 to vector<16xi32>
            %select_n3A_934 = arith.select %and3A_931, %get3A_888, %broadcast_in_dim3A_358 : vector<16xi1>, vector<16xf32>
            tpu.vector_store_idx %arg5[%add3A_866, %broadcast_in_dim3A_933], %select_n3A_934 : memref<650x17xf32, #tpu.memory_space<vmem>>[vector<16xi32>, vector<16xi32>], vector<16xf32>,
            %and3A_935 = arith.andi %and3A_449, %and3A_91 : vector<16xi1>
            %broadcast_in_dim3A_936 = arith.constant 3 : i32
            %broadcast_in_dim3A_937 = vector.broadcast %broadcast_in_dim3A_936 : i32 to vector<16xi32>
            %select_n3A_938 = arith.select %and3A_935, %get3A_890, %broadcast_in_dim3A_358 : vector<16xi1>, vector<16xf32>
            tpu.vector_store_idx %arg5[%add3A_866, %broadcast_in_dim3A_937], %select_n3A_938 : memref<650x17xf32, #tpu.memory_space<vmem>>[vector<16xi32>, vector<16xi32>], vector<16xf32>,
            %and3A_939 = arith.andi %and3A_474, %and3A_84 : vector<16xi1>
            %broadcast_in_dim3A_940 = arith.constant 4 : i32
            %broadcast_in_dim3A_941 = vector.broadcast %broadcast_in_dim3A_940 : i32 to vector<16xi32>
            %select_n3A_942 = arith.select %and3A_939, %get3A_902, %broadcast_in_dim3A_358 : vector<16xi1>, vector<16xf32>
            tpu.vector_store_idx %arg5[%add3A_866, %broadcast_in_dim3A_941], %select_n3A_942 : memref<650x17xf32, #tpu.memory_space<vmem>>[vector<16xi32>, vector<16xi32>], vector<16xf32>,
            %and3A_943 = arith.andi %and3A_474, %and3A_84 : vector<16xi1>
            %broadcast_in_dim3A_944 = arith.constant 5 : i32
            %broadcast_in_dim3A_945 = vector.broadcast %broadcast_in_dim3A_944 : i32 to vector<16xi32>
            %select_n3A_946 = arith.select %and3A_943, %get3A_904, %broadcast_in_dim3A_358 : vector<16xi1>, vector<16xf32>
            tpu.vector_store_idx %arg5[%add3A_866, %broadcast_in_dim3A_945], %select_n3A_946 : memref<650x17xf32, #tpu.memory_space<vmem>>[vector<16xi32>, vector<16xi32>], vector<16xf32>,
            %and3A_947 = arith.andi %and3A_474, %and3A_91 : vector<16xi1>
            %broadcast_in_dim3A_948 = arith.constant 6 : i32
            %broadcast_in_dim3A_949 = vector.broadcast %broadcast_in_dim3A_948 : i32 to vector<16xi32>
            %select_n3A_950 = arith.select %and3A_947, %get3A_916, %broadcast_in_dim3A_358 : vector<16xi1>, vector<16xf32>
            tpu.vector_store_idx %arg5[%add3A_866, %broadcast_in_dim3A_949], %select_n3A_950 : memref<650x17xf32, #tpu.memory_space<vmem>>[vector<16xi32>, vector<16xi32>], vector<16xf32>,
            %and3A_951 = arith.andi %and3A_474, %and3A_91 : vector<16xi1>
            %broadcast_in_dim3A_952 = arith.constant 7 : i32
            %broadcast_in_dim3A_953 = vector.broadcast %broadcast_in_dim3A_952 : i32 to vector<16xi32>
            %select_n3A_954 = arith.select %and3A_951, %get3A_918, %broadcast_in_dim3A_358 : vector<16xi1>, vector<16xf32>
            tpu.vector_store_idx %arg5[%add3A_866, %broadcast_in_dim3A_953], %select_n3A_954 : memref<650x17xf32, #tpu.memory_space<vmem>>[vector<16xi32>, vector<16xi32>], vector<16xf32>,
            %and3A_955 = arith.andi %and3A_450, %and3A_84 : vector<16xi1>
            %broadcast_in_dim3A_956 = arith.constant 8 : i32
            %broadcast_in_dim3A_957 = vector.broadcast %broadcast_in_dim3A_956 : i32 to vector<16xi32>
            %select_n3A_958 = arith.select %and3A_955, %get3A_878, %broadcast_in_dim3A_358 : vector<16xi1>, vector<16xf32>
            tpu.vector_store_idx %arg5[%add3A_866, %broadcast_in_dim3A_957], %select_n3A_958 : memref<650x17xf32, #tpu.memory_space<vmem>>[vector<16xi32>, vector<16xi32>], vector<16xf32>,
            %and3A_959 = arith.andi %and3A_450, %and3A_84 : vector<16xi1>
            %broadcast_in_dim3A_960 = arith.constant 9 : i32
            %broadcast_in_dim3A_961 = vector.broadcast %broadcast_in_dim3A_960 : i32 to vector<16xi32>
            %select_n3A_962 = arith.select %and3A_959, %get3A_880, %broadcast_in_dim3A_358 : vector<16xi1>, vector<16xf32>
            tpu.vector_store_idx %arg5[%add3A_866, %broadcast_in_dim3A_961], %select_n3A_962 : memref<650x17xf32, #tpu.memory_space<vmem>>[vector<16xi32>, vector<16xi32>], vector<16xf32>,
            %and3A_963 = arith.andi %and3A_450, %and3A_91 : vector<16xi1>
            %broadcast_in_dim3A_964 = arith.constant 10 : i32
            %broadcast_in_dim3A_965 = vector.broadcast %broadcast_in_dim3A_964 : i32 to vector<16xi32>
            %select_n3A_966 = arith.select %and3A_963, %get3A_892, %broadcast_in_dim3A_358 : vector<16xi1>, vector<16xf32>
            tpu.vector_store_idx %arg5[%add3A_866, %broadcast_in_dim3A_965], %select_n3A_966 : memref<650x17xf32, #tpu.memory_space<vmem>>[vector<16xi32>, vector<16xi32>], vector<16xf32>,
            %and3A_967 = arith.andi %and3A_450, %and3A_91 : vector<16xi1>
            %broadcast_in_dim3A_968 = arith.constant 11 : i32
            %broadcast_in_dim3A_969 = vector.broadcast %broadcast_in_dim3A_968 : i32 to vector<16xi32>
            %select_n3A_970 = arith.select %and3A_967, %get3A_894, %broadcast_in_dim3A_358 : vector<16xi1>, vector<16xf32>
            tpu.vector_store_idx %arg5[%add3A_866, %broadcast_in_dim3A_969], %select_n3A_970 : memref<650x17xf32, #tpu.memory_space<vmem>>[vector<16xi32>, vector<16xi32>], vector<16xf32>,
            %and3A_971 = arith.andi %and3A_475, %and3A_84 : vector<16xi1>
            %broadcast_in_dim3A_972 = arith.constant 12 : i32
            %broadcast_in_dim3A_973 = vector.broadcast %broadcast_in_dim3A_972 : i32 to vector<16xi32>
            %select_n3A_974 = arith.select %and3A_971, %get3A_906, %broadcast_in_dim3A_358 : vector<16xi1>, vector<16xf32>
            tpu.vector_store_idx %arg5[%add3A_866, %broadcast_in_dim3A_973], %select_n3A_974 : memref<650x17xf32, #tpu.memory_space<vmem>>[vector<16xi32>, vector<16xi32>], vector<16xf32>,
            %and3A_975 = arith.andi %and3A_475, %and3A_84 : vector<16xi1>
            %broadcast_in_dim3A_976 = arith.constant 13 : i32
            %broadcast_in_dim3A_977 = vector.broadcast %broadcast_in_dim3A_976 : i32 to vector<16xi32>
            %select_n3A_978 = arith.select %and3A_975, %get3A_908, %broadcast_in_dim3A_358 : vector<16xi1>, vector<16xf32>
            tpu.vector_store_idx %arg5[%add3A_866, %broadcast_in_dim3A_977], %select_n3A_978 : memref<650x17xf32, #tpu.memory_space<vmem>>[vector<16xi32>, vector<16xi32>], vector<16xf32>,
            %and3A_979 = arith.andi %and3A_475, %and3A_91 : vector<16xi1>
            %broadcast_in_dim3A_980 = arith.constant 14 : i32
            %broadcast_in_dim3A_981 = vector.broadcast %broadcast_in_dim3A_980 : i32 to vector<16xi32>
            %select_n3A_982 = arith.select %and3A_979, %get3A_920, %broadcast_in_dim3A_358 : vector<16xi1>, vector<16xf32>
            tpu.vector_store_idx %arg5[%add3A_866, %broadcast_in_dim3A_981], %select_n3A_982 : memref<650x17xf32, #tpu.memory_space<vmem>>[vector<16xi32>, vector<16xi32>], vector<16xf32>,
            %and3A_983 = arith.andi %and3A_475, %and3A_91 : vector<16xi1>
            %broadcast_in_dim3A_984 = arith.constant 15 : i32
            %broadcast_in_dim3A_985 = vector.broadcast %broadcast_in_dim3A_984 : i32 to vector<16xi32>
            %select_n3A_986 = arith.select %and3A_983, %get3A_922, %broadcast_in_dim3A_358 : vector<16xi1>, vector<16xf32>
            tpu.vector_store_idx %arg5[%add3A_866, %broadcast_in_dim3A_985], %select_n3A_986 : memref<650x17xf32, #tpu.memory_space<vmem>>[vector<16xi32>, vector<16xi32>], vector<16xf32>,
            %mul3A_987 = arith.constant 130 : i32
            %mul3A_988 = arith.muli %scan3A_430, %mul3A_987 : i32
            %add3A_989 = arith.constant 64 : i32
            %add3A_990 = arith.addi %mul3A_988, %add3A_989 : i32
            %add3A_991 = vector.broadcast %add3A_990 : i32 to vector<16xi32>
            %add3A_992 = arith.addi %add3A_991, %iota3A : vector<16xi32>
            %add3A_993 = arith.constant 64 : i32
            %add3A_994 = arith.addi %add3A_458, %add3A_993 : i32
            %add3A_995 = arith.constant 0 : i32
            %add3A_996 = arith.addi %add3A_994, %add3A_995 : i32
            %sub3A_997 = arith.constant 1 : i32
            %sub3A_998 = arith.subi %add3A_996, %sub3A_997 : i32
            %get3A_999 = arith.index_cast %sub3A_998 : i32 to index
            %get3A_1000 = tpu.vector_load %arg6[%get3A_999] {strides = array<i32>} : memref<16400xf32, #tpu.memory_space<vmem>>, vector<16xf32>,
            %get3A_1001 = arith.index_cast %sub3A_998 : i32 to index
            %get3A_1002 = tpu.vector_load %arg7[%get3A_1001] {strides = array<i32>} : memref<16400xf32, #tpu.memory_space<vmem>>, vector<16xf32>,
            %get3A_1003 = arith.index_cast %sub3A_998 : i32 to index
            %get3A_1004 = tpu.vector_load %arg8[%get3A_1003] {strides = array<i32>} : memref<16400xf32, #tpu.memory_space<vmem>>, vector<16xf32>,
            %get3A_1005 = arith.index_cast %sub3A_998 : i32 to index
            %get3A_1006 = tpu.vector_load %arg9[%get3A_1005] {strides = array<i32>} : memref<16400xf32, #tpu.memory_space<vmem>>, vector<16xf32>,
            %add3A_1007 = arith.constant 64 : i32
            %add3A_1008 = arith.addi %add3A_458, %add3A_1007 : i32
            %add3A_1009 = arith.constant 1 : i32
            %add3A_1010 = arith.addi %add3A_1008, %add3A_1009 : i32
            %sub3A_1011 = arith.constant 1 : i32
            %sub3A_1012 = arith.subi %add3A_1010, %sub3A_1011 : i32
            %get3A_1013 = arith.index_cast %sub3A_1012 : i32 to index
            %get3A_1014 = tpu.vector_load %arg6[%get3A_1013] {strides = array<i32>} : memref<16400xf32, #tpu.memory_space<vmem>>, vector<16xf32>,
            %get3A_1015 = arith.index_cast %sub3A_1012 : i32 to index
            %get3A_1016 = tpu.vector_load %arg7[%get3A_1015] {strides = array<i32>} : memref<16400xf32, #tpu.memory_space<vmem>>, vector<16xf32>,
            %get3A_1017 = arith.index_cast %sub3A_1012 : i32 to index
            %get3A_1018 = tpu.vector_load %arg8[%get3A_1017] {strides = array<i32>} : memref<16400xf32, #tpu.memory_space<vmem>>, vector<16xf32>,
            %get3A_1019 = arith.index_cast %sub3A_1012 : i32 to index
            %get3A_1020 = tpu.vector_load %arg9[%get3A_1019] {strides = array<i32>} : memref<16400xf32, #tpu.memory_space<vmem>>, vector<16xf32>,
            %add3A_1021 = arith.constant 64 : i32
            %add3A_1022 = arith.addi %add3A_483, %add3A_1021 : i32
            %add3A_1023 = arith.constant 0 : i32
            %add3A_1024 = arith.addi %add3A_1022, %add3A_1023 : i32
            %sub3A_1025 = arith.constant 1 : i32
            %sub3A_1026 = arith.subi %add3A_1024, %sub3A_1025 : i32
            %get3A_1027 = arith.index_cast %sub3A_1026 : i32 to index
            %get3A_1028 = tpu.vector_load %arg6[%get3A_1027] {strides = array<i32>} : memref<16400xf32, #tpu.memory_space<vmem>>, vector<16xf32>,
            %get3A_1029 = arith.index_cast %sub3A_1026 : i32 to index
            %get3A_1030 = tpu.vector_load %arg7[%get3A_1029] {strides = array<i32>} : memref<16400xf32, #tpu.memory_space<vmem>>, vector<16xf32>,
            %get3A_1031 = arith.index_cast %sub3A_1026 : i32 to index
            %get3A_1032 = tpu.vector_load %arg8[%get3A_1031] {strides = array<i32>} : memref<16400xf32, #tpu.memory_space<vmem>>, vector<16xf32>,
            %get3A_1033 = arith.index_cast %sub3A_1026 : i32 to index
            %get3A_1034 = tpu.vector_load %arg9[%get3A_1033] {strides = array<i32>} : memref<16400xf32, #tpu.memory_space<vmem>>, vector<16xf32>,
            %add3A_1035 = arith.constant 64 : i32
            %add3A_1036 = arith.addi %add3A_483, %add3A_1035 : i32
            %add3A_1037 = arith.constant 1 : i32
            %add3A_1038 = arith.addi %add3A_1036, %add3A_1037 : i32
            %sub3A_1039 = arith.constant 1 : i32
            %sub3A_1040 = arith.subi %add3A_1038, %sub3A_1039 : i32
            %get3A_1041 = arith.index_cast %sub3A_1040 : i32 to index
            %get3A_1042 = tpu.vector_load %arg6[%get3A_1041] {strides = array<i32>} : memref<16400xf32, #tpu.memory_space<vmem>>, vector<16xf32>,
            %get3A_1043 = arith.index_cast %sub3A_1040 : i32 to index
            %get3A_1044 = tpu.vector_load %arg7[%get3A_1043] {strides = array<i32>} : memref<16400xf32, #tpu.memory_space<vmem>>, vector<16xf32>,
            %get3A_1045 = arith.index_cast %sub3A_1040 : i32 to index
            %get3A_1046 = tpu.vector_load %arg8[%get3A_1045] {strides = array<i32>} : memref<16400xf32, #tpu.memory_space<vmem>>, vector<16xf32>,
            %get3A_1047 = arith.index_cast %sub3A_1040 : i32 to index
            %get3A_1048 = tpu.vector_load %arg9[%get3A_1047] {strides = array<i32>} : memref<16400xf32, #tpu.memory_space<vmem>>, vector<16xf32>,
            %and3A_1049 = arith.andi %and3A_449, %and3A_107 : vector<16xi1>
            %broadcast_in_dim3A_1050 = arith.constant 0 : i32
            %broadcast_in_dim3A_1051 = vector.broadcast %broadcast_in_dim3A_1050 : i32 to vector<16xi32>
            %select_n3A_1052 = arith.select %and3A_1049, %get3A_1000, %broadcast_in_dim3A_358 : vector<16xi1>, vector<16xf32>
            tpu.vector_store_idx %arg5[%add3A_992, %broadcast_in_dim3A_1051], %select_n3A_1052 : memref<650x17xf32, #tpu.memory_space<vmem>>[vector<16xi32>, vector<16xi32>], vector<16xf32>,
            %and3A_1053 = arith.andi %and3A_449, %and3A_107 : vector<16xi1>
            %broadcast_in_dim3A_1054 = arith.constant 1 : i32
            %broadcast_in_dim3A_1055 = vector.broadcast %broadcast_in_dim3A_1054 : i32 to vector<16xi32>
            %select_n3A_1056 = arith.select %and3A_1053, %get3A_1002, %broadcast_in_dim3A_358 : vector<16xi1>, vector<16xf32>
            tpu.vector_store_idx %arg5[%add3A_992, %broadcast_in_dim3A_1055], %select_n3A_1056 : memref<650x17xf32, #tpu.memory_space<vmem>>[vector<16xi32>, vector<16xi32>], vector<16xf32>,
            %and3A_1057 = arith.andi %and3A_449, %and3A_114 : vector<16xi1>
            %broadcast_in_dim3A_1058 = arith.constant 2 : i32
            %broadcast_in_dim3A_1059 = vector.broadcast %broadcast_in_dim3A_1058 : i32 to vector<16xi32>
            %select_n3A_1060 = arith.select %and3A_1057, %get3A_1014, %broadcast_in_dim3A_358 : vector<16xi1>, vector<16xf32>
            tpu.vector_store_idx %arg5[%add3A_992, %broadcast_in_dim3A_1059], %select_n3A_1060 : memref<650x17xf32, #tpu.memory_space<vmem>>[vector<16xi32>, vector<16xi32>], vector<16xf32>,
            %and3A_1061 = arith.andi %and3A_449, %and3A_114 : vector<16xi1>
            %broadcast_in_dim3A_1062 = arith.constant 3 : i32
            %broadcast_in_dim3A_1063 = vector.broadcast %broadcast_in_dim3A_1062 : i32 to vector<16xi32>
            %select_n3A_1064 = arith.select %and3A_1061, %get3A_1016, %broadcast_in_dim3A_358 : vector<16xi1>, vector<16xf32>
            tpu.vector_store_idx %arg5[%add3A_992, %broadcast_in_dim3A_1063], %select_n3A_1064 : memref<650x17xf32, #tpu.memory_space<vmem>>[vector<16xi32>, vector<16xi32>], vector<16xf32>,
            %and3A_1065 = arith.andi %and3A_474, %and3A_107 : vector<16xi1>
            %broadcast_in_dim3A_1066 = arith.constant 4 : i32
            %broadcast_in_dim3A_1067 = vector.broadcast %broadcast_in_dim3A_1066 : i32 to vector<16xi32>
            %select_n3A_1068 = arith.select %and3A_1065, %get3A_1028, %broadcast_in_dim3A_358 : vector<16xi1>, vector<16xf32>
            tpu.vector_store_idx %arg5[%add3A_992, %broadcast_in_dim3A_1067], %select_n3A_1068 : memref<650x17xf32, #tpu.memory_space<vmem>>[vector<16xi32>, vector<16xi32>], vector<16xf32>,
            %and3A_1069 = arith.andi %and3A_474, %and3A_107 : vector<16xi1>
            %broadcast_in_dim3A_1070 = arith.constant 5 : i32
            %broadcast_in_dim3A_1071 = vector.broadcast %broadcast_in_dim3A_1070 : i32 to vector<16xi32>
            %select_n3A_1072 = arith.select %and3A_1069, %get3A_1030, %broadcast_in_dim3A_358 : vector<16xi1>, vector<16xf32>
            tpu.vector_store_idx %arg5[%add3A_992, %broadcast_in_dim3A_1071], %select_n3A_1072 : memref<650x17xf32, #tpu.memory_space<vmem>>[vector<16xi32>, vector<16xi32>], vector<16xf32>,
            %and3A_1073 = arith.andi %and3A_474, %and3A_114 : vector<16xi1>
            %broadcast_in_dim3A_1074 = arith.constant 6 : i32
            %broadcast_in_dim3A_1075 = vector.broadcast %broadcast_in_dim3A_1074 : i32 to vector<16xi32>
            %select_n3A_1076 = arith.select %and3A_1073, %get3A_1042, %broadcast_in_dim3A_358 : vector<16xi1>, vector<16xf32>
            tpu.vector_store_idx %arg5[%add3A_992, %broadcast_in_dim3A_1075], %select_n3A_1076 : memref<650x17xf32, #tpu.memory_space<vmem>>[vector<16xi32>, vector<16xi32>], vector<16xf32>,
            %and3A_1077 = arith.andi %and3A_474, %and3A_114 : vector<16xi1>
            %broadcast_in_dim3A_1078 = arith.constant 7 : i32
            %broadcast_in_dim3A_1079 = vector.broadcast %broadcast_in_dim3A_1078 : i32 to vector<16xi32>
            %select_n3A_1080 = arith.select %and3A_1077, %get3A_1044, %broadcast_in_dim3A_358 : vector<16xi1>, vector<16xf32>
            tpu.vector_store_idx %arg5[%add3A_992, %broadcast_in_dim3A_1079], %select_n3A_1080 : memref<650x17xf32, #tpu.memory_space<vmem>>[vector<16xi32>, vector<16xi32>], vector<16xf32>,
            %and3A_1081 = arith.andi %and3A_450, %and3A_107 : vector<16xi1>
            %broadcast_in_dim3A_1082 = arith.constant 8 : i32
            %broadcast_in_dim3A_1083 = vector.broadcast %broadcast_in_dim3A_1082 : i32 to vector<16xi32>
            %select_n3A_1084 = arith.select %and3A_1081, %get3A_1004, %broadcast_in_dim3A_358 : vector<16xi1>, vector<16xf32>
            tpu.vector_store_idx %arg5[%add3A_992, %broadcast_in_dim3A_1083], %select_n3A_1084 : memref<650x17xf32, #tpu.memory_space<vmem>>[vector<16xi32>, vector<16xi32>], vector<16xf32>,
            %and3A_1085 = arith.andi %and3A_450, %and3A_107 : vector<16xi1>
            %broadcast_in_dim3A_1086 = arith.constant 9 : i32
            %broadcast_in_dim3A_1087 = vector.broadcast %broadcast_in_dim3A_1086 : i32 to vector<16xi32>
            %select_n3A_1088 = arith.select %and3A_1085, %get3A_1006, %broadcast_in_dim3A_358 : vector<16xi1>, vector<16xf32>
            tpu.vector_store_idx %arg5[%add3A_992, %broadcast_in_dim3A_1087], %select_n3A_1088 : memref<650x17xf32, #tpu.memory_space<vmem>>[vector<16xi32>, vector<16xi32>], vector<16xf32>,
            %and3A_1089 = arith.andi %and3A_450, %and3A_114 : vector<16xi1>
            %broadcast_in_dim3A_1090 = arith.constant 10 : i32
            %broadcast_in_dim3A_1091 = vector.broadcast %broadcast_in_dim3A_1090 : i32 to vector<16xi32>
            %select_n3A_1092 = arith.select %and3A_1089, %get3A_1018, %broadcast_in_dim3A_358 : vector<16xi1>, vector<16xf32>
            tpu.vector_store_idx %arg5[%add3A_992, %broadcast_in_dim3A_1091], %select_n3A_1092 : memref<650x17xf32, #tpu.memory_space<vmem>>[vector<16xi32>, vector<16xi32>], vector<16xf32>,
            %and3A_1093 = arith.andi %and3A_450, %and3A_114 : vector<16xi1>
            %broadcast_in_dim3A_1094 = arith.constant 11 : i32
            %broadcast_in_dim3A_1095 = vector.broadcast %broadcast_in_dim3A_1094 : i32 to vector<16xi32>
            %select_n3A_1096 = arith.select %and3A_1093, %get3A_1020, %broadcast_in_dim3A_358 : vector<16xi1>, vector<16xf32>
            tpu.vector_store_idx %arg5[%add3A_992, %broadcast_in_dim3A_1095], %select_n3A_1096 : memref<650x17xf32, #tpu.memory_space<vmem>>[vector<16xi32>, vector<16xi32>], vector<16xf32>,
            %and3A_1097 = arith.andi %and3A_475, %and3A_107 : vector<16xi1>
            %broadcast_in_dim3A_1098 = arith.constant 12 : i32
            %broadcast_in_dim3A_1099 = vector.broadcast %broadcast_in_dim3A_1098 : i32 to vector<16xi32>
            %select_n3A_1100 = arith.select %and3A_1097, %get3A_1032, %broadcast_in_dim3A_358 : vector<16xi1>, vector<16xf32>
            tpu.vector_store_idx %arg5[%add3A_992, %broadcast_in_dim3A_1099], %select_n3A_1100 : memref<650x17xf32, #tpu.memory_space<vmem>>[vector<16xi32>, vector<16xi32>], vector<16xf32>,
            %and3A_1101 = arith.andi %and3A_475, %and3A_107 : vector<16xi1>
            %broadcast_in_dim3A_1102 = arith.constant 13 : i32
            %broadcast_in_dim3A_1103 = vector.broadcast %broadcast_in_dim3A_1102 : i32 to vector<16xi32>
            %select_n3A_1104 = arith.select %and3A_1101, %get3A_1034, %broadcast_in_dim3A_358 : vector<16xi1>, vector<16xf32>
            tpu.vector_store_idx %arg5[%add3A_992, %broadcast_in_dim3A_1103], %select_n3A_1104 : memref<650x17xf32, #tpu.memory_space<vmem>>[vector<16xi32>, vector<16xi32>], vector<16xf32>,
            %and3A_1105 = arith.andi %and3A_475, %and3A_114 : vector<16xi1>
            %broadcast_in_dim3A_1106 = arith.constant 14 : i32
            %broadcast_in_dim3A_1107 = vector.broadcast %broadcast_in_dim3A_1106 : i32 to vector<16xi32>
            %select_n3A_1108 = arith.select %and3A_1105, %get3A_1046, %broadcast_in_dim3A_358 : vector<16xi1>, vector<16xf32>
            tpu.vector_store_idx %arg5[%add3A_992, %broadcast_in_dim3A_1107], %select_n3A_1108 : memref<650x17xf32, #tpu.memory_space<vmem>>[vector<16xi32>, vector<16xi32>], vector<16xf32>,
            %and3A_1109 = arith.andi %and3A_475, %and3A_114 : vector<16xi1>
            %broadcast_in_dim3A_1110 = arith.constant 15 : i32
            %broadcast_in_dim3A_1111 = vector.broadcast %broadcast_in_dim3A_1110 : i32 to vector<16xi32>
            %select_n3A_1112 = arith.select %and3A_1109, %get3A_1048, %broadcast_in_dim3A_358 : vector<16xi1>, vector<16xf32>
            tpu.vector_store_idx %arg5[%add3A_992, %broadcast_in_dim3A_1111], %select_n3A_1112 : memref<650x17xf32, #tpu.memory_space<vmem>>[vector<16xi32>, vector<16xi32>], vector<16xf32>,
            %mul3A_1113 = arith.constant 130 : i32
            %mul3A_1114 = arith.muli %scan3A_430, %mul3A_1113 : i32
            %add3A_1115 = arith.constant 80 : i32
            %add3A_1116 = arith.addi %mul3A_1114, %add3A_1115 : i32
            %add3A_1117 = vector.broadcast %add3A_1116 : i32 to vector<16xi32>
            %add3A_1118 = arith.addi %add3A_1117, %iota3A : vector<16xi32>
            %add3A_1119 = arith.constant 80 : i32
            %add3A_1120 = arith.addi %add3A_458, %add3A_1119 : i32
            %add3A_1121 = arith.constant 0 : i32
            %add3A_1122 = arith.addi %add3A_1120, %add3A_1121 : i32
            %sub3A_1123 = arith.constant 1 : i32
            %sub3A_1124 = arith.subi %add3A_1122, %sub3A_1123 : i32
            %get3A_1125 = arith.index_cast %sub3A_1124 : i32 to index
            %get3A_1126 = tpu.vector_load %arg6[%get3A_1125] {strides = array<i32>} : memref<16400xf32, #tpu.memory_space<vmem>>, vector<16xf32>,
            %get3A_1127 = arith.index_cast %sub3A_1124 : i32 to index
            %get3A_1128 = tpu.vector_load %arg7[%get3A_1127] {strides = array<i32>} : memref<16400xf32, #tpu.memory_space<vmem>>, vector<16xf32>,
            %get3A_1129 = arith.index_cast %sub3A_1124 : i32 to index
            %get3A_1130 = tpu.vector_load %arg8[%get3A_1129] {strides = array<i32>} : memref<16400xf32, #tpu.memory_space<vmem>>, vector<16xf32>,
            %get3A_1131 = arith.index_cast %sub3A_1124 : i32 to index
            %get3A_1132 = tpu.vector_load %arg9[%get3A_1131] {strides = array<i32>} : memref<16400xf32, #tpu.memory_space<vmem>>, vector<16xf32>,
            %add3A_1133 = arith.constant 80 : i32
            %add3A_1134 = arith.addi %add3A_458, %add3A_1133 : i32
            %add3A_1135 = arith.constant 1 : i32
            %add3A_1136 = arith.addi %add3A_1134, %add3A_1135 : i32
            %sub3A_1137 = arith.constant 1 : i32
            %sub3A_1138 = arith.subi %add3A_1136, %sub3A_1137 : i32
            %get3A_1139 = arith.index_cast %sub3A_1138 : i32 to index
            %get3A_1140 = tpu.vector_load %arg6[%get3A_1139] {strides = array<i32>} : memref<16400xf32, #tpu.memory_space<vmem>>, vector<16xf32>,
            %get3A_1141 = arith.index_cast %sub3A_1138 : i32 to index
            %get3A_1142 = tpu.vector_load %arg7[%get3A_1141] {strides = array<i32>} : memref<16400xf32, #tpu.memory_space<vmem>>, vector<16xf32>,
            %get3A_1143 = arith.index_cast %sub3A_1138 : i32 to index
            %get3A_1144 = tpu.vector_load %arg8[%get3A_1143] {strides = array<i32>} : memref<16400xf32, #tpu.memory_space<vmem>>, vector<16xf32>,
            %get3A_1145 = arith.index_cast %sub3A_1138 : i32 to index
            %get3A_1146 = tpu.vector_load %arg9[%get3A_1145] {strides = array<i32>} : memref<16400xf32, #tpu.memory_space<vmem>>, vector<16xf32>,
            %add3A_1147 = arith.constant 80 : i32
            %add3A_1148 = arith.addi %add3A_483, %add3A_1147 : i32
            %add3A_1149 = arith.constant 0 : i32
            %add3A_1150 = arith.addi %add3A_1148, %add3A_1149 : i32
            %sub3A_1151 = arith.constant 1 : i32
            %sub3A_1152 = arith.subi %add3A_1150, %sub3A_1151 : i32
            %get3A_1153 = arith.index_cast %sub3A_1152 : i32 to index
            %get3A_1154 = tpu.vector_load %arg6[%get3A_1153] {strides = array<i32>} : memref<16400xf32, #tpu.memory_space<vmem>>, vector<16xf32>,
            %get3A_1155 = arith.index_cast %sub3A_1152 : i32 to index
            %get3A_1156 = tpu.vector_load %arg7[%get3A_1155] {strides = array<i32>} : memref<16400xf32, #tpu.memory_space<vmem>>, vector<16xf32>,
            %get3A_1157 = arith.index_cast %sub3A_1152 : i32 to index
            %get3A_1158 = tpu.vector_load %arg8[%get3A_1157] {strides = array<i32>} : memref<16400xf32, #tpu.memory_space<vmem>>, vector<16xf32>,
            %get3A_1159 = arith.index_cast %sub3A_1152 : i32 to index
            %get3A_1160 = tpu.vector_load %arg9[%get3A_1159] {strides = array<i32>} : memref<16400xf32, #tpu.memory_space<vmem>>, vector<16xf32>,
            %add3A_1161 = arith.constant 80 : i32
            %add3A_1162 = arith.addi %add3A_483, %add3A_1161 : i32
            %add3A_1163 = arith.constant 1 : i32
            %add3A_1164 = arith.addi %add3A_1162, %add3A_1163 : i32
            %sub3A_1165 = arith.constant 1 : i32
            %sub3A_1166 = arith.subi %add3A_1164, %sub3A_1165 : i32
            %get3A_1167 = arith.index_cast %sub3A_1166 : i32 to index
            %get3A_1168 = tpu.vector_load %arg6[%get3A_1167] {strides = array<i32>} : memref<16400xf32, #tpu.memory_space<vmem>>, vector<16xf32>,
            %get3A_1169 = arith.index_cast %sub3A_1166 : i32 to index
            %get3A_1170 = tpu.vector_load %arg7[%get3A_1169] {strides = array<i32>} : memref<16400xf32, #tpu.memory_space<vmem>>, vector<16xf32>,
            %get3A_1171 = arith.index_cast %sub3A_1166 : i32 to index
            %get3A_1172 = tpu.vector_load %arg8[%get3A_1171] {strides = array<i32>} : memref<16400xf32, #tpu.memory_space<vmem>>, vector<16xf32>,
            %get3A_1173 = arith.index_cast %sub3A_1166 : i32 to index
            %get3A_1174 = tpu.vector_load %arg9[%get3A_1173] {strides = array<i32>} : memref<16400xf32, #tpu.memory_space<vmem>>, vector<16xf32>,
            %and3A_1175 = arith.andi %and3A_449, %and3A_130 : vector<16xi1>
            %broadcast_in_dim3A_1176 = arith.constant 0 : i32
            %broadcast_in_dim3A_1177 = vector.broadcast %broadcast_in_dim3A_1176 : i32 to vector<16xi32>
            %select_n3A_1178 = arith.select %and3A_1175, %get3A_1126, %broadcast_in_dim3A_358 : vector<16xi1>, vector<16xf32>
            tpu.vector_store_idx %arg5[%add3A_1118, %broadcast_in_dim3A_1177], %select_n3A_1178 : memref<650x17xf32, #tpu.memory_space<vmem>>[vector<16xi32>, vector<16xi32>], vector<16xf32>,
            %and3A_1179 = arith.andi %and3A_449, %and3A_130 : vector<16xi1>
            %broadcast_in_dim3A_1180 = arith.constant 1 : i32
            %broadcast_in_dim3A_1181 = vector.broadcast %broadcast_in_dim3A_1180 : i32 to vector<16xi32>
            %select_n3A_1182 = arith.select %and3A_1179, %get3A_1128, %broadcast_in_dim3A_358 : vector<16xi1>, vector<16xf32>
            tpu.vector_store_idx %arg5[%add3A_1118, %broadcast_in_dim3A_1181], %select_n3A_1182 : memref<650x17xf32, #tpu.memory_space<vmem>>[vector<16xi32>, vector<16xi32>], vector<16xf32>,
            %and3A_1183 = arith.andi %and3A_449, %and3A_137 : vector<16xi1>
            %broadcast_in_dim3A_1184 = arith.constant 2 : i32
            %broadcast_in_dim3A_1185 = vector.broadcast %broadcast_in_dim3A_1184 : i32 to vector<16xi32>
            %select_n3A_1186 = arith.select %and3A_1183, %get3A_1140, %broadcast_in_dim3A_358 : vector<16xi1>, vector<16xf32>
            tpu.vector_store_idx %arg5[%add3A_1118, %broadcast_in_dim3A_1185], %select_n3A_1186 : memref<650x17xf32, #tpu.memory_space<vmem>>[vector<16xi32>, vector<16xi32>], vector<16xf32>,
            %and3A_1187 = arith.andi %and3A_449, %and3A_137 : vector<16xi1>
            %broadcast_in_dim3A_1188 = arith.constant 3 : i32
            %broadcast_in_dim3A_1189 = vector.broadcast %broadcast_in_dim3A_1188 : i32 to vector<16xi32>
            %select_n3A_1190 = arith.select %and3A_1187, %get3A_1142, %broadcast_in_dim3A_358 : vector<16xi1>, vector<16xf32>
            tpu.vector_store_idx %arg5[%add3A_1118, %broadcast_in_dim3A_1189], %select_n3A_1190 : memref<650x17xf32, #tpu.memory_space<vmem>>[vector<16xi32>, vector<16xi32>], vector<16xf32>,
            %and3A_1191 = arith.andi %and3A_474, %and3A_130 : vector<16xi1>
            %broadcast_in_dim3A_1192 = arith.constant 4 : i32
            %broadcast_in_dim3A_1193 = vector.broadcast %broadcast_in_dim3A_1192 : i32 to vector<16xi32>
            %select_n3A_1194 = arith.select %and3A_1191, %get3A_1154, %broadcast_in_dim3A_358 : vector<16xi1>, vector<16xf32>
            tpu.vector_store_idx %arg5[%add3A_1118, %broadcast_in_dim3A_1193], %select_n3A_1194 : memref<650x17xf32, #tpu.memory_space<vmem>>[vector<16xi32>, vector<16xi32>], vector<16xf32>,
            %and3A_1195 = arith.andi %and3A_474, %and3A_130 : vector<16xi1>
            %broadcast_in_dim3A_1196 = arith.constant 5 : i32
            %broadcast_in_dim3A_1197 = vector.broadcast %broadcast_in_dim3A_1196 : i32 to vector<16xi32>
            %select_n3A_1198 = arith.select %and3A_1195, %get3A_1156, %broadcast_in_dim3A_358 : vector<16xi1>, vector<16xf32>
            tpu.vector_store_idx %arg5[%add3A_1118, %broadcast_in_dim3A_1197], %select_n3A_1198 : memref<650x17xf32, #tpu.memory_space<vmem>>[vector<16xi32>, vector<16xi32>], vector<16xf32>,
            %and3A_1199 = arith.andi %and3A_474, %and3A_137 : vector<16xi1>
            %broadcast_in_dim3A_1200 = arith.constant 6 : i32
            %broadcast_in_dim3A_1201 = vector.broadcast %broadcast_in_dim3A_1200 : i32 to vector<16xi32>
            %select_n3A_1202 = arith.select %and3A_1199, %get3A_1168, %broadcast_in_dim3A_358 : vector<16xi1>, vector<16xf32>
            tpu.vector_store_idx %arg5[%add3A_1118, %broadcast_in_dim3A_1201], %select_n3A_1202 : memref<650x17xf32, #tpu.memory_space<vmem>>[vector<16xi32>, vector<16xi32>], vector<16xf32>,
            %and3A_1203 = arith.andi %and3A_474, %and3A_137 : vector<16xi1>
            %broadcast_in_dim3A_1204 = arith.constant 7 : i32
            %broadcast_in_dim3A_1205 = vector.broadcast %broadcast_in_dim3A_1204 : i32 to vector<16xi32>
            %select_n3A_1206 = arith.select %and3A_1203, %get3A_1170, %broadcast_in_dim3A_358 : vector<16xi1>, vector<16xf32>
            tpu.vector_store_idx %arg5[%add3A_1118, %broadcast_in_dim3A_1205], %select_n3A_1206 : memref<650x17xf32, #tpu.memory_space<vmem>>[vector<16xi32>, vector<16xi32>], vector<16xf32>,
            %and3A_1207 = arith.andi %and3A_450, %and3A_130 : vector<16xi1>
            %broadcast_in_dim3A_1208 = arith.constant 8 : i32
            %broadcast_in_dim3A_1209 = vector.broadcast %broadcast_in_dim3A_1208 : i32 to vector<16xi32>
            %select_n3A_1210 = arith.select %and3A_1207, %get3A_1130, %broadcast_in_dim3A_358 : vector<16xi1>, vector<16xf32>
            tpu.vector_store_idx %arg5[%add3A_1118, %broadcast_in_dim3A_1209], %select_n3A_1210 : memref<650x17xf32, #tpu.memory_space<vmem>>[vector<16xi32>, vector<16xi32>], vector<16xf32>,
            %and3A_1211 = arith.andi %and3A_450, %and3A_130 : vector<16xi1>
            %broadcast_in_dim3A_1212 = arith.constant 9 : i32
            %broadcast_in_dim3A_1213 = vector.broadcast %broadcast_in_dim3A_1212 : i32 to vector<16xi32>
            %select_n3A_1214 = arith.select %and3A_1211, %get3A_1132, %broadcast_in_dim3A_358 : vector<16xi1>, vector<16xf32>
            tpu.vector_store_idx %arg5[%add3A_1118, %broadcast_in_dim3A_1213], %select_n3A_1214 : memref<650x17xf32, #tpu.memory_space<vmem>>[vector<16xi32>, vector<16xi32>], vector<16xf32>,
            %and3A_1215 = arith.andi %and3A_450, %and3A_137 : vector<16xi1>
            %broadcast_in_dim3A_1216 = arith.constant 10 : i32
            %broadcast_in_dim3A_1217 = vector.broadcast %broadcast_in_dim3A_1216 : i32 to vector<16xi32>
            %select_n3A_1218 = arith.select %and3A_1215, %get3A_1144, %broadcast_in_dim3A_358 : vector<16xi1>, vector<16xf32>
            tpu.vector_store_idx %arg5[%add3A_1118, %broadcast_in_dim3A_1217], %select_n3A_1218 : memref<650x17xf32, #tpu.memory_space<vmem>>[vector<16xi32>, vector<16xi32>], vector<16xf32>,
            %and3A_1219 = arith.andi %and3A_450, %and3A_137 : vector<16xi1>
            %broadcast_in_dim3A_1220 = arith.constant 11 : i32
            %broadcast_in_dim3A_1221 = vector.broadcast %broadcast_in_dim3A_1220 : i32 to vector<16xi32>
            %select_n3A_1222 = arith.select %and3A_1219, %get3A_1146, %broadcast_in_dim3A_358 : vector<16xi1>, vector<16xf32>
            tpu.vector_store_idx %arg5[%add3A_1118, %broadcast_in_dim3A_1221], %select_n3A_1222 : memref<650x17xf32, #tpu.memory_space<vmem>>[vector<16xi32>, vector<16xi32>], vector<16xf32>,
            %and3A_1223 = arith.andi %and3A_475, %and3A_130 : vector<16xi1>
            %broadcast_in_dim3A_1224 = arith.constant 12 : i32
            %broadcast_in_dim3A_1225 = vector.broadcast %broadcast_in_dim3A_1224 : i32 to vector<16xi32>
            %select_n3A_1226 = arith.select %and3A_1223, %get3A_1158, %broadcast_in_dim3A_358 : vector<16xi1>, vector<16xf32>
            tpu.vector_store_idx %arg5[%add3A_1118, %broadcast_in_dim3A_1225], %select_n3A_1226 : memref<650x17xf32, #tpu.memory_space<vmem>>[vector<16xi32>, vector<16xi32>], vector<16xf32>,
            %and3A_1227 = arith.andi %and3A_475, %and3A_130 : vector<16xi1>
            %broadcast_in_dim3A_1228 = arith.constant 13 : i32
            %broadcast_in_dim3A_1229 = vector.broadcast %broadcast_in_dim3A_1228 : i32 to vector<16xi32>
            %select_n3A_1230 = arith.select %and3A_1227, %get3A_1160, %broadcast_in_dim3A_358 : vector<16xi1>, vector<16xf32>
            tpu.vector_store_idx %arg5[%add3A_1118, %broadcast_in_dim3A_1229], %select_n3A_1230 : memref<650x17xf32, #tpu.memory_space<vmem>>[vector<16xi32>, vector<16xi32>], vector<16xf32>,
            %and3A_1231 = arith.andi %and3A_475, %and3A_137 : vector<16xi1>
            %broadcast_in_dim3A_1232 = arith.constant 14 : i32
            %broadcast_in_dim3A_1233 = vector.broadcast %broadcast_in_dim3A_1232 : i32 to vector<16xi32>
            %select_n3A_1234 = arith.select %and3A_1231, %get3A_1172, %broadcast_in_dim3A_358 : vector<16xi1>, vector<16xf32>
            tpu.vector_store_idx %arg5[%add3A_1118, %broadcast_in_dim3A_1233], %select_n3A_1234 : memref<650x17xf32, #tpu.memory_space<vmem>>[vector<16xi32>, vector<16xi32>], vector<16xf32>,
            %and3A_1235 = arith.andi %and3A_475, %and3A_137 : vector<16xi1>
            %broadcast_in_dim3A_1236 = arith.constant 15 : i32
            %broadcast_in_dim3A_1237 = vector.broadcast %broadcast_in_dim3A_1236 : i32 to vector<16xi32>
            %select_n3A_1238 = arith.select %and3A_1235, %get3A_1174, %broadcast_in_dim3A_358 : vector<16xi1>, vector<16xf32>
            tpu.vector_store_idx %arg5[%add3A_1118, %broadcast_in_dim3A_1237], %select_n3A_1238 : memref<650x17xf32, #tpu.memory_space<vmem>>[vector<16xi32>, vector<16xi32>], vector<16xf32>,
            %mul3A_1239 = arith.constant 130 : i32
            %mul3A_1240 = arith.muli %scan3A_430, %mul3A_1239 : i32
            %add3A_1241 = arith.constant 96 : i32
            %add3A_1242 = arith.addi %mul3A_1240, %add3A_1241 : i32
            %add3A_1243 = vector.broadcast %add3A_1242 : i32 to vector<16xi32>
            %add3A_1244 = arith.addi %add3A_1243, %iota3A : vector<16xi32>
            %add3A_1245 = arith.constant 96 : i32
            %add3A_1246 = arith.addi %add3A_458, %add3A_1245 : i32
            %add3A_1247 = arith.constant 0 : i32
            %add3A_1248 = arith.addi %add3A_1246, %add3A_1247 : i32
            %sub3A_1249 = arith.constant 1 : i32
            %sub3A_1250 = arith.subi %add3A_1248, %sub3A_1249 : i32
            %get3A_1251 = arith.index_cast %sub3A_1250 : i32 to index
            %get3A_1252 = tpu.vector_load %arg6[%get3A_1251] {strides = array<i32>} : memref<16400xf32, #tpu.memory_space<vmem>>, vector<16xf32>,
            %get3A_1253 = arith.index_cast %sub3A_1250 : i32 to index
            %get3A_1254 = tpu.vector_load %arg7[%get3A_1253] {strides = array<i32>} : memref<16400xf32, #tpu.memory_space<vmem>>, vector<16xf32>,
            %get3A_1255 = arith.index_cast %sub3A_1250 : i32 to index
            %get3A_1256 = tpu.vector_load %arg8[%get3A_1255] {strides = array<i32>} : memref<16400xf32, #tpu.memory_space<vmem>>, vector<16xf32>,
            %get3A_1257 = arith.index_cast %sub3A_1250 : i32 to index
            %get3A_1258 = tpu.vector_load %arg9[%get3A_1257] {strides = array<i32>} : memref<16400xf32, #tpu.memory_space<vmem>>, vector<16xf32>,
            %add3A_1259 = arith.constant 96 : i32
            %add3A_1260 = arith.addi %add3A_458, %add3A_1259 : i32
            %add3A_1261 = arith.constant 1 : i32
            %add3A_1262 = arith.addi %add3A_1260, %add3A_1261 : i32
            %sub3A_1263 = arith.constant 1 : i32
            %sub3A_1264 = arith.subi %add3A_1262, %sub3A_1263 : i32
            %get3A_1265 = arith.index_cast %sub3A_1264 : i32 to index
            %get3A_1266 = tpu.vector_load %arg6[%get3A_1265] {strides = array<i32>} : memref<16400xf32, #tpu.memory_space<vmem>>, vector<16xf32>,
            %get3A_1267 = arith.index_cast %sub3A_1264 : i32 to index
            %get3A_1268 = tpu.vector_load %arg7[%get3A_1267] {strides = array<i32>} : memref<16400xf32, #tpu.memory_space<vmem>>, vector<16xf32>,
            %get3A_1269 = arith.index_cast %sub3A_1264 : i32 to index
            %get3A_1270 = tpu.vector_load %arg8[%get3A_1269] {strides = array<i32>} : memref<16400xf32, #tpu.memory_space<vmem>>, vector<16xf32>,
            %get3A_1271 = arith.index_cast %sub3A_1264 : i32 to index
            %get3A_1272 = tpu.vector_load %arg9[%get3A_1271] {strides = array<i32>} : memref<16400xf32, #tpu.memory_space<vmem>>, vector<16xf32>,
            %add3A_1273 = arith.constant 96 : i32
            %add3A_1274 = arith.addi %add3A_483, %add3A_1273 : i32
            %add3A_1275 = arith.constant 0 : i32
            %add3A_1276 = arith.addi %add3A_1274, %add3A_1275 : i32
            %sub3A_1277 = arith.constant 1 : i32
            %sub3A_1278 = arith.subi %add3A_1276, %sub3A_1277 : i32
            %get3A_1279 = arith.index_cast %sub3A_1278 : i32 to index
            %get3A_1280 = tpu.vector_load %arg6[%get3A_1279] {strides = array<i32>} : memref<16400xf32, #tpu.memory_space<vmem>>, vector<16xf32>,
            %get3A_1281 = arith.index_cast %sub3A_1278 : i32 to index
            %get3A_1282 = tpu.vector_load %arg7[%get3A_1281] {strides = array<i32>} : memref<16400xf32, #tpu.memory_space<vmem>>, vector<16xf32>,
            %get3A_1283 = arith.index_cast %sub3A_1278 : i32 to index
            %get3A_1284 = tpu.vector_load %arg8[%get3A_1283] {strides = array<i32>} : memref<16400xf32, #tpu.memory_space<vmem>>, vector<16xf32>,
            %get3A_1285 = arith.index_cast %sub3A_1278 : i32 to index
            %get3A_1286 = tpu.vector_load %arg9[%get3A_1285] {strides = array<i32>} : memref<16400xf32, #tpu.memory_space<vmem>>, vector<16xf32>,
            %add3A_1287 = arith.constant 96 : i32
            %add3A_1288 = arith.addi %add3A_483, %add3A_1287 : i32
            %add3A_1289 = arith.constant 1 : i32
            %add3A_1290 = arith.addi %add3A_1288, %add3A_1289 : i32
            %sub3A_1291 = arith.constant 1 : i32
            %sub3A_1292 = arith.subi %add3A_1290, %sub3A_1291 : i32
            %get3A_1293 = arith.index_cast %sub3A_1292 : i32 to index
            %get3A_1294 = tpu.vector_load %arg6[%get3A_1293] {strides = array<i32>} : memref<16400xf32, #tpu.memory_space<vmem>>, vector<16xf32>,
            %get3A_1295 = arith.index_cast %sub3A_1292 : i32 to index
            %get3A_1296 = tpu.vector_load %arg7[%get3A_1295] {strides = array<i32>} : memref<16400xf32, #tpu.memory_space<vmem>>, vector<16xf32>,
            %get3A_1297 = arith.index_cast %sub3A_1292 : i32 to index
            %get3A_1298 = tpu.vector_load %arg8[%get3A_1297] {strides = array<i32>} : memref<16400xf32, #tpu.memory_space<vmem>>, vector<16xf32>,
            %get3A_1299 = arith.index_cast %sub3A_1292 : i32 to index
            %get3A_1300 = tpu.vector_load %arg9[%get3A_1299] {strides = array<i32>} : memref<16400xf32, #tpu.memory_space<vmem>>, vector<16xf32>,
            %and3A_1301 = arith.andi %and3A_449, %and3A_153 : vector<16xi1>
            %broadcast_in_dim3A_1302 = arith.constant 0 : i32
            %broadcast_in_dim3A_1303 = vector.broadcast %broadcast_in_dim3A_1302 : i32 to vector<16xi32>
            %select_n3A_1304 = arith.select %and3A_1301, %get3A_1252, %broadcast_in_dim3A_358 : vector<16xi1>, vector<16xf32>
            tpu.vector_store_idx %arg5[%add3A_1244, %broadcast_in_dim3A_1303], %select_n3A_1304 : memref<650x17xf32, #tpu.memory_space<vmem>>[vector<16xi32>, vector<16xi32>], vector<16xf32>,
            %and3A_1305 = arith.andi %and3A_449, %and3A_153 : vector<16xi1>
            %broadcast_in_dim3A_1306 = arith.constant 1 : i32
            %broadcast_in_dim3A_1307 = vector.broadcast %broadcast_in_dim3A_1306 : i32 to vector<16xi32>
            %select_n3A_1308 = arith.select %and3A_1305, %get3A_1254, %broadcast_in_dim3A_358 : vector<16xi1>, vector<16xf32>
            tpu.vector_store_idx %arg5[%add3A_1244, %broadcast_in_dim3A_1307], %select_n3A_1308 : memref<650x17xf32, #tpu.memory_space<vmem>>[vector<16xi32>, vector<16xi32>], vector<16xf32>,
            %and3A_1309 = arith.andi %and3A_449, %and3A_160 : vector<16xi1>
            %broadcast_in_dim3A_1310 = arith.constant 2 : i32
            %broadcast_in_dim3A_1311 = vector.broadcast %broadcast_in_dim3A_1310 : i32 to vector<16xi32>
            %select_n3A_1312 = arith.select %and3A_1309, %get3A_1266, %broadcast_in_dim3A_358 : vector<16xi1>, vector<16xf32>
            tpu.vector_store_idx %arg5[%add3A_1244, %broadcast_in_dim3A_1311], %select_n3A_1312 : memref<650x17xf32, #tpu.memory_space<vmem>>[vector<16xi32>, vector<16xi32>], vector<16xf32>,
            %and3A_1313 = arith.andi %and3A_449, %and3A_160 : vector<16xi1>
            %broadcast_in_dim3A_1314 = arith.constant 3 : i32
            %broadcast_in_dim3A_1315 = vector.broadcast %broadcast_in_dim3A_1314 : i32 to vector<16xi32>
            %select_n3A_1316 = arith.select %and3A_1313, %get3A_1268, %broadcast_in_dim3A_358 : vector<16xi1>, vector<16xf32>
            tpu.vector_store_idx %arg5[%add3A_1244, %broadcast_in_dim3A_1315], %select_n3A_1316 : memref<650x17xf32, #tpu.memory_space<vmem>>[vector<16xi32>, vector<16xi32>], vector<16xf32>,
            %and3A_1317 = arith.andi %and3A_474, %and3A_153 : vector<16xi1>
            %broadcast_in_dim3A_1318 = arith.constant 4 : i32
            %broadcast_in_dim3A_1319 = vector.broadcast %broadcast_in_dim3A_1318 : i32 to vector<16xi32>
            %select_n3A_1320 = arith.select %and3A_1317, %get3A_1280, %broadcast_in_dim3A_358 : vector<16xi1>, vector<16xf32>
            tpu.vector_store_idx %arg5[%add3A_1244, %broadcast_in_dim3A_1319], %select_n3A_1320 : memref<650x17xf32, #tpu.memory_space<vmem>>[vector<16xi32>, vector<16xi32>], vector<16xf32>,
            %and3A_1321 = arith.andi %and3A_474, %and3A_153 : vector<16xi1>
            %broadcast_in_dim3A_1322 = arith.constant 5 : i32
            %broadcast_in_dim3A_1323 = vector.broadcast %broadcast_in_dim3A_1322 : i32 to vector<16xi32>
            %select_n3A_1324 = arith.select %and3A_1321, %get3A_1282, %broadcast_in_dim3A_358 : vector<16xi1>, vector<16xf32>
            tpu.vector_store_idx %arg5[%add3A_1244, %broadcast_in_dim3A_1323], %select_n3A_1324 : memref<650x17xf32, #tpu.memory_space<vmem>>[vector<16xi32>, vector<16xi32>], vector<16xf32>,
            %and3A_1325 = arith.andi %and3A_474, %and3A_160 : vector<16xi1>
            %broadcast_in_dim3A_1326 = arith.constant 6 : i32
            %broadcast_in_dim3A_1327 = vector.broadcast %broadcast_in_dim3A_1326 : i32 to vector<16xi32>
            %select_n3A_1328 = arith.select %and3A_1325, %get3A_1294, %broadcast_in_dim3A_358 : vector<16xi1>, vector<16xf32>
            tpu.vector_store_idx %arg5[%add3A_1244, %broadcast_in_dim3A_1327], %select_n3A_1328 : memref<650x17xf32, #tpu.memory_space<vmem>>[vector<16xi32>, vector<16xi32>], vector<16xf32>,
            %and3A_1329 = arith.andi %and3A_474, %and3A_160 : vector<16xi1>
            %broadcast_in_dim3A_1330 = arith.constant 7 : i32
            %broadcast_in_dim3A_1331 = vector.broadcast %broadcast_in_dim3A_1330 : i32 to vector<16xi32>
            %select_n3A_1332 = arith.select %and3A_1329, %get3A_1296, %broadcast_in_dim3A_358 : vector<16xi1>, vector<16xf32>
            tpu.vector_store_idx %arg5[%add3A_1244, %broadcast_in_dim3A_1331], %select_n3A_1332 : memref<650x17xf32, #tpu.memory_space<vmem>>[vector<16xi32>, vector<16xi32>], vector<16xf32>,
            %and3A_1333 = arith.andi %and3A_450, %and3A_153 : vector<16xi1>
            %broadcast_in_dim3A_1334 = arith.constant 8 : i32
            %broadcast_in_dim3A_1335 = vector.broadcast %broadcast_in_dim3A_1334 : i32 to vector<16xi32>
            %select_n3A_1336 = arith.select %and3A_1333, %get3A_1256, %broadcast_in_dim3A_358 : vector<16xi1>, vector<16xf32>
            tpu.vector_store_idx %arg5[%add3A_1244, %broadcast_in_dim3A_1335], %select_n3A_1336 : memref<650x17xf32, #tpu.memory_space<vmem>>[vector<16xi32>, vector<16xi32>], vector<16xf32>,
            %and3A_1337 = arith.andi %and3A_450, %and3A_153 : vector<16xi1>
            %broadcast_in_dim3A_1338 = arith.constant 9 : i32
            %broadcast_in_dim3A_1339 = vector.broadcast %broadcast_in_dim3A_1338 : i32 to vector<16xi32>
            %select_n3A_1340 = arith.select %and3A_1337, %get3A_1258, %broadcast_in_dim3A_358 : vector<16xi1>, vector<16xf32>
            tpu.vector_store_idx %arg5[%add3A_1244, %broadcast_in_dim3A_1339], %select_n3A_1340 : memref<650x17xf32, #tpu.memory_space<vmem>>[vector<16xi32>, vector<16xi32>], vector<16xf32>,
            %and3A_1341 = arith.andi %and3A_450, %and3A_160 : vector<16xi1>
            %broadcast_in_dim3A_1342 = arith.constant 10 : i32
            %broadcast_in_dim3A_1343 = vector.broadcast %broadcast_in_dim3A_1342 : i32 to vector<16xi32>
            %select_n3A_1344 = arith.select %and3A_1341, %get3A_1270, %broadcast_in_dim3A_358 : vector<16xi1>, vector<16xf32>
            tpu.vector_store_idx %arg5[%add3A_1244, %broadcast_in_dim3A_1343], %select_n3A_1344 : memref<650x17xf32, #tpu.memory_space<vmem>>[vector<16xi32>, vector<16xi32>], vector<16xf32>,
            %and3A_1345 = arith.andi %and3A_450, %and3A_160 : vector<16xi1>
            %broadcast_in_dim3A_1346 = arith.constant 11 : i32
            %broadcast_in_dim3A_1347 = vector.broadcast %broadcast_in_dim3A_1346 : i32 to vector<16xi32>
            %select_n3A_1348 = arith.select %and3A_1345, %get3A_1272, %broadcast_in_dim3A_358 : vector<16xi1>, vector<16xf32>
            tpu.vector_store_idx %arg5[%add3A_1244, %broadcast_in_dim3A_1347], %select_n3A_1348 : memref<650x17xf32, #tpu.memory_space<vmem>>[vector<16xi32>, vector<16xi32>], vector<16xf32>,
            %and3A_1349 = arith.andi %and3A_475, %and3A_153 : vector<16xi1>
            %broadcast_in_dim3A_1350 = arith.constant 12 : i32
            %broadcast_in_dim3A_1351 = vector.broadcast %broadcast_in_dim3A_1350 : i32 to vector<16xi32>
            %select_n3A_1352 = arith.select %and3A_1349, %get3A_1284, %broadcast_in_dim3A_358 : vector<16xi1>, vector<16xf32>
            tpu.vector_store_idx %arg5[%add3A_1244, %broadcast_in_dim3A_1351], %select_n3A_1352 : memref<650x17xf32, #tpu.memory_space<vmem>>[vector<16xi32>, vector<16xi32>], vector<16xf32>,
            %and3A_1353 = arith.andi %and3A_475, %and3A_153 : vector<16xi1>
            %broadcast_in_dim3A_1354 = arith.constant 13 : i32
            %broadcast_in_dim3A_1355 = vector.broadcast %broadcast_in_dim3A_1354 : i32 to vector<16xi32>
            %select_n3A_1356 = arith.select %and3A_1353, %get3A_1286, %broadcast_in_dim3A_358 : vector<16xi1>, vector<16xf32>
            tpu.vector_store_idx %arg5[%add3A_1244, %broadcast_in_dim3A_1355], %select_n3A_1356 : memref<650x17xf32, #tpu.memory_space<vmem>>[vector<16xi32>, vector<16xi32>], vector<16xf32>,
            %and3A_1357 = arith.andi %and3A_475, %and3A_160 : vector<16xi1>
            %broadcast_in_dim3A_1358 = arith.constant 14 : i32
            %broadcast_in_dim3A_1359 = vector.broadcast %broadcast_in_dim3A_1358 : i32 to vector<16xi32>
            %select_n3A_1360 = arith.select %and3A_1357, %get3A_1298, %broadcast_in_dim3A_358 : vector<16xi1>, vector<16xf32>
            tpu.vector_store_idx %arg5[%add3A_1244, %broadcast_in_dim3A_1359], %select_n3A_1360 : memref<650x17xf32, #tpu.memory_space<vmem>>[vector<16xi32>, vector<16xi32>], vector<16xf32>,
            %and3A_1361 = arith.andi %and3A_475, %and3A_160 : vector<16xi1>
            %broadcast_in_dim3A_1362 = arith.constant 15 : i32
            %broadcast_in_dim3A_1363 = vector.broadcast %broadcast_in_dim3A_1362 : i32 to vector<16xi32>
            %select_n3A_1364 = arith.select %and3A_1361, %get3A_1300, %broadcast_in_dim3A_358 : vector<16xi1>, vector<16xf32>
            tpu.vector_store_idx %arg5[%add3A_1244, %broadcast_in_dim3A_1363], %select_n3A_1364 : memref<650x17xf32, #tpu.memory_space<vmem>>[vector<16xi32>, vector<16xi32>], vector<16xf32>,
            %mul3A_1365 = arith.constant 130 : i32
            %mul3A_1366 = arith.muli %scan3A_430, %mul3A_1365 : i32
            %add3A_1367 = arith.constant 112 : i32
            %add3A_1368 = arith.addi %mul3A_1366, %add3A_1367 : i32
            %add3A_1369 = vector.broadcast %add3A_1368 : i32 to vector<16xi32>
            %add3A_1370 = arith.addi %add3A_1369, %iota3A : vector<16xi32>
            %add3A_1371 = arith.constant 112 : i32
            %add3A_1372 = arith.addi %add3A_458, %add3A_1371 : i32
            %add3A_1373 = arith.constant 0 : i32
            %add3A_1374 = arith.addi %add3A_1372, %add3A_1373 : i32
            %sub3A_1375 = arith.constant 1 : i32
            %sub3A_1376 = arith.subi %add3A_1374, %sub3A_1375 : i32
            %get3A_1377 = arith.index_cast %sub3A_1376 : i32 to index
            %get3A_1378 = tpu.vector_load %arg6[%get3A_1377] {strides = array<i32>} : memref<16400xf32, #tpu.memory_space<vmem>>, vector<16xf32>,
            %get3A_1379 = arith.index_cast %sub3A_1376 : i32 to index
            %get3A_1380 = tpu.vector_load %arg7[%get3A_1379] {strides = array<i32>} : memref<16400xf32, #tpu.memory_space<vmem>>, vector<16xf32>,
            %get3A_1381 = arith.index_cast %sub3A_1376 : i32 to index
            %get3A_1382 = tpu.vector_load %arg8[%get3A_1381] {strides = array<i32>} : memref<16400xf32, #tpu.memory_space<vmem>>, vector<16xf32>,
            %get3A_1383 = arith.index_cast %sub3A_1376 : i32 to index
            %get3A_1384 = tpu.vector_load %arg9[%get3A_1383] {strides = array<i32>} : memref<16400xf32, #tpu.memory_space<vmem>>, vector<16xf32>,
            %add3A_1385 = arith.constant 112 : i32
            %add3A_1386 = arith.addi %add3A_458, %add3A_1385 : i32
            %add3A_1387 = arith.constant 1 : i32
            %add3A_1388 = arith.addi %add3A_1386, %add3A_1387 : i32
            %sub3A_1389 = arith.constant 1 : i32
            %sub3A_1390 = arith.subi %add3A_1388, %sub3A_1389 : i32
            %get3A_1391 = arith.index_cast %sub3A_1390 : i32 to index
            %get3A_1392 = tpu.vector_load %arg6[%get3A_1391] {strides = array<i32>} : memref<16400xf32, #tpu.memory_space<vmem>>, vector<16xf32>,
            %get3A_1393 = arith.index_cast %sub3A_1390 : i32 to index
            %get3A_1394 = tpu.vector_load %arg7[%get3A_1393] {strides = array<i32>} : memref<16400xf32, #tpu.memory_space<vmem>>, vector<16xf32>,
            %get3A_1395 = arith.index_cast %sub3A_1390 : i32 to index
            %get3A_1396 = tpu.vector_load %arg8[%get3A_1395] {strides = array<i32>} : memref<16400xf32, #tpu.memory_space<vmem>>, vector<16xf32>,
            %get3A_1397 = arith.index_cast %sub3A_1390 : i32 to index
            %get3A_1398 = tpu.vector_load %arg9[%get3A_1397] {strides = array<i32>} : memref<16400xf32, #tpu.memory_space<vmem>>, vector<16xf32>,
            %add3A_1399 = arith.constant 112 : i32
            %add3A_1400 = arith.addi %add3A_483, %add3A_1399 : i32
            %add3A_1401 = arith.constant 0 : i32
            %add3A_1402 = arith.addi %add3A_1400, %add3A_1401 : i32
            %sub3A_1403 = arith.constant 1 : i32
            %sub3A_1404 = arith.subi %add3A_1402, %sub3A_1403 : i32
            %get3A_1405 = arith.index_cast %sub3A_1404 : i32 to index
            %get3A_1406 = tpu.vector_load %arg6[%get3A_1405] {strides = array<i32>} : memref<16400xf32, #tpu.memory_space<vmem>>, vector<16xf32>,
            %get3A_1407 = arith.index_cast %sub3A_1404 : i32 to index
            %get3A_1408 = tpu.vector_load %arg7[%get3A_1407] {strides = array<i32>} : memref<16400xf32, #tpu.memory_space<vmem>>, vector<16xf32>,
            %get3A_1409 = arith.index_cast %sub3A_1404 : i32 to index
            %get3A_1410 = tpu.vector_load %arg8[%get3A_1409] {strides = array<i32>} : memref<16400xf32, #tpu.memory_space<vmem>>, vector<16xf32>,
            %get3A_1411 = arith.index_cast %sub3A_1404 : i32 to index
            %get3A_1412 = tpu.vector_load %arg9[%get3A_1411] {strides = array<i32>} : memref<16400xf32, #tpu.memory_space<vmem>>, vector<16xf32>,
            %add3A_1413 = arith.constant 112 : i32
            %add3A_1414 = arith.addi %add3A_483, %add3A_1413 : i32
            %add3A_1415 = arith.constant 1 : i32
            %add3A_1416 = arith.addi %add3A_1414, %add3A_1415 : i32
            %sub3A_1417 = arith.constant 1 : i32
            %sub3A_1418 = arith.subi %add3A_1416, %sub3A_1417 : i32
            %get3A_1419 = arith.index_cast %sub3A_1418 : i32 to index
            %get3A_1420 = tpu.vector_load %arg6[%get3A_1419] {strides = array<i32>} : memref<16400xf32, #tpu.memory_space<vmem>>, vector<16xf32>,
            %get3A_1421 = arith.index_cast %sub3A_1418 : i32 to index
            %get3A_1422 = tpu.vector_load %arg7[%get3A_1421] {strides = array<i32>} : memref<16400xf32, #tpu.memory_space<vmem>>, vector<16xf32>,
            %get3A_1423 = arith.index_cast %sub3A_1418 : i32 to index
            %get3A_1424 = tpu.vector_load %arg8[%get3A_1423] {strides = array<i32>} : memref<16400xf32, #tpu.memory_space<vmem>>, vector<16xf32>,
            %get3A_1425 = arith.index_cast %sub3A_1418 : i32 to index
            %get3A_1426 = tpu.vector_load %arg9[%get3A_1425] {strides = array<i32>} : memref<16400xf32, #tpu.memory_space<vmem>>, vector<16xf32>,
            %and3A_1427 = arith.andi %and3A_449, %and3A_176 : vector<16xi1>
            %broadcast_in_dim3A_1428 = arith.constant 0 : i32
            %broadcast_in_dim3A_1429 = vector.broadcast %broadcast_in_dim3A_1428 : i32 to vector<16xi32>
            %select_n3A_1430 = arith.select %and3A_1427, %get3A_1378, %broadcast_in_dim3A_358 : vector<16xi1>, vector<16xf32>
            tpu.vector_store_idx %arg5[%add3A_1370, %broadcast_in_dim3A_1429], %select_n3A_1430 : memref<650x17xf32, #tpu.memory_space<vmem>>[vector<16xi32>, vector<16xi32>], vector<16xf32>,
            %and3A_1431 = arith.andi %and3A_449, %and3A_176 : vector<16xi1>
            %broadcast_in_dim3A_1432 = arith.constant 1 : i32
            %broadcast_in_dim3A_1433 = vector.broadcast %broadcast_in_dim3A_1432 : i32 to vector<16xi32>
            %select_n3A_1434 = arith.select %and3A_1431, %get3A_1380, %broadcast_in_dim3A_358 : vector<16xi1>, vector<16xf32>
            tpu.vector_store_idx %arg5[%add3A_1370, %broadcast_in_dim3A_1433], %select_n3A_1434 : memref<650x17xf32, #tpu.memory_space<vmem>>[vector<16xi32>, vector<16xi32>], vector<16xf32>,
            %and3A_1435 = arith.andi %and3A_449, %and3A_183 : vector<16xi1>
            %broadcast_in_dim3A_1436 = arith.constant 2 : i32
            %broadcast_in_dim3A_1437 = vector.broadcast %broadcast_in_dim3A_1436 : i32 to vector<16xi32>
            %select_n3A_1438 = arith.select %and3A_1435, %get3A_1392, %broadcast_in_dim3A_358 : vector<16xi1>, vector<16xf32>
            tpu.vector_store_idx %arg5[%add3A_1370, %broadcast_in_dim3A_1437], %select_n3A_1438 : memref<650x17xf32, #tpu.memory_space<vmem>>[vector<16xi32>, vector<16xi32>], vector<16xf32>,
            %and3A_1439 = arith.andi %and3A_449, %and3A_183 : vector<16xi1>
            %broadcast_in_dim3A_1440 = arith.constant 3 : i32
            %broadcast_in_dim3A_1441 = vector.broadcast %broadcast_in_dim3A_1440 : i32 to vector<16xi32>
            %select_n3A_1442 = arith.select %and3A_1439, %get3A_1394, %broadcast_in_dim3A_358 : vector<16xi1>, vector<16xf32>
            tpu.vector_store_idx %arg5[%add3A_1370, %broadcast_in_dim3A_1441], %select_n3A_1442 : memref<650x17xf32, #tpu.memory_space<vmem>>[vector<16xi32>, vector<16xi32>], vector<16xf32>,
            %and3A_1443 = arith.andi %and3A_474, %and3A_176 : vector<16xi1>
            %broadcast_in_dim3A_1444 = arith.constant 4 : i32
            %broadcast_in_dim3A_1445 = vector.broadcast %broadcast_in_dim3A_1444 : i32 to vector<16xi32>
            %select_n3A_1446 = arith.select %and3A_1443, %get3A_1406, %broadcast_in_dim3A_358 : vector<16xi1>, vector<16xf32>
            tpu.vector_store_idx %arg5[%add3A_1370, %broadcast_in_dim3A_1445], %select_n3A_1446 : memref<650x17xf32, #tpu.memory_space<vmem>>[vector<16xi32>, vector<16xi32>], vector<16xf32>,
            %and3A_1447 = arith.andi %and3A_474, %and3A_176 : vector<16xi1>
            %broadcast_in_dim3A_1448 = arith.constant 5 : i32
            %broadcast_in_dim3A_1449 = vector.broadcast %broadcast_in_dim3A_1448 : i32 to vector<16xi32>
            %select_n3A_1450 = arith.select %and3A_1447, %get3A_1408, %broadcast_in_dim3A_358 : vector<16xi1>, vector<16xf32>
            tpu.vector_store_idx %arg5[%add3A_1370, %broadcast_in_dim3A_1449], %select_n3A_1450 : memref<650x17xf32, #tpu.memory_space<vmem>>[vector<16xi32>, vector<16xi32>], vector<16xf32>,
            %and3A_1451 = arith.andi %and3A_474, %and3A_183 : vector<16xi1>
            %broadcast_in_dim3A_1452 = arith.constant 6 : i32
            %broadcast_in_dim3A_1453 = vector.broadcast %broadcast_in_dim3A_1452 : i32 to vector<16xi32>
            %select_n3A_1454 = arith.select %and3A_1451, %get3A_1420, %broadcast_in_dim3A_358 : vector<16xi1>, vector<16xf32>
            tpu.vector_store_idx %arg5[%add3A_1370, %broadcast_in_dim3A_1453], %select_n3A_1454 : memref<650x17xf32, #tpu.memory_space<vmem>>[vector<16xi32>, vector<16xi32>], vector<16xf32>,
            %and3A_1455 = arith.andi %and3A_474, %and3A_183 : vector<16xi1>
            %broadcast_in_dim3A_1456 = arith.constant 7 : i32
            %broadcast_in_dim3A_1457 = vector.broadcast %broadcast_in_dim3A_1456 : i32 to vector<16xi32>
            %select_n3A_1458 = arith.select %and3A_1455, %get3A_1422, %broadcast_in_dim3A_358 : vector<16xi1>, vector<16xf32>
            tpu.vector_store_idx %arg5[%add3A_1370, %broadcast_in_dim3A_1457], %select_n3A_1458 : memref<650x17xf32, #tpu.memory_space<vmem>>[vector<16xi32>, vector<16xi32>], vector<16xf32>,
            %and3A_1459 = arith.andi %and3A_450, %and3A_176 : vector<16xi1>
            %broadcast_in_dim3A_1460 = arith.constant 8 : i32
            %broadcast_in_dim3A_1461 = vector.broadcast %broadcast_in_dim3A_1460 : i32 to vector<16xi32>
            %select_n3A_1462 = arith.select %and3A_1459, %get3A_1382, %broadcast_in_dim3A_358 : vector<16xi1>, vector<16xf32>
            tpu.vector_store_idx %arg5[%add3A_1370, %broadcast_in_dim3A_1461], %select_n3A_1462 : memref<650x17xf32, #tpu.memory_space<vmem>>[vector<16xi32>, vector<16xi32>], vector<16xf32>,
            %and3A_1463 = arith.andi %and3A_450, %and3A_176 : vector<16xi1>
            %broadcast_in_dim3A_1464 = arith.constant 9 : i32
            %broadcast_in_dim3A_1465 = vector.broadcast %broadcast_in_dim3A_1464 : i32 to vector<16xi32>
            %select_n3A_1466 = arith.select %and3A_1463, %get3A_1384, %broadcast_in_dim3A_358 : vector<16xi1>, vector<16xf32>
            tpu.vector_store_idx %arg5[%add3A_1370, %broadcast_in_dim3A_1465], %select_n3A_1466 : memref<650x17xf32, #tpu.memory_space<vmem>>[vector<16xi32>, vector<16xi32>], vector<16xf32>,
            %and3A_1467 = arith.andi %and3A_450, %and3A_183 : vector<16xi1>
            %broadcast_in_dim3A_1468 = arith.constant 10 : i32
            %broadcast_in_dim3A_1469 = vector.broadcast %broadcast_in_dim3A_1468 : i32 to vector<16xi32>
            %select_n3A_1470 = arith.select %and3A_1467, %get3A_1396, %broadcast_in_dim3A_358 : vector<16xi1>, vector<16xf32>
            tpu.vector_store_idx %arg5[%add3A_1370, %broadcast_in_dim3A_1469], %select_n3A_1470 : memref<650x17xf32, #tpu.memory_space<vmem>>[vector<16xi32>, vector<16xi32>], vector<16xf32>,
            %and3A_1471 = arith.andi %and3A_450, %and3A_183 : vector<16xi1>
            %broadcast_in_dim3A_1472 = arith.constant 11 : i32
            %broadcast_in_dim3A_1473 = vector.broadcast %broadcast_in_dim3A_1472 : i32 to vector<16xi32>
            %select_n3A_1474 = arith.select %and3A_1471, %get3A_1398, %broadcast_in_dim3A_358 : vector<16xi1>, vector<16xf32>
            tpu.vector_store_idx %arg5[%add3A_1370, %broadcast_in_dim3A_1473], %select_n3A_1474 : memref<650x17xf32, #tpu.memory_space<vmem>>[vector<16xi32>, vector<16xi32>], vector<16xf32>,
            %and3A_1475 = arith.andi %and3A_475, %and3A_176 : vector<16xi1>
            %broadcast_in_dim3A_1476 = arith.constant 12 : i32
            %broadcast_in_dim3A_1477 = vector.broadcast %broadcast_in_dim3A_1476 : i32 to vector<16xi32>
            %select_n3A_1478 = arith.select %and3A_1475, %get3A_1410, %broadcast_in_dim3A_358 : vector<16xi1>, vector<16xf32>
            tpu.vector_store_idx %arg5[%add3A_1370, %broadcast_in_dim3A_1477], %select_n3A_1478 : memref<650x17xf32, #tpu.memory_space<vmem>>[vector<16xi32>, vector<16xi32>], vector<16xf32>,
            %and3A_1479 = arith.andi %and3A_475, %and3A_176 : vector<16xi1>
            %broadcast_in_dim3A_1480 = arith.constant 13 : i32
            %broadcast_in_dim3A_1481 = vector.broadcast %broadcast_in_dim3A_1480 : i32 to vector<16xi32>
            %select_n3A_1482 = arith.select %and3A_1479, %get3A_1412, %broadcast_in_dim3A_358 : vector<16xi1>, vector<16xf32>
            tpu.vector_store_idx %arg5[%add3A_1370, %broadcast_in_dim3A_1481], %select_n3A_1482 : memref<650x17xf32, #tpu.memory_space<vmem>>[vector<16xi32>, vector<16xi32>], vector<16xf32>,
            %and3A_1483 = arith.andi %and3A_475, %and3A_183 : vector<16xi1>
            %broadcast_in_dim3A_1484 = arith.constant 14 : i32
            %broadcast_in_dim3A_1485 = vector.broadcast %broadcast_in_dim3A_1484 : i32 to vector<16xi32>
            %select_n3A_1486 = arith.select %and3A_1483, %get3A_1424, %broadcast_in_dim3A_358 : vector<16xi1>, vector<16xf32>
            tpu.vector_store_idx %arg5[%add3A_1370, %broadcast_in_dim3A_1485], %select_n3A_1486 : memref<650x17xf32, #tpu.memory_space<vmem>>[vector<16xi32>, vector<16xi32>], vector<16xf32>,
            %and3A_1487 = arith.andi %and3A_475, %and3A_183 : vector<16xi1>
            %broadcast_in_dim3A_1488 = arith.constant 15 : i32
            %broadcast_in_dim3A_1489 = vector.broadcast %broadcast_in_dim3A_1488 : i32 to vector<16xi32>
            %select_n3A_1490 = arith.select %and3A_1487, %get3A_1426, %broadcast_in_dim3A_358 : vector<16xi1>, vector<16xf32>
            tpu.vector_store_idx %arg5[%add3A_1370, %broadcast_in_dim3A_1489], %select_n3A_1490 : memref<650x17xf32, #tpu.memory_space<vmem>>[vector<16xi32>, vector<16xi32>], vector<16xf32>,
            %mul3A_1491 = arith.constant 130 : i32
            %mul3A_1492 = arith.muli %scan3A_430, %mul3A_1491 : i32
            %add3A_1493 = arith.constant 114 : i32
            %add3A_1494 = arith.addi %mul3A_1492, %add3A_1493 : i32
            %add3A_1495 = vector.broadcast %add3A_1494 : i32 to vector<16xi32>
            %add3A_1496 = arith.addi %add3A_1495, %iota3A : vector<16xi32>
            %add3A_1497 = arith.constant 114 : i32
            %add3A_1498 = arith.addi %add3A_458, %add3A_1497 : i32
            %add3A_1499 = arith.constant 0 : i32
            %add3A_1500 = arith.addi %add3A_1498, %add3A_1499 : i32
            %sub3A_1501 = arith.constant 1 : i32
            %sub3A_1502 = arith.subi %add3A_1500, %sub3A_1501 : i32
            %get3A_1503 = arith.index_cast %sub3A_1502 : i32 to index
            %get3A_1504 = tpu.vector_load %arg6[%get3A_1503] {strides = array<i32>} : memref<16400xf32, #tpu.memory_space<vmem>>, vector<16xf32>,
            %get3A_1505 = arith.index_cast %sub3A_1502 : i32 to index
            %get3A_1506 = tpu.vector_load %arg7[%get3A_1505] {strides = array<i32>} : memref<16400xf32, #tpu.memory_space<vmem>>, vector<16xf32>,
            %get3A_1507 = arith.index_cast %sub3A_1502 : i32 to index
            %get3A_1508 = tpu.vector_load %arg8[%get3A_1507] {strides = array<i32>} : memref<16400xf32, #tpu.memory_space<vmem>>, vector<16xf32>,
            %get3A_1509 = arith.index_cast %sub3A_1502 : i32 to index
            %get3A_1510 = tpu.vector_load %arg9[%get3A_1509] {strides = array<i32>} : memref<16400xf32, #tpu.memory_space<vmem>>, vector<16xf32>,
            %add3A_1511 = arith.constant 114 : i32
            %add3A_1512 = arith.addi %add3A_458, %add3A_1511 : i32
            %add3A_1513 = arith.constant 1 : i32
            %add3A_1514 = arith.addi %add3A_1512, %add3A_1513 : i32
            %sub3A_1515 = arith.constant 1 : i32
            %sub3A_1516 = arith.subi %add3A_1514, %sub3A_1515 : i32
            %get3A_1517 = arith.index_cast %sub3A_1516 : i32 to index
            %get3A_1518 = tpu.vector_load %arg6[%get3A_1517] {strides = array<i32>} : memref<16400xf32, #tpu.memory_space<vmem>>, vector<16xf32>,
            %get3A_1519 = arith.index_cast %sub3A_1516 : i32 to index
            %get3A_1520 = tpu.vector_load %arg7[%get3A_1519] {strides = array<i32>} : memref<16400xf32, #tpu.memory_space<vmem>>, vector<16xf32>,
            %get3A_1521 = arith.index_cast %sub3A_1516 : i32 to index
            %get3A_1522 = tpu.vector_load %arg8[%get3A_1521] {strides = array<i32>} : memref<16400xf32, #tpu.memory_space<vmem>>, vector<16xf32>,
            %get3A_1523 = arith.index_cast %sub3A_1516 : i32 to index
            %get3A_1524 = tpu.vector_load %arg9[%get3A_1523] {strides = array<i32>} : memref<16400xf32, #tpu.memory_space<vmem>>, vector<16xf32>,
            %add3A_1525 = arith.constant 114 : i32
            %add3A_1526 = arith.addi %add3A_483, %add3A_1525 : i32
            %add3A_1527 = arith.constant 0 : i32
            %add3A_1528 = arith.addi %add3A_1526, %add3A_1527 : i32
            %sub3A_1529 = arith.constant 1 : i32
            %sub3A_1530 = arith.subi %add3A_1528, %sub3A_1529 : i32
            %get3A_1531 = arith.index_cast %sub3A_1530 : i32 to index
            %get3A_1532 = tpu.vector_load %arg6[%get3A_1531] {strides = array<i32>} : memref<16400xf32, #tpu.memory_space<vmem>>, vector<16xf32>,
            %get3A_1533 = arith.index_cast %sub3A_1530 : i32 to index
            %get3A_1534 = tpu.vector_load %arg7[%get3A_1533] {strides = array<i32>} : memref<16400xf32, #tpu.memory_space<vmem>>, vector<16xf32>,
            %get3A_1535 = arith.index_cast %sub3A_1530 : i32 to index
            %get3A_1536 = tpu.vector_load %arg8[%get3A_1535] {strides = array<i32>} : memref<16400xf32, #tpu.memory_space<vmem>>, vector<16xf32>,
            %get3A_1537 = arith.index_cast %sub3A_1530 : i32 to index
            %get3A_1538 = tpu.vector_load %arg9[%get3A_1537] {strides = array<i32>} : memref<16400xf32, #tpu.memory_space<vmem>>, vector<16xf32>,
            %add3A_1539 = arith.constant 114 : i32
            %add3A_1540 = arith.addi %add3A_483, %add3A_1539 : i32
            %add3A_1541 = arith.constant 1 : i32
            %add3A_1542 = arith.addi %add3A_1540, %add3A_1541 : i32
            %sub3A_1543 = arith.constant 1 : i32
            %sub3A_1544 = arith.subi %add3A_1542, %sub3A_1543 : i32
            %get3A_1545 = arith.index_cast %sub3A_1544 : i32 to index
            %get3A_1546 = tpu.vector_load %arg6[%get3A_1545] {strides = array<i32>} : memref<16400xf32, #tpu.memory_space<vmem>>, vector<16xf32>,
            %get3A_1547 = arith.index_cast %sub3A_1544 : i32 to index
            %get3A_1548 = tpu.vector_load %arg7[%get3A_1547] {strides = array<i32>} : memref<16400xf32, #tpu.memory_space<vmem>>, vector<16xf32>,
            %get3A_1549 = arith.index_cast %sub3A_1544 : i32 to index
            %get3A_1550 = tpu.vector_load %arg8[%get3A_1549] {strides = array<i32>} : memref<16400xf32, #tpu.memory_space<vmem>>, vector<16xf32>,
            %get3A_1551 = arith.index_cast %sub3A_1544 : i32 to index
            %get3A_1552 = tpu.vector_load %arg9[%get3A_1551] {strides = array<i32>} : memref<16400xf32, #tpu.memory_space<vmem>>, vector<16xf32>,
            %and3A_1553 = arith.andi %and3A_449, %and3A_199 : vector<16xi1>
            %broadcast_in_dim3A_1554 = arith.constant 0 : i32
            %broadcast_in_dim3A_1555 = vector.broadcast %broadcast_in_dim3A_1554 : i32 to vector<16xi32>
            %select_n3A_1556 = arith.select %and3A_1553, %get3A_1504, %broadcast_in_dim3A_358 : vector<16xi1>, vector<16xf32>
            tpu.vector_store_idx %arg5[%add3A_1496, %broadcast_in_dim3A_1555], %select_n3A_1556 : memref<650x17xf32, #tpu.memory_space<vmem>>[vector<16xi32>, vector<16xi32>], vector<16xf32>,
            %and3A_1557 = arith.andi %and3A_449, %and3A_199 : vector<16xi1>
            %broadcast_in_dim3A_1558 = arith.constant 1 : i32
            %broadcast_in_dim3A_1559 = vector.broadcast %broadcast_in_dim3A_1558 : i32 to vector<16xi32>
            %select_n3A_1560 = arith.select %and3A_1557, %get3A_1506, %broadcast_in_dim3A_358 : vector<16xi1>, vector<16xf32>
            tpu.vector_store_idx %arg5[%add3A_1496, %broadcast_in_dim3A_1559], %select_n3A_1560 : memref<650x17xf32, #tpu.memory_space<vmem>>[vector<16xi32>, vector<16xi32>], vector<16xf32>,
            %and3A_1561 = arith.andi %and3A_449, %and3A_206 : vector<16xi1>
            %broadcast_in_dim3A_1562 = arith.constant 2 : i32
            %broadcast_in_dim3A_1563 = vector.broadcast %broadcast_in_dim3A_1562 : i32 to vector<16xi32>
            %select_n3A_1564 = arith.select %and3A_1561, %get3A_1518, %broadcast_in_dim3A_358 : vector<16xi1>, vector<16xf32>
            tpu.vector_store_idx %arg5[%add3A_1496, %broadcast_in_dim3A_1563], %select_n3A_1564 : memref<650x17xf32, #tpu.memory_space<vmem>>[vector<16xi32>, vector<16xi32>], vector<16xf32>,
            %and3A_1565 = arith.andi %and3A_449, %and3A_206 : vector<16xi1>
            %broadcast_in_dim3A_1566 = arith.constant 3 : i32
            %broadcast_in_dim3A_1567 = vector.broadcast %broadcast_in_dim3A_1566 : i32 to vector<16xi32>
            %select_n3A_1568 = arith.select %and3A_1565, %get3A_1520, %broadcast_in_dim3A_358 : vector<16xi1>, vector<16xf32>
            tpu.vector_store_idx %arg5[%add3A_1496, %broadcast_in_dim3A_1567], %select_n3A_1568 : memref<650x17xf32, #tpu.memory_space<vmem>>[vector<16xi32>, vector<16xi32>], vector<16xf32>,
            %and3A_1569 = arith.andi %and3A_474, %and3A_199 : vector<16xi1>
            %broadcast_in_dim3A_1570 = arith.constant 4 : i32
            %broadcast_in_dim3A_1571 = vector.broadcast %broadcast_in_dim3A_1570 : i32 to vector<16xi32>
            %select_n3A_1572 = arith.select %and3A_1569, %get3A_1532, %broadcast_in_dim3A_358 : vector<16xi1>, vector<16xf32>
            tpu.vector_store_idx %arg5[%add3A_1496, %broadcast_in_dim3A_1571], %select_n3A_1572 : memref<650x17xf32, #tpu.memory_space<vmem>>[vector<16xi32>, vector<16xi32>], vector<16xf32>,
            %and3A_1573 = arith.andi %and3A_474, %and3A_199 : vector<16xi1>
            %broadcast_in_dim3A_1574 = arith.constant 5 : i32
            %broadcast_in_dim3A_1575 = vector.broadcast %broadcast_in_dim3A_1574 : i32 to vector<16xi32>
            %select_n3A_1576 = arith.select %and3A_1573, %get3A_1534, %broadcast_in_dim3A_358 : vector<16xi1>, vector<16xf32>
            tpu.vector_store_idx %arg5[%add3A_1496, %broadcast_in_dim3A_1575], %select_n3A_1576 : memref<650x17xf32, #tpu.memory_space<vmem>>[vector<16xi32>, vector<16xi32>], vector<16xf32>,
            %and3A_1577 = arith.andi %and3A_474, %and3A_206 : vector<16xi1>
            %broadcast_in_dim3A_1578 = arith.constant 6 : i32
            %broadcast_in_dim3A_1579 = vector.broadcast %broadcast_in_dim3A_1578 : i32 to vector<16xi32>
            %select_n3A_1580 = arith.select %and3A_1577, %get3A_1546, %broadcast_in_dim3A_358 : vector<16xi1>, vector<16xf32>
            tpu.vector_store_idx %arg5[%add3A_1496, %broadcast_in_dim3A_1579], %select_n3A_1580 : memref<650x17xf32, #tpu.memory_space<vmem>>[vector<16xi32>, vector<16xi32>], vector<16xf32>,
            %and3A_1581 = arith.andi %and3A_474, %and3A_206 : vector<16xi1>
            %broadcast_in_dim3A_1582 = arith.constant 7 : i32
            %broadcast_in_dim3A_1583 = vector.broadcast %broadcast_in_dim3A_1582 : i32 to vector<16xi32>
            %select_n3A_1584 = arith.select %and3A_1581, %get3A_1548, %broadcast_in_dim3A_358 : vector<16xi1>, vector<16xf32>
            tpu.vector_store_idx %arg5[%add3A_1496, %broadcast_in_dim3A_1583], %select_n3A_1584 : memref<650x17xf32, #tpu.memory_space<vmem>>[vector<16xi32>, vector<16xi32>], vector<16xf32>,
            %and3A_1585 = arith.andi %and3A_450, %and3A_199 : vector<16xi1>
            %broadcast_in_dim3A_1586 = arith.constant 8 : i32
            %broadcast_in_dim3A_1587 = vector.broadcast %broadcast_in_dim3A_1586 : i32 to vector<16xi32>
            %select_n3A_1588 = arith.select %and3A_1585, %get3A_1508, %broadcast_in_dim3A_358 : vector<16xi1>, vector<16xf32>
            tpu.vector_store_idx %arg5[%add3A_1496, %broadcast_in_dim3A_1587], %select_n3A_1588 : memref<650x17xf32, #tpu.memory_space<vmem>>[vector<16xi32>, vector<16xi32>], vector<16xf32>,
            %and3A_1589 = arith.andi %and3A_450, %and3A_199 : vector<16xi1>
            %broadcast_in_dim3A_1590 = arith.constant 9 : i32
            %broadcast_in_dim3A_1591 = vector.broadcast %broadcast_in_dim3A_1590 : i32 to vector<16xi32>
            %select_n3A_1592 = arith.select %and3A_1589, %get3A_1510, %broadcast_in_dim3A_358 : vector<16xi1>, vector<16xf32>
            tpu.vector_store_idx %arg5[%add3A_1496, %broadcast_in_dim3A_1591], %select_n3A_1592 : memref<650x17xf32, #tpu.memory_space<vmem>>[vector<16xi32>, vector<16xi32>], vector<16xf32>,
            %and3A_1593 = arith.andi %and3A_450, %and3A_206 : vector<16xi1>
            %broadcast_in_dim3A_1594 = arith.constant 10 : i32
            %broadcast_in_dim3A_1595 = vector.broadcast %broadcast_in_dim3A_1594 : i32 to vector<16xi32>
            %select_n3A_1596 = arith.select %and3A_1593, %get3A_1522, %broadcast_in_dim3A_358 : vector<16xi1>, vector<16xf32>
            tpu.vector_store_idx %arg5[%add3A_1496, %broadcast_in_dim3A_1595], %select_n3A_1596 : memref<650x17xf32, #tpu.memory_space<vmem>>[vector<16xi32>, vector<16xi32>], vector<16xf32>,
            %and3A_1597 = arith.andi %and3A_450, %and3A_206 : vector<16xi1>
            %broadcast_in_dim3A_1598 = arith.constant 11 : i32
            %broadcast_in_dim3A_1599 = vector.broadcast %broadcast_in_dim3A_1598 : i32 to vector<16xi32>
            %select_n3A_1600 = arith.select %and3A_1597, %get3A_1524, %broadcast_in_dim3A_358 : vector<16xi1>, vector<16xf32>
            tpu.vector_store_idx %arg5[%add3A_1496, %broadcast_in_dim3A_1599], %select_n3A_1600 : memref<650x17xf32, #tpu.memory_space<vmem>>[vector<16xi32>, vector<16xi32>], vector<16xf32>,
            %and3A_1601 = arith.andi %and3A_475, %and3A_199 : vector<16xi1>
            %broadcast_in_dim3A_1602 = arith.constant 12 : i32
            %broadcast_in_dim3A_1603 = vector.broadcast %broadcast_in_dim3A_1602 : i32 to vector<16xi32>
            %select_n3A_1604 = arith.select %and3A_1601, %get3A_1536, %broadcast_in_dim3A_358 : vector<16xi1>, vector<16xf32>
            tpu.vector_store_idx %arg5[%add3A_1496, %broadcast_in_dim3A_1603], %select_n3A_1604 : memref<650x17xf32, #tpu.memory_space<vmem>>[vector<16xi32>, vector<16xi32>], vector<16xf32>,
            %and3A_1605 = arith.andi %and3A_475, %and3A_199 : vector<16xi1>
            %broadcast_in_dim3A_1606 = arith.constant 13 : i32
            %broadcast_in_dim3A_1607 = vector.broadcast %broadcast_in_dim3A_1606 : i32 to vector<16xi32>
            %select_n3A_1608 = arith.select %and3A_1605, %get3A_1538, %broadcast_in_dim3A_358 : vector<16xi1>, vector<16xf32>
            tpu.vector_store_idx %arg5[%add3A_1496, %broadcast_in_dim3A_1607], %select_n3A_1608 : memref<650x17xf32, #tpu.memory_space<vmem>>[vector<16xi32>, vector<16xi32>], vector<16xf32>,
            %and3A_1609 = arith.andi %and3A_475, %and3A_206 : vector<16xi1>
            %broadcast_in_dim3A_1610 = arith.constant 14 : i32
            %broadcast_in_dim3A_1611 = vector.broadcast %broadcast_in_dim3A_1610 : i32 to vector<16xi32>
            %select_n3A_1612 = arith.select %and3A_1609, %get3A_1550, %broadcast_in_dim3A_358 : vector<16xi1>, vector<16xf32>
            tpu.vector_store_idx %arg5[%add3A_1496, %broadcast_in_dim3A_1611], %select_n3A_1612 : memref<650x17xf32, #tpu.memory_space<vmem>>[vector<16xi32>, vector<16xi32>], vector<16xf32>,
            %and3A_1613 = arith.andi %and3A_475, %and3A_206 : vector<16xi1>
            %broadcast_in_dim3A_1614 = arith.constant 15 : i32
            %broadcast_in_dim3A_1615 = vector.broadcast %broadcast_in_dim3A_1614 : i32 to vector<16xi32>
            %select_n3A_1616 = arith.select %and3A_1613, %get3A_1552, %broadcast_in_dim3A_358 : vector<16xi1>, vector<16xf32>
            tpu.vector_store_idx %arg5[%add3A_1496, %broadcast_in_dim3A_1615], %select_n3A_1616 : memref<650x17xf32, #tpu.memory_space<vmem>>[vector<16xi32>, vector<16xi32>], vector<16xf32>,
          }
          %scan3A_418 = arith.constant 5 : i32
          %mul3A_419 = arith.constant 16900 : i32
          %mul3A_420 = arith.muli %add3A_214, %mul3A_419 : i32
          %mul3A_421 = arith.constant 5 : i32
          %mul3A_422 = arith.muli %add3A_408, %mul3A_421 : i32
          %mul3A_423 = arith.constant 130 : i32
          %mul3A_424 = arith.muli %mul3A_422, %mul3A_423 : i32
          %add3A_425 = arith.addi %mul3A_420, %mul3A_424 : i32
          %dma_start3A_426 = arith.constant 0 : i32
          %dma_start3A_427 = tpu.memref_slice %arg3[%add3A_425, %dma_start3A_426] : memref<4394000x17xf32, #tpu.memory_space<hbm>> -> memref<650x17xf32, #tpu.memory_space<hbm>>
          %dma_start3A_428 = arith.constant 0 : i32
          %dma_start3A_429 = tpu.memref_slice %arg3[%add3A_425, %dma_start3A_428] : memref<4394000x17xf32, #tpu.memory_space<hbm>> -> memref<650x17xf32, #tpu.memory_space<hbm>>
          tpu.enqueue_dma source(%arg5 : memref<650x17xf32, #tpu.memory_space<vmem>>) target(%dma_start3A_429 : memref<650x17xf32, #tpu.memory_space<hbm>>) target_semaphore(%arg12 : memref<!tpu.dma_semaphore, #tpu.memory_space<semaphore_mem>>)
        }
        %scan3A_363 = arith.constant 13 : i32
        %mul3A_364 = arith.constant 16900 : i32
        %mul3A_365 = arith.muli %add3A_214, %mul3A_364 : i32
        %add3A_366 = arith.constant 15600 : i32
        %add3A_367 = arith.addi %mul3A_365, %add3A_366 : i32
        %dma_wait3A_368 = arith.constant 0 : i32
        %dma_wait3A_369 = tpu.memref_slice %arg3[%add3A_367, %dma_wait3A_368] : memref<4394000x17xf32, #tpu.memory_space<hbm>> -> memref<650x17xf32, #tpu.memory_space<hbm>>
        %dma_wait3A_370 = arith.constant 0 : i32
        %dma_wait3A_371 = tpu.memref_slice %arg3[%add3A_367, %dma_wait3A_370] : memref<4394000x17xf32, #tpu.memory_space<hbm>> -> memref<650x17xf32, #tpu.memory_space<hbm>>
        tpu.wait_dma2 semaphore(%arg11 : memref<!tpu.dma_semaphore, #tpu.memory_space<semaphore_mem>>) src(%arg4 : memref<650x17xf32, #tpu.memory_space<vmem>>) dst(%dma_wait3A_371 : memref<650x17xf32, #tpu.memory_space<hbm>>)
        %mul3A_372 = arith.constant 16900 : i32
        %mul3A_373 = arith.muli %add3A_214, %mul3A_372 : i32
        %add3A_374 = arith.constant 16250 : i32
        %add3A_375 = arith.addi %mul3A_373, %add3A_374 : i32
        %dma_wait3A_376 = arith.constant 0 : i32
        %dma_wait3A_377 = tpu.memref_slice %arg3[%add3A_375, %dma_wait3A_376] : memref<4394000x17xf32, #tpu.memory_space<hbm>> -> memref<650x17xf32, #tpu.memory_space<hbm>>
        %dma_wait3A_378 = arith.constant 0 : i32
        %dma_wait3A_379 = tpu.memref_slice %arg3[%add3A_375, %dma_wait3A_378] : memref<4394000x17xf32, #tpu.memory_space<hbm>> -> memref<650x17xf32, #tpu.memory_space<hbm>>
        tpu.wait_dma2 semaphore(%arg12 : memref<!tpu.dma_semaphore, #tpu.memory_space<semaphore_mem>>) src(%arg5 : memref<650x17xf32, #tpu.memory_space<vmem>>) dst(%dma_wait3A_379 : memref<650x17xf32, #tpu.memory_space<hbm>>)
      } else {
      }
    }
    %scan3A_210 = arith.constant 9 : i32
    return
  }
}

</mosaic_0001>

<sc_bundles>
// kernel: sc_build.3.cloned.1.call-start
scs
__scs_entry_jumppad:
0x0: {  	(pc) =	sbr.rel $0x88, $3  }
0x1: {  	(tag) =	ssettag $0x0;
	lr =	simm.s32 $0x1  }
0x2: {  	[smem:$0x3FA0] =	sst lr;
	_ =	strace $0xD0000000  }
0x3: {  	_ = 	snop  }
0x4: {  	_ = 	snop  }
0x5: {  	_ = 	snop  }
0x6: {  	_ = 	snop  }
0x7: {  	_ = 	snop  }
__scs_overlays_trampoline_lowered:
0x8: {  	[smem:$0x3FAF] =	sst s0  }
0x9: {  	[smem:$0x3FB0] =	sst s1  }
0xa: {  	[smem:$0x3FB1] =	sst s2  }
0xb: {  	[smem:$0x3FB2] =	sst s3  }
0xc: {  	[smem:$0x3FB3] =	sst s4  }
0xd: {  	[smem:$0x3FB4] =	sst s5  }
0xe: {  	[smem:$0x3FB5] =	sst s6  }
0xf: {  	[smem:$0x3FB6] =	sst s7  }
0x10: {  	[smem:$0x3FB7] =	sst s8  }
0x11: {  	[smem:$0x3FB8] =	sst s9;
	s0 =	simm.s32 @!p0 $0x0  }
0x12: {  	s1 =	sld [smem:$0x3F9E];
	s0 =	simm.s32 @p0 $0x1  }
0x13: {  	[smem:$0x3FB9] =	sst s0;
	s0 =	simm.s32 @!p1 $0x0  }
0x14: {  	s2 =	sld [smem:$0x3F9D];
	s0 =	simm.s32 @p1 $0x1  }
0x15: {  	[smem:$0x3FBA] =	sst s0;
	s0 =	simm.s32 @!p2 $0x0  }
0x16: {  	s3 =	sld [smem:$0x3FDB];
	s0 =	simm.s32 @p2 $0x1  }
0x17: {  	s4 =	simm.s32 $0x1BF5;
	[smem:$0x3FBC] =	sst s0  }
0x18: {  	s0 =	sld [smem:$0x3F9F];
	_ =	swait.ge [sflag:s4], $0x0  }
0x19: {  	s7 =	sld [smem:$0x3FA0]  }
0x1a: {  	s8 =	sadd.s32 $0xFFFFE003, lr  }
0x1b: {  	s9 =	sadd.s32 $0xFFFFFEF7, lr;
	s5 =	simm.s32 $0xFFFFFFFF;
	p2 =	slt.u32 s8, $0xFFFFF086  }
0x1c: {  	p1 =	slt.u32 s9, $0xF7A;
	s5 =	simm.s32 @!p2 $0x0  }
0x1d: {  	s5 =	simm.s32 @p1 $0x1;
	p0 =	seq.s32 s7, s2  }
0x1e: {  	s7 =	smul.u32 @!p0 $0xF7A, s2;
	p2 =	seq.s32 @!p0 s5, $0x0  }
0x1f: {  	s9 =	smul.u32 $0xF7A, s1;
	s8 =	simm.s32 @!p0 $0x1BF5;
	p2 =	por !p2, p0  }
0x20: {  	[sflag:s8] =	ssyncset.s32 @!p0 $0xFFFFF086;
	s6 =	sadd.s32 @!p0 s3, s7;
	s7 =	simm.s32 @!p0 $0x108  }
0x21: {  	s3 =	sadd.s32 s3, s9;
	s6 =	sadd.s32 @!p0 $0x88, s6;
	s7 =	simm.s32 @p2 $0x1082  }
0x22: {  	[simem:s7], [sflag:s8] =	dma.local @!p0 [hbm:s6], $0xF7A  }
0x23: {  	s9 =	sor.u32 $0xD0000000, s2;
	s6 =	simm.s32 $0x108;
	_ =	swait.ge @!p0 [sflag:s8], $0x0  }
0x24: {  	s3 =	sadd.s32 $0x88, s3;
	s6 =	simm.s32 @!p1 $0x1082;
	[sflag:s4] =	ssyncset.s32 $0xFFFFF086  }
0x25: {  	[simem:s6], [sflag:s4] =	dma.local [hbm:s3], $0xF7A  }
0x26: {  	[smem:$0x3FA0] =	sst s1;
	(tag) =	ssettag s2;
	_ =	strace s9  }
0x27: {  	s1 =	sld [smem:$0x3FB0]  }
0x28: {  	s2 =	sld [smem:$0x3FB1]  }
0x29: {  	s4 =	sld [smem:$0x3FB3]  }
0x2a: {  	p0 =	seq.s32 s5, $0x0;
	s5 =	sld [smem:$0x3FB4]  }
0x2b: {  	s6 =	sld [smem:$0x3FB5]  }
0x2c: {  	s7 =	sld [smem:$0x3FB6]  }
0x2d: {  	s3 =	simm.s32 $0x108;
	s8 =	sld [smem:$0x3FB7]  }
0x2e: {  	s3 =	simm.s32 @!p0 $0x1082;
	s9 =	sld [smem:$0x3FB8]  }
0x2f: {  	lr =	sadd.s32 s0, s3;
	s0 =	sld [smem:$0x3FAF]  }
0x30: {  	s3 =	sld [smem:$0x3FB2]  }
0x31: {  	[smem:$0x3FBB] =	sst s10  }
0x32: {  	s10 =	sld [smem:$0x3FB9];
	_ =	sdelay $0x3  }
0x33: {  	p0 =	seq.s32 s10, $0x1;
	s10 =	sld [smem:$0x3FBB];
	_ =	sdelay $0x3  }
0x34: {  	[smem:$0x3FBB] =	sst s10  }
0x35: {  	s10 =	sld [smem:$0x3FBA];
	_ =	sdelay $0x3  }
0x36: {  	p1 =	seq.s32 s10, $0x1;
	s10 =	sld [smem:$0x3FBB];
	_ =	sdelay $0x3  }
0x37: {  	[smem:$0x3FBB] =	sst s10  }
0x38: {  	s10 =	sld [smem:$0x3FBC]  }
0x39: {  	_ = 	snop;
	(pc) =	sbr.ind lr, $3  }
0x3a: {  	_ = 	snop  }
0x3b: {  	_ = 	snop  }
0x3c: {  	p2 =	seq.s32 s10, $0x1;
	s10 =	sld [smem:$0x3FBB]  }
0x3d: {  	_ =	shalt  }
0x3e: {  	_ =	shalt  }
0x3f: {  	_ =	shalt  }
0x40: {  	_ =	shalt  }
0x41: {  	_ =	shalt  }
0x42: {  	_ =	shalt  }
0x43: {  	_ =	shalt  }
0x44: {  	_ =	shalt  }
0x45: {  	_ =	shalt  }
0x46: {  	_ =	shalt  }
0x47: {  	_ =	shalt  }
0x48: {  	_ =	shalt  }
0x49: {  	_ =	shalt  }
0x4a: {  	_ =	shalt  }
0x4b: {  	_ =	shalt  }
0x4c: {  	_ =	shalt  }
0x4d: {  	_ =	shalt  }
0x4e: {  	_ =	shalt  }
0x4f: {  	_ =	shalt  }
0x50: {  	_ =	shalt  }
0x51: {  	_ =	shalt  }
0x52: {  	_ =	shalt  }
0x53: {  	_ =	shalt  }
0x54: {  	_ =	shalt  }
0x55: {  	_ =	shalt  }
0x56: {  	_ =	shalt  }
0x57: {  	_ =	shalt  }
0x58: {  	_ =	shalt  }
0x59: {  	_ =	shalt  }
0x5a: {  	_ =	shalt  }
0x5b: {  	_ =	shalt  }
0x5c: {  	_ =	shalt  }
0x5d: {  	_ =	shalt  }
0x5e: {  	_ =	shalt  }
0x5f: {  	_ =	shalt  }
0x60: {  	_ =	shalt  }
0x61: {  	_ =	shalt  }
0x62: {  	_ =	shalt  }
0x63: {  	_ =	shalt  }
0x64: {  	_ =	shalt  }
0x65: {  	_ =	shalt  }
0x66: {  	_ =	shalt  }
0x67: {  	_ =	shalt  }
0x68: {  	_ =	shalt  }
0x69: {  	_ =	shalt  }
0x6a: {  	_ =	shalt  }
0x6b: {  	_ =	shalt  }
0x6c: {  	_ =	shalt  }
0x6d: {  	_ =	shalt  }
0x6e: {  	_ =	shalt  }
0x6f: {  	_ =	shalt  }
0x70: {  	_ =	shalt  }
0x71: {  	_ =	shalt  }
0x72: {  	_ =	shalt  }
0x73: {  	_ =	shalt  }
0x74: {  	_ =	shalt  }
0x75: {  	_ =	shalt  }
0x76: {  	_ =	shalt  }
0x77: {  	_ =	shalt  }
0x78: {  	_ =	shalt  }
0x79: {  	_ =	shalt  }
0x7a: {  	_ =	shalt  }
0x7b: {  	_ =	shalt  }
0x7c: {  	_ =	shalt  }
0x7d: {  	_ =	shalt  }
0x7e: {  	_ =	shalt  }
0x7f: {  	_ =	shalt  }
0x80: {  	_ =	shalt  }
0x81: {  	_ =	shalt  }
0x82: {  	_ =	shalt  }
0x83: {  	_ =	shalt  }
0x84: {  	_ =	shalt  }
0x85: {  	_ =	shalt  }
0x86: {  	_ =	shalt  }
0x87: {  	_ =	shalt  }
.Lfunc_end0:
.L_simem_size_0:
called_computation.1_lowered:
.L_overlay_start_0:
0x88: {  	s2 =	sld [smem:$0x3FD9]  }
0x89: {  	s3 =	sld [smem:$0x3FFE];
	_ =	sdelay $0x1  }
0x8a: {  	s1 =	srdreg.scid  }
0x8b: {  	s0 =	sand.u32 $0x1, s1  }
0x8c: {  	s18 =	sshll.u32 s0, $0xA;
	s2 =	sadd.s32 s3, s2  }
0x8d: {  	s2 =	sadd.s32 s2, s18  }
0x8e: {  	[smem:$0x3FC7] =	sst s2  }
0x8f: {  	_ = 	snop  }
0x90: {  	s2 =	sld [smem:$0x3FC9]  }
0x91: {  	s19 =	sld [smem:$0x3FD0];
	(tm) =	ssettm $0x1  }
0x92: {  	s4 =	sld [smem:$0x3FFB];
	_ =	sdelay $0x3  }
0x93: {  	_ =	strace s4  }
0x94: {  	s4 =	sld [smem:$0x3FFC];
	_ =	sdelay $0x3  }
0x95: {  	_ =	strace s4  }
0x96: {  	s4 =	sld [smem:$0x3FFD];
	_ =	sdelay $0x3  }
0x97: {  	_ =	strace s4  }
0x98: {  	_ =	strace $0x8FFFFFFF  }
0x99: {  	s20 =	sld [smem:$0x3FDB];
	_ =	sdelay $0x1  }
0x9a: {  	s5 =	simm.s32 $_scs_section_size  }
0x9b: {  	s6 =	simm.s32 $_size__tile_overlayer_lowered;
	s7 =	simm.s32 $_tile_overlayer_lowered  }
0x9c: {  	s23 =	simm.s32 $0x1BFF;
	s22 =	sshll.u32 s7, $0x1;
	s4 =	sadd.s32 s5, s20  }
0x9d: {  	s8 =	simm.s32 $0x0;
	s21 =	sshll.u32 s6, $0x1;
	s6 =	sadd.s32 s22, s4  }
0x9e: {  	[timem:s8], [sflag:s23] =	dma.local [hbm:s6], s21  }
0x9f: {  	_ =	swait.ge [sflag:s23], s21  }
0xa0: {  	s5 =	ssub.s32 $0x0, s21;
	[sflag:s23] =	ssyncset.done $0x0  }
0xa1: {  	[sflag:s23] =	ssyncadd.s32 s5;
	_ =	sdelay $0x1  }
0xa2: {  	s24 =	simm.s32 $0x1B8B  }
0xa3: {  	_ =	swait.ge [sflag:s24], $0x1  }
0xa4: {  	[sflag:s24] =	ssyncset.done $0x0  }
0xa5: {  	s25 =	simm.s32 $0x1B8E;
	[sflag:s24] =	ssyncadd.s32 $0xFFFFFFFF  }
0xa6: {  	s26 =	simm.s32 $execute0_lowered;
	[smem:$0x3FD2] =	sst s25  }
0xa7: {  	s5 =	sshll.u32 s26, $0x1;
	_ =	strace $0x80000046;
	[dreg:$0x1] =	wrdreg $0xFFFFFFFF  }
0xa8: {  	s28 =	simm.s32 $_size_execute0_lowered;
	s4 =	sadd.s32 s4, s5;
	[dreg:$0x0] =	wrdreg $0x0  }
0xa9: {  	s5 =	sshll.u32 s28, $0x1;
	[dreg:$0x2] =	wrdreg s4  }
0xaa: {  	[dreg:$0x3] =	wrdreg s5  }
0xab: {  	[dreg:$0x4] =	wrdreg $0xC0  }
0xac: {  	_ =	task [dreg:s8], $0x5FFFF  }
0xad: {  	[dreg:$0x1] =	wrdreg $0xFFFFFFFF  }
0xae: {  	[dreg:$0x0] =	wrdreg $0x60  }
0xaf: {  	[dreg:$0x2] =	wrdreg s2  }
0xb0: {  	[dreg:$0x3] =	wrdreg s19  }
0xb1: {  	[dreg:$0x4] =	wrdreg $0x9  }
0xb2: {  	_ =	task.clear_ibuf [dreg:s8], $0x5FFFF;
	_ =	strace $0x90000046  }
0xb3: {  	s29 =	simm.s32 $0x9;
	_ =	strace $0x80000048  }
0xb4: {  	_ =	swait.ge [sflag:s29], $0x1  }
0xb5: {  	[sflag:s29] =	ssyncadd.s32 $0xFFFFFFFF  }
0xb6: {  	_ =	strace $0x90000048  }
0xb7: {  	_ =	sfence  }
0xb8: {  	s30 =	sld [smem:$0x0];
	_ =	sdelay $0x2  }
0xb9: {  	s31 =	sshll.u32 s1, $0xD;
	s1 =	sshrl.u32 s1, $0x2  }
0xba: {  	s3 =	sand.u32 $0x4000, s31;
	s1 =	sadd.s32 s1, s30  }
0xbb: {  	s0 =	sor.u32 s3, s0;
	s1 =	sshll.u32 s1, $0x11  }
0xbc: {  	s0 =	sor.u32 s1, s0  }
0xbd: {  	s0 =	sadd.s32 $0x8F2B, s0  }
0xbe: {  	[sflag:s0] =	ssyncadd.remote.s32 $0x1  }
0xbf: {  	_ =	sfence.sel $0xFFFF  }
0xc0: {  	[dreg:$0x0] =	wrdreg $0xFFFFFFFF;
	(pc) =	sbr.abs _section_cstart, $3  }
0xc1: {  	[dreg:$0x1] =	wrdreg $0xFFFFFFFF  }
0xc2: {  	_ =	task.clear_ibuf [dreg:s8], $0x2FFFF;
	_ =	strace $0x9FFFFFFF  }
0xc3: {  	(tm) =	ssettm $0x7FFFFFFF  }
tec
execute0_lowered:
.L_overlay_start_1:
0x0: {  	(tag) =	ssettag $0x1  }
0x1: {  	s1 =	rddreg [dreg:$0x0]  }
0x2: {  	s0 =	srdreg.scid;
	v0 =	vlaneseq.u32;
	s3 =	rddreg [dreg:$0x1]  }
0x3: {  	vm0 =	vmxor vm0, vm0;
	s4 =	simm.s32 $0x0;
	s5 =	stileid.u32;
	s8 =	simm.s32 $0x79E8;
	v0 =	vmul.u32 $0x18, v0  }
0x4: {  	vm1 =	vcmask $0x3F04;
	s9 =	simm.s32 $0xB9F8;
	s10 =	simm.s32 $0xFA08;
	s11 =	simm.s32 $0x13A18;
	vm2 =	vmmov $0x7fff;
	vm3 =	vmmov $0x3fff  }
.Ltmp0:
0x5: {  	s12 =	simm.s32 $0x1;
	s2 =	sand.u32 $0x1, s0;
	v1 =	vor.u32 $0x1, v0;
	v2 =	vor.u32 $0x2, v0;
	v3 =	vor.u32 $0x3, v0;
	(pc) =	sbr.rel .LBB2_1-.Ltmp0, $4  }
0x6: {  	s13 =	simm.s32 $0x3CF0;
	s14 =	simm.s32 $0x2;
	s6 =	ssub.s32 $0x2, s2;
	v4 =	vor.u32 $0x4, v0;
	v5 =	vor.u32 $0x5, v0;
	v6 =	vor.u32 $0x6, v0  }
0x7: {  	s15 =	simm.s32 $0x3;
	s0 =	rddreg [dreg:$0x2];
	s7 =	sshrl.u32 s6, $0x1;
	v7 =	vor.u32 $0x7, v0;
	v8 =	vadd.s32 $0x8, v0;
	v9 =	vadd.s32 $0x9, v0  }
0x8: {  	s16 =	simm.s32 $0x0;
	[smem:$0x7FF] =	sst s4;
	v10 =	vadd.s32 $0xA, v0;
	v11 =	vadd.s32 $0xB, v0;
	v12 =	vadd.s32 $0xC, v0;
	s7 =	ssub.s32 s6, s7  }
0x9: {  	_ =	strace $0x80000047;
	v13 =	vadd.s32 $0xD, v0;
	v14 =	vadd.s32 $0xE, v0;
	v15 =	vadd.s32 $0xF, v0;
	s6 =	sshll.u32 s5, $0x1;
	s7 =	smax.u32 s7, $0x1  }
.LBB2_11:
0xa: {  	s16 =	sadd.s32 $0x1, s16  }
0xb: {  	p0 =	sne.s32 s16, s7  }
.Ltmp1:
0xc: {  	_ = 	snop;
	(pc) =	sbr.rel @!p0 .LBB2_12-.Ltmp1, $1  }
0xd: {  	_ =	sdelay $0x3  }
.LBB2_1:
.Ltmp2:
0xe: {  	(pc) =	sbr.rel .LBB2_2-.Ltmp2, $2  }
0xf: {  	_ =	sdelay $0x2  }
0x10: {  	s17 =	simm.s32 $0x0  }
.LBB2_10:
0x11: {  	s17 =	sadd.s32 $0x1, s17  }
0x12: {  	p0 =	sne.s32 s17, $0x9  }
.Ltmp3:
0x13: {  	_ = 	snop;
	(pc) =	sbr.rel @!p0 .LBB2_11-.Ltmp3, $1  }
0x14: {  	_ =	sdelay $0x3  }
.LBB2_2:
0x15: {  	s18 =	sshll.u32 s17, $0x5  }
0x16: {  	s18 =	sor.u32 s6, s18  }
0x17: {  	p0 =	sgt.u32 s18, $0x103  }
.Ltmp4:
0x18: {  	_ = 	snop;
	(pc) =	sbr.rel @p0 .LBB2_10-.Ltmp4, $1  }
0x19: {  	_ =	sdelay $0x3  }
0x1a: {  	s19 =	sor.u32 s2, s18  }
0x1b: {  	s20 =	smulhi.u32 $0x7E07E07F, s19;
	_ =	sdelay $0x1  }
0x1c: {  	s20 =	sshrl.u32 s20, $0x6  }
0x1d: {  	s20 =	smul.u32 $0x82, s20;
	_ =	sdelay $0x1  }
0x1e: {  	s20 =	ssub.s32 s19, s20  }
0x1f: {  	s21 =	smax.u32 s20, $0x1  }
0x20: {  	p0 =	sgt.u32 s18, $0x81;
	s22 =	simm.s32 $0x100;
	s28 =	smin.u32 s21, $0x80  }
0x21: {  	s22 =	simm.s32 @!p0 $0x0;
	s21 =	sadd.s32 $0xFFFFFFFF, s28  }
0x22: {  	s29 =	sor.u32 $0x80, s22;
	s18 =	sadd.s32 s22, s21  }
0x23: {  	s21 =	sadd.s32 s29, s21;
	s18 =	sshll.u32 s18, $0xB  }
0x24: {  	s24 =	smin.u32 s20, $0x7F;
	s21 =	sshll.u32 s21, $0xB;
	s18 =	sand.u32 $0x1FFFF800, s18  }
0x25: {  	s21 =	sand.u32 $0x1FFFF800, s21;
	s23 =	sadd.s32 s1, s18;
	s18 =	simm.s32 $0x0  }
0x26: {  	[tilespmem:s8], [sflag:$0x1] =	stream.linear.gather [hbm4b:s23+s18], $0x4000, $0x38;
	[tilespmem:$0x17A20] =	vst v63  }
0x27: {  	s30 =	sor.u32 s22, s24;
	s21 =	sadd.s32 s1, s21  }
0x28: {  	[tilespmem:s9], [sflag:$0x1] =	stream.linear.gather [hbm4b:s21+s18], $0x4000, $0x38;
	[tilespmem:$0x17A20] =	vst v63  }
0x29: {  	s21 =	sshll.u32 s30, $0xB  }
0x2a: {  	s31 =	sor.u32 s24, s29;
	s21 =	sadd.s32 s1, s21  }
0x2b: {  	[tilespmem:s10], [sflag:$0x1] =	stream.linear.gather [hbm4b:s21+s18], $0x4000, $0x38;
	[tilespmem:$0x17A20] =	vst v63  }
0x2c: {  	s21 =	sshll.u32 s31, $0xB  }
0x2d: {  	s21 =	sadd.s32 s1, s21  }
0x2e: {  	[tilespmem:s11], [sflag:$0x1] =	stream.linear.gather [hbm4b:s21+s18], $0x4000, $0x38;
	[tilespmem:$0x17A20] =	vst v63  }
0x2f: {  	_ =	swait.ge [sflag:s12], $0x4000  }
0x30: {  	[sflag:s12] =	ssyncset.done $0x0  }
0x31: {  	[sflag:s12] =	ssyncadd.s32 $0xFFFFC000  }
0x32: {  	_ =	swait.ge [sflag:s12], $0x4000  }
0x33: {  	[sflag:s12] =	ssyncset.done $0x0  }
0x34: {  	[sflag:s12] =	ssyncadd.s32 $0xFFFFC000  }
0x35: {  	_ =	swait.ge [sflag:s12], $0x4000  }
0x36: {  	[sflag:s12] =	ssyncset.done $0x0  }
0x37: {  	[sflag:s12] =	ssyncadd.s32 $0xFFFFC000  }
0x38: {  	v16 =	vmov s20;
	_ =	swait.ge [sflag:s12], $0x4000  }
0x39: {  	s19 =	smul.u32 $0x4204, s19;
	s20 =	simm.s32 $0xFFFFFFFF;
	v17 =	vadd.s32 $0xFFFFFFFF, v16;
	[sflag:s12] =	ssyncset.done $0x0  }
0x3a: {  	vm4 =	vlt.u32 v16, $0x80;
	vm5 =	vlt.u32 v17, $0x80;
	s22 =	simm.s32 $0x0;
	s21 =	simm.s32 $0x5;
	[sflag:s12] =	ssyncadd.s32 $0xFFFFC000  }
.LBB2_4:
0x3b: {  	p0 =	seq.s32 s22, $0x0  }
0x3c: {  	s24 =	simm.s32 @!p0 $0x2  }
0x3d: {  	_ =	swait.ge @!p0 [sflag:s24], $0x3CF0  }
0x3e: {  	s23 =	sshll.u32 s22, $0x1;
	s25 =	smov.u32 s18;
	[sflag:s24] =	ssyncset.done @!p0 $0x0  }
0x3f: {  	s28 =	smov.u32 s20;
	[sflag:s24] =	ssyncadd.s32 @!p0 $0xFFFFC310;
	s24 =	simm.s32 $0x72  }
.LBB2_5:
0x40: {  	p2 =	sgt.s32 s28, $0x0  }
0x41: {  	s26 =	sadd.s32 $0x1, s28;
	p1 =	slt.u32 s28, $0x80;
	s28 =	simm.s32 @!p2 $0x0  }
0x42: {  	s28 =	smin.u32 s28, $0x7F  }
0x43: {  	s29 =	sshll.u32 s28, $0x7  }
0x44: {  	v16 =	vld [tilespmem:s29+$0x79E7]  }
0x45: {  	v17 =	vld [tilespmem:s29+$0xB9F7]  }
0x46: {  	v18 =	vld [tilespmem:s29+$0xFA07]  }
0x47: {  	v19 =	vld [tilespmem:s29+$0x13A17]  }
0x48: {  	s28 =	sadd.s32 $0xFFFFFF8E, s24;
	v20 =	vld [tilespmem:s29+$0x79E8]  }
0x49: {  	v21 =	vld [tilespmem:s29+$0xB9F8];
	v22 =	vmov s28  }
0x4a: {  	v23 =	vld [tilespmem:s29+$0xFA08];
	v22 =	vmul.u32 $0x18, v22  }
0x4b: {  	v24 =	vld [tilespmem:s29+$0x13A18];
	s28 =	sshra.s32 s25, $0x2  }
0x4c: {  	v25 =	vld [tilespmem:s28+$0x79E7];
	v22 =	vbroadcast v22, $0x0  }
0x4d: {  	v26 =	vld [tilespmem:s28+$0xB9F7]  }
0x4e: {  	vm7 =	vmmov vm0;
	v27 =	vld [tilespmem:s28+$0xFA07];
	v29 =	vadd.s32 v0, v22  }
0x4f: {  	vm7 =	vmneg @p1 vm7;
	v28 =	vld [tilespmem:s28+$0x13A17];
	v31 =	vadd.s32 v1, v22  }
0x50: {  	vm6 =	vmand vm5, vm7;
	v30 =	vld [tilespmem:s28+$0x79E8];
	v33 =	vadd.s32 v2, v22  }
0x51: {  	vm8 =	vmand vm6, vm1;
	v32 =	vld [tilespmem:s28+$0xB9F8];
	v35 =	vadd.s32 v3, v22  }
0x52: {  	vm9 =	vmmov vm0;
	p1 =	slt.u32 s26, $0x80;
	v34 =	vld [tilespmem:s28+$0xFA08];
	v16 =	vnsel vm8, $0x0, v16;
	v37 =	vadd.s32 v4, v22  }
0x53: {  	vm9 =	vmneg @p1 vm9;
	v36 =	vld [tilespmem:s28+$0x13A18];
	[tilespmem:v29+s4+$0x0] =	vst.idx.msk $0xffff, v16;
	v16 =	vnsel vm8, $0x0, v17;
	v17 =	vadd.s32 v5, v22  }
0x54: {  	vm12 =	vmand vm5, vm9;
	v54 =	vadd.s32 v6, v22;
	[tilespmem:v31+s4+$0x0] =	vst.idx.msk $0xffff, v16;
	v16 =	vnsel vm6, $0x0, v20  }
0x55: {  	vm10 =	vmand vm12, vm1;
	v55 =	vadd.s32 v7, v22;
	[tilespmem:v33+s4+$0x0] =	vst.idx.msk $0xffff, v16;
	v16 =	vnsel vm6, $0x0, v21  }
0x56: {  	v56 =	vadd.s32 v8, v22;
	[tilespmem:v35+s4+$0x0] =	vst.idx.msk $0xffff, v16;
	v16 =	vnsel vm10, $0x0, v25  }
0x57: {  	v57 =	vadd.s32 v9, v22;
	[tilespmem:v37+s4+$0x0] =	vst.idx.msk $0xffff, v16;
	v16 =	vnsel vm10, $0x0, v26  }
0x58: {  	vm7 =	vmand vm4, vm7;
	[tilespmem:v17+s4+$0x0] =	vst.idx.msk $0xffff, v16;
	v16 =	vnsel vm12, $0x0, v30;
	v17 =	vadd.s32 v10, v22  }
0x59: {  	vm13 =	vmand vm7, vm1;
	v58 =	vadd.s32 v11, v22;
	[tilespmem:v54+s4+$0x0] =	vst.idx.msk $0xffff, v16;
	v16 =	vnsel vm12, $0x0, v32  }
0x5a: {  	v59 =	vadd.s32 v12, v22;
	[tilespmem:v55+s4+$0x0] =	vst.idx.msk $0xffff, v16;
	v16 =	vnsel vm13, $0x0, v18  }
0x5b: {  	v60 =	vadd.s32 v13, v22;
	[tilespmem:v56+s4+$0x0] =	vst.idx.msk $0xffff, v16;
	v16 =	vnsel vm13, $0x0, v19  }
0x5c: {  	vm9 =	vmand vm4, vm9;
	v61 =	vadd.s32 v14, v22;
	[tilespmem:v57+s4+$0x0] =	vst.idx.msk $0xffff, v16;
	v16 =	vnsel vm7, $0x0, v23  }
0x5d: {  	vm14 =	vmand vm9, vm1;
	[tilespmem:v17+s4+$0x0] =	vst.idx.msk $0xffff, v16;
	v16 =	vnsel vm7, $0x0, v24;
	v17 =	vadd.s32 v15, v22  }
0x5e: {  	[tilespmem:v58+s4+$0x0] =	vst.idx.msk $0xffff, v16;
	v16 =	vnsel vm14, $0x0, v27  }
0x5f: {  	[tilespmem:v59+s4+$0x0] =	vst.idx.msk $0xffff, v16;
	v16 =	vnsel vm14, $0x0, v28  }
0x60: {  	[tilespmem:v60+s4+$0x0] =	vst.idx.msk $0xffff, v16;
	v16 =	vnsel vm9, $0x0, v34  }
0x61: {  	[tilespmem:v61+s4+$0x0] =	vst.idx.msk $0xffff, v16;
	v16 =	vnsel vm9, $0x0, v36  }
0x62: {  	[tilespmem:v17+s4+$0x0] =	vst.idx.msk $0xffff, v16  }
0x63: {  	v16 =	vld [tilespmem:s29+$0x79F7]  }
0x64: {  	v17 =	vld [tilespmem:s29+$0xBA07]  }
0x65: {  	v18 =	vld [tilespmem:s29+$0xFA17]  }
0x66: {  	v19 =	vld [tilespmem:s29+$0x13A27]  }
0x67: {  	s30 =	sadd.s32 $0xFFFFFF9E, s24;
	v20 =	vld [tilespmem:s29+$0x79F8]  }
0x68: {  	v62 =	vmov s30;
	v21 =	vld [tilespmem:s29+$0xBA08]  }
0x69: {  	v22 =	vmul.u32 $0x18, v62;
	v63 =	vld [tilespmem:s29+$0xFA18]  }
0x6a: {  	v40 =	vld [tilespmem:s29+$0x13A28]  }
0x6b: {  	v22 =	vbroadcast v22, $0x0;
	v25 =	vld [tilespmem:s28+$0x79F7]  }
0x6c: {  	v26 =	vld [tilespmem:s28+$0xBA07]  }
0x6d: {  	v43 =	vadd.s32 v0, v22;
	v41 =	vld [tilespmem:s28+$0xFA17]  }
0x6e: {  	v45 =	vadd.s32 v1, v22;
	v42 =	vld [tilespmem:s28+$0x13A27]  }
0x6f: {  	v47 =	vadd.s32 v2, v22;
	v44 =	vld [tilespmem:s28+$0x79F8]  }
0x70: {  	v49 =	vadd.s32 v3, v22;
	v46 =	vld [tilespmem:s28+$0xBA08]  }
0x71: {  	v51 =	vadd.s32 v4, v22;
	v48 =	vld [tilespmem:s28+$0xFA18];
	v16 =	vnsel vm6, $0x0, v16  }
0x72: {  	v50 =	vld [tilespmem:s28+$0x13A28];
	[tilespmem:v43+s4+$0x0] =	vst.idx.msk $0xffff, v16;
	v16 =	vnsel vm6, $0x0, v17;
	v17 =	vadd.s32 v5, v22  }
0x73: {  	v52 =	vadd.s32 v6, v22;
	[tilespmem:v45+s4+$0x0] =	vst.idx.msk $0xffff, v16;
	v16 =	vnsel vm6, $0x0, v20  }
0x74: {  	v53 =	vadd.s32 v7, v22;
	[tilespmem:v47+s4+$0x0] =	vst.idx.msk $0xffff, v16;
	v16 =	vnsel vm6, $0x0, v21  }
0x75: {  	v54 =	vadd.s32 v8, v22;
	[tilespmem:v49+s4+$0x0] =	vst.idx.msk $0xffff, v16;
	v16 =	vnsel vm12, $0x0, v25  }
0x76: {  	v55 =	vadd.s32 v9, v22;
	[tilespmem:v51+s4+$0x0] =	vst.idx.msk $0xffff, v16;
	v16 =	vnsel vm12, $0x0, v26  }
0x77: {  	[tilespmem:v17+s4+$0x0] =	vst.idx.msk $0xffff, v16;
	v16 =	vnsel vm12, $0x0, v44;
	v17 =	vadd.s32 v10, v22  }
0x78: {  	v56 =	vadd.s32 v11, v22;
	[tilespmem:v52+s4+$0x0] =	vst.idx.msk $0xffff, v16;
	v16 =	vnsel vm12, $0x0, v46  }
0x79: {  	v57 =	vadd.s32 v12, v22;
	[tilespmem:v53+s4+$0x0] =	vst.idx.msk $0xffff, v16;
	v16 =	vnsel vm7, $0x0, v18  }
0x7a: {  	v58 =	vadd.s32 v13, v22;
	[tilespmem:v54+s4+$0x0] =	vst.idx.msk $0xffff, v16;
	v16 =	vnsel vm7, $0x0, v19  }
0x7b: {  	v59 =	vadd.s32 v14, v22;
	[tilespmem:v55+s4+$0x0] =	vst.idx.msk $0xffff, v16;
	v16 =	vnsel vm7, $0x0, v63  }
0x7c: {  	[tilespmem:v17+s4+$0x0] =	vst.idx.msk $0xffff, v16;
	v16 =	vnsel vm7, $0x0, v40;
	v17 =	vadd.s32 v15, v22  }
0x7d: {  	[tilespmem:v56+s4+$0x0] =	vst.idx.msk $0xffff, v16;
	v16 =	vnsel vm9, $0x0, v41  }
0x7e: {  	[tilespmem:v57+s4+$0x0] =	vst.idx.msk $0xffff, v16;
	v16 =	vnsel vm9, $0x0, v42  }
0x7f: {  	[tilespmem:v58+s4+$0x0] =	vst.idx.msk $0xffff, v16;
	v16 =	vnsel vm9, $0x0, v48  }
0x80: {  	[tilespmem:v59+s4+$0x0] =	vst.idx.msk $0xffff, v16;
	v16 =	vnsel vm9, $0x0, v50  }
0x81: {  	[tilespmem:v17+s4+$0x0] =	vst.idx.msk $0xffff, v16  }
0x82: {  	v16 =	vld [tilespmem:s29+$0x7A07]  }
0x83: {  	v17 =	vld [tilespmem:s29+$0xBA17]  }
0x84: {  	v18 =	vld [tilespmem:s29+$0xFA27]  }
0x85: {  	v19 =	vld [tilespmem:s29+$0x13A37]  }
0x86: {  	s31 =	sadd.s32 $0xFFFFFFAE, s24;
	v20 =	vld [tilespmem:s29+$0x7A08]  }
0x87: {  	v60 =	vmov s31;
	v21 =	vld [tilespmem:s29+$0xBA18]  }
0x88: {  	v22 =	vmul.u32 $0x18, v60;
	v61 =	vld [tilespmem:s29+$0xFA28]  }
0x89: {  	v62 =	vld [tilespmem:s29+$0x13A38]  }
0x8a: {  	v22 =	vbroadcast v22, $0x0;
	v25 =	vld [tilespmem:s28+$0x7A07]  }
0x8b: {  	v26 =	vld [tilespmem:s28+$0xBA17]  }
0x8c: {  	v41 =	vadd.s32 v0, v22;
	v63 =	vld [tilespmem:s28+$0xFA27]  }
0x8d: {  	v43 =	vadd.s32 v1, v22;
	v40 =	vld [tilespmem:s28+$0x13A37]  }
0x8e: {  	v45 =	vadd.s32 v2, v22;
	v42 =	vld [tilespmem:s28+$0x7A08]  }
0x8f: {  	v47 =	vadd.s32 v3, v22;
	v44 =	vld [tilespmem:s28+$0xBA18]  }
0x90: {  	v49 =	vadd.s32 v4, v22;
	v46 =	vld [tilespmem:s28+$0xFA28];
	v16 =	vnsel vm6, $0x0, v16  }
0x91: {  	v48 =	vld [tilespmem:s28+$0x13A38];
	[tilespmem:v41+s4+$0x0] =	vst.idx.msk $0xffff, v16;
	v16 =	vnsel vm6, $0x0, v17;
	v17 =	vadd.s32 v5, v22  }
0x92: {  	v50 =	vadd.s32 v6, v22;
	[tilespmem:v43+s4+$0x0] =	vst.idx.msk $0xffff, v16;
	v16 =	vnsel vm6, $0x0, v20  }
0x93: {  	v51 =	vadd.s32 v7, v22;
	[tilespmem:v45+s4+$0x0] =	vst.idx.msk $0xffff, v16;
	v16 =	vnsel vm6, $0x0, v21  }
0x94: {  	v52 =	vadd.s32 v8, v22;
	[tilespmem:v47+s4+$0x0] =	vst.idx.msk $0xffff, v16;
	v16 =	vnsel vm12, $0x0, v25  }
0x95: {  	v53 =	vadd.s32 v9, v22;
	[tilespmem:v49+s4+$0x0] =	vst.idx.msk $0xffff, v16;
	v16 =	vnsel vm12, $0x0, v26  }
0x96: {  	[tilespmem:v17+s4+$0x0] =	vst.idx.msk $0xffff, v16;
	v16 =	vnsel vm12, $0x0, v42;
	v17 =	vadd.s32 v10, v22  }
0x97: {  	v54 =	vadd.s32 v11, v22;
	[tilespmem:v50+s4+$0x0] =	vst.idx.msk $0xffff, v16;
	v16 =	vnsel vm12, $0x0, v44  }
0x98: {  	v55 =	vadd.s32 v12, v22;
	[tilespmem:v51+s4+$0x0] =	vst.idx.msk $0xffff, v16;
	v16 =	vnsel vm7, $0x0, v18  }
0x99: {  	v56 =	vadd.s32 v13, v22;
	[tilespmem:v52+s4+$0x0] =	vst.idx.msk $0xffff, v16;
	v16 =	vnsel vm7, $0x0, v19  }
0x9a: {  	v57 =	vadd.s32 v14, v22;
	[tilespmem:v53+s4+$0x0] =	vst.idx.msk $0xffff, v16;
	v16 =	vnsel vm7, $0x0, v61  }
0x9b: {  	[tilespmem:v17+s4+$0x0] =	vst.idx.msk $0xffff, v16;
	v16 =	vnsel vm7, $0x0, v62;
	v17 =	vadd.s32 v15, v22  }
0x9c: {  	[tilespmem:v54+s4+$0x0] =	vst.idx.msk $0xffff, v16;
	v16 =	vnsel vm9, $0x0, v63  }
0x9d: {  	[tilespmem:v55+s4+$0x0] =	vst.idx.msk $0xffff, v16;
	v16 =	vnsel vm9, $0x0, v40  }
0x9e: {  	[tilespmem:v56+s4+$0x0] =	vst.idx.msk $0xffff, v16;
	v16 =	vnsel vm9, $0x0, v46  }
0x9f: {  	[tilespmem:v57+s4+$0x0] =	vst.idx.msk $0xffff, v16;
	v16 =	vnsel vm9, $0x0, v48  }
0xa0: {  	[tilespmem:v17+s4+$0x0] =	vst.idx.msk $0xffff, v16  }
0xa1: {  	v16 =	vld [tilespmem:s29+$0x7A17]  }
0xa2: {  	v17 =	vld [tilespmem:s29+$0xBA27]  }
0xa3: {  	v18 =	vld [tilespmem:s29+$0xFA37]  }
0xa4: {  	v19 =	vld [tilespmem:s29+$0x13A47]  }
0xa5: {  	s31 =	sadd.s32 $0xFFFFFFBE, s24;
	v20 =	vld [tilespmem:s29+$0x7A18]  }
0xa6: {  	v58 =	vmov s31;
	v21 =	vld [tilespmem:s29+$0xBA28]  }
0xa7: {  	v22 =	vmul.u32 $0x18, v58;
	v59 =	vld [tilespmem:s29+$0xFA38]  }
0xa8: {  	v60 =	vld [tilespmem:s29+$0x13A48]  }
0xa9: {  	v22 =	vbroadcast v22, $0x0;
	v25 =	vld [tilespmem:s28+$0x7A17]  }
0xaa: {  	v26 =	vld [tilespmem:s28+$0xBA27]  }
0xab: {  	v63 =	vadd.s32 v0, v22;
	v61 =	vld [tilespmem:s28+$0xFA37]  }
0xac: {  	v41 =	vadd.s32 v1, v22;
	v62 =	vld [tilespmem:s28+$0x13A47]  }
0xad: {  	v43 =	vadd.s32 v2, v22;
	v40 =	vld [tilespmem:s28+$0x7A18]  }
0xae: {  	v45 =	vadd.s32 v3, v22;
	v42 =	vld [tilespmem:s28+$0xBA28]  }
0xaf: {  	v47 =	vadd.s32 v4, v22;
	v44 =	vld [tilespmem:s28+$0xFA38];
	v16 =	vnsel vm6, $0x0, v16  }
0xb0: {  	v46 =	vld [tilespmem:s28+$0x13A48];
	[tilespmem:v63+s4+$0x0] =	vst.idx.msk $0xffff, v16;
	v16 =	vnsel vm6, $0x0, v17;
	v17 =	vadd.s32 v5, v22  }
0xb1: {  	v48 =	vadd.s32 v6, v22;
	[tilespmem:v41+s4+$0x0] =	vst.idx.msk $0xffff, v16;
	v16 =	vnsel vm6, $0x0, v20  }
0xb2: {  	v49 =	vadd.s32 v7, v22;
	[tilespmem:v43+s4+$0x0] =	vst.idx.msk $0xffff, v16;
	v16 =	vnsel vm6, $0x0, v21  }
0xb3: {  	v50 =	vadd.s32 v8, v22;
	[tilespmem:v45+s4+$0x0] =	vst.idx.msk $0xffff, v16;
	v16 =	vnsel vm12, $0x0, v25  }
0xb4: {  	v51 =	vadd.s32 v9, v22;
	[tilespmem:v47+s4+$0x0] =	vst.idx.msk $0xffff, v16;
	v16 =	vnsel vm12, $0x0, v26  }
0xb5: {  	[tilespmem:v17+s4+$0x0] =	vst.idx.msk $0xffff, v16;
	v16 =	vnsel vm12, $0x0, v40;
	v17 =	vadd.s32 v10, v22  }
0xb6: {  	v52 =	vadd.s32 v11, v22;
	[tilespmem:v48+s4+$0x0] =	vst.idx.msk $0xffff, v16;
	v16 =	vnsel vm12, $0x0, v42  }
0xb7: {  	v53 =	vadd.s32 v12, v22;
	[tilespmem:v49+s4+$0x0] =	vst.idx.msk $0xffff, v16;
	v16 =	vnsel vm7, $0x0, v18  }
0xb8: {  	v54 =	vadd.s32 v13, v22;
	[tilespmem:v50+s4+$0x0] =	vst.idx.msk $0xffff, v16;
	v16 =	vnsel vm7, $0x0, v19  }
0xb9: {  	v55 =	vadd.s32 v14, v22;
	[tilespmem:v51+s4+$0x0] =	vst.idx.msk $0xffff, v16;
	v16 =	vnsel vm7, $0x0, v59  }
0xba: {  	[tilespmem:v17+s4+$0x0] =	vst.idx.msk $0xffff, v16;
	v16 =	vnsel vm7, $0x0, v60;
	v17 =	vadd.s32 v15, v22  }
0xbb: {  	[tilespmem:v52+s4+$0x0] =	vst.idx.msk $0xffff, v16;
	v16 =	vnsel vm9, $0x0, v61  }
0xbc: {  	[tilespmem:v53+s4+$0x0] =	vst.idx.msk $0xffff, v16;
	v16 =	vnsel vm9, $0x0, v62  }
0xbd: {  	[tilespmem:v54+s4+$0x0] =	vst.idx.msk $0xffff, v16;
	v16 =	vnsel vm9, $0x0, v44  }
0xbe: {  	[tilespmem:v55+s4+$0x0] =	vst.idx.msk $0xffff, v16;
	v16 =	vnsel vm9, $0x0, v46  }
0xbf: {  	[tilespmem:v17+s4+$0x0] =	vst.idx.msk $0xffff, v16  }
0xc0: {  	v16 =	vld [tilespmem:s29+$0x7A27]  }
0xc1: {  	v17 =	vld [tilespmem:s29+$0xBA37]  }
0xc2: {  	v18 =	vld [tilespmem:s29+$0xFA47]  }
0xc3: {  	v19 =	vld [tilespmem:s29+$0x13A57]  }
0xc4: {  	s31 =	sadd.s32 $0xFFFFFFCE, s24;
	v20 =	vld [tilespmem:s29+$0x7A28]  }
0xc5: {  	v56 =	vmov s31;
	v21 =	vld [tilespmem:s29+$0xBA38]  }
0xc6: {  	v22 =	vmul.u32 $0x18, v56;
	v57 =	vld [tilespmem:s29+$0xFA48]  }
0xc7: {  	v58 =	vld [tilespmem:s29+$0x13A58]  }
0xc8: {  	v22 =	vbroadcast v22, $0x0;
	v25 =	vld [tilespmem:s28+$0x7A27]  }
0xc9: {  	v26 =	vld [tilespmem:s28+$0xBA37]  }
0xca: {  	v61 =	vadd.s32 v0, v22;
	v59 =	vld [tilespmem:s28+$0xFA47]  }
0xcb: {  	v63 =	vadd.s32 v1, v22;
	v60 =	vld [tilespmem:s28+$0x13A57]  }
0xcc: {  	v41 =	vadd.s32 v2, v22;
	v62 =	vld [tilespmem:s28+$0x7A28]  }
0xcd: {  	v43 =	vadd.s32 v3, v22;
	v40 =	vld [tilespmem:s28+$0xBA38]  }
0xce: {  	v45 =	vadd.s32 v4, v22;
	v42 =	vld [tilespmem:s28+$0xFA48];
	v16 =	vnsel vm6, $0x0, v16  }
0xcf: {  	v44 =	vld [tilespmem:s28+$0x13A58];
	[tilespmem:v61+s4+$0x0] =	vst.idx.msk $0xffff, v16;
	v16 =	vnsel vm6, $0x0, v17;
	v17 =	vadd.s32 v5, v22  }
0xd0: {  	v46 =	vadd.s32 v6, v22;
	[tilespmem:v63+s4+$0x0] =	vst.idx.msk $0xffff, v16;
	v16 =	vnsel vm6, $0x0, v20  }
0xd1: {  	v47 =	vadd.s32 v7, v22;
	[tilespmem:v41+s4+$0x0] =	vst.idx.msk $0xffff, v16;
	v16 =	vnsel vm6, $0x0, v21  }
0xd2: {  	v48 =	vadd.s32 v8, v22;
	[tilespmem:v43+s4+$0x0] =	vst.idx.msk $0xffff, v16;
	v16 =	vnsel vm12, $0x0, v25  }
0xd3: {  	v49 =	vadd.s32 v9, v22;
	[tilespmem:v45+s4+$0x0] =	vst.idx.msk $0xffff, v16;
	v16 =	vnsel vm12, $0x0, v26  }
0xd4: {  	[tilespmem:v17+s4+$0x0] =	vst.idx.msk $0xffff, v16;
	v16 =	vnsel vm12, $0x0, v62;
	v17 =	vadd.s32 v10, v22  }
0xd5: {  	v50 =	vadd.s32 v11, v22;
	[tilespmem:v46+s4+$0x0] =	vst.idx.msk $0xffff, v16;
	v16 =	vnsel vm12, $0x0, v40  }
0xd6: {  	v51 =	vadd.s32 v12, v22;
	[tilespmem:v47+s4+$0x0] =	vst.idx.msk $0xffff, v16;
	v16 =	vnsel vm7, $0x0, v18  }
0xd7: {  	v52 =	vadd.s32 v13, v22;
	[tilespmem:v48+s4+$0x0] =	vst.idx.msk $0xffff, v16;
	v16 =	vnsel vm7, $0x0, v19  }
0xd8: {  	v53 =	vadd.s32 v14, v22;
	[tilespmem:v49+s4+$0x0] =	vst.idx.msk $0xffff, v16;
	v16 =	vnsel vm7, $0x0, v57  }
0xd9: {  	[tilespmem:v17+s4+$0x0] =	vst.idx.msk $0xffff, v16;
	v16 =	vnsel vm7, $0x0, v58;
	v17 =	vadd.s32 v15, v22  }
0xda: {  	[tilespmem:v50+s4+$0x0] =	vst.idx.msk $0xffff, v16;
	v16 =	vnsel vm9, $0x0, v59  }
0xdb: {  	[tilespmem:v51+s4+$0x0] =	vst.idx.msk $0xffff, v16;
	v16 =	vnsel vm9, $0x0, v60  }
0xdc: {  	[tilespmem:v52+s4+$0x0] =	vst.idx.msk $0xffff, v16;
	v16 =	vnsel vm9, $0x0, v42  }
0xdd: {  	[tilespmem:v53+s4+$0x0] =	vst.idx.msk $0xffff, v16;
	v16 =	vnsel vm9, $0x0, v44  }
0xde: {  	[tilespmem:v17+s4+$0x0] =	vst.idx.msk $0xffff, v16  }
0xdf: {  	v16 =	vld [tilespmem:s29+$0x7A37]  }
0xe0: {  	v17 =	vld [tilespmem:s29+$0xBA47]  }
0xe1: {  	v18 =	vld [tilespmem:s29+$0xFA57]  }
0xe2: {  	v19 =	vld [tilespmem:s29+$0x13A67]  }
0xe3: {  	s31 =	sadd.s32 $0xFFFFFFDE, s24;
	v20 =	vld [tilespmem:s29+$0x7A38]  }
0xe4: {  	v54 =	vmov s31;
	v21 =	vld [tilespmem:s29+$0xBA48]  }
0xe5: {  	v22 =	vmul.u32 $0x18, v54;
	v55 =	vld [tilespmem:s29+$0xFA58]  }
0xe6: {  	v56 =	vld [tilespmem:s29+$0x13A68]  }
0xe7: {  	v22 =	vbroadcast v22, $0x0;
	v25 =	vld [tilespmem:s28+$0x7A37]  }
0xe8: {  	v26 =	vld [tilespmem:s28+$0xBA47]  }
0xe9: {  	v59 =	vadd.s32 v0, v22;
	v57 =	vld [tilespmem:s28+$0xFA57]  }
0xea: {  	v61 =	vadd.s32 v1, v22;
	v58 =	vld [tilespmem:s28+$0x13A67]  }
0xeb: {  	v63 =	vadd.s32 v2, v22;
	v60 =	vld [tilespmem:s28+$0x7A38]  }
0xec: {  	v41 =	vadd.s32 v3, v22;
	v62 =	vld [tilespmem:s28+$0xBA48]  }
0xed: {  	v43 =	vadd.s32 v4, v22;
	v40 =	vld [tilespmem:s28+$0xFA58];
	v16 =	vnsel vm6, $0x0, v16  }
0xee: {  	v42 =	vld [tilespmem:s28+$0x13A68];
	[tilespmem:v59+s4+$0x0] =	vst.idx.msk $0xffff, v16;
	v16 =	vnsel vm6, $0x0, v17;
	v17 =	vadd.s32 v5, v22  }
0xef: {  	v44 =	vadd.s32 v6, v22;
	[tilespmem:v61+s4+$0x0] =	vst.idx.msk $0xffff, v16;
	v16 =	vnsel vm6, $0x0, v20  }
0xf0: {  	v45 =	vadd.s32 v7, v22;
	[tilespmem:v63+s4+$0x0] =	vst.idx.msk $0xffff, v16;
	v16 =	vnsel vm6, $0x0, v21  }
0xf1: {  	v46 =	vadd.s32 v8, v22;
	[tilespmem:v41+s4+$0x0] =	vst.idx.msk $0xffff, v16;
	v16 =	vnsel vm12, $0x0, v25  }
0xf2: {  	v47 =	vadd.s32 v9, v22;
	[tilespmem:v43+s4+$0x0] =	vst.idx.msk $0xffff, v16;
	v16 =	vnsel vm12, $0x0, v26  }
0xf3: {  	[tilespmem:v17+s4+$0x0] =	vst.idx.msk $0xffff, v16;
	v16 =	vnsel vm12, $0x0, v60;
	v17 =	vadd.s32 v10, v22  }
0xf4: {  	v48 =	vadd.s32 v11, v22;
	[tilespmem:v44+s4+$0x0] =	vst.idx.msk $0xffff, v16;
	v16 =	vnsel vm12, $0x0, v62  }
0xf5: {  	v49 =	vadd.s32 v12, v22;
	[tilespmem:v45+s4+$0x0] =	vst.idx.msk $0xffff, v16;
	v16 =	vnsel vm7, $0x0, v18  }
0xf6: {  	v50 =	vadd.s32 v13, v22;
	[tilespmem:v46+s4+$0x0] =	vst.idx.msk $0xffff, v16;
	v16 =	vnsel vm7, $0x0, v19  }
0xf7: {  	v51 =	vadd.s32 v14, v22;
	[tilespmem:v47+s4+$0x0] =	vst.idx.msk $0xffff, v16;
	v16 =	vnsel vm7, $0x0, v55  }
0xf8: {  	[tilespmem:v17+s4+$0x0] =	vst.idx.msk $0xffff, v16;
	v16 =	vnsel vm7, $0x0, v56;
	v17 =	vadd.s32 v15, v22  }
0xf9: {  	[tilespmem:v48+s4+$0x0] =	vst.idx.msk $0xffff, v16;
	v16 =	vnsel vm9, $0x0, v57  }
0xfa: {  	[tilespmem:v49+s4+$0x0] =	vst.idx.msk $0xffff, v16;
	v16 =	vnsel vm9, $0x0, v58  }
0xfb: {  	[tilespmem:v50+s4+$0x0] =	vst.idx.msk $0xffff, v16;
	v16 =	vnsel vm9, $0x0, v40  }
0xfc: {  	[tilespmem:v51+s4+$0x0] =	vst.idx.msk $0xffff, v16;
	v16 =	vnsel vm9, $0x0, v42  }
0xfd: {  	[tilespmem:v17+s4+$0x0] =	vst.idx.msk $0xffff, v16  }
0xfe: {  	v16 =	vld [tilespmem:s29+$0x7A47]  }
0xff: {  	v17 =	vld [tilespmem:s29+$0xBA57]  }
0x100: {  	v18 =	vld [tilespmem:s29+$0xFA67]  }
0x101: {  	v19 =	vld [tilespmem:s29+$0x13A77]  }
0x102: {  	s31 =	sadd.s32 $0xFFFFFFEE, s24;
	v20 =	vld [tilespmem:s29+$0x7A48]  }
0x103: {  	v52 =	vmov s31;
	v21 =	vld [tilespmem:s29+$0xBA58]  }
0x104: {  	v22 =	vmul.u32 $0x18, v52;
	v53 =	vld [tilespmem:s29+$0xFA68]  }
0x105: {  	v54 =	vld [tilespmem:s29+$0x13A78]  }
0x106: {  	v22 =	vbroadcast v22, $0x0;
	v25 =	vld [tilespmem:s28+$0x7A47]  }
0x107: {  	v26 =	vld [tilespmem:s28+$0xBA57]  }
0x108: {  	v57 =	vadd.s32 v0, v22;
	v55 =	vld [tilespmem:s28+$0xFA67]  }
0x109: {  	v59 =	vadd.s32 v1, v22;
	v56 =	vld [tilespmem:s28+$0x13A77]  }
0x10a: {  	v61 =	vadd.s32 v2, v22;
	v58 =	vld [tilespmem:s28+$0x7A48]  }
0x10b: {  	v63 =	vadd.s32 v3, v22;
	v60 =	vld [tilespmem:s28+$0xBA58]  }
0x10c: {  	v41 =	vadd.s32 v4, v22;
	v62 =	vld [tilespmem:s28+$0xFA68];
	v16 =	vnsel vm6, $0x0, v16  }
0x10d: {  	v40 =	vld [tilespmem:s28+$0x13A78];
	[tilespmem:v57+s4+$0x0] =	vst.idx.msk $0xffff, v16;
	v16 =	vnsel vm6, $0x0, v17;
	v17 =	vadd.s32 v5, v22  }
0x10e: {  	v42 =	vadd.s32 v6, v22;
	[tilespmem:v59+s4+$0x0] =	vst.idx.msk $0xffff, v16;
	v16 =	vnsel vm6, $0x0, v20  }
0x10f: {  	v43 =	vadd.s32 v7, v22;
	[tilespmem:v61+s4+$0x0] =	vst.idx.msk $0xffff, v16;
	v16 =	vnsel vm6, $0x0, v21  }
0x110: {  	v44 =	vadd.s32 v8, v22;
	[tilespmem:v63+s4+$0x0] =	vst.idx.msk $0xffff, v16;
	v16 =	vnsel vm12, $0x0, v25  }
0x111: {  	v45 =	vadd.s32 v9, v22;
	[tilespmem:v41+s4+$0x0] =	vst.idx.msk $0xffff, v16;
	v16 =	vnsel vm12, $0x0, v26  }
0x112: {  	[tilespmem:v17+s4+$0x0] =	vst.idx.msk $0xffff, v16;
	v16 =	vnsel vm12, $0x0, v58;
	v17 =	vadd.s32 v10, v22  }
0x113: {  	v46 =	vadd.s32 v11, v22;
	[tilespmem:v42+s4+$0x0] =	vst.idx.msk $0xffff, v16;
	v16 =	vnsel vm12, $0x0, v60  }
0x114: {  	v47 =	vadd.s32 v12, v22;
	[tilespmem:v43+s4+$0x0] =	vst.idx.msk $0xffff, v16;
	v16 =	vnsel vm7, $0x0, v18  }
0x115: {  	v48 =	vadd.s32 v13, v22;
	[tilespmem:v44+s4+$0x0] =	vst.idx.msk $0xffff, v16;
	v16 =	vnsel vm7, $0x0, v19  }
0x116: {  	v49 =	vadd.s32 v14, v22;
	[tilespmem:v45+s4+$0x0] =	vst.idx.msk $0xffff, v16;
	v16 =	vnsel vm7, $0x0, v53  }
0x117: {  	[tilespmem:v17+s4+$0x0] =	vst.idx.msk $0xffff, v16;
	v16 =	vnsel vm7, $0x0, v54;
	v17 =	vadd.s32 v15, v22  }
0x118: {  	[tilespmem:v46+s4+$0x0] =	vst.idx.msk $0xffff, v16;
	v16 =	vnsel vm9, $0x0, v55  }
0x119: {  	[tilespmem:v47+s4+$0x0] =	vst.idx.msk $0xffff, v16;
	v16 =	vnsel vm9, $0x0, v56  }
0x11a: {  	[tilespmem:v48+s4+$0x0] =	vst.idx.msk $0xffff, v16;
	v16 =	vnsel vm9, $0x0, v62  }
0x11b: {  	[tilespmem:v49+s4+$0x0] =	vst.idx.msk $0xffff, v16;
	v16 =	vnsel vm9, $0x0, v40  }
0x11c: {  	[tilespmem:v17+s4+$0x0] =	vst.idx.msk $0xffff, v16  }
0x11d: {  	v16 =	vld [tilespmem:s29+$0x7A57]  }
0x11e: {  	v17 =	vld [tilespmem:s29+$0xBA67]  }
0x11f: {  	v18 =	vld [tilespmem:s29+$0xFA77]  }
0x120: {  	v19 =	vld [tilespmem:s29+$0x13A87]  }
0x121: {  	s31 =	sadd.s32 $0xFFFFFFFE, s24;
	v20 =	vld [tilespmem:s29+$0x7A58]  }
0x122: {  	v50 =	vmov s31;
	v21 =	vld [tilespmem:s29+$0xBA68]  }
0x123: {  	v22 =	vmul.u32 $0x18, v50;
	v51 =	vld [tilespmem:s29+$0xFA78]  }
0x124: {  	v52 =	vld [tilespmem:s29+$0x13A88]  }
0x125: {  	v22 =	vbroadcast v22, $0x0;
	v25 =	vld [tilespmem:s28+$0x7A57]  }
0x126: {  	v26 =	vld [tilespmem:s28+$0xBA67]  }
0x127: {  	v55 =	vadd.s32 v0, v22;
	v53 =	vld [tilespmem:s28+$0xFA77]  }
0x128: {  	v57 =	vadd.s32 v1, v22;
	v54 =	vld [tilespmem:s28+$0x13A87]  }
0x129: {  	v59 =	vadd.s32 v2, v22;
	v56 =	vld [tilespmem:s28+$0x7A58]  }
0x12a: {  	v61 =	vadd.s32 v3, v22;
	v58 =	vld [tilespmem:s28+$0xBA68]  }
0x12b: {  	v63 =	vadd.s32 v4, v22;
	v60 =	vld [tilespmem:s28+$0xFA78];
	v16 =	vnsel vm6, $0x0, v16  }
0x12c: {  	v62 =	vld [tilespmem:s28+$0x13A88];
	[tilespmem:v55+s4+$0x0] =	vst.idx.msk $0xffff, v16;
	v16 =	vnsel vm6, $0x0, v17;
	v17 =	vadd.s32 v5, v22  }
0x12d: {  	v31 =	vadd.s32 v6, v22;
	[tilespmem:v57+s4+$0x0] =	vst.idx.msk $0xffff, v16;
	v16 =	vnsel vm6, $0x0, v20  }
0x12e: {  	v33 =	vadd.s32 v7, v22;
	[tilespmem:v59+s4+$0x0] =	vst.idx.msk $0xffff, v16;
	v16 =	vnsel vm6, $0x0, v21  }
0x12f: {  	v35 =	vadd.s32 v8, v22;
	[tilespmem:v61+s4+$0x0] =	vst.idx.msk $0xffff, v16;
	v16 =	vnsel vm12, $0x0, v25  }
0x130: {  	v37 =	vadd.s32 v9, v22;
	[tilespmem:v63+s4+$0x0] =	vst.idx.msk $0xffff, v16;
	v16 =	vnsel vm12, $0x0, v26  }
0x131: {  	[tilespmem:v17+s4+$0x0] =	vst.idx.msk $0xffff, v16;
	v16 =	vnsel vm12, $0x0, v56;
	v17 =	vadd.s32 v10, v22  }
0x132: {  	v38 =	vadd.s32 v11, v22;
	[tilespmem:v31+s4+$0x0] =	vst.idx.msk $0xffff, v16;
	v16 =	vnsel vm12, $0x0, v58  }
0x133: {  	v39 =	vadd.s32 v12, v22;
	[tilespmem:v33+s4+$0x0] =	vst.idx.msk $0xffff, v16;
	v16 =	vnsel vm7, $0x0, v18  }
0x134: {  	v40 =	vadd.s32 v13, v22;
	[tilespmem:v35+s4+$0x0] =	vst.idx.msk $0xffff, v16;
	v16 =	vnsel vm7, $0x0, v19  }
0x135: {  	v41 =	vadd.s32 v14, v22;
	[tilespmem:v37+s4+$0x0] =	vst.idx.msk $0xffff, v16;
	v16 =	vnsel vm7, $0x0, v51  }
0x136: {  	[tilespmem:v17+s4+$0x0] =	vst.idx.msk $0xffff, v16;
	v16 =	vnsel vm7, $0x0, v52;
	v17 =	vadd.s32 v15, v22  }
0x137: {  	[tilespmem:v38+s4+$0x0] =	vst.idx.msk $0xffff, v16;
	v16 =	vnsel vm9, $0x0, v53  }
0x138: {  	[tilespmem:v39+s4+$0x0] =	vst.idx.msk $0xffff, v16;
	v16 =	vnsel vm9, $0x0, v54  }
0x139: {  	[tilespmem:v40+s4+$0x0] =	vst.idx.msk $0xffff, v16;
	v16 =	vnsel vm9, $0x0, v60  }
0x13a: {  	[tilespmem:v41+s4+$0x0] =	vst.idx.msk $0xffff, v16;
	v16 =	vnsel vm9, $0x0, v62  }
0x13b: {  	[tilespmem:v17+s4+$0x0] =	vst.idx.msk $0xffff, v16  }
0x13c: {  	v16 =	vld [tilespmem:s29+$0x7A59]  }
0x13d: {  	v17 =	vld [tilespmem:s29+$0xBA69]  }
0x13e: {  	v18 =	vld [tilespmem:s29+$0xFA79]  }
0x13f: {  	v19 =	vld [tilespmem:s29+$0x13A89]  }
0x140: {  	v20 =	vld [tilespmem:s29+$0x7A5A]  }
0x141: {  	v42 =	vmov s24;
	v21 =	vld [tilespmem:s29+$0xBA6A]  }
0x142: {  	v22 =	vmul.u32 $0x18, v42;
	v43 =	vld [tilespmem:s29+$0xFA7A]  }
0x143: {  	v44 =	vld [tilespmem:s29+$0x13A8A]  }
0x144: {  	v22 =	vbroadcast v22, $0x0;
	v25 =	vld [tilespmem:s28+$0x7A59]  }
0x145: {  	v26 =	vld [tilespmem:s28+$0xBA69]  }
0x146: {  	v47 =	vadd.s32 v0, v22;
	v45 =	vld [tilespmem:s28+$0xFA79]  }
0x147: {  	v49 =	vadd.s32 v1, v22;
	v46 =	vld [tilespmem:s28+$0x13A89]  }
0x148: {  	v51 =	vadd.s32 v2, v22;
	v48 =	vld [tilespmem:s28+$0x7A5A]  }
0x149: {  	vm15 =	vmand vm6, vm2;
	v53 =	vadd.s32 v3, v22;
	v50 =	vld [tilespmem:s28+$0xBA6A]  }
0x14a: {  	v55 =	vadd.s32 v4, v22;
	v52 =	vld [tilespmem:s28+$0xFA7A];
	v16 =	vnsel vm15, $0x0, v16  }
0x14b: {  	vm6 =	vmand vm6, vm3;
	v54 =	vld [tilespmem:s28+$0x13A8A];
	[tilespmem:v47+s4+$0x0] =	vst.idx.msk $0xffff, v16;
	v16 =	vnsel vm15, $0x0, v17;
	v17 =	vadd.s32 v5, v22  }
0x14c: {  	v56 =	vadd.s32 v6, v22;
	[tilespmem:v49+s4+$0x0] =	vst.idx.msk $0xffff, v16;
	v16 =	vnsel vm6, $0x0, v20  }
0x14d: {  	v57 =	vadd.s32 v7, v22;
	[tilespmem:v51+s4+$0x0] =	vst.idx.msk $0xffff, v16;
	v16 =	vnsel vm6, $0x0, v21;
	vm6 =	vmand vm12, vm2  }
0x14e: {  	v58 =	vadd.s32 v8, v22;
	[tilespmem:v53+s4+$0x0] =	vst.idx.msk $0xffff, v16;
	v16 =	vnsel vm6, $0x0, v25  }
0x14f: {  	v59 =	vadd.s32 v9, v22;
	[tilespmem:v55+s4+$0x0] =	vst.idx.msk $0xffff, v16;
	v16 =	vnsel vm6, $0x0, v26;
	vm6 =	vmand vm12, vm3  }
0x150: {  	[tilespmem:v17+s4+$0x0] =	vst.idx.msk $0xffff, v16;
	v16 =	vnsel vm6, $0x0, v48;
	v17 =	vadd.s32 v10, v22  }
0x151: {  	v60 =	vadd.s32 v11, v22;
	[tilespmem:v56+s4+$0x0] =	vst.idx.msk $0xffff, v16;
	v16 =	vnsel vm6, $0x0, v50;
	vm6 =	vmand vm7, vm2  }
0x152: {  	v61 =	vadd.s32 v12, v22;
	[tilespmem:v57+s4+$0x0] =	vst.idx.msk $0xffff, v16;
	v16 =	vnsel vm6, $0x0, v18  }
0x153: {  	v62 =	vadd.s32 v13, v22;
	[tilespmem:v58+s4+$0x0] =	vst.idx.msk $0xffff, v16;
	v16 =	vnsel vm6, $0x0, v19;
	vm6 =	vmand vm7, vm3  }
0x154: {  	v63 =	vadd.s32 v14, v22;
	[tilespmem:v59+s4+$0x0] =	vst.idx.msk $0xffff, v16;
	v16 =	vnsel vm6, $0x0, v43  }
0x155: {  	p1 =	sne.s32 s24, $0x27A;
	[tilespmem:v17+s4+$0x0] =	vst.idx.msk $0xffff, v16;
	v16 =	vnsel vm6, $0x0, v44;
	vm6 =	vmand vm9, vm2;
	v17 =	vadd.s32 v15, v22  }
.Ltmp5:
0x156: {  	[tilespmem:v60+s4+$0x0] =	vst.idx.msk $0xffff, v16;
	v16 =	vnsel vm6, $0x0, v45;
	(pc) =	sbr.rel @p1 .LBB2_5-.Ltmp5, $4  }
0x157: {  	[tilespmem:v61+s4+$0x0] =	vst.idx.msk $0xffff, v16;
	v16 =	vnsel vm6, $0x0, v46;
	vm6 =	vmand vm9, vm3  }
0x158: {  	[tilespmem:v62+s4+$0x0] =	vst.idx.msk $0xffff, v16;
	v16 =	vnsel vm6, $0x0, v52  }
0x159: {  	[tilespmem:v63+s4+$0x0] =	vst.idx.msk $0xffff, v16;
	v16 =	vnsel vm6, $0x0, v54  }
0x15a: {  	s25 =	sadd.s32 $0x200, s25;
	s24 =	sadd.s32 $0x82, s24;
	s28 =	smov.u32 s26;
	[tilespmem:v17+s4+$0x0] =	vst.idx.msk $0xffff, v16  }
0x15b: {  	s24 =	smul.u32 $0x514, s22;
	_ =	sdelay $0x1  }
0x15c: {  	s24 =	sadd.s32 s19, s24  }
0x15d: {  	s24 =	smul.u32 $0x3, s24;
	_ =	sdelay $0x1  }
0x15e: {  	s24 =	sadd.s32 s3, s24  }
0x15f: {  	[hbm4b:s24+s4] =	stream.linear.scatter [tilespmem:s4], [sflag:$0x2], $0x3CF0, $0x38;
	[tilespmem:$0x17A20] =	vst v63  }
0x160: {  	s24 =	simm.s32 @!p0 $0x3  }
0x161: {  	_ =	swait.ge @!p0 [sflag:s24], $0x3CF0  }
0x162: {  	s23 =	sor.u32 $0x1, s23;
	[sflag:s24] =	ssyncset.done @!p0 $0x0  }
0x163: {  	s25 =	smov.u32 s21;
	[sflag:s24] =	ssyncadd.s32 @!p0 $0xFFFFC310;
	s24 =	simm.s32 $0x72  }
.LBB2_7:
0x164: {  	s29 =	sadd.s32 $0xFFFFFFFF, s25  }
0x165: {  	s26 =	smin.u32 s29, $0x7F  }
0x166: {  	s28 =	sshll.u32 s26, $0x7  }
0x167: {  	v16 =	vld [tilespmem:s28+$0x79E7]  }
0x168: {  	v17 =	vld [tilespmem:s28+$0xB9F7]  }
0x169: {  	v18 =	vld [tilespmem:s28+$0xFA07]  }
0x16a: {  	v19 =	vld [tilespmem:s28+$0x13A17]  }
0x16b: {  	s31 =	sadd.s32 $0xFFFFFF8E, s24;
	v20 =	vld [tilespmem:s28+$0x79E8]  }
0x16c: {  	v22 =	vmov s31;
	v21 =	vld [tilespmem:s28+$0xB9F8]  }
0x16d: {  	s30 =	smin.u32 s25, $0x7F;
	v22 =	vmul.u32 $0x18, v22;
	v23 =	vld [tilespmem:s28+$0xFA08]  }
0x16e: {  	s26 =	sshll.u32 s30, $0x7;
	v24 =	vld [tilespmem:s28+$0x13A18]  }
0x16f: {  	v25 =	vld [tilespmem:s26+$0x79E7];
	v22 =	vbroadcast v22, $0x0  }
0x170: {  	v26 =	vld [tilespmem:s26+$0xB9F7]  }
0x171: {  	vm7 =	vmmov vm0;
	p0 =	slt.u32 s29, $0x80;
	v27 =	vld [tilespmem:s26+$0xFA07];
	v29 =	vadd.s32 v0, v22  }
0x172: {  	vm7 =	vmneg @p0 vm7;
	v28 =	vld [tilespmem:s26+$0x13A17];
	v31 =	vadd.s32 v1, v22  }
0x173: {  	v30 =	vld [tilespmem:s26+$0x79E8];
	vm6 =	vmand vm5, vm7;
	v33 =	vadd.s32 v2, v22  }
0x174: {  	v32 =	vld [tilespmem:s26+$0xB9F8];
	vm8 =	vmand vm6, vm1;
	v35 =	vadd.s32 v3, v22  }
0x175: {  	vm9 =	vmmov vm0;
	p0 =	slt.u32 s25, $0x80;
	v34 =	vld [tilespmem:s26+$0xFA08];
	v37 =	vadd.s32 v4, v22;
	v16 =	vnsel vm8, $0x0, v16  }
0x176: {  	v36 =	vld [tilespmem:s26+$0x13A18];
	vm9 =	vmneg @p0 vm9;
	[tilespmem:v29+s13+$0x0] =	vst.idx.msk $0xffff, v16;
	v16 =	vnsel vm8, $0x0, v17;
	v17 =	vadd.s32 v5, v22  }
0x177: {  	vm12 =	vmand vm5, vm9;
	v54 =	vadd.s32 v6, v22;
	[tilespmem:v31+s13+$0x0] =	vst.idx.msk $0xffff, v16;
	v16 =	vnsel vm6, $0x0, v20  }
0x178: {  	vm10 =	vmand vm12, vm1;
	v55 =	vadd.s32 v7, v22;
	[tilespmem:v33+s13+$0x0] =	vst.idx.msk $0xffff, v16;
	v16 =	vnsel vm6, $0x0, v21  }
0x179: {  	v56 =	vadd.s32 v8, v22;
	[tilespmem:v35+s13+$0x0] =	vst.idx.msk $0xffff, v16;
	v16 =	vnsel vm10, $0x0, v25  }
0x17a: {  	v57 =	vadd.s32 v9, v22;
	[tilespmem:v37+s13+$0x0] =	vst.idx.msk $0xffff, v16;
	v16 =	vnsel vm10, $0x0, v26  }
0x17b: {  	vm7 =	vmand vm4, vm7;
	[tilespmem:v17+s13+$0x0] =	vst.idx.msk $0xffff, v16;
	v16 =	vnsel vm12, $0x0, v30;
	v17 =	vadd.s32 v10, v22  }
0x17c: {  	vm13 =	vmand vm7, vm1;
	v58 =	vadd.s32 v11, v22;
	[tilespmem:v54+s13+$0x0] =	vst.idx.msk $0xffff, v16;
	v16 =	vnsel vm12, $0x0, v32  }
0x17d: {  	v59 =	vadd.s32 v12, v22;
	[tilespmem:v55+s13+$0x0] =	vst.idx.msk $0xffff, v16;
	v16 =	vnsel vm13, $0x0, v18  }
0x17e: {  	v60 =	vadd.s32 v13, v22;
	[tilespmem:v56+s13+$0x0] =	vst.idx.msk $0xffff, v16;
	v16 =	vnsel vm13, $0x0, v19  }
0x17f: {  	vm9 =	vmand vm4, vm9;
	v61 =	vadd.s32 v14, v22;
	[tilespmem:v57+s13+$0x0] =	vst.idx.msk $0xffff, v16;
	v16 =	vnsel vm7, $0x0, v23  }
0x180: {  	vm14 =	vmand vm9, vm1;
	[tilespmem:v17+s13+$0x0] =	vst.idx.msk $0xffff, v16;
	v16 =	vnsel vm7, $0x0, v24;
	v17 =	vadd.s32 v15, v22  }
0x181: {  	[tilespmem:v58+s13+$0x0] =	vst.idx.msk $0xffff, v16;
	v16 =	vnsel vm14, $0x0, v27  }
0x182: {  	[tilespmem:v59+s13+$0x0] =	vst.idx.msk $0xffff, v16;
	v16 =	vnsel vm14, $0x0, v28  }
0x183: {  	[tilespmem:v60+s13+$0x0] =	vst.idx.msk $0xffff, v16;
	v16 =	vnsel vm9, $0x0, v34  }
0x184: {  	[tilespmem:v61+s13+$0x0] =	vst.idx.msk $0xffff, v16;
	v16 =	vnsel vm9, $0x0, v36  }
0x185: {  	[tilespmem:v17+s13+$0x0] =	vst.idx.msk $0xffff, v16  }
0x186: {  	v16 =	vld [tilespmem:s28+$0x79F7]  }
0x187: {  	v17 =	vld [tilespmem:s28+$0xBA07]  }
0x188: {  	v18 =	vld [tilespmem:s28+$0xFA17]  }
0x189: {  	v19 =	vld [tilespmem:s28+$0x13A27]  }
0x18a: {  	s31 =	sadd.s32 $0xFFFFFF9E, s24;
	v20 =	vld [tilespmem:s28+$0x79F8]  }
0x18b: {  	v62 =	vmov s31;
	v21 =	vld [tilespmem:s28+$0xBA08]  }
0x18c: {  	v22 =	vmul.u32 $0x18, v62;
	v63 =	vld [tilespmem:s28+$0xFA18]  }
0x18d: {  	v40 =	vld [tilespmem:s28+$0x13A28]  }
0x18e: {  	v22 =	vbroadcast v22, $0x0;
	v25 =	vld [tilespmem:s26+$0x79F7]  }
0x18f: {  	v26 =	vld [tilespmem:s26+$0xBA07]  }
0x190: {  	v43 =	vadd.s32 v0, v22;
	v41 =	vld [tilespmem:s26+$0xFA17]  }
0x191: {  	v45 =	vadd.s32 v1, v22;
	v42 =	vld [tilespmem:s26+$0x13A27]  }
0x192: {  	v47 =	vadd.s32 v2, v22;
	v44 =	vld [tilespmem:s26+$0x79F8]  }
0x193: {  	v49 =	vadd.s32 v3, v22;
	v46 =	vld [tilespmem:s26+$0xBA08]  }
0x194: {  	v51 =	vadd.s32 v4, v22;
	v48 =	vld [tilespmem:s26+$0xFA18];
	v16 =	vnsel vm6, $0x0, v16  }
0x195: {  	v50 =	vld [tilespmem:s26+$0x13A28];
	[tilespmem:v43+s13+$0x0] =	vst.idx.msk $0xffff, v16;
	v16 =	vnsel vm6, $0x0, v17;
	v17 =	vadd.s32 v5, v22  }
0x196: {  	v52 =	vadd.s32 v6, v22;
	[tilespmem:v45+s13+$0x0] =	vst.idx.msk $0xffff, v16;
	v16 =	vnsel vm6, $0x0, v20  }
0x197: {  	v53 =	vadd.s32 v7, v22;
	[tilespmem:v47+s13+$0x0] =	vst.idx.msk $0xffff, v16;
	v16 =	vnsel vm6, $0x0, v21  }
0x198: {  	v54 =	vadd.s32 v8, v22;
	[tilespmem:v49+s13+$0x0] =	vst.idx.msk $0xffff, v16;
	v16 =	vnsel vm12, $0x0, v25  }
0x199: {  	v55 =	vadd.s32 v9, v22;
	[tilespmem:v51+s13+$0x0] =	vst.idx.msk $0xffff, v16;
	v16 =	vnsel vm12, $0x0, v26  }
0x19a: {  	[tilespmem:v17+s13+$0x0] =	vst.idx.msk $0xffff, v16;
	v16 =	vnsel vm12, $0x0, v44;
	v17 =	vadd.s32 v10, v22  }
0x19b: {  	v56 =	vadd.s32 v11, v22;
	[tilespmem:v52+s13+$0x0] =	vst.idx.msk $0xffff, v16;
	v16 =	vnsel vm12, $0x0, v46  }
0x19c: {  	v57 =	vadd.s32 v12, v22;
	[tilespmem:v53+s13+$0x0] =	vst.idx.msk $0xffff, v16;
	v16 =	vnsel vm7, $0x0, v18  }
0x19d: {  	v58 =	vadd.s32 v13, v22;
	[tilespmem:v54+s13+$0x0] =	vst.idx.msk $0xffff, v16;
	v16 =	vnsel vm7, $0x0, v19  }
0x19e: {  	v59 =	vadd.s32 v14, v22;
	[tilespmem:v55+s13+$0x0] =	vst.idx.msk $0xffff, v16;
	v16 =	vnsel vm7, $0x0, v63  }
0x19f: {  	[tilespmem:v17+s13+$0x0] =	vst.idx.msk $0xffff, v16;
	v16 =	vnsel vm7, $0x0, v40;
	v17 =	vadd.s32 v15, v22  }
0x1a0: {  	[tilespmem:v56+s13+$0x0] =	vst.idx.msk $0xffff, v16;
	v16 =	vnsel vm9, $0x0, v41  }
0x1a1: {  	[tilespmem:v57+s13+$0x0] =	vst.idx.msk $0xffff, v16;
	v16 =	vnsel vm9, $0x0, v42  }
0x1a2: {  	[tilespmem:v58+s13+$0x0] =	vst.idx.msk $0xffff, v16;
	v16 =	vnsel vm9, $0x0, v48  }
0x1a3: {  	[tilespmem:v59+s13+$0x0] =	vst.idx.msk $0xffff, v16;
	v16 =	vnsel vm9, $0x0, v50  }
0x1a4: {  	[tilespmem:v17+s13+$0x0] =	vst.idx.msk $0xffff, v16  }
0x1a5: {  	v16 =	vld [tilespmem:s28+$0x7A07]  }
0x1a6: {  	v17 =	vld [tilespmem:s28+$0xBA17]  }
0x1a7: {  	v18 =	vld [tilespmem:s28+$0xFA27]  }
0x1a8: {  	v19 =	vld [tilespmem:s28+$0x13A37]  }
0x1a9: {  	s30 =	sadd.s32 $0xFFFFFFAE, s24;
	v20 =	vld [tilespmem:s28+$0x7A08]  }
0x1aa: {  	v60 =	vmov s30;
	v21 =	vld [tilespmem:s28+$0xBA18]  }
0x1ab: {  	v22 =	vmul.u32 $0x18, v60;
	v61 =	vld [tilespmem:s28+$0xFA28]  }
0x1ac: {  	v62 =	vld [tilespmem:s28+$0x13A38]  }
0x1ad: {  	v22 =	vbroadcast v22, $0x0;
	v25 =	vld [tilespmem:s26+$0x7A07]  }
0x1ae: {  	v26 =	vld [tilespmem:s26+$0xBA17]  }
0x1af: {  	v41 =	vadd.s32 v0, v22;
	v63 =	vld [tilespmem:s26+$0xFA27]  }
0x1b0: {  	v43 =	vadd.s32 v1, v22;
	v40 =	vld [tilespmem:s26+$0x13A37]  }
0x1b1: {  	v45 =	vadd.s32 v2, v22;
	v42 =	vld [tilespmem:s26+$0x7A08]  }
0x1b2: {  	v47 =	vadd.s32 v3, v22;
	v44 =	vld [tilespmem:s26+$0xBA18]  }
0x1b3: {  	v49 =	vadd.s32 v4, v22;
	v46 =	vld [tilespmem:s26+$0xFA28];
	v16 =	vnsel vm6, $0x0, v16  }
0x1b4: {  	v48 =	vld [tilespmem:s26+$0x13A38];
	[tilespmem:v41+s13+$0x0] =	vst.idx.msk $0xffff, v16;
	v16 =	vnsel vm6, $0x0, v17;
	v17 =	vadd.s32 v5, v22  }
0x1b5: {  	v50 =	vadd.s32 v6, v22;
	[tilespmem:v43+s13+$0x0] =	vst.idx.msk $0xffff, v16;
	v16 =	vnsel vm6, $0x0, v20  }
0x1b6: {  	v51 =	vadd.s32 v7, v22;
	[tilespmem:v45+s13+$0x0] =	vst.idx.msk $0xffff, v16;
	v16 =	vnsel vm6, $0x0, v21  }
0x1b7: {  	v52 =	vadd.s32 v8, v22;
	[tilespmem:v47+s13+$0x0] =	vst.idx.msk $0xffff, v16;
	v16 =	vnsel vm12, $0x0, v25  }
0x1b8: {  	v53 =	vadd.s32 v9, v22;
	[tilespmem:v49+s13+$0x0] =	vst.idx.msk $0xffff, v16;
	v16 =	vnsel vm12, $0x0, v26  }
0x1b9: {  	[tilespmem:v17+s13+$0x0] =	vst.idx.msk $0xffff, v16;
	v16 =	vnsel vm12, $0x0, v42;
	v17 =	vadd.s32 v10, v22  }
0x1ba: {  	v54 =	vadd.s32 v11, v22;
	[tilespmem:v50+s13+$0x0] =	vst.idx.msk $0xffff, v16;
	v16 =	vnsel vm12, $0x0, v44  }
0x1bb: {  	v55 =	vadd.s32 v12, v22;
	[tilespmem:v51+s13+$0x0] =	vst.idx.msk $0xffff, v16;
	v16 =	vnsel vm7, $0x0, v18  }
0x1bc: {  	v56 =	vadd.s32 v13, v22;
	[tilespmem:v52+s13+$0x0] =	vst.idx.msk $0xffff, v16;
	v16 =	vnsel vm7, $0x0, v19  }
0x1bd: {  	v57 =	vadd.s32 v14, v22;
	[tilespmem:v53+s13+$0x0] =	vst.idx.msk $0xffff, v16;
	v16 =	vnsel vm7, $0x0, v61  }
0x1be: {  	[tilespmem:v17+s13+$0x0] =	vst.idx.msk $0xffff, v16;
	v16 =	vnsel vm7, $0x0, v62;
	v17 =	vadd.s32 v15, v22  }
0x1bf: {  	[tilespmem:v54+s13+$0x0] =	vst.idx.msk $0xffff, v16;
	v16 =	vnsel vm9, $0x0, v63  }
0x1c0: {  	[tilespmem:v55+s13+$0x0] =	vst.idx.msk $0xffff, v16;
	v16 =	vnsel vm9, $0x0, v40  }
0x1c1: {  	[tilespmem:v56+s13+$0x0] =	vst.idx.msk $0xffff, v16;
	v16 =	vnsel vm9, $0x0, v46  }
0x1c2: {  	[tilespmem:v57+s13+$0x0] =	vst.idx.msk $0xffff, v16;
	v16 =	vnsel vm9, $0x0, v48  }
0x1c3: {  	[tilespmem:v17+s13+$0x0] =	vst.idx.msk $0xffff, v16  }
0x1c4: {  	v16 =	vld [tilespmem:s28+$0x7A17]  }
0x1c5: {  	v17 =	vld [tilespmem:s28+$0xBA27]  }
0x1c6: {  	v18 =	vld [tilespmem:s28+$0xFA37]  }
0x1c7: {  	v19 =	vld [tilespmem:s28+$0x13A47]  }
0x1c8: {  	s31 =	sadd.s32 $0xFFFFFFBE, s24;
	v20 =	vld [tilespmem:s28+$0x7A18]  }
0x1c9: {  	v58 =	vmov s31;
	v21 =	vld [tilespmem:s28+$0xBA28]  }
0x1ca: {  	v22 =	vmul.u32 $0x18, v58;
	v59 =	vld [tilespmem:s28+$0xFA38]  }
0x1cb: {  	v60 =	vld [tilespmem:s28+$0x13A48]  }
0x1cc: {  	v22 =	vbroadcast v22, $0x0;
	v25 =	vld [tilespmem:s26+$0x7A17]  }
0x1cd: {  	v26 =	vld [tilespmem:s26+$0xBA27]  }
0x1ce: {  	v63 =	vadd.s32 v0, v22;
	v61 =	vld [tilespmem:s26+$0xFA37]  }
0x1cf: {  	v41 =	vadd.s32 v1, v22;
	v62 =	vld [tilespmem:s26+$0x13A47]  }
0x1d0: {  	v43 =	vadd.s32 v2, v22;
	v40 =	vld [tilespmem:s26+$0x7A18]  }
0x1d1: {  	v45 =	vadd.s32 v3, v22;
	v42 =	vld [tilespmem:s26+$0xBA28]  }
0x1d2: {  	v47 =	vadd.s32 v4, v22;
	v44 =	vld [tilespmem:s26+$0xFA38];
	v16 =	vnsel vm6, $0x0, v16  }
0x1d3: {  	v46 =	vld [tilespmem:s26+$0x13A48];
	[tilespmem:v63+s13+$0x0] =	vst.idx.msk $0xffff, v16;
	v16 =	vnsel vm6, $0x0, v17;
	v17 =	vadd.s32 v5, v22  }
0x1d4: {  	v48 =	vadd.s32 v6, v22;
	[tilespmem:v41+s13+$0x0] =	vst.idx.msk $0xffff, v16;
	v16 =	vnsel vm6, $0x0, v20  }
0x1d5: {  	v49 =	vadd.s32 v7, v22;
	[tilespmem:v43+s13+$0x0] =	vst.idx.msk $0xffff, v16;
	v16 =	vnsel vm6, $0x0, v21  }
0x1d6: {  	v50 =	vadd.s32 v8, v22;
	[tilespmem:v45+s13+$0x0] =	vst.idx.msk $0xffff, v16;
	v16 =	vnsel vm12, $0x0, v25  }
0x1d7: {  	v51 =	vadd.s32 v9, v22;
	[tilespmem:v47+s13+$0x0] =	vst.idx.msk $0xffff, v16;
	v16 =	vnsel vm12, $0x0, v26  }
0x1d8: {  	[tilespmem:v17+s13+$0x0] =	vst.idx.msk $0xffff, v16;
	v16 =	vnsel vm12, $0x0, v40;
	v17 =	vadd.s32 v10, v22  }
0x1d9: {  	v52 =	vadd.s32 v11, v22;
	[tilespmem:v48+s13+$0x0] =	vst.idx.msk $0xffff, v16;
	v16 =	vnsel vm12, $0x0, v42  }
0x1da: {  	v53 =	vadd.s32 v12, v22;
	[tilespmem:v49+s13+$0x0] =	vst.idx.msk $0xffff, v16;
	v16 =	vnsel vm7, $0x0, v18  }
0x1db: {  	v54 =	vadd.s32 v13, v22;
	[tilespmem:v50+s13+$0x0] =	vst.idx.msk $0xffff, v16;
	v16 =	vnsel vm7, $0x0, v19  }
0x1dc: {  	v55 =	vadd.s32 v14, v22;
	[tilespmem:v51+s13+$0x0] =	vst.idx.msk $0xffff, v16;
	v16 =	vnsel vm7, $0x0, v59  }
0x1dd: {  	[tilespmem:v17+s13+$0x0] =	vst.idx.msk $0xffff, v16;
	v16 =	vnsel vm7, $0x0, v60;
	v17 =	vadd.s32 v15, v22  }
0x1de: {  	[tilespmem:v52+s13+$0x0] =	vst.idx.msk $0xffff, v16;
	v16 =	vnsel vm9, $0x0, v61  }
0x1df: {  	[tilespmem:v53+s13+$0x0] =	vst.idx.msk $0xffff, v16;
	v16 =	vnsel vm9, $0x0, v62  }
0x1e0: {  	[tilespmem:v54+s13+$0x0] =	vst.idx.msk $0xffff, v16;
	v16 =	vnsel vm9, $0x0, v44  }
0x1e1: {  	[tilespmem:v55+s13+$0x0] =	vst.idx.msk $0xffff, v16;
	v16 =	vnsel vm9, $0x0, v46  }
0x1e2: {  	[tilespmem:v17+s13+$0x0] =	vst.idx.msk $0xffff, v16  }
0x1e3: {  	v16 =	vld [tilespmem:s28+$0x7A27]  }
0x1e4: {  	v17 =	vld [tilespmem:s28+$0xBA37]  }
0x1e5: {  	v18 =	vld [tilespmem:s28+$0xFA47]  }
0x1e6: {  	v19 =	vld [tilespmem:s28+$0x13A57]  }
0x1e7: {  	s30 =	sadd.s32 $0xFFFFFFCE, s24;
	v20 =	vld [tilespmem:s28+$0x7A28]  }
0x1e8: {  	v56 =	vmov s30;
	v21 =	vld [tilespmem:s28+$0xBA38]  }
0x1e9: {  	v22 =	vmul.u32 $0x18, v56;
	v57 =	vld [tilespmem:s28+$0xFA48]  }
0x1ea: {  	v58 =	vld [tilespmem:s28+$0x13A58]  }
0x1eb: {  	v22 =	vbroadcast v22, $0x0;
	v25 =	vld [tilespmem:s26+$0x7A27]  }
0x1ec: {  	v26 =	vld [tilespmem:s26+$0xBA37]  }
0x1ed: {  	v61 =	vadd.s32 v0, v22;
	v59 =	vld [tilespmem:s26+$0xFA47]  }
0x1ee: {  	v63 =	vadd.s32 v1, v22;
	v60 =	vld [tilespmem:s26+$0x13A57]  }
0x1ef: {  	v41 =	vadd.s32 v2, v22;
	v62 =	vld [tilespmem:s26+$0x7A28]  }
0x1f0: {  	v43 =	vadd.s32 v3, v22;
	v40 =	vld [tilespmem:s26+$0xBA38]  }
0x1f1: {  	v45 =	vadd.s32 v4, v22;
	v42 =	vld [tilespmem:s26+$0xFA48];
	v16 =	vnsel vm6, $0x0, v16  }
0x1f2: {  	v44 =	vld [tilespmem:s26+$0x13A58];
	[tilespmem:v61+s13+$0x0] =	vst.idx.msk $0xffff, v16;
	v16 =	vnsel vm6, $0x0, v17;
	v17 =	vadd.s32 v5, v22  }
0x1f3: {  	v46 =	vadd.s32 v6, v22;
	[tilespmem:v63+s13+$0x0] =	vst.idx.msk $0xffff, v16;
	v16 =	vnsel vm6, $0x0, v20  }
0x1f4: {  	v47 =	vadd.s32 v7, v22;
	[tilespmem:v41+s13+$0x0] =	vst.idx.msk $0xffff, v16;
	v16 =	vnsel vm6, $0x0, v21  }
0x1f5: {  	v48 =	vadd.s32 v8, v22;
	[tilespmem:v43+s13+$0x0] =	vst.idx.msk $0xffff, v16;
	v16 =	vnsel vm12, $0x0, v25  }
0x1f6: {  	v49 =	vadd.s32 v9, v22;
	[tilespmem:v45+s13+$0x0] =	vst.idx.msk $0xffff, v16;
	v16 =	vnsel vm12, $0x0, v26  }
0x1f7: {  	[tilespmem:v17+s13+$0x0] =	vst.idx.msk $0xffff, v16;
	v16 =	vnsel vm12, $0x0, v62;
	v17 =	vadd.s32 v10, v22  }
0x1f8: {  	v50 =	vadd.s32 v11, v22;
	[tilespmem:v46+s13+$0x0] =	vst.idx.msk $0xffff, v16;
	v16 =	vnsel vm12, $0x0, v40  }
0x1f9: {  	v51 =	vadd.s32 v12, v22;
	[tilespmem:v47+s13+$0x0] =	vst.idx.msk $0xffff, v16;
	v16 =	vnsel vm7, $0x0, v18  }
0x1fa: {  	v52 =	vadd.s32 v13, v22;
	[tilespmem:v48+s13+$0x0] =	vst.idx.msk $0xffff, v16;
	v16 =	vnsel vm7, $0x0, v19  }
0x1fb: {  	v53 =	vadd.s32 v14, v22;
	[tilespmem:v49+s13+$0x0] =	vst.idx.msk $0xffff, v16;
	v16 =	vnsel vm7, $0x0, v57  }
0x1fc: {  	[tilespmem:v17+s13+$0x0] =	vst.idx.msk $0xffff, v16;
	v16 =	vnsel vm7, $0x0, v58;
	v17 =	vadd.s32 v15, v22  }
0x1fd: {  	[tilespmem:v50+s13+$0x0] =	vst.idx.msk $0xffff, v16;
	v16 =	vnsel vm9, $0x0, v59  }
0x1fe: {  	[tilespmem:v51+s13+$0x0] =	vst.idx.msk $0xffff, v16;
	v16 =	vnsel vm9, $0x0, v60  }
0x1ff: {  	[tilespmem:v52+s13+$0x0] =	vst.idx.msk $0xffff, v16;
	v16 =	vnsel vm9, $0x0, v42  }
0x200: {  	[tilespmem:v53+s13+$0x0] =	vst.idx.msk $0xffff, v16;
	v16 =	vnsel vm9, $0x0, v44  }
0x201: {  	[tilespmem:v17+s13+$0x0] =	vst.idx.msk $0xffff, v16  }
0x202: {  	v16 =	vld [tilespmem:s28+$0x7A37]  }
0x203: {  	v17 =	vld [tilespmem:s28+$0xBA47]  }
0x204: {  	v18 =	vld [tilespmem:s28+$0xFA57]  }
0x205: {  	v19 =	vld [tilespmem:s28+$0x13A67]  }
0x206: {  	s31 =	sadd.s32 $0xFFFFFFDE, s24;
	v20 =	vld [tilespmem:s28+$0x7A38]  }
0x207: {  	v54 =	vmov s31;
	v21 =	vld [tilespmem:s28+$0xBA48]  }
0x208: {  	v22 =	vmul.u32 $0x18, v54;
	v55 =	vld [tilespmem:s28+$0xFA58]  }
0x209: {  	v56 =	vld [tilespmem:s28+$0x13A68]  }
0x20a: {  	v22 =	vbroadcast v22, $0x0;
	v25 =	vld [tilespmem:s26+$0x7A37]  }
0x20b: {  	v26 =	vld [tilespmem:s26+$0xBA47]  }
0x20c: {  	v59 =	vadd.s32 v0, v22;
	v57 =	vld [tilespmem:s26+$0xFA57]  }
0x20d: {  	v61 =	vadd.s32 v1, v22;
	v58 =	vld [tilespmem:s26+$0x13A67]  }
0x20e: {  	v63 =	vadd.s32 v2, v22;
	v60 =	vld [tilespmem:s26+$0x7A38]  }
0x20f: {  	v41 =	vadd.s32 v3, v22;
	v62 =	vld [tilespmem:s26+$0xBA48]  }
0x210: {  	v43 =	vadd.s32 v4, v22;
	v40 =	vld [tilespmem:s26+$0xFA58];
	v16 =	vnsel vm6, $0x0, v16  }
0x211: {  	v42 =	vld [tilespmem:s26+$0x13A68];
	[tilespmem:v59+s13+$0x0] =	vst.idx.msk $0xffff, v16;
	v16 =	vnsel vm6, $0x0, v17;
	v17 =	vadd.s32 v5, v22  }
0x212: {  	v44 =	vadd.s32 v6, v22;
	[tilespmem:v61+s13+$0x0] =	vst.idx.msk $0xffff, v16;
	v16 =	vnsel vm6, $0x0, v20  }
0x213: {  	v45 =	vadd.s32 v7, v22;
	[tilespmem:v63+s13+$0x0] =	vst.idx.msk $0xffff, v16;
	v16 =	vnsel vm6, $0x0, v21  }
0x214: {  	v46 =	vadd.s32 v8, v22;
	[tilespmem:v41+s13+$0x0] =	vst.idx.msk $0xffff, v16;
	v16 =	vnsel vm12, $0x0, v25  }
0x215: {  	v47 =	vadd.s32 v9, v22;
	[tilespmem:v43+s13+$0x0] =	vst.idx.msk $0xffff, v16;
	v16 =	vnsel vm12, $0x0, v26  }
0x216: {  	[tilespmem:v17+s13+$0x0] =	vst.idx.msk $0xffff, v16;
	v16 =	vnsel vm12, $0x0, v60;
	v17 =	vadd.s32 v10, v22  }
0x217: {  	v48 =	vadd.s32 v11, v22;
	[tilespmem:v44+s13+$0x0] =	vst.idx.msk $0xffff, v16;
	v16 =	vnsel vm12, $0x0, v62  }
0x218: {  	v49 =	vadd.s32 v12, v22;
	[tilespmem:v45+s13+$0x0] =	vst.idx.msk $0xffff, v16;
	v16 =	vnsel vm7, $0x0, v18  }
0x219: {  	v50 =	vadd.s32 v13, v22;
	[tilespmem:v46+s13+$0x0] =	vst.idx.msk $0xffff, v16;
	v16 =	vnsel vm7, $0x0, v19  }
0x21a: {  	v51 =	vadd.s32 v14, v22;
	[tilespmem:v47+s13+$0x0] =	vst.idx.msk $0xffff, v16;
	v16 =	vnsel vm7, $0x0, v55  }
0x21b: {  	[tilespmem:v17+s13+$0x0] =	vst.idx.msk $0xffff, v16;
	v16 =	vnsel vm7, $0x0, v56;
	v17 =	vadd.s32 v15, v22  }
0x21c: {  	[tilespmem:v48+s13+$0x0] =	vst.idx.msk $0xffff, v16;
	v16 =	vnsel vm9, $0x0, v57  }
0x21d: {  	[tilespmem:v49+s13+$0x0] =	vst.idx.msk $0xffff, v16;
	v16 =	vnsel vm9, $0x0, v58  }
0x21e: {  	[tilespmem:v50+s13+$0x0] =	vst.idx.msk $0xffff, v16;
	v16 =	vnsel vm9, $0x0, v40  }
0x21f: {  	[tilespmem:v51+s13+$0x0] =	vst.idx.msk $0xffff, v16;
	v16 =	vnsel vm9, $0x0, v42  }
0x220: {  	[tilespmem:v17+s13+$0x0] =	vst.idx.msk $0xffff, v16  }
0x221: {  	v16 =	vld [tilespmem:s28+$0x7A47]  }
0x222: {  	v17 =	vld [tilespmem:s28+$0xBA57]  }
0x223: {  	v18 =	vld [tilespmem:s28+$0xFA67]  }
0x224: {  	v19 =	vld [tilespmem:s28+$0x13A77]  }
0x225: {  	s30 =	sadd.s32 $0xFFFFFFEE, s24;
	v20 =	vld [tilespmem:s28+$0x7A48]  }
0x226: {  	v52 =	vmov s30;
	v21 =	vld [tilespmem:s28+$0xBA58]  }
0x227: {  	v22 =	vmul.u32 $0x18, v52;
	v53 =	vld [tilespmem:s28+$0xFA68]  }
0x228: {  	v54 =	vld [tilespmem:s28+$0x13A78]  }
0x229: {  	v22 =	vbroadcast v22, $0x0;
	v25 =	vld [tilespmem:s26+$0x7A47]  }
0x22a: {  	v26 =	vld [tilespmem:s26+$0xBA57]  }
0x22b: {  	v57 =	vadd.s32 v0, v22;
	v55 =	vld [tilespmem:s26+$0xFA67]  }
0x22c: {  	v59 =	vadd.s32 v1, v22;
	v56 =	vld [tilespmem:s26+$0x13A77]  }
0x22d: {  	v61 =	vadd.s32 v2, v22;
	v58 =	vld [tilespmem:s26+$0x7A48]  }
0x22e: {  	v63 =	vadd.s32 v3, v22;
	v60 =	vld [tilespmem:s26+$0xBA58]  }
0x22f: {  	v41 =	vadd.s32 v4, v22;
	v62 =	vld [tilespmem:s26+$0xFA68];
	v16 =	vnsel vm6, $0x0, v16  }
0x230: {  	v40 =	vld [tilespmem:s26+$0x13A78];
	[tilespmem:v57+s13+$0x0] =	vst.idx.msk $0xffff, v16;
	v16 =	vnsel vm6, $0x0, v17;
	v17 =	vadd.s32 v5, v22  }
0x231: {  	v42 =	vadd.s32 v6, v22;
	[tilespmem:v59+s13+$0x0] =	vst.idx.msk $0xffff, v16;
	v16 =	vnsel vm6, $0x0, v20  }
0x232: {  	v43 =	vadd.s32 v7, v22;
	[tilespmem:v61+s13+$0x0] =	vst.idx.msk $0xffff, v16;
	v16 =	vnsel vm6, $0x0, v21  }
0x233: {  	v44 =	vadd.s32 v8, v22;
	[tilespmem:v63+s13+$0x0] =	vst.idx.msk $0xffff, v16;
	v16 =	vnsel vm12, $0x0, v25  }
0x234: {  	v45 =	vadd.s32 v9, v22;
	[tilespmem:v41+s13+$0x0] =	vst.idx.msk $0xffff, v16;
	v16 =	vnsel vm12, $0x0, v26  }
0x235: {  	[tilespmem:v17+s13+$0x0] =	vst.idx.msk $0xffff, v16;
	v16 =	vnsel vm12, $0x0, v58;
	v17 =	vadd.s32 v10, v22  }
0x236: {  	v46 =	vadd.s32 v11, v22;
	[tilespmem:v42+s13+$0x0] =	vst.idx.msk $0xffff, v16;
	v16 =	vnsel vm12, $0x0, v60  }
0x237: {  	v47 =	vadd.s32 v12, v22;
	[tilespmem:v43+s13+$0x0] =	vst.idx.msk $0xffff, v16;
	v16 =	vnsel vm7, $0x0, v18  }
0x238: {  	v48 =	vadd.s32 v13, v22;
	[tilespmem:v44+s13+$0x0] =	vst.idx.msk $0xffff, v16;
	v16 =	vnsel vm7, $0x0, v19  }
0x239: {  	v49 =	vadd.s32 v14, v22;
	[tilespmem:v45+s13+$0x0] =	vst.idx.msk $0xffff, v16;
	v16 =	vnsel vm7, $0x0, v53  }
0x23a: {  	[tilespmem:v17+s13+$0x0] =	vst.idx.msk $0xffff, v16;
	v16 =	vnsel vm7, $0x0, v54;
	v17 =	vadd.s32 v15, v22  }
0x23b: {  	[tilespmem:v46+s13+$0x0] =	vst.idx.msk $0xffff, v16;
	v16 =	vnsel vm9, $0x0, v55  }
0x23c: {  	[tilespmem:v47+s13+$0x0] =	vst.idx.msk $0xffff, v16;
	v16 =	vnsel vm9, $0x0, v56  }
0x23d: {  	[tilespmem:v48+s13+$0x0] =	vst.idx.msk $0xffff, v16;
	v16 =	vnsel vm9, $0x0, v62  }
0x23e: {  	[tilespmem:v49+s13+$0x0] =	vst.idx.msk $0xffff, v16;
	v16 =	vnsel vm9, $0x0, v40  }
0x23f: {  	[tilespmem:v17+s13+$0x0] =	vst.idx.msk $0xffff, v16  }
0x240: {  	v16 =	vld [tilespmem:s28+$0x7A57]  }
0x241: {  	v17 =	vld [tilespmem:s28+$0xBA67]  }
0x242: {  	v18 =	vld [tilespmem:s28+$0xFA77]  }
0x243: {  	v19 =	vld [tilespmem:s28+$0x13A87]  }
0x244: {  	s31 =	sadd.s32 $0xFFFFFFFE, s24;
	v20 =	vld [tilespmem:s28+$0x7A58]  }
0x245: {  	v50 =	vmov s31;
	v21 =	vld [tilespmem:s28+$0xBA68]  }
0x246: {  	v22 =	vmul.u32 $0x18, v50;
	v51 =	vld [tilespmem:s28+$0xFA78]  }
0x247: {  	v52 =	vld [tilespmem:s28+$0x13A88]  }
0x248: {  	v22 =	vbroadcast v22, $0x0;
	v25 =	vld [tilespmem:s26+$0x7A57]  }
0x249: {  	v26 =	vld [tilespmem:s26+$0xBA67]  }
0x24a: {  	v55 =	vadd.s32 v0, v22;
	v53 =	vld [tilespmem:s26+$0xFA77]  }
0x24b: {  	v57 =	vadd.s32 v1, v22;
	v54 =	vld [tilespmem:s26+$0x13A87]  }
0x24c: {  	v59 =	vadd.s32 v2, v22;
	v56 =	vld [tilespmem:s26+$0x7A58]  }
0x24d: {  	v61 =	vadd.s32 v3, v22;
	v58 =	vld [tilespmem:s26+$0xBA68]  }
0x24e: {  	v63 =	vadd.s32 v4, v22;
	v60 =	vld [tilespmem:s26+$0xFA78];
	v16 =	vnsel vm6, $0x0, v16  }
0x24f: {  	v62 =	vld [tilespmem:s26+$0x13A88];
	[tilespmem:v55+s13+$0x0] =	vst.idx.msk $0xffff, v16;
	v16 =	vnsel vm6, $0x0, v17;
	v17 =	vadd.s32 v5, v22  }
0x250: {  	v31 =	vadd.s32 v6, v22;
	[tilespmem:v57+s13+$0x0] =	vst.idx.msk $0xffff, v16;
	v16 =	vnsel vm6, $0x0, v20  }
0x251: {  	v33 =	vadd.s32 v7, v22;
	[tilespmem:v59+s13+$0x0] =	vst.idx.msk $0xffff, v16;
	v16 =	vnsel vm6, $0x0, v21  }
0x252: {  	v35 =	vadd.s32 v8, v22;
	[tilespmem:v61+s13+$0x0] =	vst.idx.msk $0xffff, v16;
	v16 =	vnsel vm12, $0x0, v25  }
0x253: {  	v37 =	vadd.s32 v9, v22;
	[tilespmem:v63+s13+$0x0] =	vst.idx.msk $0xffff, v16;
	v16 =	vnsel vm12, $0x0, v26  }
0x254: {  	[tilespmem:v17+s13+$0x0] =	vst.idx.msk $0xffff, v16;
	v16 =	vnsel vm12, $0x0, v56;
	v17 =	vadd.s32 v10, v22  }
0x255: {  	v38 =	vadd.s32 v11, v22;
	[tilespmem:v31+s13+$0x0] =	vst.idx.msk $0xffff, v16;
	v16 =	vnsel vm12, $0x0, v58  }
0x256: {  	v39 =	vadd.s32 v12, v22;
	[tilespmem:v33+s13+$0x0] =	vst.idx.msk $0xffff, v16;
	v16 =	vnsel vm7, $0x0, v18  }
0x257: {  	v40 =	vadd.s32 v13, v22;
	[tilespmem:v35+s13+$0x0] =	vst.idx.msk $0xffff, v16;
	v16 =	vnsel vm7, $0x0, v19  }
0x258: {  	v41 =	vadd.s32 v14, v22;
	[tilespmem:v37+s13+$0x0] =	vst.idx.msk $0xffff, v16;
	v16 =	vnsel vm7, $0x0, v51  }
0x259: {  	[tilespmem:v17+s13+$0x0] =	vst.idx.msk $0xffff, v16;
	v16 =	vnsel vm7, $0x0, v52;
	v17 =	vadd.s32 v15, v22  }
0x25a: {  	[tilespmem:v38+s13+$0x0] =	vst.idx.msk $0xffff, v16;
	v16 =	vnsel vm9, $0x0, v53  }
0x25b: {  	[tilespmem:v39+s13+$0x0] =	vst.idx.msk $0xffff, v16;
	v16 =	vnsel vm9, $0x0, v54  }
0x25c: {  	[tilespmem:v40+s13+$0x0] =	vst.idx.msk $0xffff, v16;
	v16 =	vnsel vm9, $0x0, v60  }
0x25d: {  	[tilespmem:v41+s13+$0x0] =	vst.idx.msk $0xffff, v16;
	v16 =	vnsel vm9, $0x0, v62  }
0x25e: {  	[tilespmem:v17+s13+$0x0] =	vst.idx.msk $0xffff, v16  }
0x25f: {  	v16 =	vld [tilespmem:s28+$0x7A59]  }
0x260: {  	v17 =	vld [tilespmem:s28+$0xBA69]  }
0x261: {  	v18 =	vld [tilespmem:s28+$0xFA79]  }
0x262: {  	v19 =	vld [tilespmem:s28+$0x13A89]  }
0x263: {  	v20 =	vld [tilespmem:s28+$0x7A5A]  }
0x264: {  	v42 =	vmov s24;
	v21 =	vld [tilespmem:s28+$0xBA6A]  }
0x265: {  	v22 =	vmul.u32 $0x18, v42;
	v43 =	vld [tilespmem:s28+$0xFA7A]  }
0x266: {  	v44 =	vld [tilespmem:s28+$0x13A8A]  }
0x267: {  	v22 =	vbroadcast v22, $0x0;
	v25 =	vld [tilespmem:s26+$0x7A59]  }
0x268: {  	v26 =	vld [tilespmem:s26+$0xBA69]  }
0x269: {  	v47 =	vadd.s32 v0, v22;
	v45 =	vld [tilespmem:s26+$0xFA79]  }
0x26a: {  	v49 =	vadd.s32 v1, v22;
	v46 =	vld [tilespmem:s26+$0x13A89]  }
0x26b: {  	v51 =	vadd.s32 v2, v22;
	v48 =	vld [tilespmem:s26+$0x7A5A]  }
0x26c: {  	vm15 =	vmand vm6, vm2;
	v53 =	vadd.s32 v3, v22;
	v50 =	vld [tilespmem:s26+$0xBA6A]  }
0x26d: {  	v55 =	vadd.s32 v4, v22;
	v52 =	vld [tilespmem:s26+$0xFA7A];
	v16 =	vnsel vm15, $0x0, v16  }
0x26e: {  	vm6 =	vmand vm6, vm3;
	v54 =	vld [tilespmem:s26+$0x13A8A];
	[tilespmem:v47+s13+$0x0] =	vst.idx.msk $0xffff, v16;
	v16 =	vnsel vm15, $0x0, v17;
	v17 =	vadd.s32 v5, v22  }
0x26f: {  	v56 =	vadd.s32 v6, v22;
	[tilespmem:v49+s13+$0x0] =	vst.idx.msk $0xffff, v16;
	v16 =	vnsel vm6, $0x0, v20  }
0x270: {  	v57 =	vadd.s32 v7, v22;
	[tilespmem:v51+s13+$0x0] =	vst.idx.msk $0xffff, v16;
	v16 =	vnsel vm6, $0x0, v21;
	vm6 =	vmand vm12, vm2  }
0x271: {  	v58 =	vadd.s32 v8, v22;
	[tilespmem:v53+s13+$0x0] =	vst.idx.msk $0xffff, v16;
	v16 =	vnsel vm6, $0x0, v25  }
0x272: {  	v59 =	vadd.s32 v9, v22;
	[tilespmem:v55+s13+$0x0] =	vst.idx.msk $0xffff, v16;
	v16 =	vnsel vm6, $0x0, v26;
	vm6 =	vmand vm12, vm3  }
0x273: {  	[tilespmem:v17+s13+$0x0] =	vst.idx.msk $0xffff, v16;
	v16 =	vnsel vm6, $0x0, v48;
	v17 =	vadd.s32 v10, v22  }
0x274: {  	v60 =	vadd.s32 v11, v22;
	[tilespmem:v56+s13+$0x0] =	vst.idx.msk $0xffff, v16;
	v16 =	vnsel vm6, $0x0, v50;
	vm6 =	vmand vm7, vm2  }
0x275: {  	v61 =	vadd.s32 v12, v22;
	[tilespmem:v57+s13+$0x0] =	vst.idx.msk $0xffff, v16;
	v16 =	vnsel vm6, $0x0, v18  }
0x276: {  	v62 =	vadd.s32 v13, v22;
	[tilespmem:v58+s13+$0x0] =	vst.idx.msk $0xffff, v16;
	v16 =	vnsel vm6, $0x0, v19;
	vm6 =	vmand vm7, vm3  }
0x277: {  	v63 =	vadd.s32 v14, v22;
	[tilespmem:v59+s13+$0x0] =	vst.idx.msk $0xffff, v16;
	v16 =	vnsel vm6, $0x0, v43  }
0x278: {  	p0 =	sne.s32 s24, $0x27A;
	[tilespmem:v17+s13+$0x0] =	vst.idx.msk $0xffff, v16;
	v16 =	vnsel vm6, $0x0, v44;
	vm6 =	vmand vm9, vm2;
	v17 =	vadd.s32 v15, v22  }
.Ltmp6:
0x279: {  	[tilespmem:v60+s13+$0x0] =	vst.idx.msk $0xffff, v16;
	v16 =	vnsel vm6, $0x0, v45;
	(pc) =	sbr.rel @p0 .LBB2_7-.Ltmp6, $4  }
0x27a: {  	[tilespmem:v61+s13+$0x0] =	vst.idx.msk $0xffff, v16;
	v16 =	vnsel vm6, $0x0, v46;
	vm6 =	vmand vm9, vm3  }
0x27b: {  	[tilespmem:v62+s13+$0x0] =	vst.idx.msk $0xffff, v16;
	v16 =	vnsel vm6, $0x0, v52  }
0x27c: {  	[tilespmem:v63+s13+$0x0] =	vst.idx.msk $0xffff, v16;
	v16 =	vnsel vm6, $0x0, v54  }
0x27d: {  	s25 =	sadd.s32 $0x1, s25;
	s24 =	sadd.s32 $0x82, s24;
	[tilespmem:v17+s13+$0x0] =	vst.idx.msk $0xffff, v16  }
0x27e: {  	s23 =	smul.u32 $0x28A, s23;
	s22 =	sadd.s32 $0x1, s22  }
0x27f: {  	p0 =	sne.s32 s22, $0xD  }
.Ltmp7:
0x280: {  	s23 =	sadd.s32 s19, s23;
	(pc) =	sbr.rel @p0 .LBB2_4-.Ltmp7, $4  }
0x281: {  	s23 =	smul.u32 $0x3, s23  }
0x282: {  	s20 =	sadd.s32 $0xA, s20  }
0x283: {  	s18 =	sadd.s32 $0x1400, s18;
	s21 =	sadd.s32 $0xA, s21;
	s23 =	sadd.s32 s3, s23  }
0x284: {  	[hbm4b:s23+s4] =	stream.linear.scatter [tilespmem:s13], [sflag:$0x3], $0x3CF0, $0x38;
	[tilespmem:$0x17A20] =	vst v63  }
0x285: {  	_ =	swait.ge [sflag:s14], $0x3CF0  }
.Ltmp8:
0x286: {  	[sflag:s14] =	ssyncset.done $0x0;
	(pc) =	sbr.rel .LBB2_10-.Ltmp8, $4  }
0x287: {  	[sflag:s14] =	ssyncadd.s32 $0xFFFFC310  }
0x288: {  	_ =	swait.ge [sflag:s15], $0x3CF0  }
0x289: {  	[sflag:s15] =	ssyncset.done $0x0  }
0x28a: {  	[sflag:s15] =	ssyncadd.s32 $0xFFFFC310  }
.LBB2_12:
0x28b: {  	_ =	sfence.sel $0x180000  }
0x28c: {  	[bflag:$0x0] =	sbarrier.arrive $0xFFFF  }
0x28d: {  	p0 =	sne.s32 s5, $0x0;
	_ =	strace $0x90000047  }
0x28e: {  	s0 =	sadd.s32 @!p0 $0x100000, s0;
	[bflag:$0x2] =	sbarrier.arrive $0xFFFF  }
0x28f: {  	[sflag:s0] =	ssyncadd.tile.s32 @!p0 $0x1;
	_ =	shalt  }
.Lfunc_end2:
_tile_overlayer_lowered:
.L_overlay_start_2:
0x290: {  	(tag) =	ssettag $0x2  }
0x291: {  	s0 =	rddreg [dreg:$0x0];
	s2 =	stileid.u32  }
0x292: {  	s1 =	rddreg [dreg:$0x1];
	p0 =	sne.s32 s2, $0x0  }
0x293: {  	s3 =	rddreg [dreg:$0x2];
	[bflag:$0x3] =	sbarrier.arrive $0xFFFF;
	s2 =	simm.s32 @!p0 $0x1C04  }
0x294: {  	[timem:s3], [sflag:s2] =	dma.local @!p0 [hbm:s0], s1  }
0x295: {  	s0 =	simm.s32 @!p0 $0x4  }
0x296: {  	_ =	swait.ge @!p0 [sflag:s0], s1  }
0x297: {  	s1 =	ssub.s32 @!p0 $0x0, s1;
	[sflag:s0] =	ssyncset.done @!p0 $0x0  }
0x298: {  	[sflag:s0] =	ssyncadd.s32 @!p0 s1  }
0x299: {  	[bflag:$0x3] =	sbarrier.arrive $0xFFFF  }
0x29a: {  	_ =	shalt  }

// kernel: sparse-core-data-format-call.cloned.1.call-start
scs
called_computation_lowered:
.L_overlay_start_0:
0x0: {  	s2 =	sld [smem:$0x3FD9]  }
0x1: {  	s3 =	sld [smem:$0x3FFE];
	_ =	sdelay $0x1  }
0x2: {  	s1 =	srdreg.scid  }
0x3: {  	s0 =	sand.u32 $0x1, s1  }
0x4: {  	s18 =	sshll.u32 s0, $0xA;
	s2 =	sadd.s32 s3, s2  }
0x5: {  	s2 =	sadd.s32 s2, s18  }
0x6: {  	[smem:$0x3FC7] =	sst s2  }
0x7: {  	_ = 	snop  }
0x8: {  	s2 =	sld [smem:$0x3FD0];
	(tm) =	ssettm $0x1  }
0x9: {  	s19 =	sld [smem:$0x3FFB];
	_ =	sdelay $0x3  }
0xa: {  	_ =	strace s19  }
0xb: {  	s3 =	sld [smem:$0x3FFC];
	_ =	sdelay $0x3  }
0xc: {  	_ =	strace s3  }
0xd: {  	s3 =	sld [smem:$0x3FFD];
	_ =	sdelay $0x3  }
0xe: {  	_ =	strace s3  }
0xf: {  	_ =	strace $0x8FFFFFFF  }
0x10: {  	s20 =	sld [smem:$0x3FDB];
	_ =	sdelay $0x1  }
0x11: {  	s4 =	simm.s32 $_scs_section_size  }
0x12: {  	s5 =	simm.s32 $_size__tile_overlayer_lowered;
	s6 =	simm.s32 $_tile_overlayer_lowered  }
0x13: {  	s23 =	simm.s32 $0x1BFF;
	s22 =	sshll.u32 s6, $0x1;
	s3 =	sadd.s32 s4, s20  }
0x14: {  	s7 =	simm.s32 $0x0;
	s21 =	sshll.u32 s5, $0x1;
	s5 =	sadd.s32 s22, s3  }
0x15: {  	[timem:s7], [sflag:s23] =	dma.local [hbm:s5], s21  }
0x16: {  	_ =	swait.ge [sflag:s23], s21  }
0x17: {  	s4 =	ssub.s32 $0x0, s21;
	[sflag:s23] =	ssyncset.done $0x0  }
0x18: {  	[sflag:s23] =	ssyncadd.s32 s4;
	_ =	sdelay $0x1  }
0x19: {  	s24 =	simm.s32 $0x1B8B  }
0x1a: {  	_ =	swait.ge [sflag:s24], $0x1  }
0x1b: {  	[sflag:s24] =	ssyncset.done $0x0  }
0x1c: {  	s26 =	simm.s32 $0x1B8E;
	s25 =	sld [smem:$0x3FFE];
	[sflag:s24] =	ssyncadd.s32 $0xFFFFFFFF  }
0x1d: {  	s27 =	simm.s32 $execute0_lowered;
	[smem:$0x3FD2] =	sst s26  }
0x1e: {  	s5 =	sshll.u32 s27, $0x1;
	_ =	strace $0x80000049;
	[dreg:$0x1] =	wrdreg $0xFFFFFFFF  }
0x1f: {  	s28 =	simm.s32 $_size_execute0_lowered;
	s3 =	sadd.s32 s3, s5;
	[dreg:$0x0] =	wrdreg $0x0  }
0x20: {  	s5 =	sshll.u32 s28, $0x1;
	[dreg:$0x2] =	wrdreg s3  }
0x21: {  	[dreg:$0x3] =	wrdreg s5  }
0x22: {  	[dreg:$0x4] =	wrdreg $0xC0  }
0x23: {  	_ =	task [dreg:s7], $0x5FFFF  }
0x24: {  	[dreg:$0x1] =	wrdreg $0xFFFFFFFF  }
0x25: {  	[dreg:$0x0] =	wrdreg $0x60  }
0x26: {  	[dreg:$0x2] =	wrdreg s25  }
0x27: {  	[dreg:$0x3] =	wrdreg s2  }
0x28: {  	[dreg:$0x4] =	wrdreg $0x9  }
0x29: {  	_ =	task.clear_ibuf [dreg:s7], $0x5FFFF;
	_ =	strace $0x90000049  }
0x2a: {  	s29 =	simm.s32 $0x9;
	_ =	strace $0x8000004B  }
0x2b: {  	_ =	swait.ge [sflag:s29], $0x1  }
0x2c: {  	[sflag:s29] =	ssyncadd.s32 $0xFFFFFFFF  }
0x2d: {  	_ =	strace $0x9000004B  }
0x2e: {  	_ =	sfence  }
0x2f: {  	s30 =	sld [smem:$0x0];
	_ =	sdelay $0x2  }
0x30: {  	s31 =	sshll.u32 s1, $0xD;
	s1 =	sshrl.u32 s1, $0x2  }
0x31: {  	s3 =	sand.u32 $0x4000, s31;
	s1 =	sadd.s32 s1, s30  }
0x32: {  	s0 =	sor.u32 s3, s0;
	s1 =	sshll.u32 s1, $0x11  }
0x33: {  	s0 =	sor.u32 s1, s0  }
0x34: {  	s0 =	sadd.s32 $0x8F2B, s0  }
0x35: {  	[sflag:s0] =	ssyncadd.remote.s32 $0x1  }
0x36: {  	_ =	sfence.sel $0xFFFF  }
0x37: {  	[dreg:$0x0] =	wrdreg $0xFFFFFFFF;
	(pc) =	sbr.abs _section_cstart, $3  }
0x38: {  	[dreg:$0x1] =	wrdreg $0xFFFFFFFF  }
0x39: {  	_ =	task.clear_ibuf [dreg:s7], $0x2FFFF;
	_ =	strace $0x9FFFFFFF  }
0x3a: {  	(tm) =	ssettm $0x7FFFFFFF  }
0x3b: {  	_ =	shalt  }
tec
execute0_lowered:
.L_overlay_start_1:
0x0: {  	(tag) =	ssettag $0x1  }
0x1: {  	s0 =	srdreg.scid  }
0x2: {  	s5 =	rddreg [dreg:$0x0];
	s1 =	sshll.u32 s0, $0x4  }
0x3: {  	s3 =	rddreg [dreg:$0x1];
	s0 =	stileid.u32;
	s1 =	sand.u32 $0x10, s1  }
0x4: {  	s31 =	simm.s32 $0x2;
	s12 =	simm.s32 $0x0;
	s1 =	sor.u32 s0, s1  }
0x5: {  	p0 =	por $0x0, $0x0;
	s11 =	simm.s32 $0x0;
	s2 =	sshll.u32 s1, $0x7  }
.Ltmp0:
0x6: {  	s8 =	simm.s32 $0x0;
	s4 =	ssub.s32 $0x430C00, s2;
	(pc) =	sbr.rel .LBB1_1-.Ltmp0, $4  }
0x7: {  	s10 =	simm.s32 $0x0;
	s1 =	rddreg [dreg:$0x2];
	s6 =	sshrl.u32 s4, $0xC  }
0x8: {  	_ =	strace $0x8000004A;
	s4 =	simm.s32 $0x1;
	s7 =	smul.u32 $0x3, s6  }
0x9: {  	s5 =	sadd.s32 $0x800, s5;
	s9 =	smov.u32 s2;
	[sflag:s4] =	ssyncpa.u1 $0x0  }
0xa: {  	[sflag:s31] =	ssyncpa.u1 $0x0;
	s6 =	sadd.s32 $0x3, s7;
	s7 =	sadd.s32 $0x4, s7  }
.LBB1_5:
0xb: {  	s13 =	sadd.s32 $0x8, s8  }
0xc: {  	s11 =	sadd.s32 $0x1000, s9;
	s15 =	smov.u32 s9;
	p2 =	sgt.s32 s13, $0x10  }
0xd: {  	s15 =	smov.u32 @p2 s11  }
0xe: {  	s13 =	simm.s32 @p2 $0x0;
	p2 =	sgt.s32 s15, $0x430C0F  }
0xf: {  	s15 =	smov.u32 @p2 s2;
	p2 =	sne.s32 s10, s7  }
.Ltmp1:
0x10: {  	p1 =	slt.u32 s10, $0x2;
	(pc) =	sbr.rel @!p2 .LBB1_6-.Ltmp1, $4  }
0x11: {  	s14 =	simm.s32 @!p1 $0x2  }
0x12: {  	s12 =	smov.u32 s8;
	p0 =	por !p0, !p0;
	_ =	swait.ge @!p1 [sflag:s14], $0x400  }
0x13: {  	s11 =	smov.u32 s9;
	[sflag:s14] =	ssyncset.done @!p1 $0x0;
	s8 =	smov.u32 s13  }
0x14: {  	s10 =	sadd.s32 $0x1, s10;
	[sflag:s14] =	ssyncadd.s32 @!p1 $0xFFFFFC00;
	s9 =	smov.u32 s15  }
.LBB1_1:
0x15: {  	p1 =	sge.u32 s10, s6  }
0x16: {  	s13 =	sshll.u32 @!p1 s9, $0x7  }
0x17: {  	s14 =	sshll.u32 @!p1 s8, $0x3;
	p2 =	sgt.s32 @!p1 s9, $0x430B90;
	s16 =	sshra.s32 @!p1 s8, $0x1F  }
0x18: {  	s15 =	sand.u32 @!p1 $0xFFFFFC00, s13;
	s14 =	sand.u32 @!p1 $0xFFFFFC00, s14;
	s13 =	sand.u32 @!p1 $0x380, s13  }
0x19: {  	p2 =	por !p2, p1;
	s16 =	sand.u32 @!p1 s16, s8;
	s14 =	sadd.s32 @!p1 s15, s14  }
0x1a: {  	s15 =	sshra.s32 @!p1 s9, $0x1F;
	s13 =	sor.u32 @!p1 s13, s14;
	s14 =	smov.u32 s9  }
0x1b: {  	s15 =	sand.u32 @!p1 s15, s9;
	s14 =	simm.s32 @p2 $0x430B90;
	p2 =	sgt.s32 @!p1 s8, $0x78  }
0x1c: {  	s14 =	ssub.s32 @!p1 s14, s15;
	p2 =	por !p2, p1;
	s15 =	smov.u32 s8  }
0x1d: {  	s13 =	sshrl.u32 @!p1 s13, $0x7;
	s17 =	sadd.s32 @!p1 $0xFFBCF470, s14;
	s15 =	simm.s32 @p2 $0x78  }
0x1e: {  	s14 =	ssub.s32 @!p1 $0x430C10, s14;
	p2 =	sgt.s32 @!p1 s17, $0x7F;
	s15 =	ssub.s32 @!p1 s15, s16  }
0x1f: {  	s17 =	smulhi.u32 @!p1 $0xF45D8F, s13;
	p2 =	por !p2, p1;
	s16 =	sadd.s32 @!p1 $0xFFFFFF88, s15  }
0x20: {  	s14 =	simm.s32 @!p2 $0x0;
	p2 =	sgt.s32 @!p1 s16, $0x7  }
0x21: {  	s15 =	ssub.s32 @!p1 $0x80, s15;
	s16 =	sshrl.u32 @!p1 s17, $0xE;
	p2 =	por !p2, p1  }
0x22: {  	s17 =	sxor.u32 @!p1 $0xFFFFFFFF, s10;
	s16 =	smul.u32 @!p1 $0x430C10, s16;
	s15 =	simm.s32 @!p2 $0x0  }
0x23: {  	s17 =	sshll.u32 @!p1 s17, $0xA;
	s14 =	smul.u32 @!p1 s14, s15  }
0x24: {  	s15 =	sand.u32 @!p1 $0x400, s17;
	s13 =	ssub.s32 @!p1 s13, s16;
	s16 =	sshrl.u32 @!p1 s8, $0x3  }
0x25: {  	s17 =	sand.u32 @!p1 $0x7, s8;
	s16 =	sand.u32 @!p1 $0xF, s16;
	s13 =	sshll.u32 @!p1 s13, $0x4  }
0x26: {  	s17 =	sshll.u32 @!p1 s17, $0x12;
	s14 =	sand.u32 @!p1 $0x3FFFFFFF, s14;
	s16 =	sadd.s32 @!p1 s5, s16  }
0x27: {  	s13 =	sadd.s32 @!p1 s13, s16;
	s16 =	sor.u32 @!p1 $0x8, s17;
	s17 =	simm.s32 @!p1 $0x80  }
0x28: {  	[tilespmem:s15], [sflag:$0x1] =	stream.strided.gather @!p1 [hbm4b:s13+s16], s14, s17, s16, $0x38;
	[tilespmem:$0x1010] =	vst v63  }
0x29: {  	p1 =	seq.s32 s10, $0x0  }
0x2a: {  	p2 =	sge.u32 @!p1 s10, s7  }
0x2b: {  	p1 =	por p1, p2  }
.Ltmp2:
0x2c: {  	_ = 	snop;
	(pc) =	sbr.rel @p1 .LBB1_5-.Ltmp2, $1  }
0x2d: {  	_ =	sdelay $0x3  }
0x2e: {  	p1 =	sgt.s32 s11, $0x430B90;
	s13 =	smov.u32 s11  }
0x2f: {  	s14 =	sshra.s32 s11, $0x1F;
	s15 =	smov.u32 s12;
	s16 =	sshra.s32 s12, $0x1F  }
0x30: {  	s13 =	simm.s32 @!p1 $0x430B90;
	s14 =	sand.u32 s14, s11;
	p1 =	sgt.s32 s12, $0x78  }
0x31: {  	s28 =	sand.u32 s16, s12;
	s13 =	ssub.s32 s13, s14;
	s15 =	simm.s32 @!p1 $0x78  }
0x32: {  	s29 =	sadd.s32 $0xFFBCF470, s13;
	s14 =	ssub.s32 s15, s28  }
0x33: {  	s13 =	ssub.s32 $0x430C10, s13;
	s15 =	sadd.s32 $0xFFFFFF88, s14  }
0x34: {  	p1 =	sgt.s32 s29, $0x7F;
	s14 =	ssub.s32 $0x80, s14;
	p2 =	sgt.s32 s15, $0x7  }
0x35: {  	s13 =	simm.s32 @p1 $0x0;
	s14 =	simm.s32 @p2 $0x0  }
0x36: {  	s13 =	smul.u32 s13, s14;
	_ =	sdelay $0x1  }
0x37: {  	s14 =	simm.s32 $0x1;
	s13 =	sand.u32 $0x3FFFFFFF, s13  }
0x38: {  	s14 =	simm.s32 @!p0 $0x0;
	_ =	swait.ge [sflag:s4], s13  }
0x39: {  	s30 =	sshll.u32 s14, $0xA;
	s13 =	ssub.s32 $0x0, s13;
	[sflag:s4] =	ssyncset.done $0x0  }
0x3a: {  	s22 =	sor.u32 $0x20, s30;
	[sflag:s4] =	ssyncadd.s32 s13  }
0x3b: {  	v0 =	vld.msk [tilespmem:s22+$0xFFFFFFE0], $0xff  }
0x3c: {  	s31 =	smul.u32 $0x1020, s14;
	_ =	sdelay $0x1  }
0x3d: {  	s13 =	sshrl.u32 s31, $0x2  }
0x3e: {  	s13 =	sor.u32 $0x807, s13  }
0x3f: {  	[tilespmem:s13+$0xFFFFFFF9 ss:$0x81] =	vst.msk $0xff, v0  }
0x40: {  	v0 =	vld.msk [tilespmem:s22+$0xFFFFFFE8], $0xff  }
0x41: {  	s16 =	sadd.s32 $0x40, s22  }
0x42: {  	v1 =	vld.msk [tilespmem:s16+$0xFFFFFFE0], $0xff;
	_ =	sdelay $0x2  }
0x43: {  	[tilespmem:s13+$0xFFFFFFFA ss:$0x81] =	vst.msk $0xff, v0  }
0x44: {  	s14 =	sadd.s32 $0x8, s13;
	v0 =	vld.msk [tilespmem:s22+$0xFFFFFFF0], $0xff  }
0x45: {  	[tilespmem:s14+$0xFFFFFFF9 ss:$0x81] =	vst.msk $0xff, v1  }
0x46: {  	v1 =	vld.msk [tilespmem:s16+$0xFFFFFFE8], $0xff  }
0x47: {  	s17 =	sadd.s32 $0x40, s16  }
0x48: {  	v2 =	vld.msk [tilespmem:s17+$0xFFFFFFE0], $0xff  }
0x49: {  	[tilespmem:s13+$0xFFFFFFFB ss:$0x81] =	vst.msk $0xff, v0  }
0x4a: {  	v0 =	vld.msk [tilespmem:s22+$0xFFFFFFF8], $0xff  }
0x4b: {  	[tilespmem:s14+$0xFFFFFFFA ss:$0x81] =	vst.msk $0xff, v1  }
0x4c: {  	s15 =	sadd.s32 $0x8, s14;
	v1 =	vld.msk [tilespmem:s16+$0xFFFFFFF0], $0xff  }
0x4d: {  	[tilespmem:s15+$0xFFFFFFF9 ss:$0x81] =	vst.msk $0xff, v2  }
0x4e: {  	s20 =	sadd.s32 $0x40, s17;
	v2 =	vld.msk [tilespmem:s17+$0xFFFFFFE8], $0xff  }
0x4f: {  	[tilespmem:s13+$0xFFFFFFFC ss:$0x81] =	vst.msk $0xff, v0;
	v0 =	vld.msk [tilespmem:s20+$0xFFFFFFE0], $0xff  }
0x50: {  	v3 =	vld.msk [tilespmem:s22+$0x0], $0xff  }
0x51: {  	[tilespmem:s14+$0xFFFFFFFB ss:$0x81] =	vst.msk $0xff, v1  }
0x52: {  	v1 =	vld.msk [tilespmem:s16+$0xFFFFFFF8], $0xff  }
0x53: {  	s18 =	sadd.s32 $0x8, s15;
	[tilespmem:s15+$0xFFFFFFFA ss:$0x81] =	vst.msk $0xff, v2  }
0x54: {  	v2 =	vld.msk [tilespmem:s17+$0xFFFFFFF0], $0xff;
	[tilespmem:s18+$0xFFFFFFF9 ss:$0x81] =	vst.msk $0xff, v0  }
0x55: {  	v0 =	vld.msk [tilespmem:s20+$0xFFFFFFE8], $0xff;
	[tilespmem:s13+$0xFFFFFFFD ss:$0x81] =	vst.msk $0xff, v3  }
0x56: {  	s21 =	sadd.s32 $0x40, s20;
	v3 =	vld.msk [tilespmem:s22+$0x8], $0xff  }
0x57: {  	[tilespmem:s14+$0xFFFFFFFC ss:$0x81] =	vst.msk $0xff, v1;
	v1 =	vld.msk [tilespmem:s21+$0xFFFFFFE0], $0xff  }
0x58: {  	v4 =	vld.msk [tilespmem:s16+$0x0], $0xff  }
0x59: {  	[tilespmem:s15+$0xFFFFFFFB ss:$0x81] =	vst.msk $0xff, v2  }
0x5a: {  	v2 =	vld.msk [tilespmem:s17+$0xFFFFFFF8], $0xff;
	[tilespmem:s18+$0xFFFFFFFA ss:$0x81] =	vst.msk $0xff, v0  }
0x5b: {  	s19 =	sadd.s32 $0x8, s18;
	v0 =	vld.msk [tilespmem:s20+$0xFFFFFFF0], $0xff;
	[tilespmem:s13+$0xFFFFFFFE ss:$0x81] =	vst.msk $0xff, v3  }
0x5c: {  	[tilespmem:s19+$0xFFFFFFF9 ss:$0x81] =	vst.msk $0xff, v1;
	v1 =	vld.msk [tilespmem:s22+$0x10], $0xff  }
0x5d: {  	[tilespmem:s14+$0xFFFFFFFD ss:$0x81] =	vst.msk $0xff, v4;
	v3 =	vld.msk [tilespmem:s21+$0xFFFFFFE8], $0xff  }
0x5e: {  	s24 =	sadd.s32 $0x40, s21;
	v4 =	vld.msk [tilespmem:s16+$0x8], $0xff  }
0x5f: {  	[tilespmem:s15+$0xFFFFFFFC ss:$0x81] =	vst.msk $0xff, v2;
	v2 =	vld.msk [tilespmem:s24+$0xFFFFFFE0], $0xff  }
0x60: {  	v5 =	vld.msk [tilespmem:s17+$0x0], $0xff;
	[tilespmem:s18+$0xFFFFFFFB ss:$0x81] =	vst.msk $0xff, v0  }
0x61: {  	v6 =	vld.msk [tilespmem:s20+$0xFFFFFFF8], $0xff;
	[tilespmem:s13+$0xFFFFFFFF ss:$0x81] =	vst.msk $0xff, v1  }
0x62: {  	s23 =	sand.u32 $0x1, s10;
	[tilespmem:s19+$0xFFFFFFFA ss:$0x81] =	vst.msk $0xff, v3;
	v0 =	vld.msk [tilespmem:s22+$0x18], $0xff  }
0x63: {  	s23 =	smul.u32 $0x1020, s23;
	[tilespmem:s14+$0xFFFFFFFE ss:$0x81] =	vst.msk $0xff, v4;
	v3 =	vld.msk [tilespmem:s21+$0xFFFFFFF0], $0xff;
	s22 =	sadd.s32 $0x8, s19  }
0x64: {  	v1 =	vld.msk [tilespmem:s16+$0x10], $0xff;
	[tilespmem:s22+$0xFFFFFFF9 ss:$0x81] =	vst.msk $0xff, v2  }
0x65: {  	s23 =	sshrl.u32 s23, $0x2;
	[tilespmem:s15+$0xFFFFFFFD ss:$0x81] =	vst.msk $0xff, v5;
	v4 =	vld.msk [tilespmem:s24+$0xFFFFFFE8], $0xff  }
0x66: {  	s25 =	simm.s32 $0x28;
	s23 =	sor.u32 $0x800, s23;
	s26 =	sadd.s32 $0x40, s24;
	v2 =	vld.msk [tilespmem:s17+$0x8], $0xff;
	[tilespmem:s18+$0xFFFFFFFC ss:$0x81] =	vst.msk $0xff, v6  }
.LBB1_3:
0x67: {  	v5 =	vld.msk [tilespmem:s26+$0xFFFFFFE0], $0xff;
	[tilespmem:s13+$0x0 ss:$0x81] =	vst.msk $0xff, v0;
	s13 =	smov.u32 s14;
	s14 =	smov.u32 s15;
	s15 =	smov.u32 s18  }
0x68: {  	s25 =	sadd.s32 $0x8, s25;
	s18 =	smov.u32 s19;
	[tilespmem:s19+$0xFFFFFFFB ss:$0x81] =	vst.msk $0xff, v3;
	v6 =	vld.msk [tilespmem:s20+$0x0], $0xff;
	s19 =	smov.u32 s22  }
0x69: {  	p1 =	slt.u32 s25, $0x78;
	v7 =	vld.msk [tilespmem:s21+$0xFFFFFFF8], $0xff;
	[tilespmem:s13+$0xFFFFFFFF ss:$0x81] =	vst.msk $0xff, v1  }
.Ltmp3:
0x6a: {  	[tilespmem:s22+$0xFFFFFFFA ss:$0x81] =	vst.msk $0xff, v4;
	v0 =	vld.msk [tilespmem:s16+$0x18], $0xff;
	s16 =	smov.u32 s17;
	s17 =	smov.u32 s20;
	(pc) =	sbr.rel @p1 .LBB1_3-.Ltmp3, $4  }
0x6b: {  	s22 =	sadd.s32 $0x8, s22;
	s20 =	smov.u32 s21;
	s21 =	smov.u32 s24;
	v3 =	vld.msk [tilespmem:s24+$0xFFFFFFF0], $0xff;
	[tilespmem:s14+$0xFFFFFFFE ss:$0x81] =	vst.msk $0xff, v2  }
0x6c: {  	s24 =	smov.u32 s26;
	[tilespmem:s22+$0xFFFFFFF9 ss:$0x81] =	vst.msk $0xff, v5;
	v1 =	vld.msk [tilespmem:s16+$0x10], $0xff  }
0x6d: {  	v4 =	vld.msk [tilespmem:s26+$0xFFFFFFE8], $0xff;
	[tilespmem:s15+$0xFFFFFFFD ss:$0x81] =	vst.msk $0xff, v6  }
0x6e: {  	s26 =	sadd.s32 $0x40, s26;
	[tilespmem:s18+$0xFFFFFFFC ss:$0x81] =	vst.msk $0xff, v7;
	v2 =	vld.msk [tilespmem:s17+$0x8], $0xff  }
0x6f: {  	_ =	sdelay $0x2  }
0x70: {  	[tilespmem:s22+$0xFFFFFFFA ss:$0x81] =	vst.msk $0xff, v4  }
0x71: {  	v4 =	vld.msk [tilespmem:s24+$0xFFFFFFF0], $0xff;
	_ =	sdelay $0x3  }
0x72: {  	[tilespmem:s19+$0xFFFFFFFB ss:$0x81] =	vst.msk $0xff, v3  }
0x73: {  	v3 =	vld.msk [tilespmem:s21+$0xFFFFFFF8], $0xff;
	[tilespmem:s22+$0xFFFFFFFB ss:$0x81] =	vst.msk $0xff, v4  }
0x74: {  	v4 =	vld.msk [tilespmem:s24+$0xFFFFFFF8], $0xff;
	_ =	sdelay $0x3  }
0x75: {  	v5 =	vld.msk [tilespmem:s20+$0x0], $0xff;
	[tilespmem:s19+$0xFFFFFFFC ss:$0x81] =	vst.msk $0xff, v3  }
0x76: {  	v3 =	vld.msk [tilespmem:s21+$0x0], $0xff;
	[tilespmem:s22+$0xFFFFFFFC ss:$0x81] =	vst.msk $0xff, v4  }
0x77: {  	v4 =	vld.msk [tilespmem:s24+$0x0], $0xff;
	_ =	sdelay $0x2  }
0x78: {  	[tilespmem:s18+$0xFFFFFFFD ss:$0x81] =	vst.msk $0xff, v5  }
0x79: {  	v5 =	vld.msk [tilespmem:s20+$0x8], $0xff;
	[tilespmem:s19+$0xFFFFFFFD ss:$0x81] =	vst.msk $0xff, v3  }
0x7a: {  	s25 =	sshrl.u32 s12, $0x3;
	v3 =	vld.msk [tilespmem:s21+$0x8], $0xff;
	[tilespmem:s22+$0xFFFFFFFD ss:$0x81] =	vst.msk $0xff, v4  }
0x7b: {  	s26 =	sshll.u32 s11, $0x3;
	s25 =	smul.u32 $0x2186400, s25;
	v4 =	vld.msk [tilespmem:s24+$0x8], $0xff  }
0x7c: {  	s27 =	sshll.u32 s12, $0x7;
	s26 =	sand.u32 $0xFFFFFC00, s26  }
0x7d: {  	s12 =	sand.u32 $0x380, s27;
	s25 =	sadd.s32 s26, s25;
	[tilespmem:s15+$0xFFFFFFFE ss:$0x81] =	vst.msk $0xff, v2  }
0x7e: {  	s12 =	sor.u32 s12, s25;
	v2 =	vld.msk [tilespmem:s17+$0x10], $0xff;
	[tilespmem:s18+$0xFFFFFFFE ss:$0x81] =	vst.msk $0xff, v5  }
0x7f: {  	s25 =	sshrl.u32 s12, $0x7;
	v5 =	vld.msk [tilespmem:s20+$0x10], $0xff;
	[tilespmem:s19+$0xFFFFFFFE ss:$0x81] =	vst.msk $0xff, v3  }
0x80: {  	s25 =	smulhi.u32 $0x1E8B7ED, s25;
	v3 =	vld.msk [tilespmem:s21+$0x10], $0xff;
	[tilespmem:s22+$0xFFFFFFFE ss:$0x81] =	vst.msk $0xff, v4  }
0x81: {  	v4 =	vld.msk [tilespmem:s24+$0x10], $0xff  }
0x82: {  	[tilespmem:s14+$0xFFFFFFFF ss:$0x81] =	vst.msk $0xff, v1;
	s25 =	sshrl.u32 s25, $0x8  }
0x83: {  	v1 =	vld.msk [tilespmem:s16+$0x18], $0xff;
	s28 =	smul.u32 $0xAAB, s25;
	[tilespmem:s15+$0xFFFFFFFF ss:$0x81] =	vst.msk $0xff, v2  }
0x84: {  	v2 =	vld.msk [tilespmem:s17+$0x18], $0xff;
	[tilespmem:s18+$0xFFFFFFFF ss:$0x81] =	vst.msk $0xff, v5  }
0x85: {  	s16 =	sshrl.u32 s28, $0x10;
	v61 =	vld.msk [tilespmem:s20+$0x18], $0xff;
	[tilespmem:s19+$0xFFFFFFFF ss:$0x81] =	vst.msk $0xff, v3  }
0x86: {  	s16 =	smul.u32 $0x18, s16;
	v62 =	vld.msk [tilespmem:s21+$0x18], $0xff;
	[tilespmem:s22+$0xFFFFFFFF ss:$0x81] =	vst.msk $0xff, v4  }
0x87: {  	[tilespmem:s13+$0x0 ss:$0x81] =	vst.msk $0xff, v0;
	s29 =	sand.u32 $0x7F, s11;
	s30 =	smul.u32 $0x430C80, s25;
	v63 =	vld.msk [tilespmem:s24+$0x18], $0xff  }
0x88: {  	s11 =	sor.u32 s29, s12;
	[tilespmem:s14+$0x0 ss:$0x81] =	vst.msk $0xff, v1;
	s31 =	ssub.s32 s25, s16  }
.Ltmp4:
0x89: {  	s11 =	ssub.s32 s11, s30;
	s12 =	sand.u32 $0xFFFF, s31;
	[tilespmem:s15+$0x0 ss:$0x81] =	vst.msk $0xff, v2;
	(pc) =	sbr.rel .LBB1_5-.Ltmp4, $4  }
0x8a: {  	s13 =	sshrl.u32 s11, $0x3;
	s12 =	smul.u32 $0x86190, s12;
	[tilespmem:s18+$0x0 ss:$0x81] =	vst.msk $0xff, v61  }
0x8b: {  	s13 =	sadd.s32 s3, s13;
	[tilespmem:s19+$0x0 ss:$0x81] =	vst.msk $0xff, v62  }
0x8c: {  	s11 =	sand.u32 $0x7, s11;
	s12 =	sadd.s32 s12, s13;
	[tilespmem:s22+$0x0 ss:$0x81] =	vst.msk $0xff, v63  }
0x8d: {  	[hbm4b:s12+s11] =	stream.linear.scatter [tilespmem:s23], [sflag:$0x2], $0x400, $0x20;
	[tilespmem:$0x1010] =	vst v63  }
.LBB1_6:
0x8e: {  	_ =	sfence.sel $0x180000  }
0x8f: {  	s2 =	simm.s32 $0x1;
	[bflag:$0x0] =	sbarrier.arrive $0xFFFF  }
0x90: {  	s31 =	simm.s32 $0x2;
	[sflag:s2] =	ssyncpa.u1 $0x1  }
0x91: {  	[sflag:s31] =	ssyncpa.u1 $0x1  }
0x92: {  	p0 =	sne.s32 s0, $0x0;
	_ =	strace $0x9000004A  }
0x93: {  	s0 =	sadd.s32 @!p0 $0x100000, s1;
	[bflag:$0x2] =	sbarrier.arrive $0xFFFF  }
0x94: {  	[sflag:s0] =	ssyncadd.tile.s32 @!p0 $0x1;
	_ =	shalt  }
.Lfunc_end1:
_tile_overlayer_lowered:
.L_overlay_start_2:
0x95: {  	(tag) =	ssettag $0x2  }
0x96: {  	s0 =	rddreg [dreg:$0x0];
	s2 =	stileid.u32  }
0x97: {  	s1 =	rddreg [dreg:$0x1];
	p0 =	sne.s32 s2, $0x0  }
0x98: {  	s3 =	rddreg [dreg:$0x2];
	[bflag:$0x3] =	sbarrier.arrive $0xFFFF;
	s2 =	simm.s32 @!p0 $0x1C01  }
0x99: {  	[timem:s3], [sflag:s2] =	dma.local @!p0 [hbm:s0], s1  }
0x9a: {  	s0 =	simm.s32 @!p0 $0x1  }
0x9b: {  	_ =	swait.ge @!p0 [sflag:s0], s1  }
0x9c: {  	s1 =	ssub.s32 @!p0 $0x0, s1;
	[sflag:s0] =	ssyncset.done @!p0 $0x0  }
0x9d: {  	[sflag:s0] =	ssyncadd.s32 @!p0 s1  }
0x9e: {  	[bflag:$0x3] =	sbarrier.arrive $0xFFFF  }
0x9f: {  	_ =	shalt  }

</sc_bundles>
